<compile_context>
chip_gen: v7x
topology: tpu7x:2x2x1
jax: 0.10.2.dev20260603
libtpu: 0.0.44.dev20260713+nightly
codegen_flags: <defaults>
</compile_context>

<pallas_src>
import functools

import jax
import jax.numpy as jnp
from jax import lax
from jax.experimental import pallas as pl
from jax.experimental.pallas import tpu as pltpu
from jax.experimental.pallas import tpu_sc as plsc

N = 50000
E = 1600000
DIM = 16
TW = 24
NG = 64
K = 2
LATENT = 4

NC = 2
NS = 16
NW = NC * NS
EPW = E // NW
CH = 400
NCHUNK = EPW // CH
AW = 24
N_PAD = 50048
ROWS_PER_TILE = N_PAD // NS



BN1 = 5000


def _prep_body(x_ref, pos_ref, w1i_ref, w1j_ref, b1_ref, ta_ref, tb_ref):
    xb = x_ref[...]
    posb = pos_ref[...]
    pad = jnp.zeros((BN1, TW - DIM - 3), jnp.float32)
    a = jnp.dot(xb, w1i_ref[...], preferred_element_type=jnp.float32)
    a = a + b1_ref[...]
    b = jnp.dot(xb, w1j_ref[...], preferred_element_type=jnp.float32)
    ta_ref[...] = jnp.concatenate([a, posb, pad], axis=1)
    tb_ref[...] = jnp.concatenate([b, posb, pad], axis=1)


def _prep_tables(x, pos, W1i, W1j, b1):
    grid = (N // BN1,)
    return pl.pallas_call(
        _prep_body,
        grid=grid,
        in_specs=[
            pl.BlockSpec((BN1, DIM), lambda i: (i, 0)),
            pl.BlockSpec((BN1, 3), lambda i: (i, 0)),
            pl.BlockSpec((DIM, DIM), lambda i: (0, 0)),
            pl.BlockSpec((DIM, DIM), lambda i: (0, 0)),
            pl.BlockSpec((1, DIM), lambda i: (0, 0)),
        ],
        out_specs=[
            pl.BlockSpec((BN1, TW), lambda i: (i, 0)),
            pl.BlockSpec((BN1, TW), lambda i: (i, 0)),
        ],
        out_shape=[
            jax.ShapeDtypeStruct((N, TW), jnp.float32),
            jax.ShapeDtypeStruct((N, TW), jnp.float32),
        ],
    )(x, pos, W1i, W1j, b1)




def _edge_body(ta_h, tb_h, src_h, dst_h, w1d_h, out0_h, out1_h,
               sidx0, sidx1, didx0, didx1, ta_v0, ta_v1, tb_v0, tb_v1,
               msg_v, w1d_v, s_sh, sa0, sa1, sb0, sb1):
    c = lax.axis_index("c")
    s = lax.axis_index("s")
    wid = s * NC + c

    pltpu.sync_copy(w1d_h, w1d_v)
    w1dv = w1d_v[...]
    w1ds = [w1dv[d] for d in range(DIM)]

    lane = lax.broadcasted_iota(jnp.int32, (16,), 0)
    zero16 = jnp.zeros((16,), jnp.float32)
    onecol = jnp.where(lane == DIM - (AW - 16), 1.0, 0.0).astype(jnp.float32)

    def _zb(r, _):
        msg_v[r, pl.ds(0, 16)] = zero16
        msg_v[r, pl.ds(AW - 16, 16)] = zero16
        return 0
    lax.fori_loop(0, CH, _zb, 0)

    row0 = s * ROWS_PER_TILE
    nfull = ROWS_PER_TILE // CH
    rem = ROWS_PER_TILE - nfull * CH
    for j in range(nfull):
        pltpu.sync_copy(msg_v.at[pl.ds(0, CH)],
                        s_sh.at[pl.ds(row0 + j * CH, CH)])
    pltpu.sync_copy(msg_v.at[pl.ds(0, rem)],
                    s_sh.at[pl.ds(row0 + nfull * CH, rem)])

    def _ob(r, _):
        msg_v[r, pl.ds(AW - 16, 16)] = onecol
        return 0
    lax.fori_loop(0, CH, _ob, 0)

    plsc.subcore_barrier()

    magic = jnp.int32(0x5F3759DF)

    bufs = ((sidx0, didx0, ta_v0, tb_v0, sa0, sb0),
            (sidx1, didx1, ta_v1, tb_v1, sa1, sb1))

    def _prefetch(ci, b):
        sidx, didx, ta_v, tb_v, sa, sb = bufs[b]
        base = wid * EPW + ci * CH
        pltpu.sync_copy(src_h.at[pl.ds(base, CH)], sidx)
        pltpu.sync_copy(dst_h.at[pl.ds(base, CH)], didx)
        pltpu.make_async_copy(ta_h.at[didx], ta_v, sa).start()
        pltpu.make_async_copy(tb_h.at[sidx], tb_v, sb).start()

    def _consume(b):
        sidx, didx, ta_v, tb_v, sa, sb = bufs[b]
        pltpu.make_async_copy(ta_h.at[didx], ta_v, sa).wait()
        pltpu.make_async_copy(tb_h.at[sidx], tb_v, sb).wait()

        @plsc.parallel_loop(0, CH, step=1, unroll=8)
        def _edge(e):
            arow = ta_v[e, pl.ds(0, 16)]
            brow = tb_v[e, pl.ds(0, 16)]
            rel = ta_v[e, pl.ds(TW - 16, 16)] - tb_v[e, pl.ds(TW - 16, 16)]
            r2 = rel * rel
            o = DIM - (TW - 16)
            d2 = r2[o] + r2[o + 1] + r2[o + 2]
            ii = magic - (lax.bitcast_convert_type(d2, jnp.int32) >> 1)
            y = lax.bitcast_convert_type(ii, jnp.float32)
            y = y * (1.5 - 0.5 * d2 * y * y)
            y = y * (1.5 - 0.5 * d2 * y * y)
            dist = d2 * y
            h1 = arow + brow + dist * w1dv
            sg = 1.0 / (1.0 + jnp.exp(-h1))
            msg_v[e, pl.ds(0, 16)] = h1 * sg

        pltpu.sync_copy(msg_v, s_sh.at[didx], add=True)

    _prefetch(0, 0)

    def _pair(p, _):
        ci = 2 * p
        _prefetch(ci + 1, 1)
        _consume(0)

        @pl.when(ci + 2 < NCHUNK)
        def _():
            _prefetch(ci + 2, 0)

        _consume(1)
        return 0

    lax.fori_loop(0, NCHUNK // 2, _pair, 0)
    if NCHUNK % 2 == 1:
        _consume(0)

    plsc.subcore_barrier()

    def _dump(out_h):
        for j in range(nfull):
            pltpu.sync_copy(s_sh.at[pl.ds(row0 + j * CH, CH)],
                            msg_v.at[pl.ds(0, CH)])
            pltpu.sync_copy(msg_v.at[pl.ds(0, CH)],
                            out_h.at[pl.ds(row0 + j * CH, CH)])
        pltpu.sync_copy(s_sh.at[pl.ds(row0 + nfull * CH, rem)],
                        msg_v.at[pl.ds(0, rem)])
        pltpu.sync_copy(msg_v.at[pl.ds(0, rem)],
                        out_h.at[pl.ds(row0 + nfull * CH, rem)])

    @pl.when(c == 0)
    def _():
        _dump(out0_h)

    @pl.when(c == 1)
    def _():
        _dump(out1_h)


def _edge_stage(ta, tb, src, dst, w1d):
    mesh = plsc.VectorSubcoreMesh(core_axis_name="c", subcore_axis_name="s")
    f = functools.partial(
        pl.kernel,
        out_type=[jax.ShapeDtypeStruct((N_PAD, AW), jnp.float32),
                  jax.ShapeDtypeStruct((N_PAD, AW), jnp.float32)],
        mesh=mesh,
        compiler_params=pltpu.CompilerParams(use_tc_tiling_on_sc=False,
                                             needs_layout_passes=False),
        scratch_types=[
            pltpu.VMEM((CH,), jnp.int32),
            pltpu.VMEM((CH,), jnp.int32),
            pltpu.VMEM((CH,), jnp.int32),
            pltpu.VMEM((CH,), jnp.int32),
            pltpu.VMEM((CH, TW), jnp.float32),
            pltpu.VMEM((CH, TW), jnp.float32),
            pltpu.VMEM((CH, TW), jnp.float32),
            pltpu.VMEM((CH, TW), jnp.float32),
            pltpu.VMEM((CH, AW), jnp.float32),
            pltpu.VMEM((16,), jnp.float32),
            pltpu.VMEM_SHARED((N_PAD, AW), jnp.float32),
            pltpu.SemaphoreType.DMA,
            pltpu.SemaphoreType.DMA,
            pltpu.SemaphoreType.DMA,
            pltpu.SemaphoreType.DMA,
        ],
    )(_edge_body)
    return f(ta, tb, src, dst, w1d)



BN3 = 5000
SUB = 200
NB3 = N // BN3


def _fin_body(s0_ref, s1_ref, batch_ref, w2_ref, b2_ref, wp_ref, bp_ref,
              wz_ref, bzt_ref, s_ref, zs_ref):
    g = pl.program_id(0)
    t = s0_ref[...] + s1_ref[...]
    ssum = t[:, 0:DIM]
    cnt = t[:, DIM:DIM + 1]
    aggs = jnp.dot(ssum, w2_ref[...], preferred_element_type=jnp.float32)
    aggs = aggs + cnt * b2_ref[...]
    agg = aggs / jnp.maximum(cnt, 1.0)
    h = jnp.maximum(agg, 0.0)
    logits = jnp.dot(h, wp_ref[...], preferred_element_type=jnp.float32)
    logits = logits + bp_ref[...]
    mx = jnp.max(logits, axis=1, keepdims=True)
    ex = jnp.exp(logits - mx)
    sm = ex / jnp.sum(ex, axis=1, keepdims=True)
    s_ref[...] = sm

    hz = jnp.dot(h, wz_ref[...], preferred_element_type=jnp.float32)
    wv = jnp.concatenate([sm[:, 0:1] * hz, sm[:, 1:2] * hz], axis=1)
    bb = batch_ref[...]

    @pl.when(g == 0)
    def _():
        zs_ref[...] = jnp.zeros_like(zs_ref)

    acc = zs_ref[...]
    iot = lax.broadcasted_iota(jnp.int32, (SUB, NG), 1)
    for i in range(BN3 // SUB):
        wvs = wv[i * SUB:(i + 1) * SUB]
        bbs = bb[i * SUB:(i + 1) * SUB]
        oh = (iot == bbs).astype(jnp.float32)
        acc = acc + lax.dot_general(oh, wvs, (((0,), (0,)), ((), ())),
                                    preferred_element_type=jnp.float32)
    islast = jnp.where(g == NB3 - 1, 1.0, 0.0)
    zs_ref[...] = acc + islast * bzt_ref[...]


def _finalize(spart0, spart1, batch2d, W2, b2, Wp, bp, Wz, bzt):
    grid = (NB3,)
    return pl.pallas_call(
        _fin_body,
        grid=grid,
        in_specs=[
            pl.BlockSpec((BN3, AW), lambda i: (i, 0)),
            pl.BlockSpec((BN3, AW), lambda i: (i, 0)),
            pl.BlockSpec((BN3, 1), lambda i: (i, 0)),
            pl.BlockSpec((DIM, DIM), lambda i: (0, 0)),
            pl.BlockSpec((1, DIM), lambda i: (0, 0)),
            pl.BlockSpec((DIM, K), lambda i: (0, 0)),
            pl.BlockSpec((1, K), lambda i: (0, 0)),
            pl.BlockSpec((DIM, LATENT), lambda i: (0, 0)),
            pl.BlockSpec((1, K * LATENT), lambda i: (0, 0)),
        ],
        out_specs=[
            pl.BlockSpec((BN3, K), lambda i: (i, 0)),
            pl.BlockSpec((NG, K * LATENT), lambda i: (0, 0)),
        ],
        out_shape=[
            jax.ShapeDtypeStruct((N, K), jnp.float32),
            jax.ShapeDtypeStruct((NG, K * LATENT), jnp.float32),
        ],
    )(spart0, spart1, batch2d, W2, b2, Wp, bp, Wz, bzt)




def kernel(x, pos, edge_index, batch, W1, b1, W2, b2, Wp, bp, Wz, bz):
    src = edge_index[0].astype(jnp.int32)
    dst = edge_index[1].astype(jnp.int32)
    W1i = W1[0:DIM]
    W1j = W1[DIM:2 * DIM]
    w1d = W1[2 * DIM]
    b1r = b1.reshape(1, DIM)

    ta, tb = _prep_tables(x, pos, W1i, W1j, b1r)
    spart0, spart1 = _edge_stage(ta, tb, src, dst, w1d)

    batch2d = batch.astype(jnp.int32).reshape(N, 1)
    bzt = jnp.tile(bz, K).reshape(1, K * LATENT)
    s, zs = _finalize(spart0, spart1, batch2d, W2, b2.reshape(1, DIM),
                      Wp, bp.reshape(1, K), Wz, bzt)
    z = zs.reshape(NG, K, LATENT)
    return (z, s)

# --- scband reference (transcript-rebuilt; emitter-appended) ---
"""Pipeline reference for scband-discovery-net-28991029248445 (READ-ONLY COPY).

The authoritative reference and input builder live on the scoring server;
editing this copy changes nothing except your own understanding.
"""

import jax, jax.numpy as jnp
import numpy as np

N = 50000
E = 1600000
DIM = 16
K = 2
LATENT = 4
NG = 64

def setup_inputs(seed: int = 0):
    key = jax.random.key(seed)
    ks = jax.random.split(key, 14)
    x = jax.random.normal(ks[0], (N, DIM), dtype=jnp.float32)
    pos = jax.random.normal(ks[1], (N, 3), dtype=jnp.float32)
    src = jax.random.randint(ks[2], (E,), 0, N)
    off = jax.random.randint(ks[3], (E,), 1, N)
    dst = (src + off) % N  # avoid self-loops so dist > 0 everywhere
    edge_index = jnp.stack([src, dst], axis=0)
    batch = jnp.sort(jax.random.randint(ks[4], (N,), 0, NG))
    s1 = 1.0 / np.sqrt(2 * DIM + 1)
    W1 = jax.random.uniform(ks[5], (2 * DIM + 1, DIM), jnp.float32, -s1, s1)
    b1 = jax.random.uniform(ks[6], (DIM,), jnp.float32, -s1, s1)
    s2 = 1.0 / np.sqrt(DIM)
    W2 = jax.random.uniform(ks[7], (DIM, DIM), jnp.float32, -s2, s2)
    b2 = jax.random.uniform(ks[8], (DIM,), jnp.float32, -s2, s2)
    Wp = jax.random.uniform(ks[9], (DIM, K), jnp.float32, -s2, s2)
    bp = jax.random.uniform(ks[10], (K,), jnp.float32, -s2, s2)
    Wz = jax.random.uniform(ks[11], (DIM, LATENT), jnp.float32, -s2, s2)
    bz = jax.random.uniform(ks[12], (LATENT,), jnp.float32, -s2, s2)
    return {"x": x, "pos": pos, "edge_index": edge_index, "batch": batch,
            "W1": W1, "b1": b1, "W2": W2, "b2": b2,
            "Wp": Wp, "bp": bp, "Wz": Wz, "bz": bz}

def reference(x, pos, edge_index, batch, W1, b1, W2, b2, Wp, bp, Wz, bz):
    src = edge_index[0]
    dst = edge_index[1]
    # EquiLayer: rel pos + distance edge feature
    rel = pos[src] - pos[dst]
    dist = jnp.linalg.norm(rel, axis=-1, keepdims=True)
    # PyG default flow source_to_target: x_i = x[dst], x_j = x[src]
    x_i = x[dst]
    x_j = x[src]
    m = jnp.concatenate([x_i, x_j, dist], axis=-1)
    h1 = m @ W1 + b1
    h1 = h1 * jax.nn.sigmoid(h1)  # SiLU
    msg = h1 @ W2 + b2
    # aggr='mean' at destination nodes
    summed = jax.ops.segment_sum(msg, dst, num_segments=N)
    cnt = jax.ops.segment_sum(jnp.ones((E,), jnp.float32), dst, num_segments=N)
    agg = summed / jnp.maximum(cnt, 1.0)[:, None]
    # DiscoveryNet.encode
    h = jax.nn.relu(agg)
    s = jax.nn.softmax(h @ Wp + bp, axis=-1)  # [N, K]
    weighted = s[:, :, None] * h[:, None, :]  # [N, K, DIM]
    zsum = jax.ops.segment_sum(weighted, batch, num_segments=NG)  # [NG, K, DIM]
    z = zsum @ Wz + bz  # [NG, K, LATENT]
    return (z, s)

if __name__ == "__main__":
    import jax
    _d = setup_inputs()
    print(jax.jit(kernel)(*tuple(_d.values())))

</pallas_src>

<mosaic_0001>
#map = affine_map<(d0, d1) -> (0, 0)>
#map1 = affine_map<(d0, d1) -> (0)>
module attributes {stable_mosaic.version = 14 : i64} {
  func.func @_edge_body(%arg0: i32, %arg1: i32, %arg2: memref<50000x24xf32, #tpu.memory_space<hbm>>, %arg3: memref<50000x24xf32, #tpu.memory_space<hbm>>, %arg4: memref<1600000xi32, #tpu.memory_space<hbm>>, %arg5: memref<1600000xi32, #tpu.memory_space<hbm>>, %arg6: memref<16xf32, #tpu.memory_space<hbm>>, %arg7: memref<50048x24xf32, #tpu.memory_space<hbm>>, %arg8: memref<50048x24xf32, #tpu.memory_space<hbm>>, %arg9: memref<400xi32, #tpu.memory_space<vmem>>, %arg10: memref<400xi32, #tpu.memory_space<vmem>>, %arg11: memref<400xi32, #tpu.memory_space<vmem>>, %arg12: memref<400xi32, #tpu.memory_space<vmem>>, %arg13: memref<400x24xf32, #tpu.memory_space<vmem>>, %arg14: memref<400x24xf32, #tpu.memory_space<vmem>>, %arg15: memref<400x24xf32, #tpu.memory_space<vmem>>, %arg16: memref<400x24xf32, #tpu.memory_space<vmem>>, %arg17: memref<400x24xf32, #tpu.memory_space<vmem>>, %arg18: memref<16xf32, #tpu.memory_space<vmem>>, %arg19: memref<50048x24xf32, #tpu.memory_space<vmem_shared>>, %arg20: memref<!tpu.dma_semaphore, #tpu.memory_space<semaphore_mem>>, %arg21: memref<!tpu.dma_semaphore, #tpu.memory_space<semaphore_mem>>, %arg22: memref<!tpu.dma_semaphore, #tpu.memory_space<semaphore_mem>>, %arg23: memref<!tpu.dma_semaphore, #tpu.memory_space<semaphore_mem>>) attributes {dimension_semantics = [#tpu.dimension_semantics<core_parallel>, #tpu.dimension_semantics<subcore_parallel>], iteration_bounds = array<i64: 2, 16>, scalar_prefetch = 0 : i64, scratch_operands = 15 : i64, tpu.core_type = #tpu.core_type<sc_vector_subcore>, window_params = [{transform_indices = #map}, {transform_indices = #map}, {transform_indices = #map1}, {transform_indices = #map1}, {transform_indices = #map1}, {transform_indices = #map}, {transform_indices = #map}]} {
    %mul3A = arith.constant 2 : i32
    %mul3A_0 = arith.muli %arg1, %mul3A : i32
    %add3A = arith.addi %mul3A_0, %arg0 : i32
    "tpu.region"() ({
      %run_scoped3A = tpu.sem_alloc : memref<!tpu.dma_semaphore, #tpu.memory_space<semaphore_mem>>
      tpu.enqueue_dma source(%arg6 : memref<16xf32, #tpu.memory_space<hbm>>) target(%arg18 : memref<16xf32, #tpu.memory_space<vmem>>) target_semaphore(%run_scoped3A : memref<!tpu.dma_semaphore, #tpu.memory_space<semaphore_mem>>)
      tpu.wait_dma2 semaphore(%run_scoped3A : memref<!tpu.dma_semaphore, #tpu.memory_space<semaphore_mem>>) src(%arg6 : memref<16xf32, #tpu.memory_space<hbm>>) dst(%arg18 : memref<16xf32, #tpu.memory_space<vmem>>)
      tpu.yield
    }) : () -> ()
    %get3A = arith.constant 0 : index
    %get3A_1 = tpu.vector_load %arg18[%get3A] {strides = array<i32>} : memref<16xf32, #tpu.memory_space<vmem>>, vector<16xf32>,
    %slice3A = vector.extract_strided_slice %get3A_1 {offsets = [0], sizes = [1], strides = [1]} : vector<16xf32> to vector<1xf32>
    %squeeze3A = vector.extract %slice3A[0] : f32 from vector<1xf32>
    %slice3A_2 = vector.extract_strided_slice %get3A_1 {offsets = [1], sizes = [1], strides = [1]} : vector<16xf32> to vector<1xf32>
    %squeeze3A_3 = vector.extract %slice3A_2[0] : f32 from vector<1xf32>
    %slice3A_4 = vector.extract_strided_slice %get3A_1 {offsets = [2], sizes = [1], strides = [1]} : vector<16xf32> to vector<1xf32>
    %squeeze3A_5 = vector.extract %slice3A_4[0] : f32 from vector<1xf32>
    %slice3A_6 = vector.extract_strided_slice %get3A_1 {offsets = [3], sizes = [1], strides = [1]} : vector<16xf32> to vector<1xf32>
    %squeeze3A_7 = vector.extract %slice3A_6[0] : f32 from vector<1xf32>
    %slice3A_8 = vector.extract_strided_slice %get3A_1 {offsets = [4], sizes = [1], strides = [1]} : vector<16xf32> to vector<1xf32>
    %squeeze3A_9 = vector.extract %slice3A_8[0] : f32 from vector<1xf32>
    %slice3A_10 = vector.extract_strided_slice %get3A_1 {offsets = [5], sizes = [1], strides = [1]} : vector<16xf32> to vector<1xf32>
    %squeeze3A_11 = vector.extract %slice3A_10[0] : f32 from vector<1xf32>
    %slice3A_12 = vector.extract_strided_slice %get3A_1 {offsets = [6], sizes = [1], strides = [1]} : vector<16xf32> to vector<1xf32>
    %squeeze3A_13 = vector.extract %slice3A_12[0] : f32 from vector<1xf32>
    %slice3A_14 = vector.extract_strided_slice %get3A_1 {offsets = [7], sizes = [1], strides = [1]} : vector<16xf32> to vector<1xf32>
    %squeeze3A_15 = vector.extract %slice3A_14[0] : f32 from vector<1xf32>
    %slice3A_16 = vector.extract_strided_slice %get3A_1 {offsets = [8], sizes = [1], strides = [1]} : vector<16xf32> to vector<1xf32>
    %squeeze3A_17 = vector.extract %slice3A_16[0] : f32 from vector<1xf32>
    %slice3A_18 = vector.extract_strided_slice %get3A_1 {offsets = [9], sizes = [1], strides = [1]} : vector<16xf32> to vector<1xf32>
    %squeeze3A_19 = vector.extract %slice3A_18[0] : f32 from vector<1xf32>
    %slice3A_20 = vector.extract_strided_slice %get3A_1 {offsets = [10], sizes = [1], strides = [1]} : vector<16xf32> to vector<1xf32>
    %squeeze3A_21 = vector.extract %slice3A_20[0] : f32 from vector<1xf32>
    %slice3A_22 = vector.extract_strided_slice %get3A_1 {offsets = [11], sizes = [1], strides = [1]} : vector<16xf32> to vector<1xf32>
    %squeeze3A_23 = vector.extract %slice3A_22[0] : f32 from vector<1xf32>
    %slice3A_24 = vector.extract_strided_slice %get3A_1 {offsets = [12], sizes = [1], strides = [1]} : vector<16xf32> to vector<1xf32>
    %squeeze3A_25 = vector.extract %slice3A_24[0] : f32 from vector<1xf32>
    %slice3A_26 = vector.extract_strided_slice %get3A_1 {offsets = [13], sizes = [1], strides = [1]} : vector<16xf32> to vector<1xf32>
    %squeeze3A_27 = vector.extract %slice3A_26[0] : f32 from vector<1xf32>
    %slice3A_28 = vector.extract_strided_slice %get3A_1 {offsets = [14], sizes = [1], strides = [1]} : vector<16xf32> to vector<1xf32>
    %squeeze3A_29 = vector.extract %slice3A_28[0] : f32 from vector<1xf32>
    %slice3A_30 = vector.extract_strided_slice %get3A_1 {offsets = [15], sizes = [1], strides = [1]} : vector<16xf32> to vector<1xf32>
    %squeeze3A_31 = vector.extract %slice3A_30[0] : f32 from vector<1xf32>
    %iota3A = tpu.iota {dimensions = array<i32: 0>} : vector<16xi32>
    %broadcast_in_dim3A = arith.constant 0.000000e+00 : f32
    %broadcast_in_dim3A_32 = vector.broadcast %broadcast_in_dim3A : f32 to vector<16xf32>
    %eq3A = arith.constant 8 : i32
    %eq3A_33 = vector.broadcast %eq3A : i32 to vector<16xi32>
    %eq3A_34 = arith.cmpi eq, %iota3A, %eq3A_33 : vector<16xi32>
    %jit3A = arith.constant 1.000000e+00 : f32
    %jit3A_35 = arith.constant 0.000000e+00 : f32
    %broadcast_in_dim3A_36 = vector.broadcast %jit3A : f32 to vector<16xf32>
    %broadcast_in_dim3A_37 = vector.broadcast %jit3A_35 : f32 to vector<16xf32>
    %select_n3A = arith.select %eq3A_34, %broadcast_in_dim3A_36, %broadcast_in_dim3A_37 : vector<16xi1>, vector<16xf32>
    %scan3A = arith.constant 0 : i32
    %scan3A_38 = arith.constant 0 : i32
    %scan3A_39 = arith.constant 400 : i32
    %scan3A_40 = arith.addi %scan3A_38, %scan3A_39 : i32
    %scan3A_41 = arith.constant 1 : i32
    %scan3A_42 = scf.for %scan3A_103 = %scan3A_38 to %scan3A_40 step %scan3A_41 iter_args(%scan3A_104 = %scan3A) -> (i32)  : i32 {
      %swap3A = arith.index_cast %scan3A_103 : i32 to index
      %swap3A_105 = arith.constant 0 : index
      %swap3A_106 = tpu.vector_load %arg17[%swap3A, %swap3A_105] {strides = array<i32>} : memref<400x24xf32, #tpu.memory_space<vmem>>, vector<16xf32>,
      tpu.vector_store %arg17[%swap3A, %swap3A_105], %broadcast_in_dim3A_32 {strides = array<i32>} : memref<400x24xf32, #tpu.memory_space<vmem>>, vector<16xf32>,
      %swap3A_107 = arith.index_cast %scan3A_103 : i32 to index
      %swap3A_108 = arith.constant 8 : index
      %swap3A_109 = tpu.vector_load %arg17[%swap3A_107, %swap3A_108] {strides = array<i32>} : memref<400x24xf32, #tpu.memory_space<vmem>>, vector<16xf32>,
      tpu.vector_store %arg17[%swap3A_107, %swap3A_108], %broadcast_in_dim3A_32 {strides = array<i32>} : memref<400x24xf32, #tpu.memory_space<vmem>>, vector<16xf32>,
      %scan3A_110 = arith.constant 0 : i32
      scf.yield %scan3A_110 : i32
    }
    %scan3A_43 = arith.constant 400 : i32
    %mul3A_44 = arith.constant 3128 : i32
    %mul3A_45 = arith.muli %arg1, %mul3A_44 : i32
    %add3A_46 = arith.constant 0 : i32
    %add3A_47 = arith.addi %mul3A_45, %add3A_46 : i32
    "tpu.region"() ({
      %run_scoped3A = tpu.sem_alloc : memref<!tpu.dma_semaphore, #tpu.memory_space<semaphore_mem>>
      %dma_start3A_103 = arith.constant 0 : i32
      %dma_start3A_104 = arith.constant 0 : i32
      %dma_start3A_105 = tpu.memref_slice %arg17[%dma_start3A_103, %dma_start3A_104] : memref<400x24xf32, #tpu.memory_space<vmem>> -> memref<400x24xf32, #tpu.memory_space<vmem>>
      %dma_start3A_106 = arith.constant 0 : i32
      %dma_start3A_107 = tpu.memref_slice %arg19[%add3A_47, %dma_start3A_106] : memref<50048x24xf32, #tpu.memory_space<vmem_shared>> -> memref<400x24xf32, #tpu.memory_space<vmem_shared>>
      %dma_start3A_108 = arith.constant 0 : i32
      %dma_start3A_109 = tpu.memref_slice %arg19[%add3A_47, %dma_start3A_108] : memref<50048x24xf32, #tpu.memory_space<vmem_shared>> -> memref<400x24xf32, #tpu.memory_space<vmem_shared>>
      %dma_start3A_110 = arith.constant 0 : i32
      %dma_start3A_111 = arith.constant 0 : i32
      %dma_start3A_112 = tpu.memref_slice %arg17[%dma_start3A_110, %dma_start3A_111] : memref<400x24xf32, #tpu.memory_space<vmem>> -> memref<400x24xf32, #tpu.memory_space<vmem>>
      tpu.enqueue_dma source(%dma_start3A_112 : memref<400x24xf32, #tpu.memory_space<vmem>>) target(%dma_start3A_109 : memref<400x24xf32, #tpu.memory_space<vmem_shared>>) target_semaphore(%run_scoped3A : memref<!tpu.dma_semaphore, #tpu.memory_space<semaphore_mem>>)
      %dma_wait3A_113 = arith.constant 0 : i32
      %dma_wait3A_114 = arith.constant 0 : i32
      %dma_wait3A_115 = tpu.memref_slice %arg17[%dma_wait3A_113, %dma_wait3A_114] : memref<400x24xf32, #tpu.memory_space<vmem>> -> memref<400x24xf32, #tpu.memory_space<vmem>>
      %dma_wait3A_116 = arith.constant 0 : i32
      %dma_wait3A_117 = tpu.memref_slice %arg19[%add3A_47, %dma_wait3A_116] : memref<50048x24xf32, #tpu.memory_space<vmem_shared>> -> memref<400x24xf32, #tpu.memory_space<vmem_shared>>
      %dma_wait3A_118 = arith.constant 0 : i32
      %dma_wait3A_119 = tpu.memref_slice %arg19[%add3A_47, %dma_wait3A_118] : memref<50048x24xf32, #tpu.memory_space<vmem_shared>> -> memref<400x24xf32, #tpu.memory_space<vmem_shared>>
      %dma_wait3A_120 = arith.constant 0 : i32
      %dma_wait3A_121 = arith.constant 0 : i32
      %dma_wait3A_122 = tpu.memref_slice %arg17[%dma_wait3A_120, %dma_wait3A_121] : memref<400x24xf32, #tpu.memory_space<vmem>> -> memref<400x24xf32, #tpu.memory_space<vmem>>
      tpu.wait_dma2 semaphore(%run_scoped3A : memref<!tpu.dma_semaphore, #tpu.memory_space<semaphore_mem>>) src(%dma_wait3A_122 : memref<400x24xf32, #tpu.memory_space<vmem>>) dst(%dma_wait3A_119 : memref<400x24xf32, #tpu.memory_space<vmem_shared>>)
      tpu.yield
    }) : () -> ()
    %add3A_48 = arith.constant 400 : i32
    %add3A_49 = arith.addi %mul3A_45, %add3A_48 : i32
    "tpu.region"() ({
      %run_scoped3A = tpu.sem_alloc : memref<!tpu.dma_semaphore, #tpu.memory_space<semaphore_mem>>
      %dma_start3A_103 = arith.constant 0 : i32
      %dma_start3A_104 = arith.constant 0 : i32
      %dma_start3A_105 = tpu.memref_slice %arg17[%dma_start3A_103, %dma_start3A_104] : memref<400x24xf32, #tpu.memory_space<vmem>> -> memref<400x24xf32, #tpu.memory_space<vmem>>
      %dma_start3A_106 = arith.constant 0 : i32
      %dma_start3A_107 = tpu.memref_slice %arg19[%add3A_49, %dma_start3A_106] : memref<50048x24xf32, #tpu.memory_space<vmem_shared>> -> memref<400x24xf32, #tpu.memory_space<vmem_shared>>
      %dma_start3A_108 = arith.constant 0 : i32
      %dma_start3A_109 = tpu.memref_slice %arg19[%add3A_49, %dma_start3A_108] : memref<50048x24xf32, #tpu.memory_space<vmem_shared>> -> memref<400x24xf32, #tpu.memory_space<vmem_shared>>
      %dma_start3A_110 = arith.constant 0 : i32
      %dma_start3A_111 = arith.constant 0 : i32
      %dma_start3A_112 = tpu.memref_slice %arg17[%dma_start3A_110, %dma_start3A_111] : memref<400x24xf32, #tpu.memory_space<vmem>> -> memref<400x24xf32, #tpu.memory_space<vmem>>
      tpu.enqueue_dma source(%dma_start3A_112 : memref<400x24xf32, #tpu.memory_space<vmem>>) target(%dma_start3A_109 : memref<400x24xf32, #tpu.memory_space<vmem_shared>>) target_semaphore(%run_scoped3A : memref<!tpu.dma_semaphore, #tpu.memory_space<semaphore_mem>>)
      %dma_wait3A_113 = arith.constant 0 : i32
      %dma_wait3A_114 = arith.constant 0 : i32
      %dma_wait3A_115 = tpu.memref_slice %arg17[%dma_wait3A_113, %dma_wait3A_114] : memref<400x24xf32, #tpu.memory_space<vmem>> -> memref<400x24xf32, #tpu.memory_space<vmem>>
      %dma_wait3A_116 = arith.constant 0 : i32
      %dma_wait3A_117 = tpu.memref_slice %arg19[%add3A_49, %dma_wait3A_116] : memref<50048x24xf32, #tpu.memory_space<vmem_shared>> -> memref<400x24xf32, #tpu.memory_space<vmem_shared>>
      %dma_wait3A_118 = arith.constant 0 : i32
      %dma_wait3A_119 = tpu.memref_slice %arg19[%add3A_49, %dma_wait3A_118] : memref<50048x24xf32, #tpu.memory_space<vmem_shared>> -> memref<400x24xf32, #tpu.memory_space<vmem_shared>>
      %dma_wait3A_120 = arith.constant 0 : i32
      %dma_wait3A_121 = arith.constant 0 : i32
      %dma_wait3A_122 = tpu.memref_slice %arg17[%dma_wait3A_120, %dma_wait3A_121] : memref<400x24xf32, #tpu.memory_space<vmem>> -> memref<400x24xf32, #tpu.memory_space<vmem>>
      tpu.wait_dma2 semaphore(%run_scoped3A : memref<!tpu.dma_semaphore, #tpu.memory_space<semaphore_mem>>) src(%dma_wait3A_122 : memref<400x24xf32, #tpu.memory_space<vmem>>) dst(%dma_wait3A_119 : memref<400x24xf32, #tpu.memory_space<vmem_shared>>)
      tpu.yield
    }) : () -> ()
    %add3A_50 = arith.constant 800 : i32
    %add3A_51 = arith.addi %mul3A_45, %add3A_50 : i32
    "tpu.region"() ({
      %run_scoped3A = tpu.sem_alloc : memref<!tpu.dma_semaphore, #tpu.memory_space<semaphore_mem>>
      %dma_start3A_103 = arith.constant 0 : i32
      %dma_start3A_104 = arith.constant 0 : i32
      %dma_start3A_105 = tpu.memref_slice %arg17[%dma_start3A_103, %dma_start3A_104] : memref<400x24xf32, #tpu.memory_space<vmem>> -> memref<400x24xf32, #tpu.memory_space<vmem>>
      %dma_start3A_106 = arith.constant 0 : i32
      %dma_start3A_107 = tpu.memref_slice %arg19[%add3A_51, %dma_start3A_106] : memref<50048x24xf32, #tpu.memory_space<vmem_shared>> -> memref<400x24xf32, #tpu.memory_space<vmem_shared>>
      %dma_start3A_108 = arith.constant 0 : i32
      %dma_start3A_109 = tpu.memref_slice %arg19[%add3A_51, %dma_start3A_108] : memref<50048x24xf32, #tpu.memory_space<vmem_shared>> -> memref<400x24xf32, #tpu.memory_space<vmem_shared>>
      %dma_start3A_110 = arith.constant 0 : i32
      %dma_start3A_111 = arith.constant 0 : i32
      %dma_start3A_112 = tpu.memref_slice %arg17[%dma_start3A_110, %dma_start3A_111] : memref<400x24xf32, #tpu.memory_space<vmem>> -> memref<400x24xf32, #tpu.memory_space<vmem>>
      tpu.enqueue_dma source(%dma_start3A_112 : memref<400x24xf32, #tpu.memory_space<vmem>>) target(%dma_start3A_109 : memref<400x24xf32, #tpu.memory_space<vmem_shared>>) target_semaphore(%run_scoped3A : memref<!tpu.dma_semaphore, #tpu.memory_space<semaphore_mem>>)
      %dma_wait3A_113 = arith.constant 0 : i32
      %dma_wait3A_114 = arith.constant 0 : i32
      %dma_wait3A_115 = tpu.memref_slice %arg17[%dma_wait3A_113, %dma_wait3A_114] : memref<400x24xf32, #tpu.memory_space<vmem>> -> memref<400x24xf32, #tpu.memory_space<vmem>>
      %dma_wait3A_116 = arith.constant 0 : i32
      %dma_wait3A_117 = tpu.memref_slice %arg19[%add3A_51, %dma_wait3A_116] : memref<50048x24xf32, #tpu.memory_space<vmem_shared>> -> memref<400x24xf32, #tpu.memory_space<vmem_shared>>
      %dma_wait3A_118 = arith.constant 0 : i32
      %dma_wait3A_119 = tpu.memref_slice %arg19[%add3A_51, %dma_wait3A_118] : memref<50048x24xf32, #tpu.memory_space<vmem_shared>> -> memref<400x24xf32, #tpu.memory_space<vmem_shared>>
      %dma_wait3A_120 = arith.constant 0 : i32
      %dma_wait3A_121 = arith.constant 0 : i32
      %dma_wait3A_122 = tpu.memref_slice %arg17[%dma_wait3A_120, %dma_wait3A_121] : memref<400x24xf32, #tpu.memory_space<vmem>> -> memref<400x24xf32, #tpu.memory_space<vmem>>
      tpu.wait_dma2 semaphore(%run_scoped3A : memref<!tpu.dma_semaphore, #tpu.memory_space<semaphore_mem>>) src(%dma_wait3A_122 : memref<400x24xf32, #tpu.memory_space<vmem>>) dst(%dma_wait3A_119 : memref<400x24xf32, #tpu.memory_space<vmem_shared>>)
      tpu.yield
    }) : () -> ()
    %add3A_52 = arith.constant 1200 : i32
    %add3A_53 = arith.addi %mul3A_45, %add3A_52 : i32
    "tpu.region"() ({
      %run_scoped3A = tpu.sem_alloc : memref<!tpu.dma_semaphore, #tpu.memory_space<semaphore_mem>>
      %dma_start3A_103 = arith.constant 0 : i32
      %dma_start3A_104 = arith.constant 0 : i32
      %dma_start3A_105 = tpu.memref_slice %arg17[%dma_start3A_103, %dma_start3A_104] : memref<400x24xf32, #tpu.memory_space<vmem>> -> memref<400x24xf32, #tpu.memory_space<vmem>>
      %dma_start3A_106 = arith.constant 0 : i32
      %dma_start3A_107 = tpu.memref_slice %arg19[%add3A_53, %dma_start3A_106] : memref<50048x24xf32, #tpu.memory_space<vmem_shared>> -> memref<400x24xf32, #tpu.memory_space<vmem_shared>>
      %dma_start3A_108 = arith.constant 0 : i32
      %dma_start3A_109 = tpu.memref_slice %arg19[%add3A_53, %dma_start3A_108] : memref<50048x24xf32, #tpu.memory_space<vmem_shared>> -> memref<400x24xf32, #tpu.memory_space<vmem_shared>>
      %dma_start3A_110 = arith.constant 0 : i32
      %dma_start3A_111 = arith.constant 0 : i32
      %dma_start3A_112 = tpu.memref_slice %arg17[%dma_start3A_110, %dma_start3A_111] : memref<400x24xf32, #tpu.memory_space<vmem>> -> memref<400x24xf32, #tpu.memory_space<vmem>>
      tpu.enqueue_dma source(%dma_start3A_112 : memref<400x24xf32, #tpu.memory_space<vmem>>) target(%dma_start3A_109 : memref<400x24xf32, #tpu.memory_space<vmem_shared>>) target_semaphore(%run_scoped3A : memref<!tpu.dma_semaphore, #tpu.memory_space<semaphore_mem>>)
      %dma_wait3A_113 = arith.constant 0 : i32
      %dma_wait3A_114 = arith.constant 0 : i32
      %dma_wait3A_115 = tpu.memref_slice %arg17[%dma_wait3A_113, %dma_wait3A_114] : memref<400x24xf32, #tpu.memory_space<vmem>> -> memref<400x24xf32, #tpu.memory_space<vmem>>
      %dma_wait3A_116 = arith.constant 0 : i32
      %dma_wait3A_117 = tpu.memref_slice %arg19[%add3A_53, %dma_wait3A_116] : memref<50048x24xf32, #tpu.memory_space<vmem_shared>> -> memref<400x24xf32, #tpu.memory_space<vmem_shared>>
      %dma_wait3A_118 = arith.constant 0 : i32
      %dma_wait3A_119 = tpu.memref_slice %arg19[%add3A_53, %dma_wait3A_118] : memref<50048x24xf32, #tpu.memory_space<vmem_shared>> -> memref<400x24xf32, #tpu.memory_space<vmem_shared>>
      %dma_wait3A_120 = arith.constant 0 : i32
      %dma_wait3A_121 = arith.constant 0 : i32
      %dma_wait3A_122 = tpu.memref_slice %arg17[%dma_wait3A_120, %dma_wait3A_121] : memref<400x24xf32, #tpu.memory_space<vmem>> -> memref<400x24xf32, #tpu.memory_space<vmem>>
      tpu.wait_dma2 semaphore(%run_scoped3A : memref<!tpu.dma_semaphore, #tpu.memory_space<semaphore_mem>>) src(%dma_wait3A_122 : memref<400x24xf32, #tpu.memory_space<vmem>>) dst(%dma_wait3A_119 : memref<400x24xf32, #tpu.memory_space<vmem_shared>>)
      tpu.yield
    }) : () -> ()
    %add3A_54 = arith.constant 1600 : i32
    %add3A_55 = arith.addi %mul3A_45, %add3A_54 : i32
    "tpu.region"() ({
      %run_scoped3A = tpu.sem_alloc : memref<!tpu.dma_semaphore, #tpu.memory_space<semaphore_mem>>
      %dma_start3A_103 = arith.constant 0 : i32
      %dma_start3A_104 = arith.constant 0 : i32
      %dma_start3A_105 = tpu.memref_slice %arg17[%dma_start3A_103, %dma_start3A_104] : memref<400x24xf32, #tpu.memory_space<vmem>> -> memref<400x24xf32, #tpu.memory_space<vmem>>
      %dma_start3A_106 = arith.constant 0 : i32
      %dma_start3A_107 = tpu.memref_slice %arg19[%add3A_55, %dma_start3A_106] : memref<50048x24xf32, #tpu.memory_space<vmem_shared>> -> memref<400x24xf32, #tpu.memory_space<vmem_shared>>
      %dma_start3A_108 = arith.constant 0 : i32
      %dma_start3A_109 = tpu.memref_slice %arg19[%add3A_55, %dma_start3A_108] : memref<50048x24xf32, #tpu.memory_space<vmem_shared>> -> memref<400x24xf32, #tpu.memory_space<vmem_shared>>
      %dma_start3A_110 = arith.constant 0 : i32
      %dma_start3A_111 = arith.constant 0 : i32
      %dma_start3A_112 = tpu.memref_slice %arg17[%dma_start3A_110, %dma_start3A_111] : memref<400x24xf32, #tpu.memory_space<vmem>> -> memref<400x24xf32, #tpu.memory_space<vmem>>
      tpu.enqueue_dma source(%dma_start3A_112 : memref<400x24xf32, #tpu.memory_space<vmem>>) target(%dma_start3A_109 : memref<400x24xf32, #tpu.memory_space<vmem_shared>>) target_semaphore(%run_scoped3A : memref<!tpu.dma_semaphore, #tpu.memory_space<semaphore_mem>>)
      %dma_wait3A_113 = arith.constant 0 : i32
      %dma_wait3A_114 = arith.constant 0 : i32
      %dma_wait3A_115 = tpu.memref_slice %arg17[%dma_wait3A_113, %dma_wait3A_114] : memref<400x24xf32, #tpu.memory_space<vmem>> -> memref<400x24xf32, #tpu.memory_space<vmem>>
      %dma_wait3A_116 = arith.constant 0 : i32
      %dma_wait3A_117 = tpu.memref_slice %arg19[%add3A_55, %dma_wait3A_116] : memref<50048x24xf32, #tpu.memory_space<vmem_shared>> -> memref<400x24xf32, #tpu.memory_space<vmem_shared>>
      %dma_wait3A_118 = arith.constant 0 : i32
      %dma_wait3A_119 = tpu.memref_slice %arg19[%add3A_55, %dma_wait3A_118] : memref<50048x24xf32, #tpu.memory_space<vmem_shared>> -> memref<400x24xf32, #tpu.memory_space<vmem_shared>>
      %dma_wait3A_120 = arith.constant 0 : i32
      %dma_wait3A_121 = arith.constant 0 : i32
      %dma_wait3A_122 = tpu.memref_slice %arg17[%dma_wait3A_120, %dma_wait3A_121] : memref<400x24xf32, #tpu.memory_space<vmem>> -> memref<400x24xf32, #tpu.memory_space<vmem>>
      tpu.wait_dma2 semaphore(%run_scoped3A : memref<!tpu.dma_semaphore, #tpu.memory_space<semaphore_mem>>) src(%dma_wait3A_122 : memref<400x24xf32, #tpu.memory_space<vmem>>) dst(%dma_wait3A_119 : memref<400x24xf32, #tpu.memory_space<vmem_shared>>)
      tpu.yield
    }) : () -> ()
    %add3A_56 = arith.constant 2000 : i32
    %add3A_57 = arith.addi %mul3A_45, %add3A_56 : i32
    "tpu.region"() ({
      %run_scoped3A = tpu.sem_alloc : memref<!tpu.dma_semaphore, #tpu.memory_space<semaphore_mem>>
      %dma_start3A_103 = arith.constant 0 : i32
      %dma_start3A_104 = arith.constant 0 : i32
      %dma_start3A_105 = tpu.memref_slice %arg17[%dma_start3A_103, %dma_start3A_104] : memref<400x24xf32, #tpu.memory_space<vmem>> -> memref<400x24xf32, #tpu.memory_space<vmem>>
      %dma_start3A_106 = arith.constant 0 : i32
      %dma_start3A_107 = tpu.memref_slice %arg19[%add3A_57, %dma_start3A_106] : memref<50048x24xf32, #tpu.memory_space<vmem_shared>> -> memref<400x24xf32, #tpu.memory_space<vmem_shared>>
      %dma_start3A_108 = arith.constant 0 : i32
      %dma_start3A_109 = tpu.memref_slice %arg19[%add3A_57, %dma_start3A_108] : memref<50048x24xf32, #tpu.memory_space<vmem_shared>> -> memref<400x24xf32, #tpu.memory_space<vmem_shared>>
      %dma_start3A_110 = arith.constant 0 : i32
      %dma_start3A_111 = arith.constant 0 : i32
      %dma_start3A_112 = tpu.memref_slice %arg17[%dma_start3A_110, %dma_start3A_111] : memref<400x24xf32, #tpu.memory_space<vmem>> -> memref<400x24xf32, #tpu.memory_space<vmem>>
      tpu.enqueue_dma source(%dma_start3A_112 : memref<400x24xf32, #tpu.memory_space<vmem>>) target(%dma_start3A_109 : memref<400x24xf32, #tpu.memory_space<vmem_shared>>) target_semaphore(%run_scoped3A : memref<!tpu.dma_semaphore, #tpu.memory_space<semaphore_mem>>)
      %dma_wait3A_113 = arith.constant 0 : i32
      %dma_wait3A_114 = arith.constant 0 : i32
      %dma_wait3A_115 = tpu.memref_slice %arg17[%dma_wait3A_113, %dma_wait3A_114] : memref<400x24xf32, #tpu.memory_space<vmem>> -> memref<400x24xf32, #tpu.memory_space<vmem>>
      %dma_wait3A_116 = arith.constant 0 : i32
      %dma_wait3A_117 = tpu.memref_slice %arg19[%add3A_57, %dma_wait3A_116] : memref<50048x24xf32, #tpu.memory_space<vmem_shared>> -> memref<400x24xf32, #tpu.memory_space<vmem_shared>>
      %dma_wait3A_118 = arith.constant 0 : i32
      %dma_wait3A_119 = tpu.memref_slice %arg19[%add3A_57, %dma_wait3A_118] : memref<50048x24xf32, #tpu.memory_space<vmem_shared>> -> memref<400x24xf32, #tpu.memory_space<vmem_shared>>
      %dma_wait3A_120 = arith.constant 0 : i32
      %dma_wait3A_121 = arith.constant 0 : i32
      %dma_wait3A_122 = tpu.memref_slice %arg17[%dma_wait3A_120, %dma_wait3A_121] : memref<400x24xf32, #tpu.memory_space<vmem>> -> memref<400x24xf32, #tpu.memory_space<vmem>>
      tpu.wait_dma2 semaphore(%run_scoped3A : memref<!tpu.dma_semaphore, #tpu.memory_space<semaphore_mem>>) src(%dma_wait3A_122 : memref<400x24xf32, #tpu.memory_space<vmem>>) dst(%dma_wait3A_119 : memref<400x24xf32, #tpu.memory_space<vmem_shared>>)
      tpu.yield
    }) : () -> ()
    %add3A_58 = arith.constant 2400 : i32
    %add3A_59 = arith.addi %mul3A_45, %add3A_58 : i32
    "tpu.region"() ({
      %run_scoped3A = tpu.sem_alloc : memref<!tpu.dma_semaphore, #tpu.memory_space<semaphore_mem>>
      %dma_start3A_103 = arith.constant 0 : i32
      %dma_start3A_104 = arith.constant 0 : i32
      %dma_start3A_105 = tpu.memref_slice %arg17[%dma_start3A_103, %dma_start3A_104] : memref<400x24xf32, #tpu.memory_space<vmem>> -> memref<400x24xf32, #tpu.memory_space<vmem>>
      %dma_start3A_106 = arith.constant 0 : i32
      %dma_start3A_107 = tpu.memref_slice %arg19[%add3A_59, %dma_start3A_106] : memref<50048x24xf32, #tpu.memory_space<vmem_shared>> -> memref<400x24xf32, #tpu.memory_space<vmem_shared>>
      %dma_start3A_108 = arith.constant 0 : i32
      %dma_start3A_109 = tpu.memref_slice %arg19[%add3A_59, %dma_start3A_108] : memref<50048x24xf32, #tpu.memory_space<vmem_shared>> -> memref<400x24xf32, #tpu.memory_space<vmem_shared>>
      %dma_start3A_110 = arith.constant 0 : i32
      %dma_start3A_111 = arith.constant 0 : i32
      %dma_start3A_112 = tpu.memref_slice %arg17[%dma_start3A_110, %dma_start3A_111] : memref<400x24xf32, #tpu.memory_space<vmem>> -> memref<400x24xf32, #tpu.memory_space<vmem>>
      tpu.enqueue_dma source(%dma_start3A_112 : memref<400x24xf32, #tpu.memory_space<vmem>>) target(%dma_start3A_109 : memref<400x24xf32, #tpu.memory_space<vmem_shared>>) target_semaphore(%run_scoped3A : memref<!tpu.dma_semaphore, #tpu.memory_space<semaphore_mem>>)
      %dma_wait3A_113 = arith.constant 0 : i32
      %dma_wait3A_114 = arith.constant 0 : i32
      %dma_wait3A_115 = tpu.memref_slice %arg17[%dma_wait3A_113, %dma_wait3A_114] : memref<400x24xf32, #tpu.memory_space<vmem>> -> memref<400x24xf32, #tpu.memory_space<vmem>>
      %dma_wait3A_116 = arith.constant 0 : i32
      %dma_wait3A_117 = tpu.memref_slice %arg19[%add3A_59, %dma_wait3A_116] : memref<50048x24xf32, #tpu.memory_space<vmem_shared>> -> memref<400x24xf32, #tpu.memory_space<vmem_shared>>
      %dma_wait3A_118 = arith.constant 0 : i32
      %dma_wait3A_119 = tpu.memref_slice %arg19[%add3A_59, %dma_wait3A_118] : memref<50048x24xf32, #tpu.memory_space<vmem_shared>> -> memref<400x24xf32, #tpu.memory_space<vmem_shared>>
      %dma_wait3A_120 = arith.constant 0 : i32
      %dma_wait3A_121 = arith.constant 0 : i32
      %dma_wait3A_122 = tpu.memref_slice %arg17[%dma_wait3A_120, %dma_wait3A_121] : memref<400x24xf32, #tpu.memory_space<vmem>> -> memref<400x24xf32, #tpu.memory_space<vmem>>
      tpu.wait_dma2 semaphore(%run_scoped3A : memref<!tpu.dma_semaphore, #tpu.memory_space<semaphore_mem>>) src(%dma_wait3A_122 : memref<400x24xf32, #tpu.memory_space<vmem>>) dst(%dma_wait3A_119 : memref<400x24xf32, #tpu.memory_space<vmem_shared>>)
      tpu.yield
    }) : () -> ()
    %add3A_60 = arith.constant 2800 : i32
    %add3A_61 = arith.addi %mul3A_45, %add3A_60 : i32
    "tpu.region"() ({
      %run_scoped3A = tpu.sem_alloc : memref<!tpu.dma_semaphore, #tpu.memory_space<semaphore_mem>>
      %dma_start3A_103 = arith.constant 0 : i32
      %dma_start3A_104 = arith.constant 0 : i32
      %dma_start3A_105 = tpu.memref_slice %arg17[%dma_start3A_103, %dma_start3A_104] : memref<400x24xf32, #tpu.memory_space<vmem>> -> memref<328x24xf32, #tpu.memory_space<vmem>>
      %dma_start3A_106 = arith.constant 0 : i32
      %dma_start3A_107 = tpu.memref_slice %arg19[%add3A_61, %dma_start3A_106] : memref<50048x24xf32, #tpu.memory_space<vmem_shared>> -> memref<328x24xf32, #tpu.memory_space<vmem_shared>>
      %dma_start3A_108 = arith.constant 0 : i32
      %dma_start3A_109 = tpu.memref_slice %arg19[%add3A_61, %dma_start3A_108] : memref<50048x24xf32, #tpu.memory_space<vmem_shared>> -> memref<328x24xf32, #tpu.memory_space<vmem_shared>>
      %dma_start3A_110 = arith.constant 0 : i32
      %dma_start3A_111 = arith.constant 0 : i32
      %dma_start3A_112 = tpu.memref_slice %arg17[%dma_start3A_110, %dma_start3A_111] : memref<400x24xf32, #tpu.memory_space<vmem>> -> memref<328x24xf32, #tpu.memory_space<vmem>>
      tpu.enqueue_dma source(%dma_start3A_112 : memref<328x24xf32, #tpu.memory_space<vmem>>) target(%dma_start3A_109 : memref<328x24xf32, #tpu.memory_space<vmem_shared>>) target_semaphore(%run_scoped3A : memref<!tpu.dma_semaphore, #tpu.memory_space<semaphore_mem>>)
      %dma_wait3A_113 = arith.constant 0 : i32
      %dma_wait3A_114 = arith.constant 0 : i32
      %dma_wait3A_115 = tpu.memref_slice %arg17[%dma_wait3A_113, %dma_wait3A_114] : memref<400x24xf32, #tpu.memory_space<vmem>> -> memref<328x24xf32, #tpu.memory_space<vmem>>
      %dma_wait3A_116 = arith.constant 0 : i32
      %dma_wait3A_117 = tpu.memref_slice %arg19[%add3A_61, %dma_wait3A_116] : memref<50048x24xf32, #tpu.memory_space<vmem_shared>> -> memref<328x24xf32, #tpu.memory_space<vmem_shared>>
      %dma_wait3A_118 = arith.constant 0 : i32
      %dma_wait3A_119 = tpu.memref_slice %arg19[%add3A_61, %dma_wait3A_118] : memref<50048x24xf32, #tpu.memory_space<vmem_shared>> -> memref<328x24xf32, #tpu.memory_space<vmem_shared>>
      %dma_wait3A_120 = arith.constant 0 : i32
      %dma_wait3A_121 = arith.constant 0 : i32
      %dma_wait3A_122 = tpu.memref_slice %arg17[%dma_wait3A_120, %dma_wait3A_121] : memref<400x24xf32, #tpu.memory_space<vmem>> -> memref<328x24xf32, #tpu.memory_space<vmem>>
      tpu.wait_dma2 semaphore(%run_scoped3A : memref<!tpu.dma_semaphore, #tpu.memory_space<semaphore_mem>>) src(%dma_wait3A_122 : memref<328x24xf32, #tpu.memory_space<vmem>>) dst(%dma_wait3A_119 : memref<328x24xf32, #tpu.memory_space<vmem_shared>>)
      tpu.yield
    }) : () -> ()
    %scan3A_62 = arith.constant 0 : i32
    %scan3A_63 = arith.constant 0 : i32
    %scan3A_64 = arith.constant 400 : i32
    %scan3A_65 = arith.addi %scan3A_63, %scan3A_64 : i32
    %scan3A_66 = arith.constant 1 : i32
    %scan3A_67 = scf.for %scan3A_103 = %scan3A_63 to %scan3A_65 step %scan3A_66 iter_args(%scan3A_104 = %scan3A_62) -> (i32)  : i32 {
      %swap3A = arith.index_cast %scan3A_103 : i32 to index
      %swap3A_105 = arith.constant 8 : index
      %swap3A_106 = tpu.vector_load %arg17[%swap3A, %swap3A_105] {strides = array<i32>} : memref<400x24xf32, #tpu.memory_space<vmem>>, vector<16xf32>,
      tpu.vector_store %arg17[%swap3A, %swap3A_105], %select_n3A {strides = array<i32>} : memref<400x24xf32, #tpu.memory_space<vmem>>, vector<16xf32>,
      %scan3A_107 = arith.constant 0 : i32
      scf.yield %scan3A_107 : i32
    }
    %scan3A_68 = arith.constant 400 : i32
    %barrier3A = arith.constant 0 : index
    tpu.barrier barrier_id(%barrier3A)
    %mul3A_69 = arith.constant 50000 : i32
    %mul3A_70 = arith.muli %add3A, %mul3A_69 : i32
    %add3A_71 = arith.constant 0 : i32
    %add3A_72 = arith.addi %mul3A_70, %add3A_71 : i32
    "tpu.region"() ({
      %run_scoped3A = tpu.sem_alloc : memref<!tpu.dma_semaphore, #tpu.memory_space<semaphore_mem>>
      %dma_start3A_103 = tpu.memref_slice %arg4[%add3A_72] : memref<1600000xi32, #tpu.memory_space<hbm>> -> memref<400xi32, #tpu.memory_space<hbm>>
      %dma_start3A_104 = tpu.memref_slice %arg4[%add3A_72] : memref<1600000xi32, #tpu.memory_space<hbm>> -> memref<400xi32, #tpu.memory_space<hbm>>
      tpu.enqueue_dma source(%dma_start3A_104 : memref<400xi32, #tpu.memory_space<hbm>>) target(%arg9 : memref<400xi32, #tpu.memory_space<vmem>>) target_semaphore(%run_scoped3A : memref<!tpu.dma_semaphore, #tpu.memory_space<semaphore_mem>>)
      %dma_wait3A_105 = tpu.memref_slice %arg4[%add3A_72] : memref<1600000xi32, #tpu.memory_space<hbm>> -> memref<400xi32, #tpu.memory_space<hbm>>
      %dma_wait3A_106 = tpu.memref_slice %arg4[%add3A_72] : memref<1600000xi32, #tpu.memory_space<hbm>> -> memref<400xi32, #tpu.memory_space<hbm>>
      tpu.wait_dma2 semaphore(%run_scoped3A : memref<!tpu.dma_semaphore, #tpu.memory_space<semaphore_mem>>) src(%dma_wait3A_106 : memref<400xi32, #tpu.memory_space<hbm>>) dst(%arg9 : memref<400xi32, #tpu.memory_space<vmem>>)
      tpu.yield
    }) : () -> ()
    "tpu.region"() ({
      %run_scoped3A = tpu.sem_alloc : memref<!tpu.dma_semaphore, #tpu.memory_space<semaphore_mem>>
      %dma_start3A_103 = tpu.memref_slice %arg5[%add3A_72] : memref<1600000xi32, #tpu.memory_space<hbm>> -> memref<400xi32, #tpu.memory_space<hbm>>
      %dma_start3A_104 = tpu.memref_slice %arg5[%add3A_72] : memref<1600000xi32, #tpu.memory_space<hbm>> -> memref<400xi32, #tpu.memory_space<hbm>>
      tpu.enqueue_dma source(%dma_start3A_104 : memref<400xi32, #tpu.memory_space<hbm>>) target(%arg11 : memref<400xi32, #tpu.memory_space<vmem>>) target_semaphore(%run_scoped3A : memref<!tpu.dma_semaphore, #tpu.memory_space<semaphore_mem>>)
      %dma_wait3A_105 = tpu.memref_slice %arg5[%add3A_72] : memref<1600000xi32, #tpu.memory_space<hbm>> -> memref<400xi32, #tpu.memory_space<hbm>>
      %dma_wait3A_106 = tpu.memref_slice %arg5[%add3A_72] : memref<1600000xi32, #tpu.memory_space<hbm>> -> memref<400xi32, #tpu.memory_space<hbm>>
      tpu.wait_dma2 semaphore(%run_scoped3A : memref<!tpu.dma_semaphore, #tpu.memory_space<semaphore_mem>>) src(%dma_wait3A_106 : memref<400xi32, #tpu.memory_space<hbm>>) dst(%arg11 : memref<400xi32, #tpu.memory_space<vmem>>)
      tpu.yield
    }) : () -> ()
    %dma_start3A = arith.constant 0 : i32
    %dma_start3A_73 = arith.constant 0 : i32
    %dma_start3A_74 = tpu.memref_slice %arg2[%dma_start3A, %dma_start3A_73] : memref<50000x24xf32, #tpu.memory_space<hbm>> -> memref<50000x24xf32, #tpu.memory_space<hbm>>
    tpu.enqueue_indirect_dma source(%dma_start3A_74 : memref<50000x24xf32, #tpu.memory_space<hbm>>) target(%arg13 : memref<400x24xf32, #tpu.memory_space<vmem>>) offsets(%arg11 : memref<400xi32, #tpu.memory_space<vmem>>) semaphore(%arg20 : memref<!tpu.dma_semaphore, #tpu.memory_space<semaphore_mem>>)
    %dma_start3A_75 = arith.constant 0 : i32
    %dma_start3A_76 = arith.constant 0 : i32
    %dma_start3A_77 = tpu.memref_slice %arg3[%dma_start3A_75, %dma_start3A_76] : memref<50000x24xf32, #tpu.memory_space<hbm>> -> memref<50000x24xf32, #tpu.memory_space<hbm>>
    tpu.enqueue_indirect_dma source(%dma_start3A_77 : memref<50000x24xf32, #tpu.memory_space<hbm>>) target(%arg15 : memref<400x24xf32, #tpu.memory_space<vmem>>) offsets(%arg9 : memref<400xi32, #tpu.memory_space<vmem>>) semaphore(%arg22 : memref<!tpu.dma_semaphore, #tpu.memory_space<semaphore_mem>>)
    %scan3A_78 = arith.constant 1597463007 : i32
    %scan3A_79 = arith.constant 0 : i32
    %scan3A_80 = arith.constant 0 : i32
    %scan3A_81 = arith.constant 62 : i32
    %scan3A_82 = arith.addi %scan3A_80, %scan3A_81 : i32
    %scan3A_83 = arith.constant 1 : i32
    %scan3A_84 = scf.for %scan3A_103 = %scan3A_80 to %scan3A_82 step %scan3A_83 iter_args(%scan3A_104 = %scan3A_79) -> (i32)  : i32 {
      %mul3A_105 = arith.constant 2 : i32
      %mul3A_106 = arith.muli %mul3A_105, %scan3A_103 : i32
      %add3A_107 = arith.constant 1 : i32
      %add3A_108 = arith.addi %mul3A_106, %add3A_107 : i32
      %mul3A_109 = arith.constant 50000 : i32
      %mul3A_110 = arith.muli %add3A, %mul3A_109 : i32
      %mul3A_111 = arith.constant 400 : i32
      %mul3A_112 = arith.muli %add3A_108, %mul3A_111 : i32
      %add3A_113 = arith.addi %mul3A_110, %mul3A_112 : i32
      "tpu.region"() ({
        %run_scoped3A = tpu.sem_alloc : memref<!tpu.dma_semaphore, #tpu.memory_space<semaphore_mem>>
        %dma_start3A_145 = tpu.memref_slice %arg4[%add3A_113] : memref<1600000xi32, #tpu.memory_space<hbm>> -> memref<400xi32, #tpu.memory_space<hbm>>
        %dma_start3A_146 = tpu.memref_slice %arg4[%add3A_113] : memref<1600000xi32, #tpu.memory_space<hbm>> -> memref<400xi32, #tpu.memory_space<hbm>>
        tpu.enqueue_dma source(%dma_start3A_146 : memref<400xi32, #tpu.memory_space<hbm>>) target(%arg10 : memref<400xi32, #tpu.memory_space<vmem>>) target_semaphore(%run_scoped3A : memref<!tpu.dma_semaphore, #tpu.memory_space<semaphore_mem>>)
        %dma_wait3A_147 = tpu.memref_slice %arg4[%add3A_113] : memref<1600000xi32, #tpu.memory_space<hbm>> -> memref<400xi32, #tpu.memory_space<hbm>>
        %dma_wait3A_148 = tpu.memref_slice %arg4[%add3A_113] : memref<1600000xi32, #tpu.memory_space<hbm>> -> memref<400xi32, #tpu.memory_space<hbm>>
        tpu.wait_dma2 semaphore(%run_scoped3A : memref<!tpu.dma_semaphore, #tpu.memory_space<semaphore_mem>>) src(%dma_wait3A_148 : memref<400xi32, #tpu.memory_space<hbm>>) dst(%arg10 : memref<400xi32, #tpu.memory_space<vmem>>)
        tpu.yield
      }) : () -> ()
      "tpu.region"() ({
        %run_scoped3A = tpu.sem_alloc : memref<!tpu.dma_semaphore, #tpu.memory_space<semaphore_mem>>
        %dma_start3A_145 = tpu.memref_slice %arg5[%add3A_113] : memref<1600000xi32, #tpu.memory_space<hbm>> -> memref<400xi32, #tpu.memory_space<hbm>>
        %dma_start3A_146 = tpu.memref_slice %arg5[%add3A_113] : memref<1600000xi32, #tpu.memory_space<hbm>> -> memref<400xi32, #tpu.memory_space<hbm>>
        tpu.enqueue_dma source(%dma_start3A_146 : memref<400xi32, #tpu.memory_space<hbm>>) target(%arg12 : memref<400xi32, #tpu.memory_space<vmem>>) target_semaphore(%run_scoped3A : memref<!tpu.dma_semaphore, #tpu.memory_space<semaphore_mem>>)
        %dma_wait3A_147 = tpu.memref_slice %arg5[%add3A_113] : memref<1600000xi32, #tpu.memory_space<hbm>> -> memref<400xi32, #tpu.memory_space<hbm>>
        %dma_wait3A_148 = tpu.memref_slice %arg5[%add3A_113] : memref<1600000xi32, #tpu.memory_space<hbm>> -> memref<400xi32, #tpu.memory_space<hbm>>
        tpu.wait_dma2 semaphore(%run_scoped3A : memref<!tpu.dma_semaphore, #tpu.memory_space<semaphore_mem>>) src(%dma_wait3A_148 : memref<400xi32, #tpu.memory_space<hbm>>) dst(%arg12 : memref<400xi32, #tpu.memory_space<vmem>>)
        tpu.yield
      }) : () -> ()
      %dma_start3A_114 = arith.constant 0 : i32
      %dma_start3A_115 = arith.constant 0 : i32
      %dma_start3A_116 = tpu.memref_slice %arg2[%dma_start3A_114, %dma_start3A_115] : memref<50000x24xf32, #tpu.memory_space<hbm>> -> memref<50000x24xf32, #tpu.memory_space<hbm>>
      tpu.enqueue_indirect_dma source(%dma_start3A_116 : memref<50000x24xf32, #tpu.memory_space<hbm>>) target(%arg14 : memref<400x24xf32, #tpu.memory_space<vmem>>) offsets(%arg12 : memref<400xi32, #tpu.memory_space<vmem>>) semaphore(%arg21 : memref<!tpu.dma_semaphore, #tpu.memory_space<semaphore_mem>>)
      %dma_start3A_117 = arith.constant 0 : i32
      %dma_start3A_118 = arith.constant 0 : i32
      %dma_start3A_119 = tpu.memref_slice %arg3[%dma_start3A_117, %dma_start3A_118] : memref<50000x24xf32, #tpu.memory_space<hbm>> -> memref<50000x24xf32, #tpu.memory_space<hbm>>
      tpu.enqueue_indirect_dma source(%dma_start3A_119 : memref<50000x24xf32, #tpu.memory_space<hbm>>) target(%arg16 : memref<400x24xf32, #tpu.memory_space<vmem>>) offsets(%arg10 : memref<400xi32, #tpu.memory_space<vmem>>) semaphore(%arg23 : memref<!tpu.dma_semaphore, #tpu.memory_space<semaphore_mem>>)
      %dma_wait3A_120 = arith.constant 0 : i32
      %dma_wait3A_121 = arith.constant 0 : i32
      %dma_wait3A_122 = tpu.memref_slice %arg2[%dma_wait3A_120, %dma_wait3A_121] : memref<50000x24xf32, #tpu.memory_space<hbm>> -> memref<50000x24xf32, #tpu.memory_space<hbm>>
      tpu.wait_indirect_dma semaphore(%arg20 : memref<!tpu.dma_semaphore, #tpu.memory_space<semaphore_mem>>) src(%dma_wait3A_122 : memref<50000x24xf32, #tpu.memory_space<hbm>>) dst(%arg13 : memref<400x24xf32, #tpu.memory_space<vmem>>)
      %dma_wait3A_123 = arith.constant 0 : i32
      %dma_wait3A_124 = arith.constant 0 : i32
      %dma_wait3A_125 = tpu.memref_slice %arg3[%dma_wait3A_123, %dma_wait3A_124] : memref<50000x24xf32, #tpu.memory_space<hbm>> -> memref<50000x24xf32, #tpu.memory_space<hbm>>
      tpu.wait_indirect_dma semaphore(%arg22 : memref<!tpu.dma_semaphore, #tpu.memory_space<semaphore_mem>>) src(%dma_wait3A_125 : memref<50000x24xf32, #tpu.memory_space<hbm>>) dst(%arg15 : memref<400x24xf32, #tpu.memory_space<vmem>>)
      %parallel_loop3A_126 = arith.constant 0 : i32
      %parallel_loop3A_127 = arith.constant 400 : i32
      %parallel_loop3A_128 = arith.constant 1 : i32
      scf.for %parallel_loop3A_145 = %parallel_loop3A_126 to %parallel_loop3A_127 step %parallel_loop3A_128  : i32 {
        %parallel_loop3A_146 = arith.index_cast %parallel_loop3A_145 : i32 to index
        %parallel_loop3A_147 = arith.constant 0 : index
        %parallel_loop3A_148 = tpu.vector_load %arg13[%parallel_loop3A_146, %parallel_loop3A_147] {strides = array<i32>} : memref<400x24xf32, #tpu.memory_space<vmem>>, vector<16xf32>,
        %parallel_loop3A_149 = arith.index_cast %parallel_loop3A_145 : i32 to index
        %parallel_loop3A_150 = arith.constant 0 : index
        %parallel_loop3A_151 = tpu.vector_load %arg15[%parallel_loop3A_149, %parallel_loop3A_150] {strides = array<i32>} : memref<400x24xf32, #tpu.memory_space<vmem>>, vector<16xf32>,
        %parallel_loop3A_152 = arith.index_cast %parallel_loop3A_145 : i32 to index
        %parallel_loop3A_153 = arith.constant 8 : index
        %parallel_loop3A_154 = tpu.vector_load %arg13[%parallel_loop3A_152, %parallel_loop3A_153] {strides = array<i32>} : memref<400x24xf32, #tpu.memory_space<vmem>>, vector<16xf32>,
        %parallel_loop3A_155 = arith.index_cast %parallel_loop3A_145 : i32 to index
        %parallel_loop3A_156 = arith.constant 8 : index
        %parallel_loop3A_157 = tpu.vector_load %arg15[%parallel_loop3A_155, %parallel_loop3A_156] {strides = array<i32>} : memref<400x24xf32, #tpu.memory_space<vmem>>, vector<16xf32>,
        %parallel_loop3A_158 = arith.subf %parallel_loop3A_154, %parallel_loop3A_157 : vector<16xf32>
        %parallel_loop3A_159 = arith.mulf %parallel_loop3A_158, %parallel_loop3A_158 : vector<16xf32>
        %parallel_loop3A_160 = vector.extract_strided_slice %parallel_loop3A_159 {offsets = [8], sizes = [1], strides = [1]} : vector<16xf32> to vector<1xf32>
        %parallel_loop3A_161 = vector.extract %parallel_loop3A_160[0] : f32 from vector<1xf32>
        %parallel_loop3A_162 = vector.extract_strided_slice %parallel_loop3A_159 {offsets = [9], sizes = [1], strides = [1]} : vector<16xf32> to vector<1xf32>
        %parallel_loop3A_163 = vector.extract %parallel_loop3A_162[0] : f32 from vector<1xf32>
        %parallel_loop3A_164 = arith.addf %parallel_loop3A_161, %parallel_loop3A_163 : f32
        %parallel_loop3A_165 = vector.extract_strided_slice %parallel_loop3A_159 {offsets = [10], sizes = [1], strides = [1]} : vector<16xf32> to vector<1xf32>
        %parallel_loop3A_166 = vector.extract %parallel_loop3A_165[0] : f32 from vector<1xf32>
        %parallel_loop3A_167 = arith.addf %parallel_loop3A_164, %parallel_loop3A_166 : f32
        %parallel_loop3A_168 = arith.bitcast %parallel_loop3A_167 : f32 to i32
        %parallel_loop3A_169 = arith.constant 1 : i32
        %parallel_loop3A_170 = arith.shrsi %parallel_loop3A_168, %parallel_loop3A_169 : i32
        %parallel_loop3A_171 = arith.subi %scan3A_78, %parallel_loop3A_170 : i32
        %parallel_loop3A_172 = arith.bitcast %parallel_loop3A_171 : i32 to f32
        %parallel_loop3A_173 = arith.constant 5.000000e-01 : f32
        %parallel_loop3A_174 = arith.mulf %parallel_loop3A_173, %parallel_loop3A_167 : f32
        %parallel_loop3A_175 = arith.mulf %parallel_loop3A_174, %parallel_loop3A_172 : f32
        %parallel_loop3A_176 = arith.mulf %parallel_loop3A_175, %parallel_loop3A_172 : f32
        %parallel_loop3A_177 = arith.constant 1.500000e+00 : f32
        %parallel_loop3A_178 = arith.subf %parallel_loop3A_177, %parallel_loop3A_176 : f32
        %parallel_loop3A_179 = arith.mulf %parallel_loop3A_172, %parallel_loop3A_178 : f32
        %parallel_loop3A_180 = arith.constant 5.000000e-01 : f32
        %parallel_loop3A_181 = arith.mulf %parallel_loop3A_180, %parallel_loop3A_167 : f32
        %parallel_loop3A_182 = arith.mulf %parallel_loop3A_181, %parallel_loop3A_179 : f32
        %parallel_loop3A_183 = arith.mulf %parallel_loop3A_182, %parallel_loop3A_179 : f32
        %parallel_loop3A_184 = arith.constant 1.500000e+00 : f32
        %parallel_loop3A_185 = arith.subf %parallel_loop3A_184, %parallel_loop3A_183 : f32
        %parallel_loop3A_186 = arith.mulf %parallel_loop3A_179, %parallel_loop3A_185 : f32
        %parallel_loop3A_187 = arith.mulf %parallel_loop3A_167, %parallel_loop3A_186 : f32
        %parallel_loop3A_188 = arith.addf %parallel_loop3A_148, %parallel_loop3A_151 : vector<16xf32>
        %parallel_loop3A_189 = vector.broadcast %parallel_loop3A_187 : f32 to vector<16xf32>
        %parallel_loop3A_190 = arith.mulf %parallel_loop3A_189, %get3A_1 : vector<16xf32>
        %parallel_loop3A_191 = arith.addf %parallel_loop3A_188, %parallel_loop3A_190 : vector<16xf32>
        %parallel_loop3A_192 = arith.constant 0.000000e+00 : f32
        %parallel_loop3A_193 = vector.broadcast %parallel_loop3A_192 : f32 to vector<16xf32>
        %parallel_loop3A_194 = arith.subf %parallel_loop3A_193, %parallel_loop3A_191 : vector<16xf32>
        %parallel_loop3A_195 = math.exp %parallel_loop3A_194 : vector<16xf32>
        %parallel_loop3A_196 = arith.constant 1.000000e+00 : f32
        %parallel_loop3A_197 = vector.broadcast %parallel_loop3A_196 : f32 to vector<16xf32>
        %parallel_loop3A_198 = arith.addf %parallel_loop3A_197, %parallel_loop3A_195 : vector<16xf32>
        %parallel_loop3A_199 = arith.constant 1.000000e+00 : f32
        %parallel_loop3A_200 = vector.broadcast %parallel_loop3A_199 : f32 to vector<16xf32>
        %parallel_loop3A_201 = arith.divf %parallel_loop3A_200, %parallel_loop3A_198 : vector<16xf32>
        %parallel_loop3A_202 = arith.mulf %parallel_loop3A_191, %parallel_loop3A_201 : vector<16xf32>
        %parallel_loop3A_203 = arith.index_cast %parallel_loop3A_145 : i32 to index
        %parallel_loop3A_204 = arith.constant 0 : index
        %parallel_loop3A_205 = tpu.vector_load %arg17[%parallel_loop3A_203, %parallel_loop3A_204] {strides = array<i32>} : memref<400x24xf32, #tpu.memory_space<vmem>>, vector<16xf32>,
        tpu.vector_store %arg17[%parallel_loop3A_203, %parallel_loop3A_204], %parallel_loop3A_202 {strides = array<i32>} : memref<400x24xf32, #tpu.memory_space<vmem>>, vector<16xf32>,
      } {sc.loop_unroll_factor = 8 : i64, sc.parallel_access}
      "tpu.region"() ({
        %run_scoped3A = tpu.sem_alloc : memref<!tpu.dma_semaphore, #tpu.memory_space<semaphore_mem>>
        %dma_start3A_145 = arith.constant 0 : i32
        %dma_start3A_146 = arith.constant 0 : i32
        %dma_start3A_147 = tpu.memref_slice %arg19[%dma_start3A_145, %dma_start3A_146] : memref<50048x24xf32, #tpu.memory_space<vmem_shared>> -> memref<50048x24xf32, #tpu.memory_space<vmem_shared>>
        tpu.enqueue_indirect_dma source(%arg17 : memref<400x24xf32, #tpu.memory_space<vmem>>) target(%dma_start3A_147 : memref<50048x24xf32, #tpu.memory_space<vmem_shared>>) offsets(%arg11 : memref<400xi32, #tpu.memory_space<vmem>>) semaphore(%run_scoped3A : memref<!tpu.dma_semaphore, #tpu.memory_space<semaphore_mem>>) {add = true}
        %dma_wait3A_148 = arith.constant 0 : i32
        %dma_wait3A_149 = arith.constant 0 : i32
        %dma_wait3A_150 = tpu.memref_slice %arg19[%dma_wait3A_148, %dma_wait3A_149] : memref<50048x24xf32, #tpu.memory_space<vmem_shared>> -> memref<50048x24xf32, #tpu.memory_space<vmem_shared>>
        tpu.wait_indirect_dma semaphore(%run_scoped3A : memref<!tpu.dma_semaphore, #tpu.memory_space<semaphore_mem>>) src(%arg17 : memref<400x24xf32, #tpu.memory_space<vmem>>) dst(%dma_wait3A_150 : memref<50048x24xf32, #tpu.memory_space<vmem_shared>>)
        tpu.yield
      }) : () -> ()
      %add3A_129 = arith.constant 2 : i32
      %add3A_130 = arith.addi %mul3A_106, %add3A_129 : i32
      %lt3A = arith.constant 125 : i32
      %lt3A_131 = arith.cmpi slt, %add3A_130, %lt3A : i32
      %convert_element_type3A_132 = arith.extui %lt3A_131 : i1 to i32
      %cond3A_133 = arith.constant 0 : i32
      %cond3A_134 = arith.cmpi ne, %convert_element_type3A_132, %cond3A_133 : i32
      scf.if %cond3A_134 {
        %add3A_145 = arith.constant 2 : i32
        %add3A_146 = arith.addi %mul3A_106, %add3A_145 : i32
        %mul3A_147 = arith.constant 50000 : i32
        %mul3A_148 = arith.muli %add3A, %mul3A_147 : i32
        %mul3A_149 = arith.constant 400 : i32
        %mul3A_150 = arith.muli %add3A_146, %mul3A_149 : i32
        %add3A_151 = arith.addi %mul3A_148, %mul3A_150 : i32
        "tpu.region"() ({
          %run_scoped3A = tpu.sem_alloc : memref<!tpu.dma_semaphore, #tpu.memory_space<semaphore_mem>>
          %dma_start3A_158 = tpu.memref_slice %arg4[%add3A_151] : memref<1600000xi32, #tpu.memory_space<hbm>> -> memref<400xi32, #tpu.memory_space<hbm>>
          %dma_start3A_159 = tpu.memref_slice %arg4[%add3A_151] : memref<1600000xi32, #tpu.memory_space<hbm>> -> memref<400xi32, #tpu.memory_space<hbm>>
          tpu.enqueue_dma source(%dma_start3A_159 : memref<400xi32, #tpu.memory_space<hbm>>) target(%arg9 : memref<400xi32, #tpu.memory_space<vmem>>) target_semaphore(%run_scoped3A : memref<!tpu.dma_semaphore, #tpu.memory_space<semaphore_mem>>)
          %dma_wait3A_160 = tpu.memref_slice %arg4[%add3A_151] : memref<1600000xi32, #tpu.memory_space<hbm>> -> memref<400xi32, #tpu.memory_space<hbm>>
          %dma_wait3A_161 = tpu.memref_slice %arg4[%add3A_151] : memref<1600000xi32, #tpu.memory_space<hbm>> -> memref<400xi32, #tpu.memory_space<hbm>>
          tpu.wait_dma2 semaphore(%run_scoped3A : memref<!tpu.dma_semaphore, #tpu.memory_space<semaphore_mem>>) src(%dma_wait3A_161 : memref<400xi32, #tpu.memory_space<hbm>>) dst(%arg9 : memref<400xi32, #tpu.memory_space<vmem>>)
          tpu.yield
        }) : () -> ()
        "tpu.region"() ({
          %run_scoped3A = tpu.sem_alloc : memref<!tpu.dma_semaphore, #tpu.memory_space<semaphore_mem>>
          %dma_start3A_158 = tpu.memref_slice %arg5[%add3A_151] : memref<1600000xi32, #tpu.memory_space<hbm>> -> memref<400xi32, #tpu.memory_space<hbm>>
          %dma_start3A_159 = tpu.memref_slice %arg5[%add3A_151] : memref<1600000xi32, #tpu.memory_space<hbm>> -> memref<400xi32, #tpu.memory_space<hbm>>
          tpu.enqueue_dma source(%dma_start3A_159 : memref<400xi32, #tpu.memory_space<hbm>>) target(%arg11 : memref<400xi32, #tpu.memory_space<vmem>>) target_semaphore(%run_scoped3A : memref<!tpu.dma_semaphore, #tpu.memory_space<semaphore_mem>>)
          %dma_wait3A_160 = tpu.memref_slice %arg5[%add3A_151] : memref<1600000xi32, #tpu.memory_space<hbm>> -> memref<400xi32, #tpu.memory_space<hbm>>
          %dma_wait3A_161 = tpu.memref_slice %arg5[%add3A_151] : memref<1600000xi32, #tpu.memory_space<hbm>> -> memref<400xi32, #tpu.memory_space<hbm>>
          tpu.wait_dma2 semaphore(%run_scoped3A : memref<!tpu.dma_semaphore, #tpu.memory_space<semaphore_mem>>) src(%dma_wait3A_161 : memref<400xi32, #tpu.memory_space<hbm>>) dst(%arg11 : memref<400xi32, #tpu.memory_space<vmem>>)
          tpu.yield
        }) : () -> ()
        %dma_start3A_152 = arith.constant 0 : i32
        %dma_start3A_153 = arith.constant 0 : i32
        %dma_start3A_154 = tpu.memref_slice %arg2[%dma_start3A_152, %dma_start3A_153] : memref<50000x24xf32, #tpu.memory_space<hbm>> -> memref<50000x24xf32, #tpu.memory_space<hbm>>
        tpu.enqueue_indirect_dma source(%dma_start3A_154 : memref<50000x24xf32, #tpu.memory_space<hbm>>) target(%arg13 : memref<400x24xf32, #tpu.memory_space<vmem>>) offsets(%arg11 : memref<400xi32, #tpu.memory_space<vmem>>) semaphore(%arg20 : memref<!tpu.dma_semaphore, #tpu.memory_space<semaphore_mem>>)
        %dma_start3A_155 = arith.constant 0 : i32
        %dma_start3A_156 = arith.constant 0 : i32
        %dma_start3A_157 = tpu.memref_slice %arg3[%dma_start3A_155, %dma_start3A_156] : memref<50000x24xf32, #tpu.memory_space<hbm>> -> memref<50000x24xf32, #tpu.memory_space<hbm>>
        tpu.enqueue_indirect_dma source(%dma_start3A_157 : memref<50000x24xf32, #tpu.memory_space<hbm>>) target(%arg15 : memref<400x24xf32, #tpu.memory_space<vmem>>) offsets(%arg9 : memref<400xi32, #tpu.memory_space<vmem>>) semaphore(%arg22 : memref<!tpu.dma_semaphore, #tpu.memory_space<semaphore_mem>>)
      } else {
      }
      %dma_wait3A_135 = arith.constant 0 : i32
      %dma_wait3A_136 = arith.constant 0 : i32
      %dma_wait3A_137 = tpu.memref_slice %arg2[%dma_wait3A_135, %dma_wait3A_136] : memref<50000x24xf32, #tpu.memory_space<hbm>> -> memref<50000x24xf32, #tpu.memory_space<hbm>>
      tpu.wait_indirect_dma semaphore(%arg21 : memref<!tpu.dma_semaphore, #tpu.memory_space<semaphore_mem>>) src(%dma_wait3A_137 : memref<50000x24xf32, #tpu.memory_space<hbm>>) dst(%arg14 : memref<400x24xf32, #tpu.memory_space<vmem>>)
      %dma_wait3A_138 = arith.constant 0 : i32
      %dma_wait3A_139 = arith.constant 0 : i32
      %dma_wait3A_140 = tpu.memref_slice %arg3[%dma_wait3A_138, %dma_wait3A_139] : memref<50000x24xf32, #tpu.memory_space<hbm>> -> memref<50000x24xf32, #tpu.memory_space<hbm>>
      tpu.wait_indirect_dma semaphore(%arg23 : memref<!tpu.dma_semaphore, #tpu.memory_space<semaphore_mem>>) src(%dma_wait3A_140 : memref<50000x24xf32, #tpu.memory_space<hbm>>) dst(%arg16 : memref<400x24xf32, #tpu.memory_space<vmem>>)
      %parallel_loop3A_141 = arith.constant 0 : i32
      %parallel_loop3A_142 = arith.constant 400 : i32
      %parallel_loop3A_143 = arith.constant 1 : i32
      scf.for %parallel_loop3A_145 = %parallel_loop3A_141 to %parallel_loop3A_142 step %parallel_loop3A_143  : i32 {
        %parallel_loop3A_146 = arith.index_cast %parallel_loop3A_145 : i32 to index
        %parallel_loop3A_147 = arith.constant 0 : index
        %parallel_loop3A_148 = tpu.vector_load %arg14[%parallel_loop3A_146, %parallel_loop3A_147] {strides = array<i32>} : memref<400x24xf32, #tpu.memory_space<vmem>>, vector<16xf32>,
        %parallel_loop3A_149 = arith.index_cast %parallel_loop3A_145 : i32 to index
        %parallel_loop3A_150 = arith.constant 0 : index
        %parallel_loop3A_151 = tpu.vector_load %arg16[%parallel_loop3A_149, %parallel_loop3A_150] {strides = array<i32>} : memref<400x24xf32, #tpu.memory_space<vmem>>, vector<16xf32>,
        %parallel_loop3A_152 = arith.index_cast %parallel_loop3A_145 : i32 to index
        %parallel_loop3A_153 = arith.constant 8 : index
        %parallel_loop3A_154 = tpu.vector_load %arg14[%parallel_loop3A_152, %parallel_loop3A_153] {strides = array<i32>} : memref<400x24xf32, #tpu.memory_space<vmem>>, vector<16xf32>,
        %parallel_loop3A_155 = arith.index_cast %parallel_loop3A_145 : i32 to index
        %parallel_loop3A_156 = arith.constant 8 : index
        %parallel_loop3A_157 = tpu.vector_load %arg16[%parallel_loop3A_155, %parallel_loop3A_156] {strides = array<i32>} : memref<400x24xf32, #tpu.memory_space<vmem>>, vector<16xf32>,
        %parallel_loop3A_158 = arith.subf %parallel_loop3A_154, %parallel_loop3A_157 : vector<16xf32>
        %parallel_loop3A_159 = arith.mulf %parallel_loop3A_158, %parallel_loop3A_158 : vector<16xf32>
        %parallel_loop3A_160 = vector.extract_strided_slice %parallel_loop3A_159 {offsets = [8], sizes = [1], strides = [1]} : vector<16xf32> to vector<1xf32>
        %parallel_loop3A_161 = vector.extract %parallel_loop3A_160[0] : f32 from vector<1xf32>
        %parallel_loop3A_162 = vector.extract_strided_slice %parallel_loop3A_159 {offsets = [9], sizes = [1], strides = [1]} : vector<16xf32> to vector<1xf32>
        %parallel_loop3A_163 = vector.extract %parallel_loop3A_162[0] : f32 from vector<1xf32>
        %parallel_loop3A_164 = arith.addf %parallel_loop3A_161, %parallel_loop3A_163 : f32
        %parallel_loop3A_165 = vector.extract_strided_slice %parallel_loop3A_159 {offsets = [10], sizes = [1], strides = [1]} : vector<16xf32> to vector<1xf32>
        %parallel_loop3A_166 = vector.extract %parallel_loop3A_165[0] : f32 from vector<1xf32>
        %parallel_loop3A_167 = arith.addf %parallel_loop3A_164, %parallel_loop3A_166 : f32
        %parallel_loop3A_168 = arith.bitcast %parallel_loop3A_167 : f32 to i32
        %parallel_loop3A_169 = arith.constant 1 : i32
        %parallel_loop3A_170 = arith.shrsi %parallel_loop3A_168, %parallel_loop3A_169 : i32
        %parallel_loop3A_171 = arith.subi %scan3A_78, %parallel_loop3A_170 : i32
        %parallel_loop3A_172 = arith.bitcast %parallel_loop3A_171 : i32 to f32
        %parallel_loop3A_173 = arith.constant 5.000000e-01 : f32
        %parallel_loop3A_174 = arith.mulf %parallel_loop3A_173, %parallel_loop3A_167 : f32
        %parallel_loop3A_175 = arith.mulf %parallel_loop3A_174, %parallel_loop3A_172 : f32
        %parallel_loop3A_176 = arith.mulf %parallel_loop3A_175, %parallel_loop3A_172 : f32
        %parallel_loop3A_177 = arith.constant 1.500000e+00 : f32
        %parallel_loop3A_178 = arith.subf %parallel_loop3A_177, %parallel_loop3A_176 : f32
        %parallel_loop3A_179 = arith.mulf %parallel_loop3A_172, %parallel_loop3A_178 : f32
        %parallel_loop3A_180 = arith.constant 5.000000e-01 : f32
        %parallel_loop3A_181 = arith.mulf %parallel_loop3A_180, %parallel_loop3A_167 : f32
        %parallel_loop3A_182 = arith.mulf %parallel_loop3A_181, %parallel_loop3A_179 : f32
        %parallel_loop3A_183 = arith.mulf %parallel_loop3A_182, %parallel_loop3A_179 : f32
        %parallel_loop3A_184 = arith.constant 1.500000e+00 : f32
        %parallel_loop3A_185 = arith.subf %parallel_loop3A_184, %parallel_loop3A_183 : f32
        %parallel_loop3A_186 = arith.mulf %parallel_loop3A_179, %parallel_loop3A_185 : f32
        %parallel_loop3A_187 = arith.mulf %parallel_loop3A_167, %parallel_loop3A_186 : f32
        %parallel_loop3A_188 = arith.addf %parallel_loop3A_148, %parallel_loop3A_151 : vector<16xf32>
        %parallel_loop3A_189 = vector.broadcast %parallel_loop3A_187 : f32 to vector<16xf32>
        %parallel_loop3A_190 = arith.mulf %parallel_loop3A_189, %get3A_1 : vector<16xf32>
        %parallel_loop3A_191 = arith.addf %parallel_loop3A_188, %parallel_loop3A_190 : vector<16xf32>
        %parallel_loop3A_192 = arith.constant 0.000000e+00 : f32
        %parallel_loop3A_193 = vector.broadcast %parallel_loop3A_192 : f32 to vector<16xf32>
        %parallel_loop3A_194 = arith.subf %parallel_loop3A_193, %parallel_loop3A_191 : vector<16xf32>
        %parallel_loop3A_195 = math.exp %parallel_loop3A_194 : vector<16xf32>
        %parallel_loop3A_196 = arith.constant 1.000000e+00 : f32
        %parallel_loop3A_197 = vector.broadcast %parallel_loop3A_196 : f32 to vector<16xf32>
        %parallel_loop3A_198 = arith.addf %parallel_loop3A_197, %parallel_loop3A_195 : vector<16xf32>
        %parallel_loop3A_199 = arith.constant 1.000000e+00 : f32
        %parallel_loop3A_200 = vector.broadcast %parallel_loop3A_199 : f32 to vector<16xf32>
        %parallel_loop3A_201 = arith.divf %parallel_loop3A_200, %parallel_loop3A_198 : vector<16xf32>
        %parallel_loop3A_202 = arith.mulf %parallel_loop3A_191, %parallel_loop3A_201 : vector<16xf32>
        %parallel_loop3A_203 = arith.index_cast %parallel_loop3A_145 : i32 to index
        %parallel_loop3A_204 = arith.constant 0 : index
        %parallel_loop3A_205 = tpu.vector_load %arg17[%parallel_loop3A_203, %parallel_loop3A_204] {strides = array<i32>} : memref<400x24xf32, #tpu.memory_space<vmem>>, vector<16xf32>,
        tpu.vector_store %arg17[%parallel_loop3A_203, %parallel_loop3A_204], %parallel_loop3A_202 {strides = array<i32>} : memref<400x24xf32, #tpu.memory_space<vmem>>, vector<16xf32>,
      } {sc.loop_unroll_factor = 8 : i64, sc.parallel_access}
      "tpu.region"() ({
        %run_scoped3A = tpu.sem_alloc : memref<!tpu.dma_semaphore, #tpu.memory_space<semaphore_mem>>
        %dma_start3A_145 = arith.constant 0 : i32
        %dma_start3A_146 = arith.constant 0 : i32
        %dma_start3A_147 = tpu.memref_slice %arg19[%dma_start3A_145, %dma_start3A_146] : memref<50048x24xf32, #tpu.memory_space<vmem_shared>> -> memref<50048x24xf32, #tpu.memory_space<vmem_shared>>
        tpu.enqueue_indirect_dma source(%arg17 : memref<400x24xf32, #tpu.memory_space<vmem>>) target(%dma_start3A_147 : memref<50048x24xf32, #tpu.memory_space<vmem_shared>>) offsets(%arg12 : memref<400xi32, #tpu.memory_space<vmem>>) semaphore(%run_scoped3A : memref<!tpu.dma_semaphore, #tpu.memory_space<semaphore_mem>>) {add = true}
        %dma_wait3A_148 = arith.constant 0 : i32
        %dma_wait3A_149 = arith.constant 0 : i32
        %dma_wait3A_150 = tpu.memref_slice %arg19[%dma_wait3A_148, %dma_wait3A_149] : memref<50048x24xf32, #tpu.memory_space<vmem_shared>> -> memref<50048x24xf32, #tpu.memory_space<vmem_shared>>
        tpu.wait_indirect_dma semaphore(%run_scoped3A : memref<!tpu.dma_semaphore, #tpu.memory_space<semaphore_mem>>) src(%arg17 : memref<400x24xf32, #tpu.memory_space<vmem>>) dst(%dma_wait3A_150 : memref<50048x24xf32, #tpu.memory_space<vmem_shared>>)
        tpu.yield
      }) : () -> ()
      %scan3A_144 = arith.constant 0 : i32
      scf.yield %scan3A_144 : i32
    }
    %scan3A_85 = arith.constant 62 : i32
    %dma_wait3A = arith.constant 0 : i32
    %dma_wait3A_86 = arith.constant 0 : i32
    %dma_wait3A_87 = tpu.memref_slice %arg2[%dma_wait3A, %dma_wait3A_86] : memref<50000x24xf32, #tpu.memory_space<hbm>> -> memref<50000x24xf32, #tpu.memory_space<hbm>>
    tpu.wait_indirect_dma semaphore(%arg20 : memref<!tpu.dma_semaphore, #tpu.memory_space<semaphore_mem>>) src(%dma_wait3A_87 : memref<50000x24xf32, #tpu.memory_space<hbm>>) dst(%arg13 : memref<400x24xf32, #tpu.memory_space<vmem>>)
    %dma_wait3A_88 = arith.constant 0 : i32
    %dma_wait3A_89 = arith.constant 0 : i32
    %dma_wait3A_90 = tpu.memref_slice %arg3[%dma_wait3A_88, %dma_wait3A_89] : memref<50000x24xf32, #tpu.memory_space<hbm>> -> memref<50000x24xf32, #tpu.memory_space<hbm>>
    tpu.wait_indirect_dma semaphore(%arg22 : memref<!tpu.dma_semaphore, #tpu.memory_space<semaphore_mem>>) src(%dma_wait3A_90 : memref<50000x24xf32, #tpu.memory_space<hbm>>) dst(%arg15 : memref<400x24xf32, #tpu.memory_space<vmem>>)
    %parallel_loop3A = arith.constant 0 : i32
    %parallel_loop3A_91 = arith.constant 400 : i32
    %parallel_loop3A_92 = arith.constant 1 : i32
    %parallel_loop3A_93 = arith.constant 1597463007 : i32
    scf.for %parallel_loop3A_103 = %parallel_loop3A to %parallel_loop3A_91 step %parallel_loop3A_92  : i32 {
      %parallel_loop3A_104 = arith.index_cast %parallel_loop3A_103 : i32 to index
      %parallel_loop3A_105 = arith.constant 0 : index
      %parallel_loop3A_106 = tpu.vector_load %arg13[%parallel_loop3A_104, %parallel_loop3A_105] {strides = array<i32>} : memref<400x24xf32, #tpu.memory_space<vmem>>, vector<16xf32>,
      %parallel_loop3A_107 = arith.index_cast %parallel_loop3A_103 : i32 to index
      %parallel_loop3A_108 = arith.constant 0 : index
      %parallel_loop3A_109 = tpu.vector_load %arg15[%parallel_loop3A_107, %parallel_loop3A_108] {strides = array<i32>} : memref<400x24xf32, #tpu.memory_space<vmem>>, vector<16xf32>,
      %parallel_loop3A_110 = arith.index_cast %parallel_loop3A_103 : i32 to index
      %parallel_loop3A_111 = arith.constant 8 : index
      %parallel_loop3A_112 = tpu.vector_load %arg13[%parallel_loop3A_110, %parallel_loop3A_111] {strides = array<i32>} : memref<400x24xf32, #tpu.memory_space<vmem>>, vector<16xf32>,
      %parallel_loop3A_113 = arith.index_cast %parallel_loop3A_103 : i32 to index
      %parallel_loop3A_114 = arith.constant 8 : index
      %parallel_loop3A_115 = tpu.vector_load %arg15[%parallel_loop3A_113, %parallel_loop3A_114] {strides = array<i32>} : memref<400x24xf32, #tpu.memory_space<vmem>>, vector<16xf32>,
      %parallel_loop3A_116 = arith.subf %parallel_loop3A_112, %parallel_loop3A_115 : vector<16xf32>
      %parallel_loop3A_117 = arith.mulf %parallel_loop3A_116, %parallel_loop3A_116 : vector<16xf32>
      %parallel_loop3A_118 = vector.extract_strided_slice %parallel_loop3A_117 {offsets = [8], sizes = [1], strides = [1]} : vector<16xf32> to vector<1xf32>
      %parallel_loop3A_119 = vector.extract %parallel_loop3A_118[0] : f32 from vector<1xf32>
      %parallel_loop3A_120 = vector.extract_strided_slice %parallel_loop3A_117 {offsets = [9], sizes = [1], strides = [1]} : vector<16xf32> to vector<1xf32>
      %parallel_loop3A_121 = vector.extract %parallel_loop3A_120[0] : f32 from vector<1xf32>
      %parallel_loop3A_122 = arith.addf %parallel_loop3A_119, %parallel_loop3A_121 : f32
      %parallel_loop3A_123 = vector.extract_strided_slice %parallel_loop3A_117 {offsets = [10], sizes = [1], strides = [1]} : vector<16xf32> to vector<1xf32>
      %parallel_loop3A_124 = vector.extract %parallel_loop3A_123[0] : f32 from vector<1xf32>
      %parallel_loop3A_125 = arith.addf %parallel_loop3A_122, %parallel_loop3A_124 : f32
      %parallel_loop3A_126 = arith.bitcast %parallel_loop3A_125 : f32 to i32
      %parallel_loop3A_127 = arith.constant 1 : i32
      %parallel_loop3A_128 = arith.shrsi %parallel_loop3A_126, %parallel_loop3A_127 : i32
      %parallel_loop3A_129 = arith.subi %parallel_loop3A_93, %parallel_loop3A_128 : i32
      %parallel_loop3A_130 = arith.bitcast %parallel_loop3A_129 : i32 to f32
      %parallel_loop3A_131 = arith.constant 5.000000e-01 : f32
      %parallel_loop3A_132 = arith.mulf %parallel_loop3A_131, %parallel_loop3A_125 : f32
      %parallel_loop3A_133 = arith.mulf %parallel_loop3A_132, %parallel_loop3A_130 : f32
      %parallel_loop3A_134 = arith.mulf %parallel_loop3A_133, %parallel_loop3A_130 : f32
      %parallel_loop3A_135 = arith.constant 1.500000e+00 : f32
      %parallel_loop3A_136 = arith.subf %parallel_loop3A_135, %parallel_loop3A_134 : f32
      %parallel_loop3A_137 = arith.mulf %parallel_loop3A_130, %parallel_loop3A_136 : f32
      %parallel_loop3A_138 = arith.constant 5.000000e-01 : f32
      %parallel_loop3A_139 = arith.mulf %parallel_loop3A_138, %parallel_loop3A_125 : f32
      %parallel_loop3A_140 = arith.mulf %parallel_loop3A_139, %parallel_loop3A_137 : f32
      %parallel_loop3A_141 = arith.mulf %parallel_loop3A_140, %parallel_loop3A_137 : f32
      %parallel_loop3A_142 = arith.constant 1.500000e+00 : f32
      %parallel_loop3A_143 = arith.subf %parallel_loop3A_142, %parallel_loop3A_141 : f32
      %parallel_loop3A_144 = arith.mulf %parallel_loop3A_137, %parallel_loop3A_143 : f32
      %parallel_loop3A_145 = arith.mulf %parallel_loop3A_125, %parallel_loop3A_144 : f32
      %parallel_loop3A_146 = arith.addf %parallel_loop3A_106, %parallel_loop3A_109 : vector<16xf32>
      %parallel_loop3A_147 = vector.broadcast %parallel_loop3A_145 : f32 to vector<16xf32>
      %parallel_loop3A_148 = arith.mulf %parallel_loop3A_147, %get3A_1 : vector<16xf32>
      %parallel_loop3A_149 = arith.addf %parallel_loop3A_146, %parallel_loop3A_148 : vector<16xf32>
      %parallel_loop3A_150 = arith.constant 0.000000e+00 : f32
      %parallel_loop3A_151 = vector.broadcast %parallel_loop3A_150 : f32 to vector<16xf32>
      %parallel_loop3A_152 = arith.subf %parallel_loop3A_151, %parallel_loop3A_149 : vector<16xf32>
      %parallel_loop3A_153 = math.exp %parallel_loop3A_152 : vector<16xf32>
      %parallel_loop3A_154 = arith.constant 1.000000e+00 : f32
      %parallel_loop3A_155 = vector.broadcast %parallel_loop3A_154 : f32 to vector<16xf32>
      %parallel_loop3A_156 = arith.addf %parallel_loop3A_155, %parallel_loop3A_153 : vector<16xf32>
      %parallel_loop3A_157 = arith.constant 1.000000e+00 : f32
      %parallel_loop3A_158 = vector.broadcast %parallel_loop3A_157 : f32 to vector<16xf32>
      %parallel_loop3A_159 = arith.divf %parallel_loop3A_158, %parallel_loop3A_156 : vector<16xf32>
      %parallel_loop3A_160 = arith.mulf %parallel_loop3A_149, %parallel_loop3A_159 : vector<16xf32>
      %parallel_loop3A_161 = arith.index_cast %parallel_loop3A_103 : i32 to index
      %parallel_loop3A_162 = arith.constant 0 : index
      %parallel_loop3A_163 = tpu.vector_load %arg17[%parallel_loop3A_161, %parallel_loop3A_162] {strides = array<i32>} : memref<400x24xf32, #tpu.memory_space<vmem>>, vector<16xf32>,
      tpu.vector_store %arg17[%parallel_loop3A_161, %parallel_loop3A_162], %parallel_loop3A_160 {strides = array<i32>} : memref<400x24xf32, #tpu.memory_space<vmem>>, vector<16xf32>,
    } {sc.loop_unroll_factor = 8 : i64, sc.parallel_access}
    "tpu.region"() ({
      %run_scoped3A = tpu.sem_alloc : memref<!tpu.dma_semaphore, #tpu.memory_space<semaphore_mem>>
      %dma_start3A_103 = arith.constant 0 : i32
      %dma_start3A_104 = arith.constant 0 : i32
      %dma_start3A_105 = tpu.memref_slice %arg19[%dma_start3A_103, %dma_start3A_104] : memref<50048x24xf32, #tpu.memory_space<vmem_shared>> -> memref<50048x24xf32, #tpu.memory_space<vmem_shared>>
      tpu.enqueue_indirect_dma source(%arg17 : memref<400x24xf32, #tpu.memory_space<vmem>>) target(%dma_start3A_105 : memref<50048x24xf32, #tpu.memory_space<vmem_shared>>) offsets(%arg11 : memref<400xi32, #tpu.memory_space<vmem>>) semaphore(%run_scoped3A : memref<!tpu.dma_semaphore, #tpu.memory_space<semaphore_mem>>) {add = true}
      %dma_wait3A_106 = arith.constant 0 : i32
      %dma_wait3A_107 = arith.constant 0 : i32
      %dma_wait3A_108 = tpu.memref_slice %arg19[%dma_wait3A_106, %dma_wait3A_107] : memref<50048x24xf32, #tpu.memory_space<vmem_shared>> -> memref<50048x24xf32, #tpu.memory_space<vmem_shared>>
      tpu.wait_indirect_dma semaphore(%run_scoped3A : memref<!tpu.dma_semaphore, #tpu.memory_space<semaphore_mem>>) src(%arg17 : memref<400x24xf32, #tpu.memory_space<vmem>>) dst(%dma_wait3A_108 : memref<50048x24xf32, #tpu.memory_space<vmem_shared>>)
      tpu.yield
    }) : () -> ()
    %barrier3A_94 = arith.constant 0 : index
    tpu.barrier barrier_id(%barrier3A_94)
    %eq3A_95 = arith.constant 0 : i32
    %eq3A_96 = arith.cmpi eq, %arg0, %eq3A_95 : i32
    %convert_element_type3A = arith.extui %eq3A_96 : i1 to i32
    %cond3A = arith.constant 0 : i32
    %cond3A_97 = arith.cmpi ne, %convert_element_type3A, %cond3A : i32
    scf.if %cond3A_97 {
      %add3A_103 = arith.constant 0 : i32
      %add3A_104 = arith.addi %mul3A_45, %add3A_103 : i32
      "tpu.region"() ({
        %run_scoped3A = tpu.sem_alloc : memref<!tpu.dma_semaphore, #tpu.memory_space<semaphore_mem>>
        %dma_start3A_135 = arith.constant 0 : i32
        %dma_start3A_136 = arith.constant 0 : i32
        %dma_start3A_137 = tpu.memref_slice %arg17[%dma_start3A_135, %dma_start3A_136] : memref<400x24xf32, #tpu.memory_space<vmem>> -> memref<400x24xf32, #tpu.memory_space<vmem>>
        %dma_start3A_138 = arith.constant 0 : i32
        %dma_start3A_139 = tpu.memref_slice %arg19[%add3A_104, %dma_start3A_138] : memref<50048x24xf32, #tpu.memory_space<vmem_shared>> -> memref<400x24xf32, #tpu.memory_space<vmem_shared>>
        %dma_start3A_140 = arith.constant 0 : i32
        %dma_start3A_141 = arith.constant 0 : i32
        %dma_start3A_142 = tpu.memref_slice %arg17[%dma_start3A_140, %dma_start3A_141] : memref<400x24xf32, #tpu.memory_space<vmem>> -> memref<400x24xf32, #tpu.memory_space<vmem>>
        %dma_start3A_143 = arith.constant 0 : i32
        %dma_start3A_144 = tpu.memref_slice %arg19[%add3A_104, %dma_start3A_143] : memref<50048x24xf32, #tpu.memory_space<vmem_shared>> -> memref<400x24xf32, #tpu.memory_space<vmem_shared>>
        tpu.enqueue_dma source(%dma_start3A_144 : memref<400x24xf32, #tpu.memory_space<vmem_shared>>) target(%dma_start3A_142 : memref<400x24xf32, #tpu.memory_space<vmem>>) target_semaphore(%run_scoped3A : memref<!tpu.dma_semaphore, #tpu.memory_space<semaphore_mem>>)
        %dma_wait3A_145 = arith.constant 0 : i32
        %dma_wait3A_146 = arith.constant 0 : i32
        %dma_wait3A_147 = tpu.memref_slice %arg17[%dma_wait3A_145, %dma_wait3A_146] : memref<400x24xf32, #tpu.memory_space<vmem>> -> memref<400x24xf32, #tpu.memory_space<vmem>>
        %dma_wait3A_148 = arith.constant 0 : i32
        %dma_wait3A_149 = tpu.memref_slice %arg19[%add3A_104, %dma_wait3A_148] : memref<50048x24xf32, #tpu.memory_space<vmem_shared>> -> memref<400x24xf32, #tpu.memory_space<vmem_shared>>
        %dma_wait3A_150 = arith.constant 0 : i32
        %dma_wait3A_151 = arith.constant 0 : i32
        %dma_wait3A_152 = tpu.memref_slice %arg17[%dma_wait3A_150, %dma_wait3A_151] : memref<400x24xf32, #tpu.memory_space<vmem>> -> memref<400x24xf32, #tpu.memory_space<vmem>>
        %dma_wait3A_153 = arith.constant 0 : i32
        %dma_wait3A_154 = tpu.memref_slice %arg19[%add3A_104, %dma_wait3A_153] : memref<50048x24xf32, #tpu.memory_space<vmem_shared>> -> memref<400x24xf32, #tpu.memory_space<vmem_shared>>
        tpu.wait_dma2 semaphore(%run_scoped3A : memref<!tpu.dma_semaphore, #tpu.memory_space<semaphore_mem>>) src(%dma_wait3A_154 : memref<400x24xf32, #tpu.memory_space<vmem_shared>>) dst(%dma_wait3A_152 : memref<400x24xf32, #tpu.memory_space<vmem>>)
        tpu.yield
      }) : () -> ()
      %add3A_105 = arith.constant 0 : i32
      %add3A_106 = arith.addi %mul3A_45, %add3A_105 : i32
      "tpu.region"() ({
        %run_scoped3A = tpu.sem_alloc : memref<!tpu.dma_semaphore, #tpu.memory_space<semaphore_mem>>
        %dma_start3A_135 = arith.constant 0 : i32
        %dma_start3A_136 = arith.constant 0 : i32
        %dma_start3A_137 = tpu.memref_slice %arg17[%dma_start3A_135, %dma_start3A_136] : memref<400x24xf32, #tpu.memory_space<vmem>> -> memref<400x24xf32, #tpu.memory_space<vmem>>
        %dma_start3A_138 = arith.constant 0 : i32
        %dma_start3A_139 = tpu.memref_slice %arg7[%add3A_106, %dma_start3A_138] : memref<50048x24xf32, #tpu.memory_space<hbm>> -> memref<400x24xf32, #tpu.memory_space<hbm>>
        %dma_start3A_140 = arith.constant 0 : i32
        %dma_start3A_141 = tpu.memref_slice %arg7[%add3A_106, %dma_start3A_140] : memref<50048x24xf32, #tpu.memory_space<hbm>> -> memref<400x24xf32, #tpu.memory_space<hbm>>
        %dma_start3A_142 = arith.constant 0 : i32
        %dma_start3A_143 = arith.constant 0 : i32
        %dma_start3A_144 = tpu.memref_slice %arg17[%dma_start3A_142, %dma_start3A_143] : memref<400x24xf32, #tpu.memory_space<vmem>> -> memref<400x24xf32, #tpu.memory_space<vmem>>
        tpu.enqueue_dma source(%dma_start3A_144 : memref<400x24xf32, #tpu.memory_space<vmem>>) target(%dma_start3A_141 : memref<400x24xf32, #tpu.memory_space<hbm>>) target_semaphore(%run_scoped3A : memref<!tpu.dma_semaphore, #tpu.memory_space<semaphore_mem>>)
        %dma_wait3A_145 = arith.constant 0 : i32
        %dma_wait3A_146 = arith.constant 0 : i32
        %dma_wait3A_147 = tpu.memref_slice %arg17[%dma_wait3A_145, %dma_wait3A_146] : memref<400x24xf32, #tpu.memory_space<vmem>> -> memref<400x24xf32, #tpu.memory_space<vmem>>
        %dma_wait3A_148 = arith.constant 0 : i32
        %dma_wait3A_149 = tpu.memref_slice %arg7[%add3A_106, %dma_wait3A_148] : memref<50048x24xf32, #tpu.memory_space<hbm>> -> memref<400x24xf32, #tpu.memory_space<hbm>>
        %dma_wait3A_150 = arith.constant 0 : i32
        %dma_wait3A_151 = tpu.memref_slice %arg7[%add3A_106, %dma_wait3A_150] : memref<50048x24xf32, #tpu.memory_space<hbm>> -> memref<400x24xf32, #tpu.memory_space<hbm>>
        %dma_wait3A_152 = arith.constant 0 : i32
        %dma_wait3A_153 = arith.constant 0 : i32
        %dma_wait3A_154 = tpu.memref_slice %arg17[%dma_wait3A_152, %dma_wait3A_153] : memref<400x24xf32, #tpu.memory_space<vmem>> -> memref<400x24xf32, #tpu.memory_space<vmem>>
        tpu.wait_dma2 semaphore(%run_scoped3A : memref<!tpu.dma_semaphore, #tpu.memory_space<semaphore_mem>>) src(%dma_wait3A_154 : memref<400x24xf32, #tpu.memory_space<vmem>>) dst(%dma_wait3A_151 : memref<400x24xf32, #tpu.memory_space<hbm>>)
        tpu.yield
      }) : () -> ()
      %add3A_107 = arith.constant 400 : i32
      %add3A_108 = arith.addi %mul3A_45, %add3A_107 : i32
      "tpu.region"() ({
        %run_scoped3A = tpu.sem_alloc : memref<!tpu.dma_semaphore, #tpu.memory_space<semaphore_mem>>
        %dma_start3A_135 = arith.constant 0 : i32
        %dma_start3A_136 = arith.constant 0 : i32
        %dma_start3A_137 = tpu.memref_slice %arg17[%dma_start3A_135, %dma_start3A_136] : memref<400x24xf32, #tpu.memory_space<vmem>> -> memref<400x24xf32, #tpu.memory_space<vmem>>
        %dma_start3A_138 = arith.constant 0 : i32
        %dma_start3A_139 = tpu.memref_slice %arg19[%add3A_108, %dma_start3A_138] : memref<50048x24xf32, #tpu.memory_space<vmem_shared>> -> memref<400x24xf32, #tpu.memory_space<vmem_shared>>
        %dma_start3A_140 = arith.constant 0 : i32
        %dma_start3A_141 = arith.constant 0 : i32
        %dma_start3A_142 = tpu.memref_slice %arg17[%dma_start3A_140, %dma_start3A_141] : memref<400x24xf32, #tpu.memory_space<vmem>> -> memref<400x24xf32, #tpu.memory_space<vmem>>
        %dma_start3A_143 = arith.constant 0 : i32
        %dma_start3A_144 = tpu.memref_slice %arg19[%add3A_108, %dma_start3A_143] : memref<50048x24xf32, #tpu.memory_space<vmem_shared>> -> memref<400x24xf32, #tpu.memory_space<vmem_shared>>
        tpu.enqueue_dma source(%dma_start3A_144 : memref<400x24xf32, #tpu.memory_space<vmem_shared>>) target(%dma_start3A_142 : memref<400x24xf32, #tpu.memory_space<vmem>>) target_semaphore(%run_scoped3A : memref<!tpu.dma_semaphore, #tpu.memory_space<semaphore_mem>>)
        %dma_wait3A_145 = arith.constant 0 : i32
        %dma_wait3A_146 = arith.constant 0 : i32
        %dma_wait3A_147 = tpu.memref_slice %arg17[%dma_wait3A_145, %dma_wait3A_146] : memref<400x24xf32, #tpu.memory_space<vmem>> -> memref<400x24xf32, #tpu.memory_space<vmem>>
        %dma_wait3A_148 = arith.constant 0 : i32
        %dma_wait3A_149 = tpu.memref_slice %arg19[%add3A_108, %dma_wait3A_148] : memref<50048x24xf32, #tpu.memory_space<vmem_shared>> -> memref<400x24xf32, #tpu.memory_space<vmem_shared>>
        %dma_wait3A_150 = arith.constant 0 : i32
        %dma_wait3A_151 = arith.constant 0 : i32
        %dma_wait3A_152 = tpu.memref_slice %arg17[%dma_wait3A_150, %dma_wait3A_151] : memref<400x24xf32, #tpu.memory_space<vmem>> -> memref<400x24xf32, #tpu.memory_space<vmem>>
        %dma_wait3A_153 = arith.constant 0 : i32
        %dma_wait3A_154 = tpu.memref_slice %arg19[%add3A_108, %dma_wait3A_153] : memref<50048x24xf32, #tpu.memory_space<vmem_shared>> -> memref<400x24xf32, #tpu.memory_space<vmem_shared>>
        tpu.wait_dma2 semaphore(%run_scoped3A : memref<!tpu.dma_semaphore, #tpu.memory_space<semaphore_mem>>) src(%dma_wait3A_154 : memref<400x24xf32, #tpu.memory_space<vmem_shared>>) dst(%dma_wait3A_152 : memref<400x24xf32, #tpu.memory_space<vmem>>)
        tpu.yield
      }) : () -> ()
      %add3A_109 = arith.constant 400 : i32
      %add3A_110 = arith.addi %mul3A_45, %add3A_109 : i32
      "tpu.region"() ({
        %run_scoped3A = tpu.sem_alloc : memref<!tpu.dma_semaphore, #tpu.memory_space<semaphore_mem>>
        %dma_start3A_135 = arith.constant 0 : i32
        %dma_start3A_136 = arith.constant 0 : i32
        %dma_start3A_137 = tpu.memref_slice %arg17[%dma_start3A_135, %dma_start3A_136] : memref<400x24xf32, #tpu.memory_space<vmem>> -> memref<400x24xf32, #tpu.memory_space<vmem>>
        %dma_start3A_138 = arith.constant 0 : i32
        %dma_start3A_139 = tpu.memref_slice %arg7[%add3A_110, %dma_start3A_138] : memref<50048x24xf32, #tpu.memory_space<hbm>> -> memref<400x24xf32, #tpu.memory_space<hbm>>
        %dma_start3A_140 = arith.constant 0 : i32
        %dma_start3A_141 = tpu.memref_slice %arg7[%add3A_110, %dma_start3A_140] : memref<50048x24xf32, #tpu.memory_space<hbm>> -> memref<400x24xf32, #tpu.memory_space<hbm>>
        %dma_start3A_142 = arith.constant 0 : i32
        %dma_start3A_143 = arith.constant 0 : i32
        %dma_start3A_144 = tpu.memref_slice %arg17[%dma_start3A_142, %dma_start3A_143] : memref<400x24xf32, #tpu.memory_space<vmem>> -> memref<400x24xf32, #tpu.memory_space<vmem>>
        tpu.enqueue_dma source(%dma_start3A_144 : memref<400x24xf32, #tpu.memory_space<vmem>>) target(%dma_start3A_141 : memref<400x24xf32, #tpu.memory_space<hbm>>) target_semaphore(%run_scoped3A : memref<!tpu.dma_semaphore, #tpu.memory_space<semaphore_mem>>)
        %dma_wait3A_145 = arith.constant 0 : i32
        %dma_wait3A_146 = arith.constant 0 : i32
        %dma_wait3A_147 = tpu.memref_slice %arg17[%dma_wait3A_145, %dma_wait3A_146] : memref<400x24xf32, #tpu.memory_space<vmem>> -> memref<400x24xf32, #tpu.memory_space<vmem>>
        %dma_wait3A_148 = arith.constant 0 : i32
        %dma_wait3A_149 = tpu.memref_slice %arg7[%add3A_110, %dma_wait3A_148] : memref<50048x24xf32, #tpu.memory_space<hbm>> -> memref<400x24xf32, #tpu.memory_space<hbm>>
        %dma_wait3A_150 = arith.constant 0 : i32
        %dma_wait3A_151 = tpu.memref_slice %arg7[%add3A_110, %dma_wait3A_150] : memref<50048x24xf32, #tpu.memory_space<hbm>> -> memref<400x24xf32, #tpu.memory_space<hbm>>
        %dma_wait3A_152 = arith.constant 0 : i32
        %dma_wait3A_153 = arith.constant 0 : i32
        %dma_wait3A_154 = tpu.memref_slice %arg17[%dma_wait3A_152, %dma_wait3A_153] : memref<400x24xf32, #tpu.memory_space<vmem>> -> memref<400x24xf32, #tpu.memory_space<vmem>>
        tpu.wait_dma2 semaphore(%run_scoped3A : memref<!tpu.dma_semaphore, #tpu.memory_space<semaphore_mem>>) src(%dma_wait3A_154 : memref<400x24xf32, #tpu.memory_space<vmem>>) dst(%dma_wait3A_151 : memref<400x24xf32, #tpu.memory_space<hbm>>)
        tpu.yield
      }) : () -> ()
      %add3A_111 = arith.constant 800 : i32
      %add3A_112 = arith.addi %mul3A_45, %add3A_111 : i32
      "tpu.region"() ({
        %run_scoped3A = tpu.sem_alloc : memref<!tpu.dma_semaphore, #tpu.memory_space<semaphore_mem>>
        %dma_start3A_135 = arith.constant 0 : i32
        %dma_start3A_136 = arith.constant 0 : i32
        %dma_start3A_137 = tpu.memref_slice %arg17[%dma_start3A_135, %dma_start3A_136] : memref<400x24xf32, #tpu.memory_space<vmem>> -> memref<400x24xf32, #tpu.memory_space<vmem>>
        %dma_start3A_138 = arith.constant 0 : i32
        %dma_start3A_139 = tpu.memref_slice %arg19[%add3A_112, %dma_start3A_138] : memref<50048x24xf32, #tpu.memory_space<vmem_shared>> -> memref<400x24xf32, #tpu.memory_space<vmem_shared>>
        %dma_start3A_140 = arith.constant 0 : i32
        %dma_start3A_141 = arith.constant 0 : i32
        %dma_start3A_142 = tpu.memref_slice %arg17[%dma_start3A_140, %dma_start3A_141] : memref<400x24xf32, #tpu.memory_space<vmem>> -> memref<400x24xf32, #tpu.memory_space<vmem>>
        %dma_start3A_143 = arith.constant 0 : i32
        %dma_start3A_144 = tpu.memref_slice %arg19[%add3A_112, %dma_start3A_143] : memref<50048x24xf32, #tpu.memory_space<vmem_shared>> -> memref<400x24xf32, #tpu.memory_space<vmem_shared>>
        tpu.enqueue_dma source(%dma_start3A_144 : memref<400x24xf32, #tpu.memory_space<vmem_shared>>) target(%dma_start3A_142 : memref<400x24xf32, #tpu.memory_space<vmem>>) target_semaphore(%run_scoped3A : memref<!tpu.dma_semaphore, #tpu.memory_space<semaphore_mem>>)
        %dma_wait3A_145 = arith.constant 0 : i32
        %dma_wait3A_146 = arith.constant 0 : i32
        %dma_wait3A_147 = tpu.memref_slice %arg17[%dma_wait3A_145, %dma_wait3A_146] : memref<400x24xf32, #tpu.memory_space<vmem>> -> memref<400x24xf32, #tpu.memory_space<vmem>>
        %dma_wait3A_148 = arith.constant 0 : i32
        %dma_wait3A_149 = tpu.memref_slice %arg19[%add3A_112, %dma_wait3A_148] : memref<50048x24xf32, #tpu.memory_space<vmem_shared>> -> memref<400x24xf32, #tpu.memory_space<vmem_shared>>
        %dma_wait3A_150 = arith.constant 0 : i32
        %dma_wait3A_151 = arith.constant 0 : i32
        %dma_wait3A_152 = tpu.memref_slice %arg17[%dma_wait3A_150, %dma_wait3A_151] : memref<400x24xf32, #tpu.memory_space<vmem>> -> memref<400x24xf32, #tpu.memory_space<vmem>>
        %dma_wait3A_153 = arith.constant 0 : i32
        %dma_wait3A_154 = tpu.memref_slice %arg19[%add3A_112, %dma_wait3A_153] : memref<50048x24xf32, #tpu.memory_space<vmem_shared>> -> memref<400x24xf32, #tpu.memory_space<vmem_shared>>
        tpu.wait_dma2 semaphore(%run_scoped3A : memref<!tpu.dma_semaphore, #tpu.memory_space<semaphore_mem>>) src(%dma_wait3A_154 : memref<400x24xf32, #tpu.memory_space<vmem_shared>>) dst(%dma_wait3A_152 : memref<400x24xf32, #tpu.memory_space<vmem>>)
        tpu.yield
      }) : () -> ()
      %add3A_113 = arith.constant 800 : i32
      %add3A_114 = arith.addi %mul3A_45, %add3A_113 : i32
      "tpu.region"() ({
        %run_scoped3A = tpu.sem_alloc : memref<!tpu.dma_semaphore, #tpu.memory_space<semaphore_mem>>
        %dma_start3A_135 = arith.constant 0 : i32
        %dma_start3A_136 = arith.constant 0 : i32
        %dma_start3A_137 = tpu.memref_slice %arg17[%dma_start3A_135, %dma_start3A_136] : memref<400x24xf32, #tpu.memory_space<vmem>> -> memref<400x24xf32, #tpu.memory_space<vmem>>
        %dma_start3A_138 = arith.constant 0 : i32
        %dma_start3A_139 = tpu.memref_slice %arg7[%add3A_114, %dma_start3A_138] : memref<50048x24xf32, #tpu.memory_space<hbm>> -> memref<400x24xf32, #tpu.memory_space<hbm>>
        %dma_start3A_140 = arith.constant 0 : i32
        %dma_start3A_141 = tpu.memref_slice %arg7[%add3A_114, %dma_start3A_140] : memref<50048x24xf32, #tpu.memory_space<hbm>> -> memref<400x24xf32, #tpu.memory_space<hbm>>
        %dma_start3A_142 = arith.constant 0 : i32
        %dma_start3A_143 = arith.constant 0 : i32
        %dma_start3A_144 = tpu.memref_slice %arg17[%dma_start3A_142, %dma_start3A_143] : memref<400x24xf32, #tpu.memory_space<vmem>> -> memref<400x24xf32, #tpu.memory_space<vmem>>
        tpu.enqueue_dma source(%dma_start3A_144 : memref<400x24xf32, #tpu.memory_space<vmem>>) target(%dma_start3A_141 : memref<400x24xf32, #tpu.memory_space<hbm>>) target_semaphore(%run_scoped3A : memref<!tpu.dma_semaphore, #tpu.memory_space<semaphore_mem>>)
        %dma_wait3A_145 = arith.constant 0 : i32
        %dma_wait3A_146 = arith.constant 0 : i32
        %dma_wait3A_147 = tpu.memref_slice %arg17[%dma_wait3A_145, %dma_wait3A_146] : memref<400x24xf32, #tpu.memory_space<vmem>> -> memref<400x24xf32, #tpu.memory_space<vmem>>
        %dma_wait3A_148 = arith.constant 0 : i32
        %dma_wait3A_149 = tpu.memref_slice %arg7[%add3A_114, %dma_wait3A_148] : memref<50048x24xf32, #tpu.memory_space<hbm>> -> memref<400x24xf32, #tpu.memory_space<hbm>>
        %dma_wait3A_150 = arith.constant 0 : i32
        %dma_wait3A_151 = tpu.memref_slice %arg7[%add3A_114, %dma_wait3A_150] : memref<50048x24xf32, #tpu.memory_space<hbm>> -> memref<400x24xf32, #tpu.memory_space<hbm>>
        %dma_wait3A_152 = arith.constant 0 : i32
        %dma_wait3A_153 = arith.constant 0 : i32
        %dma_wait3A_154 = tpu.memref_slice %arg17[%dma_wait3A_152, %dma_wait3A_153] : memref<400x24xf32, #tpu.memory_space<vmem>> -> memref<400x24xf32, #tpu.memory_space<vmem>>
        tpu.wait_dma2 semaphore(%run_scoped3A : memref<!tpu.dma_semaphore, #tpu.memory_space<semaphore_mem>>) src(%dma_wait3A_154 : memref<400x24xf32, #tpu.memory_space<vmem>>) dst(%dma_wait3A_151 : memref<400x24xf32, #tpu.memory_space<hbm>>)
        tpu.yield
      }) : () -> ()
      %add3A_115 = arith.constant 1200 : i32
      %add3A_116 = arith.addi %mul3A_45, %add3A_115 : i32
      "tpu.region"() ({
        %run_scoped3A = tpu.sem_alloc : memref<!tpu.dma_semaphore, #tpu.memory_space<semaphore_mem>>
        %dma_start3A_135 = arith.constant 0 : i32
        %dma_start3A_136 = arith.constant 0 : i32
        %dma_start3A_137 = tpu.memref_slice %arg17[%dma_start3A_135, %dma_start3A_136] : memref<400x24xf32, #tpu.memory_space<vmem>> -> memref<400x24xf32, #tpu.memory_space<vmem>>
        %dma_start3A_138 = arith.constant 0 : i32
        %dma_start3A_139 = tpu.memref_slice %arg19[%add3A_116, %dma_start3A_138] : memref<50048x24xf32, #tpu.memory_space<vmem_shared>> -> memref<400x24xf32, #tpu.memory_space<vmem_shared>>
        %dma_start3A_140 = arith.constant 0 : i32
        %dma_start3A_141 = arith.constant 0 : i32
        %dma_start3A_142 = tpu.memref_slice %arg17[%dma_start3A_140, %dma_start3A_141] : memref<400x24xf32, #tpu.memory_space<vmem>> -> memref<400x24xf32, #tpu.memory_space<vmem>>
        %dma_start3A_143 = arith.constant 0 : i32
        %dma_start3A_144 = tpu.memref_slice %arg19[%add3A_116, %dma_start3A_143] : memref<50048x24xf32, #tpu.memory_space<vmem_shared>> -> memref<400x24xf32, #tpu.memory_space<vmem_shared>>
        tpu.enqueue_dma source(%dma_start3A_144 : memref<400x24xf32, #tpu.memory_space<vmem_shared>>) target(%dma_start3A_142 : memref<400x24xf32, #tpu.memory_space<vmem>>) target_semaphore(%run_scoped3A : memref<!tpu.dma_semaphore, #tpu.memory_space<semaphore_mem>>)
        %dma_wait3A_145 = arith.constant 0 : i32
        %dma_wait3A_146 = arith.constant 0 : i32
        %dma_wait3A_147 = tpu.memref_slice %arg17[%dma_wait3A_145, %dma_wait3A_146] : memref<400x24xf32, #tpu.memory_space<vmem>> -> memref<400x24xf32, #tpu.memory_space<vmem>>
        %dma_wait3A_148 = arith.constant 0 : i32
        %dma_wait3A_149 = tpu.memref_slice %arg19[%add3A_116, %dma_wait3A_148] : memref<50048x24xf32, #tpu.memory_space<vmem_shared>> -> memref<400x24xf32, #tpu.memory_space<vmem_shared>>
        %dma_wait3A_150 = arith.constant 0 : i32
        %dma_wait3A_151 = arith.constant 0 : i32
        %dma_wait3A_152 = tpu.memref_slice %arg17[%dma_wait3A_150, %dma_wait3A_151] : memref<400x24xf32, #tpu.memory_space<vmem>> -> memref<400x24xf32, #tpu.memory_space<vmem>>
        %dma_wait3A_153 = arith.constant 0 : i32
        %dma_wait3A_154 = tpu.memref_slice %arg19[%add3A_116, %dma_wait3A_153] : memref<50048x24xf32, #tpu.memory_space<vmem_shared>> -> memref<400x24xf32, #tpu.memory_space<vmem_shared>>
        tpu.wait_dma2 semaphore(%run_scoped3A : memref<!tpu.dma_semaphore, #tpu.memory_space<semaphore_mem>>) src(%dma_wait3A_154 : memref<400x24xf32, #tpu.memory_space<vmem_shared>>) dst(%dma_wait3A_152 : memref<400x24xf32, #tpu.memory_space<vmem>>)
        tpu.yield
      }) : () -> ()
      %add3A_117 = arith.constant 1200 : i32
      %add3A_118 = arith.addi %mul3A_45, %add3A_117 : i32
      "tpu.region"() ({
        %run_scoped3A = tpu.sem_alloc : memref<!tpu.dma_semaphore, #tpu.memory_space<semaphore_mem>>
        %dma_start3A_135 = arith.constant 0 : i32
        %dma_start3A_136 = arith.constant 0 : i32
        %dma_start3A_137 = tpu.memref_slice %arg17[%dma_start3A_135, %dma_start3A_136] : memref<400x24xf32, #tpu.memory_space<vmem>> -> memref<400x24xf32, #tpu.memory_space<vmem>>
        %dma_start3A_138 = arith.constant 0 : i32
        %dma_start3A_139 = tpu.memref_slice %arg7[%add3A_118, %dma_start3A_138] : memref<50048x24xf32, #tpu.memory_space<hbm>> -> memref<400x24xf32, #tpu.memory_space<hbm>>
        %dma_start3A_140 = arith.constant 0 : i32
        %dma_start3A_141 = tpu.memref_slice %arg7[%add3A_118, %dma_start3A_140] : memref<50048x24xf32, #tpu.memory_space<hbm>> -> memref<400x24xf32, #tpu.memory_space<hbm>>
        %dma_start3A_142 = arith.constant 0 : i32
        %dma_start3A_143 = arith.constant 0 : i32
        %dma_start3A_144 = tpu.memref_slice %arg17[%dma_start3A_142, %dma_start3A_143] : memref<400x24xf32, #tpu.memory_space<vmem>> -> memref<400x24xf32, #tpu.memory_space<vmem>>
        tpu.enqueue_dma source(%dma_start3A_144 : memref<400x24xf32, #tpu.memory_space<vmem>>) target(%dma_start3A_141 : memref<400x24xf32, #tpu.memory_space<hbm>>) target_semaphore(%run_scoped3A : memref<!tpu.dma_semaphore, #tpu.memory_space<semaphore_mem>>)
        %dma_wait3A_145 = arith.constant 0 : i32
        %dma_wait3A_146 = arith.constant 0 : i32
        %dma_wait3A_147 = tpu.memref_slice %arg17[%dma_wait3A_145, %dma_wait3A_146] : memref<400x24xf32, #tpu.memory_space<vmem>> -> memref<400x24xf32, #tpu.memory_space<vmem>>
        %dma_wait3A_148 = arith.constant 0 : i32
        %dma_wait3A_149 = tpu.memref_slice %arg7[%add3A_118, %dma_wait3A_148] : memref<50048x24xf32, #tpu.memory_space<hbm>> -> memref<400x24xf32, #tpu.memory_space<hbm>>
        %dma_wait3A_150 = arith.constant 0 : i32
        %dma_wait3A_151 = tpu.memref_slice %arg7[%add3A_118, %dma_wait3A_150] : memref<50048x24xf32, #tpu.memory_space<hbm>> -> memref<400x24xf32, #tpu.memory_space<hbm>>
        %dma_wait3A_152 = arith.constant 0 : i32
        %dma_wait3A_153 = arith.constant 0 : i32
        %dma_wait3A_154 = tpu.memref_slice %arg17[%dma_wait3A_152, %dma_wait3A_153] : memref<400x24xf32, #tpu.memory_space<vmem>> -> memref<400x24xf32, #tpu.memory_space<vmem>>
        tpu.wait_dma2 semaphore(%run_scoped3A : memref<!tpu.dma_semaphore, #tpu.memory_space<semaphore_mem>>) src(%dma_wait3A_154 : memref<400x24xf32, #tpu.memory_space<vmem>>) dst(%dma_wait3A_151 : memref<400x24xf32, #tpu.memory_space<hbm>>)
        tpu.yield
      }) : () -> ()
      %add3A_119 = arith.constant 1600 : i32
      %add3A_120 = arith.addi %mul3A_45, %add3A_119 : i32
      "tpu.region"() ({
        %run_scoped3A = tpu.sem_alloc : memref<!tpu.dma_semaphore, #tpu.memory_space<semaphore_mem>>
        %dma_start3A_135 = arith.constant 0 : i32
        %dma_start3A_136 = arith.constant 0 : i32
        %dma_start3A_137 = tpu.memref_slice %arg17[%dma_start3A_135, %dma_start3A_136] : memref<400x24xf32, #tpu.memory_space<vmem>> -> memref<400x24xf32, #tpu.memory_space<vmem>>
        %dma_start3A_138 = arith.constant 0 : i32
        %dma_start3A_139 = tpu.memref_slice %arg19[%add3A_120, %dma_start3A_138] : memref<50048x24xf32, #tpu.memory_space<vmem_shared>> -> memref<400x24xf32, #tpu.memory_space<vmem_shared>>
        %dma_start3A_140 = arith.constant 0 : i32
        %dma_start3A_141 = arith.constant 0 : i32
        %dma_start3A_142 = tpu.memref_slice %arg17[%dma_start3A_140, %dma_start3A_141] : memref<400x24xf32, #tpu.memory_space<vmem>> -> memref<400x24xf32, #tpu.memory_space<vmem>>
        %dma_start3A_143 = arith.constant 0 : i32
        %dma_start3A_144 = tpu.memref_slice %arg19[%add3A_120, %dma_start3A_143] : memref<50048x24xf32, #tpu.memory_space<vmem_shared>> -> memref<400x24xf32, #tpu.memory_space<vmem_shared>>
        tpu.enqueue_dma source(%dma_start3A_144 : memref<400x24xf32, #tpu.memory_space<vmem_shared>>) target(%dma_start3A_142 : memref<400x24xf32, #tpu.memory_space<vmem>>) target_semaphore(%run_scoped3A : memref<!tpu.dma_semaphore, #tpu.memory_space<semaphore_mem>>)
        %dma_wait3A_145 = arith.constant 0 : i32
        %dma_wait3A_146 = arith.constant 0 : i32
        %dma_wait3A_147 = tpu.memref_slice %arg17[%dma_wait3A_145, %dma_wait3A_146] : memref<400x24xf32, #tpu.memory_space<vmem>> -> memref<400x24xf32, #tpu.memory_space<vmem>>
        %dma_wait3A_148 = arith.constant 0 : i32
        %dma_wait3A_149 = tpu.memref_slice %arg19[%add3A_120, %dma_wait3A_148] : memref<50048x24xf32, #tpu.memory_space<vmem_shared>> -> memref<400x24xf32, #tpu.memory_space<vmem_shared>>
        %dma_wait3A_150 = arith.constant 0 : i32
        %dma_wait3A_151 = arith.constant 0 : i32
        %dma_wait3A_152 = tpu.memref_slice %arg17[%dma_wait3A_150, %dma_wait3A_151] : memref<400x24xf32, #tpu.memory_space<vmem>> -> memref<400x24xf32, #tpu.memory_space<vmem>>
        %dma_wait3A_153 = arith.constant 0 : i32
        %dma_wait3A_154 = tpu.memref_slice %arg19[%add3A_120, %dma_wait3A_153] : memref<50048x24xf32, #tpu.memory_space<vmem_shared>> -> memref<400x24xf32, #tpu.memory_space<vmem_shared>>
        tpu.wait_dma2 semaphore(%run_scoped3A : memref<!tpu.dma_semaphore, #tpu.memory_space<semaphore_mem>>) src(%dma_wait3A_154 : memref<400x24xf32, #tpu.memory_space<vmem_shared>>) dst(%dma_wait3A_152 : memref<400x24xf32, #tpu.memory_space<vmem>>)
        tpu.yield
      }) : () -> ()
      %add3A_121 = arith.constant 1600 : i32
      %add3A_122 = arith.addi %mul3A_45, %add3A_121 : i32
      "tpu.region"() ({
        %run_scoped3A = tpu.sem_alloc : memref<!tpu.dma_semaphore, #tpu.memory_space<semaphore_mem>>
        %dma_start3A_135 = arith.constant 0 : i32
        %dma_start3A_136 = arith.constant 0 : i32
        %dma_start3A_137 = tpu.memref_slice %arg17[%dma_start3A_135, %dma_start3A_136] : memref<400x24xf32, #tpu.memory_space<vmem>> -> memref<400x24xf32, #tpu.memory_space<vmem>>
        %dma_start3A_138 = arith.constant 0 : i32
        %dma_start3A_139 = tpu.memref_slice %arg7[%add3A_122, %dma_start3A_138] : memref<50048x24xf32, #tpu.memory_space<hbm>> -> memref<400x24xf32, #tpu.memory_space<hbm>>
        %dma_start3A_140 = arith.constant 0 : i32
        %dma_start3A_141 = tpu.memref_slice %arg7[%add3A_122, %dma_start3A_140] : memref<50048x24xf32, #tpu.memory_space<hbm>> -> memref<400x24xf32, #tpu.memory_space<hbm>>
        %dma_start3A_142 = arith.constant 0 : i32
        %dma_start3A_143 = arith.constant 0 : i32
        %dma_start3A_144 = tpu.memref_slice %arg17[%dma_start3A_142, %dma_start3A_143] : memref<400x24xf32, #tpu.memory_space<vmem>> -> memref<400x24xf32, #tpu.memory_space<vmem>>
        tpu.enqueue_dma source(%dma_start3A_144 : memref<400x24xf32, #tpu.memory_space<vmem>>) target(%dma_start3A_141 : memref<400x24xf32, #tpu.memory_space<hbm>>) target_semaphore(%run_scoped3A : memref<!tpu.dma_semaphore, #tpu.memory_space<semaphore_mem>>)
        %dma_wait3A_145 = arith.constant 0 : i32
        %dma_wait3A_146 = arith.constant 0 : i32
        %dma_wait3A_147 = tpu.memref_slice %arg17[%dma_wait3A_145, %dma_wait3A_146] : memref<400x24xf32, #tpu.memory_space<vmem>> -> memref<400x24xf32, #tpu.memory_space<vmem>>
        %dma_wait3A_148 = arith.constant 0 : i32
        %dma_wait3A_149 = tpu.memref_slice %arg7[%add3A_122, %dma_wait3A_148] : memref<50048x24xf32, #tpu.memory_space<hbm>> -> memref<400x24xf32, #tpu.memory_space<hbm>>
        %dma_wait3A_150 = arith.constant 0 : i32
        %dma_wait3A_151 = tpu.memref_slice %arg7[%add3A_122, %dma_wait3A_150] : memref<50048x24xf32, #tpu.memory_space<hbm>> -> memref<400x24xf32, #tpu.memory_space<hbm>>
        %dma_wait3A_152 = arith.constant 0 : i32
        %dma_wait3A_153 = arith.constant 0 : i32
        %dma_wait3A_154 = tpu.memref_slice %arg17[%dma_wait3A_152, %dma_wait3A_153] : memref<400x24xf32, #tpu.memory_space<vmem>> -> memref<400x24xf32, #tpu.memory_space<vmem>>
        tpu.wait_dma2 semaphore(%run_scoped3A : memref<!tpu.dma_semaphore, #tpu.memory_space<semaphore_mem>>) src(%dma_wait3A_154 : memref<400x24xf32, #tpu.memory_space<vmem>>) dst(%dma_wait3A_151 : memref<400x24xf32, #tpu.memory_space<hbm>>)
        tpu.yield
      }) : () -> ()
      %add3A_123 = arith.constant 2000 : i32
      %add3A_124 = arith.addi %mul3A_45, %add3A_123 : i32
      "tpu.region"() ({
        %run_scoped3A = tpu.sem_alloc : memref<!tpu.dma_semaphore, #tpu.memory_space<semaphore_mem>>
        %dma_start3A_135 = arith.constant 0 : i32
        %dma_start3A_136 = arith.constant 0 : i32
        %dma_start3A_137 = tpu.memref_slice %arg17[%dma_start3A_135, %dma_start3A_136] : memref<400x24xf32, #tpu.memory_space<vmem>> -> memref<400x24xf32, #tpu.memory_space<vmem>>
        %dma_start3A_138 = arith.constant 0 : i32
        %dma_start3A_139 = tpu.memref_slice %arg19[%add3A_124, %dma_start3A_138] : memref<50048x24xf32, #tpu.memory_space<vmem_shared>> -> memref<400x24xf32, #tpu.memory_space<vmem_shared>>
        %dma_start3A_140 = arith.constant 0 : i32
        %dma_start3A_141 = arith.constant 0 : i32
        %dma_start3A_142 = tpu.memref_slice %arg17[%dma_start3A_140, %dma_start3A_141] : memref<400x24xf32, #tpu.memory_space<vmem>> -> memref<400x24xf32, #tpu.memory_space<vmem>>
        %dma_start3A_143 = arith.constant 0 : i32
        %dma_start3A_144 = tpu.memref_slice %arg19[%add3A_124, %dma_start3A_143] : memref<50048x24xf32, #tpu.memory_space<vmem_shared>> -> memref<400x24xf32, #tpu.memory_space<vmem_shared>>
        tpu.enqueue_dma source(%dma_start3A_144 : memref<400x24xf32, #tpu.memory_space<vmem_shared>>) target(%dma_start3A_142 : memref<400x24xf32, #tpu.memory_space<vmem>>) target_semaphore(%run_scoped3A : memref<!tpu.dma_semaphore, #tpu.memory_space<semaphore_mem>>)
        %dma_wait3A_145 = arith.constant 0 : i32
        %dma_wait3A_146 = arith.constant 0 : i32
        %dma_wait3A_147 = tpu.memref_slice %arg17[%dma_wait3A_145, %dma_wait3A_146] : memref<400x24xf32, #tpu.memory_space<vmem>> -> memref<400x24xf32, #tpu.memory_space<vmem>>
        %dma_wait3A_148 = arith.constant 0 : i32
        %dma_wait3A_149 = tpu.memref_slice %arg19[%add3A_124, %dma_wait3A_148] : memref<50048x24xf32, #tpu.memory_space<vmem_shared>> -> memref<400x24xf32, #tpu.memory_space<vmem_shared>>
        %dma_wait3A_150 = arith.constant 0 : i32
        %dma_wait3A_151 = arith.constant 0 : i32
        %dma_wait3A_152 = tpu.memref_slice %arg17[%dma_wait3A_150, %dma_wait3A_151] : memref<400x24xf32, #tpu.memory_space<vmem>> -> memref<400x24xf32, #tpu.memory_space<vmem>>
        %dma_wait3A_153 = arith.constant 0 : i32
        %dma_wait3A_154 = tpu.memref_slice %arg19[%add3A_124, %dma_wait3A_153] : memref<50048x24xf32, #tpu.memory_space<vmem_shared>> -> memref<400x24xf32, #tpu.memory_space<vmem_shared>>
        tpu.wait_dma2 semaphore(%run_scoped3A : memref<!tpu.dma_semaphore, #tpu.memory_space<semaphore_mem>>) src(%dma_wait3A_154 : memref<400x24xf32, #tpu.memory_space<vmem_shared>>) dst(%dma_wait3A_152 : memref<400x24xf32, #tpu.memory_space<vmem>>)
        tpu.yield
      }) : () -> ()
      %add3A_125 = arith.constant 2000 : i32
      %add3A_126 = arith.addi %mul3A_45, %add3A_125 : i32
      "tpu.region"() ({
        %run_scoped3A = tpu.sem_alloc : memref<!tpu.dma_semaphore, #tpu.memory_space<semaphore_mem>>
        %dma_start3A_135 = arith.constant 0 : i32
        %dma_start3A_136 = arith.constant 0 : i32
        %dma_start3A_137 = tpu.memref_slice %arg17[%dma_start3A_135, %dma_start3A_136] : memref<400x24xf32, #tpu.memory_space<vmem>> -> memref<400x24xf32, #tpu.memory_space<vmem>>
        %dma_start3A_138 = arith.constant 0 : i32
        %dma_start3A_139 = tpu.memref_slice %arg7[%add3A_126, %dma_start3A_138] : memref<50048x24xf32, #tpu.memory_space<hbm>> -> memref<400x24xf32, #tpu.memory_space<hbm>>
        %dma_start3A_140 = arith.constant 0 : i32
        %dma_start3A_141 = tpu.memref_slice %arg7[%add3A_126, %dma_start3A_140] : memref<50048x24xf32, #tpu.memory_space<hbm>> -> memref<400x24xf32, #tpu.memory_space<hbm>>
        %dma_start3A_142 = arith.constant 0 : i32
        %dma_start3A_143 = arith.constant 0 : i32
        %dma_start3A_144 = tpu.memref_slice %arg17[%dma_start3A_142, %dma_start3A_143] : memref<400x24xf32, #tpu.memory_space<vmem>> -> memref<400x24xf32, #tpu.memory_space<vmem>>
        tpu.enqueue_dma source(%dma_start3A_144 : memref<400x24xf32, #tpu.memory_space<vmem>>) target(%dma_start3A_141 : memref<400x24xf32, #tpu.memory_space<hbm>>) target_semaphore(%run_scoped3A : memref<!tpu.dma_semaphore, #tpu.memory_space<semaphore_mem>>)
        %dma_wait3A_145 = arith.constant 0 : i32
        %dma_wait3A_146 = arith.constant 0 : i32
        %dma_wait3A_147 = tpu.memref_slice %arg17[%dma_wait3A_145, %dma_wait3A_146] : memref<400x24xf32, #tpu.memory_space<vmem>> -> memref<400x24xf32, #tpu.memory_space<vmem>>
        %dma_wait3A_148 = arith.constant 0 : i32
        %dma_wait3A_149 = tpu.memref_slice %arg7[%add3A_126, %dma_wait3A_148] : memref<50048x24xf32, #tpu.memory_space<hbm>> -> memref<400x24xf32, #tpu.memory_space<hbm>>
        %dma_wait3A_150 = arith.constant 0 : i32
        %dma_wait3A_151 = tpu.memref_slice %arg7[%add3A_126, %dma_wait3A_150] : memref<50048x24xf32, #tpu.memory_space<hbm>> -> memref<400x24xf32, #tpu.memory_space<hbm>>
        %dma_wait3A_152 = arith.constant 0 : i32
        %dma_wait3A_153 = arith.constant 0 : i32
        %dma_wait3A_154 = tpu.memref_slice %arg17[%dma_wait3A_152, %dma_wait3A_153] : memref<400x24xf32, #tpu.memory_space<vmem>> -> memref<400x24xf32, #tpu.memory_space<vmem>>
        tpu.wait_dma2 semaphore(%run_scoped3A : memref<!tpu.dma_semaphore, #tpu.memory_space<semaphore_mem>>) src(%dma_wait3A_154 : memref<400x24xf32, #tpu.memory_space<vmem>>) dst(%dma_wait3A_151 : memref<400x24xf32, #tpu.memory_space<hbm>>)
        tpu.yield
      }) : () -> ()
      %add3A_127 = arith.constant 2400 : i32
      %add3A_128 = arith.addi %mul3A_45, %add3A_127 : i32
      "tpu.region"() ({
        %run_scoped3A = tpu.sem_alloc : memref<!tpu.dma_semaphore, #tpu.memory_space<semaphore_mem>>
        %dma_start3A_135 = arith.constant 0 : i32
        %dma_start3A_136 = arith.constant 0 : i32
        %dma_start3A_137 = tpu.memref_slice %arg17[%dma_start3A_135, %dma_start3A_136] : memref<400x24xf32, #tpu.memory_space<vmem>> -> memref<400x24xf32, #tpu.memory_space<vmem>>
        %dma_start3A_138 = arith.constant 0 : i32
        %dma_start3A_139 = tpu.memref_slice %arg19[%add3A_128, %dma_start3A_138] : memref<50048x24xf32, #tpu.memory_space<vmem_shared>> -> memref<400x24xf32, #tpu.memory_space<vmem_shared>>
        %dma_start3A_140 = arith.constant 0 : i32
        %dma_start3A_141 = arith.constant 0 : i32
        %dma_start3A_142 = tpu.memref_slice %arg17[%dma_start3A_140, %dma_start3A_141] : memref<400x24xf32, #tpu.memory_space<vmem>> -> memref<400x24xf32, #tpu.memory_space<vmem>>
        %dma_start3A_143 = arith.constant 0 : i32
        %dma_start3A_144 = tpu.memref_slice %arg19[%add3A_128, %dma_start3A_143] : memref<50048x24xf32, #tpu.memory_space<vmem_shared>> -> memref<400x24xf32, #tpu.memory_space<vmem_shared>>
        tpu.enqueue_dma source(%dma_start3A_144 : memref<400x24xf32, #tpu.memory_space<vmem_shared>>) target(%dma_start3A_142 : memref<400x24xf32, #tpu.memory_space<vmem>>) target_semaphore(%run_scoped3A : memref<!tpu.dma_semaphore, #tpu.memory_space<semaphore_mem>>)
        %dma_wait3A_145 = arith.constant 0 : i32
        %dma_wait3A_146 = arith.constant 0 : i32
        %dma_wait3A_147 = tpu.memref_slice %arg17[%dma_wait3A_145, %dma_wait3A_146] : memref<400x24xf32, #tpu.memory_space<vmem>> -> memref<400x24xf32, #tpu.memory_space<vmem>>
        %dma_wait3A_148 = arith.constant 0 : i32
        %dma_wait3A_149 = tpu.memref_slice %arg19[%add3A_128, %dma_wait3A_148] : memref<50048x24xf32, #tpu.memory_space<vmem_shared>> -> memref<400x24xf32, #tpu.memory_space<vmem_shared>>
        %dma_wait3A_150 = arith.constant 0 : i32
        %dma_wait3A_151 = arith.constant 0 : i32
        %dma_wait3A_152 = tpu.memref_slice %arg17[%dma_wait3A_150, %dma_wait3A_151] : memref<400x24xf32, #tpu.memory_space<vmem>> -> memref<400x24xf32, #tpu.memory_space<vmem>>
        %dma_wait3A_153 = arith.constant 0 : i32
        %dma_wait3A_154 = tpu.memref_slice %arg19[%add3A_128, %dma_wait3A_153] : memref<50048x24xf32, #tpu.memory_space<vmem_shared>> -> memref<400x24xf32, #tpu.memory_space<vmem_shared>>
        tpu.wait_dma2 semaphore(%run_scoped3A : memref<!tpu.dma_semaphore, #tpu.memory_space<semaphore_mem>>) src(%dma_wait3A_154 : memref<400x24xf32, #tpu.memory_space<vmem_shared>>) dst(%dma_wait3A_152 : memref<400x24xf32, #tpu.memory_space<vmem>>)
        tpu.yield
      }) : () -> ()
      %add3A_129 = arith.constant 2400 : i32
      %add3A_130 = arith.addi %mul3A_45, %add3A_129 : i32
      "tpu.region"() ({
        %run_scoped3A = tpu.sem_alloc : memref<!tpu.dma_semaphore, #tpu.memory_space<semaphore_mem>>
        %dma_start3A_135 = arith.constant 0 : i32
        %dma_start3A_136 = arith.constant 0 : i32
        %dma_start3A_137 = tpu.memref_slice %arg17[%dma_start3A_135, %dma_start3A_136] : memref<400x24xf32, #tpu.memory_space<vmem>> -> memref<400x24xf32, #tpu.memory_space<vmem>>
        %dma_start3A_138 = arith.constant 0 : i32
        %dma_start3A_139 = tpu.memref_slice %arg7[%add3A_130, %dma_start3A_138] : memref<50048x24xf32, #tpu.memory_space<hbm>> -> memref<400x24xf32, #tpu.memory_space<hbm>>
        %dma_start3A_140 = arith.constant 0 : i32
        %dma_start3A_141 = tpu.memref_slice %arg7[%add3A_130, %dma_start3A_140] : memref<50048x24xf32, #tpu.memory_space<hbm>> -> memref<400x24xf32, #tpu.memory_space<hbm>>
        %dma_start3A_142 = arith.constant 0 : i32
        %dma_start3A_143 = arith.constant 0 : i32
        %dma_start3A_144 = tpu.memref_slice %arg17[%dma_start3A_142, %dma_start3A_143] : memref<400x24xf32, #tpu.memory_space<vmem>> -> memref<400x24xf32, #tpu.memory_space<vmem>>
        tpu.enqueue_dma source(%dma_start3A_144 : memref<400x24xf32, #tpu.memory_space<vmem>>) target(%dma_start3A_141 : memref<400x24xf32, #tpu.memory_space<hbm>>) target_semaphore(%run_scoped3A : memref<!tpu.dma_semaphore, #tpu.memory_space<semaphore_mem>>)
        %dma_wait3A_145 = arith.constant 0 : i32
        %dma_wait3A_146 = arith.constant 0 : i32
        %dma_wait3A_147 = tpu.memref_slice %arg17[%dma_wait3A_145, %dma_wait3A_146] : memref<400x24xf32, #tpu.memory_space<vmem>> -> memref<400x24xf32, #tpu.memory_space<vmem>>
        %dma_wait3A_148 = arith.constant 0 : i32
        %dma_wait3A_149 = tpu.memref_slice %arg7[%add3A_130, %dma_wait3A_148] : memref<50048x24xf32, #tpu.memory_space<hbm>> -> memref<400x24xf32, #tpu.memory_space<hbm>>
        %dma_wait3A_150 = arith.constant 0 : i32
        %dma_wait3A_151 = tpu.memref_slice %arg7[%add3A_130, %dma_wait3A_150] : memref<50048x24xf32, #tpu.memory_space<hbm>> -> memref<400x24xf32, #tpu.memory_space<hbm>>
        %dma_wait3A_152 = arith.constant 0 : i32
        %dma_wait3A_153 = arith.constant 0 : i32
        %dma_wait3A_154 = tpu.memref_slice %arg17[%dma_wait3A_152, %dma_wait3A_153] : memref<400x24xf32, #tpu.memory_space<vmem>> -> memref<400x24xf32, #tpu.memory_space<vmem>>
        tpu.wait_dma2 semaphore(%run_scoped3A : memref<!tpu.dma_semaphore, #tpu.memory_space<semaphore_mem>>) src(%dma_wait3A_154 : memref<400x24xf32, #tpu.memory_space<vmem>>) dst(%dma_wait3A_151 : memref<400x24xf32, #tpu.memory_space<hbm>>)
        tpu.yield
      }) : () -> ()
      %add3A_131 = arith.constant 2800 : i32
      %add3A_132 = arith.addi %mul3A_45, %add3A_131 : i32
      "tpu.region"() ({
        %run_scoped3A = tpu.sem_alloc : memref<!tpu.dma_semaphore, #tpu.memory_space<semaphore_mem>>
        %dma_start3A_135 = arith.constant 0 : i32
        %dma_start3A_136 = arith.constant 0 : i32
        %dma_start3A_137 = tpu.memref_slice %arg17[%dma_start3A_135, %dma_start3A_136] : memref<400x24xf32, #tpu.memory_space<vmem>> -> memref<328x24xf32, #tpu.memory_space<vmem>>
        %dma_start3A_138 = arith.constant 0 : i32
        %dma_start3A_139 = tpu.memref_slice %arg19[%add3A_132, %dma_start3A_138] : memref<50048x24xf32, #tpu.memory_space<vmem_shared>> -> memref<328x24xf32, #tpu.memory_space<vmem_shared>>
        %dma_start3A_140 = arith.constant 0 : i32
        %dma_start3A_141 = arith.constant 0 : i32
        %dma_start3A_142 = tpu.memref_slice %arg17[%dma_start3A_140, %dma_start3A_141] : memref<400x24xf32, #tpu.memory_space<vmem>> -> memref<328x24xf32, #tpu.memory_space<vmem>>
        %dma_start3A_143 = arith.constant 0 : i32
        %dma_start3A_144 = tpu.memref_slice %arg19[%add3A_132, %dma_start3A_143] : memref<50048x24xf32, #tpu.memory_space<vmem_shared>> -> memref<328x24xf32, #tpu.memory_space<vmem_shared>>
        tpu.enqueue_dma source(%dma_start3A_144 : memref<328x24xf32, #tpu.memory_space<vmem_shared>>) target(%dma_start3A_142 : memref<328x24xf32, #tpu.memory_space<vmem>>) target_semaphore(%run_scoped3A : memref<!tpu.dma_semaphore, #tpu.memory_space<semaphore_mem>>)
        %dma_wait3A_145 = arith.constant 0 : i32
        %dma_wait3A_146 = arith.constant 0 : i32
        %dma_wait3A_147 = tpu.memref_slice %arg17[%dma_wait3A_145, %dma_wait3A_146] : memref<400x24xf32, #tpu.memory_space<vmem>> -> memref<328x24xf32, #tpu.memory_space<vmem>>
        %dma_wait3A_148 = arith.constant 0 : i32
        %dma_wait3A_149 = tpu.memref_slice %arg19[%add3A_132, %dma_wait3A_148] : memref<50048x24xf32, #tpu.memory_space<vmem_shared>> -> memref<328x24xf32, #tpu.memory_space<vmem_shared>>
        %dma_wait3A_150 = arith.constant 0 : i32
        %dma_wait3A_151 = arith.constant 0 : i32
        %dma_wait3A_152 = tpu.memref_slice %arg17[%dma_wait3A_150, %dma_wait3A_151] : memref<400x24xf32, #tpu.memory_space<vmem>> -> memref<328x24xf32, #tpu.memory_space<vmem>>
        %dma_wait3A_153 = arith.constant 0 : i32
        %dma_wait3A_154 = tpu.memref_slice %arg19[%add3A_132, %dma_wait3A_153] : memref<50048x24xf32, #tpu.memory_space<vmem_shared>> -> memref<328x24xf32, #tpu.memory_space<vmem_shared>>
        tpu.wait_dma2 semaphore(%run_scoped3A : memref<!tpu.dma_semaphore, #tpu.memory_space<semaphore_mem>>) src(%dma_wait3A_154 : memref<328x24xf32, #tpu.memory_space<vmem_shared>>) dst(%dma_wait3A_152 : memref<328x24xf32, #tpu.memory_space<vmem>>)
        tpu.yield
      }) : () -> ()
      %add3A_133 = arith.constant 2800 : i32
      %add3A_134 = arith.addi %mul3A_45, %add3A_133 : i32
      "tpu.region"() ({
        %run_scoped3A = tpu.sem_alloc : memref<!tpu.dma_semaphore, #tpu.memory_space<semaphore_mem>>
        %dma_start3A_135 = arith.constant 0 : i32
        %dma_start3A_136 = arith.constant 0 : i32
        %dma_start3A_137 = tpu.memref_slice %arg17[%dma_start3A_135, %dma_start3A_136] : memref<400x24xf32, #tpu.memory_space<vmem>> -> memref<328x24xf32, #tpu.memory_space<vmem>>
        %dma_start3A_138 = arith.constant 0 : i32
        %dma_start3A_139 = tpu.memref_slice %arg7[%add3A_134, %dma_start3A_138] : memref<50048x24xf32, #tpu.memory_space<hbm>> -> memref<328x24xf32, #tpu.memory_space<hbm>>
        %dma_start3A_140 = arith.constant 0 : i32
        %dma_start3A_141 = tpu.memref_slice %arg7[%add3A_134, %dma_start3A_140] : memref<50048x24xf32, #tpu.memory_space<hbm>> -> memref<328x24xf32, #tpu.memory_space<hbm>>
        %dma_start3A_142 = arith.constant 0 : i32
        %dma_start3A_143 = arith.constant 0 : i32
        %dma_start3A_144 = tpu.memref_slice %arg17[%dma_start3A_142, %dma_start3A_143] : memref<400x24xf32, #tpu.memory_space<vmem>> -> memref<328x24xf32, #tpu.memory_space<vmem>>
        tpu.enqueue_dma source(%dma_start3A_144 : memref<328x24xf32, #tpu.memory_space<vmem>>) target(%dma_start3A_141 : memref<328x24xf32, #tpu.memory_space<hbm>>) target_semaphore(%run_scoped3A : memref<!tpu.dma_semaphore, #tpu.memory_space<semaphore_mem>>)
        %dma_wait3A_145 = arith.constant 0 : i32
        %dma_wait3A_146 = arith.constant 0 : i32
        %dma_wait3A_147 = tpu.memref_slice %arg17[%dma_wait3A_145, %dma_wait3A_146] : memref<400x24xf32, #tpu.memory_space<vmem>> -> memref<328x24xf32, #tpu.memory_space<vmem>>
        %dma_wait3A_148 = arith.constant 0 : i32
        %dma_wait3A_149 = tpu.memref_slice %arg7[%add3A_134, %dma_wait3A_148] : memref<50048x24xf32, #tpu.memory_space<hbm>> -> memref<328x24xf32, #tpu.memory_space<hbm>>
        %dma_wait3A_150 = arith.constant 0 : i32
        %dma_wait3A_151 = tpu.memref_slice %arg7[%add3A_134, %dma_wait3A_150] : memref<50048x24xf32, #tpu.memory_space<hbm>> -> memref<328x24xf32, #tpu.memory_space<hbm>>
        %dma_wait3A_152 = arith.constant 0 : i32
        %dma_wait3A_153 = arith.constant 0 : i32
        %dma_wait3A_154 = tpu.memref_slice %arg17[%dma_wait3A_152, %dma_wait3A_153] : memref<400x24xf32, #tpu.memory_space<vmem>> -> memref<328x24xf32, #tpu.memory_space<vmem>>
        tpu.wait_dma2 semaphore(%run_scoped3A : memref<!tpu.dma_semaphore, #tpu.memory_space<semaphore_mem>>) src(%dma_wait3A_154 : memref<328x24xf32, #tpu.memory_space<vmem>>) dst(%dma_wait3A_151 : memref<328x24xf32, #tpu.memory_space<hbm>>)
        tpu.yield
      }) : () -> ()
    } else {
    }
    %eq3A_98 = arith.constant 1 : i32
    %eq3A_99 = arith.cmpi eq, %arg0, %eq3A_98 : i32
    %convert_element_type3A_100 = arith.extui %eq3A_99 : i1 to i32
    %cond3A_101 = arith.constant 0 : i32
    %cond3A_102 = arith.cmpi ne, %convert_element_type3A_100, %cond3A_101 : i32
    scf.if %cond3A_102 {
      %add3A_103 = arith.constant 0 : i32
      %add3A_104 = arith.addi %mul3A_45, %add3A_103 : i32
      "tpu.region"() ({
        %run_scoped3A = tpu.sem_alloc : memref<!tpu.dma_semaphore, #tpu.memory_space<semaphore_mem>>
        %dma_start3A_135 = arith.constant 0 : i32
        %dma_start3A_136 = arith.constant 0 : i32
        %dma_start3A_137 = tpu.memref_slice %arg17[%dma_start3A_135, %dma_start3A_136] : memref<400x24xf32, #tpu.memory_space<vmem>> -> memref<400x24xf32, #tpu.memory_space<vmem>>
        %dma_start3A_138 = arith.constant 0 : i32
        %dma_start3A_139 = tpu.memref_slice %arg19[%add3A_104, %dma_start3A_138] : memref<50048x24xf32, #tpu.memory_space<vmem_shared>> -> memref<400x24xf32, #tpu.memory_space<vmem_shared>>
        %dma_start3A_140 = arith.constant 0 : i32
        %dma_start3A_141 = arith.constant 0 : i32
        %dma_start3A_142 = tpu.memref_slice %arg17[%dma_start3A_140, %dma_start3A_141] : memref<400x24xf32, #tpu.memory_space<vmem>> -> memref<400x24xf32, #tpu.memory_space<vmem>>
        %dma_start3A_143 = arith.constant 0 : i32
        %dma_start3A_144 = tpu.memref_slice %arg19[%add3A_104, %dma_start3A_143] : memref<50048x24xf32, #tpu.memory_space<vmem_shared>> -> memref<400x24xf32, #tpu.memory_space<vmem_shared>>
        tpu.enqueue_dma source(%dma_start3A_144 : memref<400x24xf32, #tpu.memory_space<vmem_shared>>) target(%dma_start3A_142 : memref<400x24xf32, #tpu.memory_space<vmem>>) target_semaphore(%run_scoped3A : memref<!tpu.dma_semaphore, #tpu.memory_space<semaphore_mem>>)
        %dma_wait3A_145 = arith.constant 0 : i32
        %dma_wait3A_146 = arith.constant 0 : i32
        %dma_wait3A_147 = tpu.memref_slice %arg17[%dma_wait3A_145, %dma_wait3A_146] : memref<400x24xf32, #tpu.memory_space<vmem>> -> memref<400x24xf32, #tpu.memory_space<vmem>>
        %dma_wait3A_148 = arith.constant 0 : i32
        %dma_wait3A_149 = tpu.memref_slice %arg19[%add3A_104, %dma_wait3A_148] : memref<50048x24xf32, #tpu.memory_space<vmem_shared>> -> memref<400x24xf32, #tpu.memory_space<vmem_shared>>
        %dma_wait3A_150 = arith.constant 0 : i32
        %dma_wait3A_151 = arith.constant 0 : i32
        %dma_wait3A_152 = tpu.memref_slice %arg17[%dma_wait3A_150, %dma_wait3A_151] : memref<400x24xf32, #tpu.memory_space<vmem>> -> memref<400x24xf32, #tpu.memory_space<vmem>>
        %dma_wait3A_153 = arith.constant 0 : i32
        %dma_wait3A_154 = tpu.memref_slice %arg19[%add3A_104, %dma_wait3A_153] : memref<50048x24xf32, #tpu.memory_space<vmem_shared>> -> memref<400x24xf32, #tpu.memory_space<vmem_shared>>
        tpu.wait_dma2 semaphore(%run_scoped3A : memref<!tpu.dma_semaphore, #tpu.memory_space<semaphore_mem>>) src(%dma_wait3A_154 : memref<400x24xf32, #tpu.memory_space<vmem_shared>>) dst(%dma_wait3A_152 : memref<400x24xf32, #tpu.memory_space<vmem>>)
        tpu.yield
      }) : () -> ()
      %add3A_105 = arith.constant 0 : i32
      %add3A_106 = arith.addi %mul3A_45, %add3A_105 : i32
      "tpu.region"() ({
        %run_scoped3A = tpu.sem_alloc : memref<!tpu.dma_semaphore, #tpu.memory_space<semaphore_mem>>
        %dma_start3A_135 = arith.constant 0 : i32
        %dma_start3A_136 = arith.constant 0 : i32
        %dma_start3A_137 = tpu.memref_slice %arg17[%dma_start3A_135, %dma_start3A_136] : memref<400x24xf32, #tpu.memory_space<vmem>> -> memref<400x24xf32, #tpu.memory_space<vmem>>
        %dma_start3A_138 = arith.constant 0 : i32
        %dma_start3A_139 = tpu.memref_slice %arg8[%add3A_106, %dma_start3A_138] : memref<50048x24xf32, #tpu.memory_space<hbm>> -> memref<400x24xf32, #tpu.memory_space<hbm>>
        %dma_start3A_140 = arith.constant 0 : i32
        %dma_start3A_141 = tpu.memref_slice %arg8[%add3A_106, %dma_start3A_140] : memref<50048x24xf32, #tpu.memory_space<hbm>> -> memref<400x24xf32, #tpu.memory_space<hbm>>
        %dma_start3A_142 = arith.constant 0 : i32
        %dma_start3A_143 = arith.constant 0 : i32
        %dma_start3A_144 = tpu.memref_slice %arg17[%dma_start3A_142, %dma_start3A_143] : memref<400x24xf32, #tpu.memory_space<vmem>> -> memref<400x24xf32, #tpu.memory_space<vmem>>
        tpu.enqueue_dma source(%dma_start3A_144 : memref<400x24xf32, #tpu.memory_space<vmem>>) target(%dma_start3A_141 : memref<400x24xf32, #tpu.memory_space<hbm>>) target_semaphore(%run_scoped3A : memref<!tpu.dma_semaphore, #tpu.memory_space<semaphore_mem>>)
        %dma_wait3A_145 = arith.constant 0 : i32
        %dma_wait3A_146 = arith.constant 0 : i32
        %dma_wait3A_147 = tpu.memref_slice %arg17[%dma_wait3A_145, %dma_wait3A_146] : memref<400x24xf32, #tpu.memory_space<vmem>> -> memref<400x24xf32, #tpu.memory_space<vmem>>
        %dma_wait3A_148 = arith.constant 0 : i32
        %dma_wait3A_149 = tpu.memref_slice %arg8[%add3A_106, %dma_wait3A_148] : memref<50048x24xf32, #tpu.memory_space<hbm>> -> memref<400x24xf32, #tpu.memory_space<hbm>>
        %dma_wait3A_150 = arith.constant 0 : i32
        %dma_wait3A_151 = tpu.memref_slice %arg8[%add3A_106, %dma_wait3A_150] : memref<50048x24xf32, #tpu.memory_space<hbm>> -> memref<400x24xf32, #tpu.memory_space<hbm>>
        %dma_wait3A_152 = arith.constant 0 : i32
        %dma_wait3A_153 = arith.constant 0 : i32
        %dma_wait3A_154 = tpu.memref_slice %arg17[%dma_wait3A_152, %dma_wait3A_153] : memref<400x24xf32, #tpu.memory_space<vmem>> -> memref<400x24xf32, #tpu.memory_space<vmem>>
        tpu.wait_dma2 semaphore(%run_scoped3A : memref<!tpu.dma_semaphore, #tpu.memory_space<semaphore_mem>>) src(%dma_wait3A_154 : memref<400x24xf32, #tpu.memory_space<vmem>>) dst(%dma_wait3A_151 : memref<400x24xf32, #tpu.memory_space<hbm>>)
        tpu.yield
      }) : () -> ()
      %add3A_107 = arith.constant 400 : i32
      %add3A_108 = arith.addi %mul3A_45, %add3A_107 : i32
      "tpu.region"() ({
        %run_scoped3A = tpu.sem_alloc : memref<!tpu.dma_semaphore, #tpu.memory_space<semaphore_mem>>
        %dma_start3A_135 = arith.constant 0 : i32
        %dma_start3A_136 = arith.constant 0 : i32
        %dma_start3A_137 = tpu.memref_slice %arg17[%dma_start3A_135, %dma_start3A_136] : memref<400x24xf32, #tpu.memory_space<vmem>> -> memref<400x24xf32, #tpu.memory_space<vmem>>
        %dma_start3A_138 = arith.constant 0 : i32
        %dma_start3A_139 = tpu.memref_slice %arg19[%add3A_108, %dma_start3A_138] : memref<50048x24xf32, #tpu.memory_space<vmem_shared>> -> memref<400x24xf32, #tpu.memory_space<vmem_shared>>
        %dma_start3A_140 = arith.constant 0 : i32
        %dma_start3A_141 = arith.constant 0 : i32
        %dma_start3A_142 = tpu.memref_slice %arg17[%dma_start3A_140, %dma_start3A_141] : memref<400x24xf32, #tpu.memory_space<vmem>> -> memref<400x24xf32, #tpu.memory_space<vmem>>
        %dma_start3A_143 = arith.constant 0 : i32
        %dma_start3A_144 = tpu.memref_slice %arg19[%add3A_108, %dma_start3A_143] : memref<50048x24xf32, #tpu.memory_space<vmem_shared>> -> memref<400x24xf32, #tpu.memory_space<vmem_shared>>
        tpu.enqueue_dma source(%dma_start3A_144 : memref<400x24xf32, #tpu.memory_space<vmem_shared>>) target(%dma_start3A_142 : memref<400x24xf32, #tpu.memory_space<vmem>>) target_semaphore(%run_scoped3A : memref<!tpu.dma_semaphore, #tpu.memory_space<semaphore_mem>>)
        %dma_wait3A_145 = arith.constant 0 : i32
        %dma_wait3A_146 = arith.constant 0 : i32
        %dma_wait3A_147 = tpu.memref_slice %arg17[%dma_wait3A_145, %dma_wait3A_146] : memref<400x24xf32, #tpu.memory_space<vmem>> -> memref<400x24xf32, #tpu.memory_space<vmem>>
        %dma_wait3A_148 = arith.constant 0 : i32
        %dma_wait3A_149 = tpu.memref_slice %arg19[%add3A_108, %dma_wait3A_148] : memref<50048x24xf32, #tpu.memory_space<vmem_shared>> -> memref<400x24xf32, #tpu.memory_space<vmem_shared>>
        %dma_wait3A_150 = arith.constant 0 : i32
        %dma_wait3A_151 = arith.constant 0 : i32
        %dma_wait3A_152 = tpu.memref_slice %arg17[%dma_wait3A_150, %dma_wait3A_151] : memref<400x24xf32, #tpu.memory_space<vmem>> -> memref<400x24xf32, #tpu.memory_space<vmem>>
        %dma_wait3A_153 = arith.constant 0 : i32
        %dma_wait3A_154 = tpu.memref_slice %arg19[%add3A_108, %dma_wait3A_153] : memref<50048x24xf32, #tpu.memory_space<vmem_shared>> -> memref<400x24xf32, #tpu.memory_space<vmem_shared>>
        tpu.wait_dma2 semaphore(%run_scoped3A : memref<!tpu.dma_semaphore, #tpu.memory_space<semaphore_mem>>) src(%dma_wait3A_154 : memref<400x24xf32, #tpu.memory_space<vmem_shared>>) dst(%dma_wait3A_152 : memref<400x24xf32, #tpu.memory_space<vmem>>)
        tpu.yield
      }) : () -> ()
      %add3A_109 = arith.constant 400 : i32
      %add3A_110 = arith.addi %mul3A_45, %add3A_109 : i32
      "tpu.region"() ({
        %run_scoped3A = tpu.sem_alloc : memref<!tpu.dma_semaphore, #tpu.memory_space<semaphore_mem>>
        %dma_start3A_135 = arith.constant 0 : i32
        %dma_start3A_136 = arith.constant 0 : i32
        %dma_start3A_137 = tpu.memref_slice %arg17[%dma_start3A_135, %dma_start3A_136] : memref<400x24xf32, #tpu.memory_space<vmem>> -> memref<400x24xf32, #tpu.memory_space<vmem>>
        %dma_start3A_138 = arith.constant 0 : i32
        %dma_start3A_139 = tpu.memref_slice %arg8[%add3A_110, %dma_start3A_138] : memref<50048x24xf32, #tpu.memory_space<hbm>> -> memref<400x24xf32, #tpu.memory_space<hbm>>
        %dma_start3A_140 = arith.constant 0 : i32
        %dma_start3A_141 = tpu.memref_slice %arg8[%add3A_110, %dma_start3A_140] : memref<50048x24xf32, #tpu.memory_space<hbm>> -> memref<400x24xf32, #tpu.memory_space<hbm>>
        %dma_start3A_142 = arith.constant 0 : i32
        %dma_start3A_143 = arith.constant 0 : i32
        %dma_start3A_144 = tpu.memref_slice %arg17[%dma_start3A_142, %dma_start3A_143] : memref<400x24xf32, #tpu.memory_space<vmem>> -> memref<400x24xf32, #tpu.memory_space<vmem>>
        tpu.enqueue_dma source(%dma_start3A_144 : memref<400x24xf32, #tpu.memory_space<vmem>>) target(%dma_start3A_141 : memref<400x24xf32, #tpu.memory_space<hbm>>) target_semaphore(%run_scoped3A : memref<!tpu.dma_semaphore, #tpu.memory_space<semaphore_mem>>)
        %dma_wait3A_145 = arith.constant 0 : i32
        %dma_wait3A_146 = arith.constant 0 : i32
        %dma_wait3A_147 = tpu.memref_slice %arg17[%dma_wait3A_145, %dma_wait3A_146] : memref<400x24xf32, #tpu.memory_space<vmem>> -> memref<400x24xf32, #tpu.memory_space<vmem>>
        %dma_wait3A_148 = arith.constant 0 : i32
        %dma_wait3A_149 = tpu.memref_slice %arg8[%add3A_110, %dma_wait3A_148] : memref<50048x24xf32, #tpu.memory_space<hbm>> -> memref<400x24xf32, #tpu.memory_space<hbm>>
        %dma_wait3A_150 = arith.constant 0 : i32
        %dma_wait3A_151 = tpu.memref_slice %arg8[%add3A_110, %dma_wait3A_150] : memref<50048x24xf32, #tpu.memory_space<hbm>> -> memref<400x24xf32, #tpu.memory_space<hbm>>
        %dma_wait3A_152 = arith.constant 0 : i32
        %dma_wait3A_153 = arith.constant 0 : i32
        %dma_wait3A_154 = tpu.memref_slice %arg17[%dma_wait3A_152, %dma_wait3A_153] : memref<400x24xf32, #tpu.memory_space<vmem>> -> memref<400x24xf32, #tpu.memory_space<vmem>>
        tpu.wait_dma2 semaphore(%run_scoped3A : memref<!tpu.dma_semaphore, #tpu.memory_space<semaphore_mem>>) src(%dma_wait3A_154 : memref<400x24xf32, #tpu.memory_space<vmem>>) dst(%dma_wait3A_151 : memref<400x24xf32, #tpu.memory_space<hbm>>)
        tpu.yield
      }) : () -> ()
      %add3A_111 = arith.constant 800 : i32
      %add3A_112 = arith.addi %mul3A_45, %add3A_111 : i32
      "tpu.region"() ({
        %run_scoped3A = tpu.sem_alloc : memref<!tpu.dma_semaphore, #tpu.memory_space<semaphore_mem>>
        %dma_start3A_135 = arith.constant 0 : i32
        %dma_start3A_136 = arith.constant 0 : i32
        %dma_start3A_137 = tpu.memref_slice %arg17[%dma_start3A_135, %dma_start3A_136] : memref<400x24xf32, #tpu.memory_space<vmem>> -> memref<400x24xf32, #tpu.memory_space<vmem>>
        %dma_start3A_138 = arith.constant 0 : i32
        %dma_start3A_139 = tpu.memref_slice %arg19[%add3A_112, %dma_start3A_138] : memref<50048x24xf32, #tpu.memory_space<vmem_shared>> -> memref<400x24xf32, #tpu.memory_space<vmem_shared>>
        %dma_start3A_140 = arith.constant 0 : i32
        %dma_start3A_141 = arith.constant 0 : i32
        %dma_start3A_142 = tpu.memref_slice %arg17[%dma_start3A_140, %dma_start3A_141] : memref<400x24xf32, #tpu.memory_space<vmem>> -> memref<400x24xf32, #tpu.memory_space<vmem>>
        %dma_start3A_143 = arith.constant 0 : i32
        %dma_start3A_144 = tpu.memref_slice %arg19[%add3A_112, %dma_start3A_143] : memref<50048x24xf32, #tpu.memory_space<vmem_shared>> -> memref<400x24xf32, #tpu.memory_space<vmem_shared>>
        tpu.enqueue_dma source(%dma_start3A_144 : memref<400x24xf32, #tpu.memory_space<vmem_shared>>) target(%dma_start3A_142 : memref<400x24xf32, #tpu.memory_space<vmem>>) target_semaphore(%run_scoped3A : memref<!tpu.dma_semaphore, #tpu.memory_space<semaphore_mem>>)
        %dma_wait3A_145 = arith.constant 0 : i32
        %dma_wait3A_146 = arith.constant 0 : i32
        %dma_wait3A_147 = tpu.memref_slice %arg17[%dma_wait3A_145, %dma_wait3A_146] : memref<400x24xf32, #tpu.memory_space<vmem>> -> memref<400x24xf32, #tpu.memory_space<vmem>>
        %dma_wait3A_148 = arith.constant 0 : i32
        %dma_wait3A_149 = tpu.memref_slice %arg19[%add3A_112, %dma_wait3A_148] : memref<50048x24xf32, #tpu.memory_space<vmem_shared>> -> memref<400x24xf32, #tpu.memory_space<vmem_shared>>
        %dma_wait3A_150 = arith.constant 0 : i32
        %dma_wait3A_151 = arith.constant 0 : i32
        %dma_wait3A_152 = tpu.memref_slice %arg17[%dma_wait3A_150, %dma_wait3A_151] : memref<400x24xf32, #tpu.memory_space<vmem>> -> memref<400x24xf32, #tpu.memory_space<vmem>>
        %dma_wait3A_153 = arith.constant 0 : i32
        %dma_wait3A_154 = tpu.memref_slice %arg19[%add3A_112, %dma_wait3A_153] : memref<50048x24xf32, #tpu.memory_space<vmem_shared>> -> memref<400x24xf32, #tpu.memory_space<vmem_shared>>
        tpu.wait_dma2 semaphore(%run_scoped3A : memref<!tpu.dma_semaphore, #tpu.memory_space<semaphore_mem>>) src(%dma_wait3A_154 : memref<400x24xf32, #tpu.memory_space<vmem_shared>>) dst(%dma_wait3A_152 : memref<400x24xf32, #tpu.memory_space<vmem>>)
        tpu.yield
      }) : () -> ()
      %add3A_113 = arith.constant 800 : i32
      %add3A_114 = arith.addi %mul3A_45, %add3A_113 : i32
      "tpu.region"() ({
        %run_scoped3A = tpu.sem_alloc : memref<!tpu.dma_semaphore, #tpu.memory_space<semaphore_mem>>
        %dma_start3A_135 = arith.constant 0 : i32
        %dma_start3A_136 = arith.constant 0 : i32
        %dma_start3A_137 = tpu.memref_slice %arg17[%dma_start3A_135, %dma_start3A_136] : memref<400x24xf32, #tpu.memory_space<vmem>> -> memref<400x24xf32, #tpu.memory_space<vmem>>
        %dma_start3A_138 = arith.constant 0 : i32
        %dma_start3A_139 = tpu.memref_slice %arg8[%add3A_114, %dma_start3A_138] : memref<50048x24xf32, #tpu.memory_space<hbm>> -> memref<400x24xf32, #tpu.memory_space<hbm>>
        %dma_start3A_140 = arith.constant 0 : i32
        %dma_start3A_141 = tpu.memref_slice %arg8[%add3A_114, %dma_start3A_140] : memref<50048x24xf32, #tpu.memory_space<hbm>> -> memref<400x24xf32, #tpu.memory_space<hbm>>
        %dma_start3A_142 = arith.constant 0 : i32
        %dma_start3A_143 = arith.constant 0 : i32
        %dma_start3A_144 = tpu.memref_slice %arg17[%dma_start3A_142, %dma_start3A_143] : memref<400x24xf32, #tpu.memory_space<vmem>> -> memref<400x24xf32, #tpu.memory_space<vmem>>
        tpu.enqueue_dma source(%dma_start3A_144 : memref<400x24xf32, #tpu.memory_space<vmem>>) target(%dma_start3A_141 : memref<400x24xf32, #tpu.memory_space<hbm>>) target_semaphore(%run_scoped3A : memref<!tpu.dma_semaphore, #tpu.memory_space<semaphore_mem>>)
        %dma_wait3A_145 = arith.constant 0 : i32
        %dma_wait3A_146 = arith.constant 0 : i32
        %dma_wait3A_147 = tpu.memref_slice %arg17[%dma_wait3A_145, %dma_wait3A_146] : memref<400x24xf32, #tpu.memory_space<vmem>> -> memref<400x24xf32, #tpu.memory_space<vmem>>
        %dma_wait3A_148 = arith.constant 0 : i32
        %dma_wait3A_149 = tpu.memref_slice %arg8[%add3A_114, %dma_wait3A_148] : memref<50048x24xf32, #tpu.memory_space<hbm>> -> memref<400x24xf32, #tpu.memory_space<hbm>>
        %dma_wait3A_150 = arith.constant 0 : i32
        %dma_wait3A_151 = tpu.memref_slice %arg8[%add3A_114, %dma_wait3A_150] : memref<50048x24xf32, #tpu.memory_space<hbm>> -> memref<400x24xf32, #tpu.memory_space<hbm>>
        %dma_wait3A_152 = arith.constant 0 : i32
        %dma_wait3A_153 = arith.constant 0 : i32
        %dma_wait3A_154 = tpu.memref_slice %arg17[%dma_wait3A_152, %dma_wait3A_153] : memref<400x24xf32, #tpu.memory_space<vmem>> -> memref<400x24xf32, #tpu.memory_space<vmem>>
        tpu.wait_dma2 semaphore(%run_scoped3A : memref<!tpu.dma_semaphore, #tpu.memory_space<semaphore_mem>>) src(%dma_wait3A_154 : memref<400x24xf32, #tpu.memory_space<vmem>>) dst(%dma_wait3A_151 : memref<400x24xf32, #tpu.memory_space<hbm>>)
        tpu.yield
      }) : () -> ()
      %add3A_115 = arith.constant 1200 : i32
      %add3A_116 = arith.addi %mul3A_45, %add3A_115 : i32
      "tpu.region"() ({
        %run_scoped3A = tpu.sem_alloc : memref<!tpu.dma_semaphore, #tpu.memory_space<semaphore_mem>>
        %dma_start3A_135 = arith.constant 0 : i32
        %dma_start3A_136 = arith.constant 0 : i32
        %dma_start3A_137 = tpu.memref_slice %arg17[%dma_start3A_135, %dma_start3A_136] : memref<400x24xf32, #tpu.memory_space<vmem>> -> memref<400x24xf32, #tpu.memory_space<vmem>>
        %dma_start3A_138 = arith.constant 0 : i32
        %dma_start3A_139 = tpu.memref_slice %arg19[%add3A_116, %dma_start3A_138] : memref<50048x24xf32, #tpu.memory_space<vmem_shared>> -> memref<400x24xf32, #tpu.memory_space<vmem_shared>>
        %dma_start3A_140 = arith.constant 0 : i32
        %dma_start3A_141 = arith.constant 0 : i32
        %dma_start3A_142 = tpu.memref_slice %arg17[%dma_start3A_140, %dma_start3A_141] : memref<400x24xf32, #tpu.memory_space<vmem>> -> memref<400x24xf32, #tpu.memory_space<vmem>>
        %dma_start3A_143 = arith.constant 0 : i32
        %dma_start3A_144 = tpu.memref_slice %arg19[%add3A_116, %dma_start3A_143] : memref<50048x24xf32, #tpu.memory_space<vmem_shared>> -> memref<400x24xf32, #tpu.memory_space<vmem_shared>>
        tpu.enqueue_dma source(%dma_start3A_144 : memref<400x24xf32, #tpu.memory_space<vmem_shared>>) target(%dma_start3A_142 : memref<400x24xf32, #tpu.memory_space<vmem>>) target_semaphore(%run_scoped3A : memref<!tpu.dma_semaphore, #tpu.memory_space<semaphore_mem>>)
        %dma_wait3A_145 = arith.constant 0 : i32
        %dma_wait3A_146 = arith.constant 0 : i32
        %dma_wait3A_147 = tpu.memref_slice %arg17[%dma_wait3A_145, %dma_wait3A_146] : memref<400x24xf32, #tpu.memory_space<vmem>> -> memref<400x24xf32, #tpu.memory_space<vmem>>
        %dma_wait3A_148 = arith.constant 0 : i32
        %dma_wait3A_149 = tpu.memref_slice %arg19[%add3A_116, %dma_wait3A_148] : memref<50048x24xf32, #tpu.memory_space<vmem_shared>> -> memref<400x24xf32, #tpu.memory_space<vmem_shared>>
        %dma_wait3A_150 = arith.constant 0 : i32
        %dma_wait3A_151 = arith.constant 0 : i32
        %dma_wait3A_152 = tpu.memref_slice %arg17[%dma_wait3A_150, %dma_wait3A_151] : memref<400x24xf32, #tpu.memory_space<vmem>> -> memref<400x24xf32, #tpu.memory_space<vmem>>
        %dma_wait3A_153 = arith.constant 0 : i32
        %dma_wait3A_154 = tpu.memref_slice %arg19[%add3A_116, %dma_wait3A_153] : memref<50048x24xf32, #tpu.memory_space<vmem_shared>> -> memref<400x24xf32, #tpu.memory_space<vmem_shared>>
        tpu.wait_dma2 semaphore(%run_scoped3A : memref<!tpu.dma_semaphore, #tpu.memory_space<semaphore_mem>>) src(%dma_wait3A_154 : memref<400x24xf32, #tpu.memory_space<vmem_shared>>) dst(%dma_wait3A_152 : memref<400x24xf32, #tpu.memory_space<vmem>>)
        tpu.yield
      }) : () -> ()
      %add3A_117 = arith.constant 1200 : i32
      %add3A_118 = arith.addi %mul3A_45, %add3A_117 : i32
      "tpu.region"() ({
        %run_scoped3A = tpu.sem_alloc : memref<!tpu.dma_semaphore, #tpu.memory_space<semaphore_mem>>
        %dma_start3A_135 = arith.constant 0 : i32
        %dma_start3A_136 = arith.constant 0 : i32
        %dma_start3A_137 = tpu.memref_slice %arg17[%dma_start3A_135, %dma_start3A_136] : memref<400x24xf32, #tpu.memory_space<vmem>> -> memref<400x24xf32, #tpu.memory_space<vmem>>
        %dma_start3A_138 = arith.constant 0 : i32
        %dma_start3A_139 = tpu.memref_slice %arg8[%add3A_118, %dma_start3A_138] : memref<50048x24xf32, #tpu.memory_space<hbm>> -> memref<400x24xf32, #tpu.memory_space<hbm>>
        %dma_start3A_140 = arith.constant 0 : i32
        %dma_start3A_141 = tpu.memref_slice %arg8[%add3A_118, %dma_start3A_140] : memref<50048x24xf32, #tpu.memory_space<hbm>> -> memref<400x24xf32, #tpu.memory_space<hbm>>
        %dma_start3A_142 = arith.constant 0 : i32
        %dma_start3A_143 = arith.constant 0 : i32
        %dma_start3A_144 = tpu.memref_slice %arg17[%dma_start3A_142, %dma_start3A_143] : memref<400x24xf32, #tpu.memory_space<vmem>> -> memref<400x24xf32, #tpu.memory_space<vmem>>
        tpu.enqueue_dma source(%dma_start3A_144 : memref<400x24xf32, #tpu.memory_space<vmem>>) target(%dma_start3A_141 : memref<400x24xf32, #tpu.memory_space<hbm>>) target_semaphore(%run_scoped3A : memref<!tpu.dma_semaphore, #tpu.memory_space<semaphore_mem>>)
        %dma_wait3A_145 = arith.constant 0 : i32
        %dma_wait3A_146 = arith.constant 0 : i32
        %dma_wait3A_147 = tpu.memref_slice %arg17[%dma_wait3A_145, %dma_wait3A_146] : memref<400x24xf32, #tpu.memory_space<vmem>> -> memref<400x24xf32, #tpu.memory_space<vmem>>
        %dma_wait3A_148 = arith.constant 0 : i32
        %dma_wait3A_149 = tpu.memref_slice %arg8[%add3A_118, %dma_wait3A_148] : memref<50048x24xf32, #tpu.memory_space<hbm>> -> memref<400x24xf32, #tpu.memory_space<hbm>>
        %dma_wait3A_150 = arith.constant 0 : i32
        %dma_wait3A_151 = tpu.memref_slice %arg8[%add3A_118, %dma_wait3A_150] : memref<50048x24xf32, #tpu.memory_space<hbm>> -> memref<400x24xf32, #tpu.memory_space<hbm>>
        %dma_wait3A_152 = arith.constant 0 : i32
        %dma_wait3A_153 = arith.constant 0 : i32
        %dma_wait3A_154 = tpu.memref_slice %arg17[%dma_wait3A_152, %dma_wait3A_153] : memref<400x24xf32, #tpu.memory_space<vmem>> -> memref<400x24xf32, #tpu.memory_space<vmem>>
        tpu.wait_dma2 semaphore(%run_scoped3A : memref<!tpu.dma_semaphore, #tpu.memory_space<semaphore_mem>>) src(%dma_wait3A_154 : memref<400x24xf32, #tpu.memory_space<vmem>>) dst(%dma_wait3A_151 : memref<400x24xf32, #tpu.memory_space<hbm>>)
        tpu.yield
      }) : () -> ()
      %add3A_119 = arith.constant 1600 : i32
      %add3A_120 = arith.addi %mul3A_45, %add3A_119 : i32
      "tpu.region"() ({
        %run_scoped3A = tpu.sem_alloc : memref<!tpu.dma_semaphore, #tpu.memory_space<semaphore_mem>>
        %dma_start3A_135 = arith.constant 0 : i32
        %dma_start3A_136 = arith.constant 0 : i32
        %dma_start3A_137 = tpu.memref_slice %arg17[%dma_start3A_135, %dma_start3A_136] : memref<400x24xf32, #tpu.memory_space<vmem>> -> memref<400x24xf32, #tpu.memory_space<vmem>>
        %dma_start3A_138 = arith.constant 0 : i32
        %dma_start3A_139 = tpu.memref_slice %arg19[%add3A_120, %dma_start3A_138] : memref<50048x24xf32, #tpu.memory_space<vmem_shared>> -> memref<400x24xf32, #tpu.memory_space<vmem_shared>>
        %dma_start3A_140 = arith.constant 0 : i32
        %dma_start3A_141 = arith.constant 0 : i32
        %dma_start3A_142 = tpu.memref_slice %arg17[%dma_start3A_140, %dma_start3A_141] : memref<400x24xf32, #tpu.memory_space<vmem>> -> memref<400x24xf32, #tpu.memory_space<vmem>>
        %dma_start3A_143 = arith.constant 0 : i32
        %dma_start3A_144 = tpu.memref_slice %arg19[%add3A_120, %dma_start3A_143] : memref<50048x24xf32, #tpu.memory_space<vmem_shared>> -> memref<400x24xf32, #tpu.memory_space<vmem_shared>>
        tpu.enqueue_dma source(%dma_start3A_144 : memref<400x24xf32, #tpu.memory_space<vmem_shared>>) target(%dma_start3A_142 : memref<400x24xf32, #tpu.memory_space<vmem>>) target_semaphore(%run_scoped3A : memref<!tpu.dma_semaphore, #tpu.memory_space<semaphore_mem>>)
        %dma_wait3A_145 = arith.constant 0 : i32
        %dma_wait3A_146 = arith.constant 0 : i32
        %dma_wait3A_147 = tpu.memref_slice %arg17[%dma_wait3A_145, %dma_wait3A_146] : memref<400x24xf32, #tpu.memory_space<vmem>> -> memref<400x24xf32, #tpu.memory_space<vmem>>
        %dma_wait3A_148 = arith.constant 0 : i32
        %dma_wait3A_149 = tpu.memref_slice %arg19[%add3A_120, %dma_wait3A_148] : memref<50048x24xf32, #tpu.memory_space<vmem_shared>> -> memref<400x24xf32, #tpu.memory_space<vmem_shared>>
        %dma_wait3A_150 = arith.constant 0 : i32
        %dma_wait3A_151 = arith.constant 0 : i32
        %dma_wait3A_152 = tpu.memref_slice %arg17[%dma_wait3A_150, %dma_wait3A_151] : memref<400x24xf32, #tpu.memory_space<vmem>> -> memref<400x24xf32, #tpu.memory_space<vmem>>
        %dma_wait3A_153 = arith.constant 0 : i32
        %dma_wait3A_154 = tpu.memref_slice %arg19[%add3A_120, %dma_wait3A_153] : memref<50048x24xf32, #tpu.memory_space<vmem_shared>> -> memref<400x24xf32, #tpu.memory_space<vmem_shared>>
        tpu.wait_dma2 semaphore(%run_scoped3A : memref<!tpu.dma_semaphore, #tpu.memory_space<semaphore_mem>>) src(%dma_wait3A_154 : memref<400x24xf32, #tpu.memory_space<vmem_shared>>) dst(%dma_wait3A_152 : memref<400x24xf32, #tpu.memory_space<vmem>>)
        tpu.yield
      }) : () -> ()
      %add3A_121 = arith.constant 1600 : i32
      %add3A_122 = arith.addi %mul3A_45, %add3A_121 : i32
      "tpu.region"() ({
        %run_scoped3A = tpu.sem_alloc : memref<!tpu.dma_semaphore, #tpu.memory_space<semaphore_mem>>
        %dma_start3A_135 = arith.constant 0 : i32
        %dma_start3A_136 = arith.constant 0 : i32
        %dma_start3A_137 = tpu.memref_slice %arg17[%dma_start3A_135, %dma_start3A_136] : memref<400x24xf32, #tpu.memory_space<vmem>> -> memref<400x24xf32, #tpu.memory_space<vmem>>
        %dma_start3A_138 = arith.constant 0 : i32
        %dma_start3A_139 = tpu.memref_slice %arg8[%add3A_122, %dma_start3A_138] : memref<50048x24xf32, #tpu.memory_space<hbm>> -> memref<400x24xf32, #tpu.memory_space<hbm>>
        %dma_start3A_140 = arith.constant 0 : i32
        %dma_start3A_141 = tpu.memref_slice %arg8[%add3A_122, %dma_start3A_140] : memref<50048x24xf32, #tpu.memory_space<hbm>> -> memref<400x24xf32, #tpu.memory_space<hbm>>
        %dma_start3A_142 = arith.constant 0 : i32
        %dma_start3A_143 = arith.constant 0 : i32
        %dma_start3A_144 = tpu.memref_slice %arg17[%dma_start3A_142, %dma_start3A_143] : memref<400x24xf32, #tpu.memory_space<vmem>> -> memref<400x24xf32, #tpu.memory_space<vmem>>
        tpu.enqueue_dma source(%dma_start3A_144 : memref<400x24xf32, #tpu.memory_space<vmem>>) target(%dma_start3A_141 : memref<400x24xf32, #tpu.memory_space<hbm>>) target_semaphore(%run_scoped3A : memref<!tpu.dma_semaphore, #tpu.memory_space<semaphore_mem>>)
        %dma_wait3A_145 = arith.constant 0 : i32
        %dma_wait3A_146 = arith.constant 0 : i32
        %dma_wait3A_147 = tpu.memref_slice %arg17[%dma_wait3A_145, %dma_wait3A_146] : memref<400x24xf32, #tpu.memory_space<vmem>> -> memref<400x24xf32, #tpu.memory_space<vmem>>
        %dma_wait3A_148 = arith.constant 0 : i32
        %dma_wait3A_149 = tpu.memref_slice %arg8[%add3A_122, %dma_wait3A_148] : memref<50048x24xf32, #tpu.memory_space<hbm>> -> memref<400x24xf32, #tpu.memory_space<hbm>>
        %dma_wait3A_150 = arith.constant 0 : i32
        %dma_wait3A_151 = tpu.memref_slice %arg8[%add3A_122, %dma_wait3A_150] : memref<50048x24xf32, #tpu.memory_space<hbm>> -> memref<400x24xf32, #tpu.memory_space<hbm>>
        %dma_wait3A_152 = arith.constant 0 : i32
        %dma_wait3A_153 = arith.constant 0 : i32
        %dma_wait3A_154 = tpu.memref_slice %arg17[%dma_wait3A_152, %dma_wait3A_153] : memref<400x24xf32, #tpu.memory_space<vmem>> -> memref<400x24xf32, #tpu.memory_space<vmem>>
        tpu.wait_dma2 semaphore(%run_scoped3A : memref<!tpu.dma_semaphore, #tpu.memory_space<semaphore_mem>>) src(%dma_wait3A_154 : memref<400x24xf32, #tpu.memory_space<vmem>>) dst(%dma_wait3A_151 : memref<400x24xf32, #tpu.memory_space<hbm>>)
        tpu.yield
      }) : () -> ()
      %add3A_123 = arith.constant 2000 : i32
      %add3A_124 = arith.addi %mul3A_45, %add3A_123 : i32
      "tpu.region"() ({
        %run_scoped3A = tpu.sem_alloc : memref<!tpu.dma_semaphore, #tpu.memory_space<semaphore_mem>>
        %dma_start3A_135 = arith.constant 0 : i32
        %dma_start3A_136 = arith.constant 0 : i32
        %dma_start3A_137 = tpu.memref_slice %arg17[%dma_start3A_135, %dma_start3A_136] : memref<400x24xf32, #tpu.memory_space<vmem>> -> memref<400x24xf32, #tpu.memory_space<vmem>>
        %dma_start3A_138 = arith.constant 0 : i32
        %dma_start3A_139 = tpu.memref_slice %arg19[%add3A_124, %dma_start3A_138] : memref<50048x24xf32, #tpu.memory_space<vmem_shared>> -> memref<400x24xf32, #tpu.memory_space<vmem_shared>>
        %dma_start3A_140 = arith.constant 0 : i32
        %dma_start3A_141 = arith.constant 0 : i32
        %dma_start3A_142 = tpu.memref_slice %arg17[%dma_start3A_140, %dma_start3A_141] : memref<400x24xf32, #tpu.memory_space<vmem>> -> memref<400x24xf32, #tpu.memory_space<vmem>>
        %dma_start3A_143 = arith.constant 0 : i32
        %dma_start3A_144 = tpu.memref_slice %arg19[%add3A_124, %dma_start3A_143] : memref<50048x24xf32, #tpu.memory_space<vmem_shared>> -> memref<400x24xf32, #tpu.memory_space<vmem_shared>>
        tpu.enqueue_dma source(%dma_start3A_144 : memref<400x24xf32, #tpu.memory_space<vmem_shared>>) target(%dma_start3A_142 : memref<400x24xf32, #tpu.memory_space<vmem>>) target_semaphore(%run_scoped3A : memref<!tpu.dma_semaphore, #tpu.memory_space<semaphore_mem>>)
        %dma_wait3A_145 = arith.constant 0 : i32
        %dma_wait3A_146 = arith.constant 0 : i32
        %dma_wait3A_147 = tpu.memref_slice %arg17[%dma_wait3A_145, %dma_wait3A_146] : memref<400x24xf32, #tpu.memory_space<vmem>> -> memref<400x24xf32, #tpu.memory_space<vmem>>
        %dma_wait3A_148 = arith.constant 0 : i32
        %dma_wait3A_149 = tpu.memref_slice %arg19[%add3A_124, %dma_wait3A_148] : memref<50048x24xf32, #tpu.memory_space<vmem_shared>> -> memref<400x24xf32, #tpu.memory_space<vmem_shared>>
        %dma_wait3A_150 = arith.constant 0 : i32
        %dma_wait3A_151 = arith.constant 0 : i32
        %dma_wait3A_152 = tpu.memref_slice %arg17[%dma_wait3A_150, %dma_wait3A_151] : memref<400x24xf32, #tpu.memory_space<vmem>> -> memref<400x24xf32, #tpu.memory_space<vmem>>
        %dma_wait3A_153 = arith.constant 0 : i32
        %dma_wait3A_154 = tpu.memref_slice %arg19[%add3A_124, %dma_wait3A_153] : memref<50048x24xf32, #tpu.memory_space<vmem_shared>> -> memref<400x24xf32, #tpu.memory_space<vmem_shared>>
        tpu.wait_dma2 semaphore(%run_scoped3A : memref<!tpu.dma_semaphore, #tpu.memory_space<semaphore_mem>>) src(%dma_wait3A_154 : memref<400x24xf32, #tpu.memory_space<vmem_shared>>) dst(%dma_wait3A_152 : memref<400x24xf32, #tpu.memory_space<vmem>>)
        tpu.yield
      }) : () -> ()
      %add3A_125 = arith.constant 2000 : i32
      %add3A_126 = arith.addi %mul3A_45, %add3A_125 : i32
      "tpu.region"() ({
        %run_scoped3A = tpu.sem_alloc : memref<!tpu.dma_semaphore, #tpu.memory_space<semaphore_mem>>
        %dma_start3A_135 = arith.constant 0 : i32
        %dma_start3A_136 = arith.constant 0 : i32
        %dma_start3A_137 = tpu.memref_slice %arg17[%dma_start3A_135, %dma_start3A_136] : memref<400x24xf32, #tpu.memory_space<vmem>> -> memref<400x24xf32, #tpu.memory_space<vmem>>
        %dma_start3A_138 = arith.constant 0 : i32
        %dma_start3A_139 = tpu.memref_slice %arg8[%add3A_126, %dma_start3A_138] : memref<50048x24xf32, #tpu.memory_space<hbm>> -> memref<400x24xf32, #tpu.memory_space<hbm>>
        %dma_start3A_140 = arith.constant 0 : i32
        %dma_start3A_141 = tpu.memref_slice %arg8[%add3A_126, %dma_start3A_140] : memref<50048x24xf32, #tpu.memory_space<hbm>> -> memref<400x24xf32, #tpu.memory_space<hbm>>
        %dma_start3A_142 = arith.constant 0 : i32
        %dma_start3A_143 = arith.constant 0 : i32
        %dma_start3A_144 = tpu.memref_slice %arg17[%dma_start3A_142, %dma_start3A_143] : memref<400x24xf32, #tpu.memory_space<vmem>> -> memref<400x24xf32, #tpu.memory_space<vmem>>
        tpu.enqueue_dma source(%dma_start3A_144 : memref<400x24xf32, #tpu.memory_space<vmem>>) target(%dma_start3A_141 : memref<400x24xf32, #tpu.memory_space<hbm>>) target_semaphore(%run_scoped3A : memref<!tpu.dma_semaphore, #tpu.memory_space<semaphore_mem>>)
        %dma_wait3A_145 = arith.constant 0 : i32
        %dma_wait3A_146 = arith.constant 0 : i32
        %dma_wait3A_147 = tpu.memref_slice %arg17[%dma_wait3A_145, %dma_wait3A_146] : memref<400x24xf32, #tpu.memory_space<vmem>> -> memref<400x24xf32, #tpu.memory_space<vmem>>
        %dma_wait3A_148 = arith.constant 0 : i32
        %dma_wait3A_149 = tpu.memref_slice %arg8[%add3A_126, %dma_wait3A_148] : memref<50048x24xf32, #tpu.memory_space<hbm>> -> memref<400x24xf32, #tpu.memory_space<hbm>>
        %dma_wait3A_150 = arith.constant 0 : i32
        %dma_wait3A_151 = tpu.memref_slice %arg8[%add3A_126, %dma_wait3A_150] : memref<50048x24xf32, #tpu.memory_space<hbm>> -> memref<400x24xf32, #tpu.memory_space<hbm>>
        %dma_wait3A_152 = arith.constant 0 : i32
        %dma_wait3A_153 = arith.constant 0 : i32
        %dma_wait3A_154 = tpu.memref_slice %arg17[%dma_wait3A_152, %dma_wait3A_153] : memref<400x24xf32, #tpu.memory_space<vmem>> -> memref<400x24xf32, #tpu.memory_space<vmem>>
        tpu.wait_dma2 semaphore(%run_scoped3A : memref<!tpu.dma_semaphore, #tpu.memory_space<semaphore_mem>>) src(%dma_wait3A_154 : memref<400x24xf32, #tpu.memory_space<vmem>>) dst(%dma_wait3A_151 : memref<400x24xf32, #tpu.memory_space<hbm>>)
        tpu.yield
      }) : () -> ()
      %add3A_127 = arith.constant 2400 : i32
      %add3A_128 = arith.addi %mul3A_45, %add3A_127 : i32
      "tpu.region"() ({
        %run_scoped3A = tpu.sem_alloc : memref<!tpu.dma_semaphore, #tpu.memory_space<semaphore_mem>>
        %dma_start3A_135 = arith.constant 0 : i32
        %dma_start3A_136 = arith.constant 0 : i32
        %dma_start3A_137 = tpu.memref_slice %arg17[%dma_start3A_135, %dma_start3A_136] : memref<400x24xf32, #tpu.memory_space<vmem>> -> memref<400x24xf32, #tpu.memory_space<vmem>>
        %dma_start3A_138 = arith.constant 0 : i32
        %dma_start3A_139 = tpu.memref_slice %arg19[%add3A_128, %dma_start3A_138] : memref<50048x24xf32, #tpu.memory_space<vmem_shared>> -> memref<400x24xf32, #tpu.memory_space<vmem_shared>>
        %dma_start3A_140 = arith.constant 0 : i32
        %dma_start3A_141 = arith.constant 0 : i32
        %dma_start3A_142 = tpu.memref_slice %arg17[%dma_start3A_140, %dma_start3A_141] : memref<400x24xf32, #tpu.memory_space<vmem>> -> memref<400x24xf32, #tpu.memory_space<vmem>>
        %dma_start3A_143 = arith.constant 0 : i32
        %dma_start3A_144 = tpu.memref_slice %arg19[%add3A_128, %dma_start3A_143] : memref<50048x24xf32, #tpu.memory_space<vmem_shared>> -> memref<400x24xf32, #tpu.memory_space<vmem_shared>>
        tpu.enqueue_dma source(%dma_start3A_144 : memref<400x24xf32, #tpu.memory_space<vmem_shared>>) target(%dma_start3A_142 : memref<400x24xf32, #tpu.memory_space<vmem>>) target_semaphore(%run_scoped3A : memref<!tpu.dma_semaphore, #tpu.memory_space<semaphore_mem>>)
        %dma_wait3A_145 = arith.constant 0 : i32
        %dma_wait3A_146 = arith.constant 0 : i32
        %dma_wait3A_147 = tpu.memref_slice %arg17[%dma_wait3A_145, %dma_wait3A_146] : memref<400x24xf32, #tpu.memory_space<vmem>> -> memref<400x24xf32, #tpu.memory_space<vmem>>
        %dma_wait3A_148 = arith.constant 0 : i32
        %dma_wait3A_149 = tpu.memref_slice %arg19[%add3A_128, %dma_wait3A_148] : memref<50048x24xf32, #tpu.memory_space<vmem_shared>> -> memref<400x24xf32, #tpu.memory_space<vmem_shared>>
        %dma_wait3A_150 = arith.constant 0 : i32
        %dma_wait3A_151 = arith.constant 0 : i32
        %dma_wait3A_152 = tpu.memref_slice %arg17[%dma_wait3A_150, %dma_wait3A_151] : memref<400x24xf32, #tpu.memory_space<vmem>> -> memref<400x24xf32, #tpu.memory_space<vmem>>
        %dma_wait3A_153 = arith.constant 0 : i32
        %dma_wait3A_154 = tpu.memref_slice %arg19[%add3A_128, %dma_wait3A_153] : memref<50048x24xf32, #tpu.memory_space<vmem_shared>> -> memref<400x24xf32, #tpu.memory_space<vmem_shared>>
        tpu.wait_dma2 semaphore(%run_scoped3A : memref<!tpu.dma_semaphore, #tpu.memory_space<semaphore_mem>>) src(%dma_wait3A_154 : memref<400x24xf32, #tpu.memory_space<vmem_shared>>) dst(%dma_wait3A_152 : memref<400x24xf32, #tpu.memory_space<vmem>>)
        tpu.yield
      }) : () -> ()
      %add3A_129 = arith.constant 2400 : i32
      %add3A_130 = arith.addi %mul3A_45, %add3A_129 : i32
      "tpu.region"() ({
        %run_scoped3A = tpu.sem_alloc : memref<!tpu.dma_semaphore, #tpu.memory_space<semaphore_mem>>
        %dma_start3A_135 = arith.constant 0 : i32
        %dma_start3A_136 = arith.constant 0 : i32
        %dma_start3A_137 = tpu.memref_slice %arg17[%dma_start3A_135, %dma_start3A_136] : memref<400x24xf32, #tpu.memory_space<vmem>> -> memref<400x24xf32, #tpu.memory_space<vmem>>
        %dma_start3A_138 = arith.constant 0 : i32
        %dma_start3A_139 = tpu.memref_slice %arg8[%add3A_130, %dma_start3A_138] : memref<50048x24xf32, #tpu.memory_space<hbm>> -> memref<400x24xf32, #tpu.memory_space<hbm>>
        %dma_start3A_140 = arith.constant 0 : i32
        %dma_start3A_141 = tpu.memref_slice %arg8[%add3A_130, %dma_start3A_140] : memref<50048x24xf32, #tpu.memory_space<hbm>> -> memref<400x24xf32, #tpu.memory_space<hbm>>
        %dma_start3A_142 = arith.constant 0 : i32
        %dma_start3A_143 = arith.constant 0 : i32
        %dma_start3A_144 = tpu.memref_slice %arg17[%dma_start3A_142, %dma_start3A_143] : memref<400x24xf32, #tpu.memory_space<vmem>> -> memref<400x24xf32, #tpu.memory_space<vmem>>
        tpu.enqueue_dma source(%dma_start3A_144 : memref<400x24xf32, #tpu.memory_space<vmem>>) target(%dma_start3A_141 : memref<400x24xf32, #tpu.memory_space<hbm>>) target_semaphore(%run_scoped3A : memref<!tpu.dma_semaphore, #tpu.memory_space<semaphore_mem>>)
        %dma_wait3A_145 = arith.constant 0 : i32
        %dma_wait3A_146 = arith.constant 0 : i32
        %dma_wait3A_147 = tpu.memref_slice %arg17[%dma_wait3A_145, %dma_wait3A_146] : memref<400x24xf32, #tpu.memory_space<vmem>> -> memref<400x24xf32, #tpu.memory_space<vmem>>
        %dma_wait3A_148 = arith.constant 0 : i32
        %dma_wait3A_149 = tpu.memref_slice %arg8[%add3A_130, %dma_wait3A_148] : memref<50048x24xf32, #tpu.memory_space<hbm>> -> memref<400x24xf32, #tpu.memory_space<hbm>>
        %dma_wait3A_150 = arith.constant 0 : i32
        %dma_wait3A_151 = tpu.memref_slice %arg8[%add3A_130, %dma_wait3A_150] : memref<50048x24xf32, #tpu.memory_space<hbm>> -> memref<400x24xf32, #tpu.memory_space<hbm>>
        %dma_wait3A_152 = arith.constant 0 : i32
        %dma_wait3A_153 = arith.constant 0 : i32
        %dma_wait3A_154 = tpu.memref_slice %arg17[%dma_wait3A_152, %dma_wait3A_153] : memref<400x24xf32, #tpu.memory_space<vmem>> -> memref<400x24xf32, #tpu.memory_space<vmem>>
        tpu.wait_dma2 semaphore(%run_scoped3A : memref<!tpu.dma_semaphore, #tpu.memory_space<semaphore_mem>>) src(%dma_wait3A_154 : memref<400x24xf32, #tpu.memory_space<vmem>>) dst(%dma_wait3A_151 : memref<400x24xf32, #tpu.memory_space<hbm>>)
        tpu.yield
      }) : () -> ()
      %add3A_131 = arith.constant 2800 : i32
      %add3A_132 = arith.addi %mul3A_45, %add3A_131 : i32
      "tpu.region"() ({
        %run_scoped3A = tpu.sem_alloc : memref<!tpu.dma_semaphore, #tpu.memory_space<semaphore_mem>>
        %dma_start3A_135 = arith.constant 0 : i32
        %dma_start3A_136 = arith.constant 0 : i32
        %dma_start3A_137 = tpu.memref_slice %arg17[%dma_start3A_135, %dma_start3A_136] : memref<400x24xf32, #tpu.memory_space<vmem>> -> memref<328x24xf32, #tpu.memory_space<vmem>>
        %dma_start3A_138 = arith.constant 0 : i32
        %dma_start3A_139 = tpu.memref_slice %arg19[%add3A_132, %dma_start3A_138] : memref<50048x24xf32, #tpu.memory_space<vmem_shared>> -> memref<328x24xf32, #tpu.memory_space<vmem_shared>>
        %dma_start3A_140 = arith.constant 0 : i32
        %dma_start3A_141 = arith.constant 0 : i32
        %dma_start3A_142 = tpu.memref_slice %arg17[%dma_start3A_140, %dma_start3A_141] : memref<400x24xf32, #tpu.memory_space<vmem>> -> memref<328x24xf32, #tpu.memory_space<vmem>>
        %dma_start3A_143 = arith.constant 0 : i32
        %dma_start3A_144 = tpu.memref_slice %arg19[%add3A_132, %dma_start3A_143] : memref<50048x24xf32, #tpu.memory_space<vmem_shared>> -> memref<328x24xf32, #tpu.memory_space<vmem_shared>>
        tpu.enqueue_dma source(%dma_start3A_144 : memref<328x24xf32, #tpu.memory_space<vmem_shared>>) target(%dma_start3A_142 : memref<328x24xf32, #tpu.memory_space<vmem>>) target_semaphore(%run_scoped3A : memref<!tpu.dma_semaphore, #tpu.memory_space<semaphore_mem>>)
        %dma_wait3A_145 = arith.constant 0 : i32
        %dma_wait3A_146 = arith.constant 0 : i32
        %dma_wait3A_147 = tpu.memref_slice %arg17[%dma_wait3A_145, %dma_wait3A_146] : memref<400x24xf32, #tpu.memory_space<vmem>> -> memref<328x24xf32, #tpu.memory_space<vmem>>
        %dma_wait3A_148 = arith.constant 0 : i32
        %dma_wait3A_149 = tpu.memref_slice %arg19[%add3A_132, %dma_wait3A_148] : memref<50048x24xf32, #tpu.memory_space<vmem_shared>> -> memref<328x24xf32, #tpu.memory_space<vmem_shared>>
        %dma_wait3A_150 = arith.constant 0 : i32
        %dma_wait3A_151 = arith.constant 0 : i32
        %dma_wait3A_152 = tpu.memref_slice %arg17[%dma_wait3A_150, %dma_wait3A_151] : memref<400x24xf32, #tpu.memory_space<vmem>> -> memref<328x24xf32, #tpu.memory_space<vmem>>
        %dma_wait3A_153 = arith.constant 0 : i32
        %dma_wait3A_154 = tpu.memref_slice %arg19[%add3A_132, %dma_wait3A_153] : memref<50048x24xf32, #tpu.memory_space<vmem_shared>> -> memref<328x24xf32, #tpu.memory_space<vmem_shared>>
        tpu.wait_dma2 semaphore(%run_scoped3A : memref<!tpu.dma_semaphore, #tpu.memory_space<semaphore_mem>>) src(%dma_wait3A_154 : memref<328x24xf32, #tpu.memory_space<vmem_shared>>) dst(%dma_wait3A_152 : memref<328x24xf32, #tpu.memory_space<vmem>>)
        tpu.yield
      }) : () -> ()
      %add3A_133 = arith.constant 2800 : i32
      %add3A_134 = arith.addi %mul3A_45, %add3A_133 : i32
      "tpu.region"() ({
        %run_scoped3A = tpu.sem_alloc : memref<!tpu.dma_semaphore, #tpu.memory_space<semaphore_mem>>
        %dma_start3A_135 = arith.constant 0 : i32
        %dma_start3A_136 = arith.constant 0 : i32
        %dma_start3A_137 = tpu.memref_slice %arg17[%dma_start3A_135, %dma_start3A_136] : memref<400x24xf32, #tpu.memory_space<vmem>> -> memref<328x24xf32, #tpu.memory_space<vmem>>
        %dma_start3A_138 = arith.constant 0 : i32
        %dma_start3A_139 = tpu.memref_slice %arg8[%add3A_134, %dma_start3A_138] : memref<50048x24xf32, #tpu.memory_space<hbm>> -> memref<328x24xf32, #tpu.memory_space<hbm>>
        %dma_start3A_140 = arith.constant 0 : i32
        %dma_start3A_141 = tpu.memref_slice %arg8[%add3A_134, %dma_start3A_140] : memref<50048x24xf32, #tpu.memory_space<hbm>> -> memref<328x24xf32, #tpu.memory_space<hbm>>
        %dma_start3A_142 = arith.constant 0 : i32
        %dma_start3A_143 = arith.constant 0 : i32
        %dma_start3A_144 = tpu.memref_slice %arg17[%dma_start3A_142, %dma_start3A_143] : memref<400x24xf32, #tpu.memory_space<vmem>> -> memref<328x24xf32, #tpu.memory_space<vmem>>
        tpu.enqueue_dma source(%dma_start3A_144 : memref<328x24xf32, #tpu.memory_space<vmem>>) target(%dma_start3A_141 : memref<328x24xf32, #tpu.memory_space<hbm>>) target_semaphore(%run_scoped3A : memref<!tpu.dma_semaphore, #tpu.memory_space<semaphore_mem>>)
        %dma_wait3A_145 = arith.constant 0 : i32
        %dma_wait3A_146 = arith.constant 0 : i32
        %dma_wait3A_147 = tpu.memref_slice %arg17[%dma_wait3A_145, %dma_wait3A_146] : memref<400x24xf32, #tpu.memory_space<vmem>> -> memref<328x24xf32, #tpu.memory_space<vmem>>
        %dma_wait3A_148 = arith.constant 0 : i32
        %dma_wait3A_149 = tpu.memref_slice %arg8[%add3A_134, %dma_wait3A_148] : memref<50048x24xf32, #tpu.memory_space<hbm>> -> memref<328x24xf32, #tpu.memory_space<hbm>>
        %dma_wait3A_150 = arith.constant 0 : i32
        %dma_wait3A_151 = tpu.memref_slice %arg8[%add3A_134, %dma_wait3A_150] : memref<50048x24xf32, #tpu.memory_space<hbm>> -> memref<328x24xf32, #tpu.memory_space<hbm>>
        %dma_wait3A_152 = arith.constant 0 : i32
        %dma_wait3A_153 = arith.constant 0 : i32
        %dma_wait3A_154 = tpu.memref_slice %arg17[%dma_wait3A_152, %dma_wait3A_153] : memref<400x24xf32, #tpu.memory_space<vmem>> -> memref<328x24xf32, #tpu.memory_space<vmem>>
        tpu.wait_dma2 semaphore(%run_scoped3A : memref<!tpu.dma_semaphore, #tpu.memory_space<semaphore_mem>>) src(%dma_wait3A_154 : memref<328x24xf32, #tpu.memory_space<vmem>>) dst(%dma_wait3A_151 : memref<328x24xf32, #tpu.memory_space<hbm>>)
        tpu.yield
      }) : () -> ()
    } else {
    }
    return
  }
}

module attributes {stable_mosaic.version = 14 : i64} {
  func.func @_prep_body(%arg0: i32, %arg1: memref<5000x16xf32, #tpu.memory_space<vmem>>, %arg2: memref<5000x3xf32, #tpu.memory_space<vmem>>, %arg3: memref<16x16xf32, #tpu.memory_space<vmem>>, %arg4: memref<16x16xf32, #tpu.memory_space<vmem>>, %arg5: memref<1x16xf32, #tpu.memory_space<vmem>>, %arg6: memref<5000x24xf32, #tpu.memory_space<vmem>>, %arg7: memref<5000x24xf32, #tpu.memory_space<vmem>>) attributes {dimension_semantics = [#tpu.dimension_semantics<arbitrary>], iteration_bounds = array<i64: 10>, scalar_prefetch = 0 : i64, scratch_operands = 0 : i64, tpu.core_type = #tpu.core_type<tc>, window_params = [{transform_indices = @transform_0, window_bounds = array<i64: 5000, 16>}, {transform_indices = @transform_1, window_bounds = array<i64: 5000, 3>}, {pipeline_mode = #tpu.pipeline_mode<synchronous>, transform_indices = @transform_2, window_bounds = array<i64: 16, 16>}, {pipeline_mode = #tpu.pipeline_mode<synchronous>, transform_indices = @transform_3, window_bounds = array<i64: 16, 16>}, {pipeline_mode = #tpu.pipeline_mode<synchronous>, transform_indices = @transform_4, window_bounds = array<i64: 1, 16>}, {transform_indices = @transform_5, window_bounds = array<i64: 5000, 24>}, {transform_indices = @transform_6, window_bounds = array<i64: 5000, 24>}]} {
    %get3A = arith.constant 0 : index
    %get3A_0 = arith.constant 0 : index
    %get3A_1 = vector.load %arg1[%get3A, %get3A_0] : memref<5000x16xf32, #tpu.memory_space<vmem>>, vector<5000x16xf32>
    %get3A_2 = arith.constant 0 : index
    %get3A_3 = arith.constant 0 : index
    %get3A_4 = vector.load %arg2[%get3A_2, %get3A_3] : memref<5000x3xf32, #tpu.memory_space<vmem>>, vector<5000x3xf32>
    %broadcast_in_dim3A = arith.constant 0.000000e+00 : f32
    %broadcast_in_dim3A_5 = vector.broadcast %broadcast_in_dim3A : f32 to vector<5000x5xf32>
    %get3A_6 = arith.constant 0 : index
    %get3A_7 = arith.constant 0 : index
    %get3A_8 = vector.load %arg3[%get3A_6, %get3A_7] : memref<16x16xf32, #tpu.memory_space<vmem>>, vector<16x16xf32>
    %dot_general3A = arith.constant dense<0.000000e+00> : vector<5000x16xf32>
    %dot_general3A_9 = tpu.matmul %get3A_1, %get3A_8, %dot_general3A {dimension_numbers = #tpu.dot_dimension_numbers<[1], [0], [0], [1], [0, 0, 1, 1], [], []>, transpose_lhs_hint = false} : vector<5000x16xf32>, vector<16x16xf32>, vector<5000x16xf32> -> vector<5000x16xf32>
    %get3A_10 = arith.constant 0 : index
    %get3A_11 = arith.constant 0 : index
    %get3A_12 = vector.load %arg5[%get3A_10, %get3A_11] : memref<1x16xf32, #tpu.memory_space<vmem>>, vector<1x16xf32>
    %add3A = vector.broadcast %get3A_12 : vector<1x16xf32> to vector<5000x16xf32>
    %add3A_13 = arith.addf %dot_general3A_9, %add3A : vector<5000x16xf32>
    %get3A_14 = arith.constant 0 : index
    %get3A_15 = arith.constant 0 : index
    %get3A_16 = vector.load %arg4[%get3A_14, %get3A_15] : memref<16x16xf32, #tpu.memory_space<vmem>>, vector<16x16xf32>
    %dot_general3A_17 = arith.constant dense<0.000000e+00> : vector<5000x16xf32>
    %dot_general3A_18 = tpu.matmul %get3A_1, %get3A_16, %dot_general3A_17 {dimension_numbers = #tpu.dot_dimension_numbers<[1], [0], [0], [1], [0, 0, 1, 1], [], []>, transpose_lhs_hint = false} : vector<5000x16xf32>, vector<16x16xf32>, vector<5000x16xf32> -> vector<5000x16xf32>
    %concatenate3A = tpu.concatenate %add3A_13, %get3A_4, %broadcast_in_dim3A_5 in 1 : vector<5000x16xf32>, vector<5000x3xf32>, vector<5000x5xf32> -> vector<5000x24xf32>
    %swap3A = arith.constant 0 : index
    %swap3A_19 = arith.constant 0 : index
    %swap3A_20 = vector.load %arg6[%swap3A, %swap3A_19] : memref<5000x24xf32, #tpu.memory_space<vmem>>, vector<5000x24xf32>
    tpu.vector_store %arg6[%swap3A, %swap3A_19], %concatenate3A {strides = array<i32>} : memref<5000x24xf32, #tpu.memory_space<vmem>>, vector<5000x24xf32>,
    %concatenate3A_21 = tpu.concatenate %dot_general3A_18, %get3A_4, %broadcast_in_dim3A_5 in 1 : vector<5000x16xf32>, vector<5000x3xf32>, vector<5000x5xf32> -> vector<5000x24xf32>
    %swap3A_22 = arith.constant 0 : index
    %swap3A_23 = arith.constant 0 : index
    %swap3A_24 = vector.load %arg7[%swap3A_22, %swap3A_23] : memref<5000x24xf32, #tpu.memory_space<vmem>>, vector<5000x24xf32>
    tpu.vector_store %arg7[%swap3A_22, %swap3A_23], %concatenate3A_21 {strides = array<i32>} : memref<5000x24xf32, #tpu.memory_space<vmem>>, vector<5000x24xf32>,
    return
  }
  func.func @transform_0(%arg0: i32) -> (i32, i32) {
    %c0_i32 = arith.constant 0 : i32
    %c0_i32_0 = arith.constant 0 : i32
    return %arg0, %c0_i32 : i32, i32
  }
  func.func @transform_1(%arg0: i32) -> (i32, i32) {
    %c0_i32 = arith.constant 0 : i32
    %c0_i32_0 = arith.constant 0 : i32
    return %arg0, %c0_i32 : i32, i32
  }
  func.func @transform_2(%arg0: i32) -> (i32, i32) {
    %c0_i32 = arith.constant 0 : i32
    %c0_i32_0 = arith.constant 0 : i32
    %c0_i32_1 = arith.constant 0 : i32
    return %c0_i32, %c0_i32_0 : i32, i32
  }
  func.func @transform_3(%arg0: i32) -> (i32, i32) {
    %c0_i32 = arith.constant 0 : i32
    %c0_i32_0 = arith.constant 0 : i32
    %c0_i32_1 = arith.constant 0 : i32
    return %c0_i32, %c0_i32_0 : i32, i32
  }
  func.func @transform_4(%arg0: i32) -> (i32, i32) {
    %c0_i32 = arith.constant 0 : i32
    %c0_i32_0 = arith.constant 0 : i32
    %c0_i32_1 = arith.constant 0 : i32
    return %c0_i32, %c0_i32_0 : i32, i32
  }
  func.func @transform_5(%arg0: i32) -> (i32, i32) {
    %c0_i32 = arith.constant 0 : i32
    %c0_i32_0 = arith.constant 0 : i32
    return %arg0, %c0_i32 : i32, i32
  }
  func.func @transform_6(%arg0: i32) -> (i32, i32) {
    %c0_i32 = arith.constant 0 : i32
    %c0_i32_0 = arith.constant 0 : i32
    return %arg0, %c0_i32 : i32, i32
  }
}

module attributes {stable_mosaic.version = 14 : i64} {
  func.func @_fin_body(%arg0: i32, %arg1: memref<5000x24xf32, #tpu.memory_space<vmem>>, %arg2: memref<5000x24xf32, #tpu.memory_space<vmem>>, %arg3: memref<5000x1xi32, #tpu.memory_space<vmem>>, %arg4: memref<16x16xf32, #tpu.memory_space<vmem>>, %arg5: memref<1x16xf32, #tpu.memory_space<vmem>>, %arg6: memref<16x2xf32, #tpu.memory_space<vmem>>, %arg7: memref<1x2xf32, #tpu.memory_space<vmem>>, %arg8: memref<16x4xf32, #tpu.memory_space<vmem>>, %arg9: memref<1x8xf32, #tpu.memory_space<vmem>>, %arg10: memref<5000x2xf32, #tpu.memory_space<vmem>>, %arg11: memref<64x8xf32, #tpu.memory_space<vmem>>) attributes {dimension_semantics = [#tpu.dimension_semantics<arbitrary>], iteration_bounds = array<i64: 10>, scalar_prefetch = 0 : i64, scratch_operands = 0 : i64, tpu.core_type = #tpu.core_type<tc>, window_params = [{transform_indices = @transform_0, window_bounds = array<i64: 5000, 24>}, {transform_indices = @transform_1, window_bounds = array<i64: 5000, 24>}, {transform_indices = @transform_2, window_bounds = array<i64: 5000, 1>}, {pipeline_mode = #tpu.pipeline_mode<synchronous>, transform_indices = @transform_3, window_bounds = array<i64: 16, 16>}, {pipeline_mode = #tpu.pipeline_mode<synchronous>, transform_indices = @transform_4, window_bounds = array<i64: 1, 16>}, {pipeline_mode = #tpu.pipeline_mode<synchronous>, transform_indices = @transform_5, window_bounds = array<i64: 16, 2>}, {pipeline_mode = #tpu.pipeline_mode<synchronous>, transform_indices = @transform_6, window_bounds = array<i64: 1, 2>}, {pipeline_mode = #tpu.pipeline_mode<synchronous>, transform_indices = @transform_7, window_bounds = array<i64: 16, 4>}, {pipeline_mode = #tpu.pipeline_mode<synchronous>, transform_indices = @transform_8, window_bounds = array<i64: 1, 8>}, {transform_indices = @transform_9, window_bounds = array<i64: 5000, 2>}, {pipeline_mode = #tpu.pipeline_mode<synchronous>, transform_indices = @transform_10, window_bounds = array<i64: 64, 8>}]} {
    %get3A = arith.constant 0 : index
    %get3A_0 = arith.constant 0 : index
    %get3A_1 = vector.load %arg1[%get3A, %get3A_0] : memref<5000x24xf32, #tpu.memory_space<vmem>>, vector<5000x24xf32>
    %get3A_2 = arith.constant 0 : index
    %get3A_3 = arith.constant 0 : index
    %get3A_4 = vector.load %arg2[%get3A_2, %get3A_3] : memref<5000x24xf32, #tpu.memory_space<vmem>>, vector<5000x24xf32>
    %add3A = arith.addf %get3A_1, %get3A_4 : vector<5000x24xf32>
    %slice3A = vector.extract_strided_slice %add3A {offsets = [0, 0], sizes = [5000, 16], strides = [1, 1]} : vector<5000x24xf32> to vector<5000x16xf32>
    %slice3A_5 = vector.extract_strided_slice %add3A {offsets = [0, 16], sizes = [5000, 1], strides = [1, 1]} : vector<5000x24xf32> to vector<5000x1xf32>
    %get3A_6 = arith.constant 0 : index
    %get3A_7 = arith.constant 0 : index
    %get3A_8 = vector.load %arg4[%get3A_6, %get3A_7] : memref<16x16xf32, #tpu.memory_space<vmem>>, vector<16x16xf32>
    %dot_general3A = arith.constant dense<0.000000e+00> : vector<5000x16xf32>
    %dot_general3A_9 = tpu.matmul %slice3A, %get3A_8, %dot_general3A {dimension_numbers = #tpu.dot_dimension_numbers<[1], [0], [0], [1], [0, 0, 1, 1], [], []>, transpose_lhs_hint = false} : vector<5000x16xf32>, vector<16x16xf32>, vector<5000x16xf32> -> vector<5000x16xf32>
    %get3A_10 = arith.constant 0 : index
    %get3A_11 = arith.constant 0 : index
    %get3A_12 = vector.load %arg5[%get3A_10, %get3A_11] : memref<1x16xf32, #tpu.memory_space<vmem>>, vector<1x16xf32>
    %mul3A = vector.broadcast %slice3A_5 : vector<5000x1xf32> to vector<5000x16xf32>
    %mul3A_13 = vector.broadcast %get3A_12 : vector<1x16xf32> to vector<5000x16xf32>
    %mul3A_14 = arith.mulf %mul3A, %mul3A_13 : vector<5000x16xf32>
    %add3A_15 = arith.addf %dot_general3A_9, %mul3A_14 : vector<5000x16xf32>
    %max3A = arith.constant 1.000000e+00 : f32
    %max3A_16 = vector.broadcast %max3A : f32 to vector<5000x1xf32>
    %max3A_17 = arith.maximumf %slice3A_5, %max3A_16 : vector<5000x1xf32>
    %div3A = vector.broadcast %max3A_17 : vector<5000x1xf32> to vector<5000x16xf32>
    %div3A_18 = arith.divf %add3A_15, %div3A : vector<5000x16xf32>
    %max3A_19 = arith.constant 0.000000e+00 : f32
    %max3A_20 = vector.broadcast %max3A_19 : f32 to vector<5000x16xf32>
    %max3A_21 = arith.maximumf %div3A_18, %max3A_20 : vector<5000x16xf32>
    %get3A_22 = arith.constant 0 : index
    %get3A_23 = arith.constant 0 : index
    %get3A_24 = vector.load %arg6[%get3A_22, %get3A_23] : memref<16x2xf32, #tpu.memory_space<vmem>>, vector<16x2xf32>
    %dot_general3A_25 = arith.constant dense<0.000000e+00> : vector<5000x2xf32>
    %dot_general3A_26 = tpu.matmul %max3A_21, %get3A_24, %dot_general3A_25 {dimension_numbers = #tpu.dot_dimension_numbers<[1], [0], [0], [1], [0, 0, 1, 1], [], []>, transpose_lhs_hint = false} : vector<5000x16xf32>, vector<16x2xf32>, vector<5000x2xf32> -> vector<5000x2xf32>
    %get3A_27 = arith.constant 0 : index
    %get3A_28 = arith.constant 0 : index
    %get3A_29 = vector.load %arg7[%get3A_27, %get3A_28] : memref<1x2xf32, #tpu.memory_space<vmem>>, vector<1x2xf32>
    %add3A_30 = vector.broadcast %get3A_29 : vector<1x2xf32> to vector<5000x2xf32>
    %add3A_31 = arith.addf %dot_general3A_26, %add3A_30 : vector<5000x2xf32>
    %reduce_max3A = arith.constant dense<0xFF800000> : vector<5000xf32>
    %reduce_max3A_32 = vector.multi_reduction <maximumf>, %add3A_31, %reduce_max3A [1] : vector<5000x2xf32> to vector<5000xf32>
    %broadcast_in_dim3A = vector.shape_cast %reduce_max3A_32 : vector<5000xf32> to vector<5000x1xf32>
    %sub3A = vector.broadcast %broadcast_in_dim3A : vector<5000x1xf32> to vector<5000x2xf32>
    %sub3A_33 = arith.subf %add3A_31, %sub3A : vector<5000x2xf32>
    %exp3A = math.exp %sub3A_33 : vector<5000x2xf32>
    %reduce_sum3A = arith.constant dense<0.000000e+00> : vector<5000xf32>
    %reduce_sum3A_34 = vector.multi_reduction <add>, %exp3A, %reduce_sum3A [1] : vector<5000x2xf32> to vector<5000xf32>
    %broadcast_in_dim3A_35 = vector.shape_cast %reduce_sum3A_34 : vector<5000xf32> to vector<5000x1xf32>
    %div3A_36 = vector.broadcast %broadcast_in_dim3A_35 : vector<5000x1xf32> to vector<5000x2xf32>
    %div3A_37 = arith.divf %exp3A, %div3A_36 : vector<5000x2xf32>
    %swap3A = arith.constant 0 : index
    %swap3A_38 = arith.constant 0 : index
    %swap3A_39 = vector.load %arg10[%swap3A, %swap3A_38] : memref<5000x2xf32, #tpu.memory_space<vmem>>, vector<5000x2xf32>
    tpu.vector_store %arg10[%swap3A, %swap3A_38], %div3A_37 {strides = array<i32>} : memref<5000x2xf32, #tpu.memory_space<vmem>>, vector<5000x2xf32>,
    %get3A_40 = arith.constant 0 : index
    %get3A_41 = arith.constant 0 : index
    %get3A_42 = vector.load %arg8[%get3A_40, %get3A_41] : memref<16x4xf32, #tpu.memory_space<vmem>>, vector<16x4xf32>
    %dot_general3A_43 = arith.constant dense<0.000000e+00> : vector<5000x4xf32>
    %dot_general3A_44 = tpu.matmul %max3A_21, %get3A_42, %dot_general3A_43 {dimension_numbers = #tpu.dot_dimension_numbers<[1], [0], [0], [1], [0, 0, 1, 1], [], []>, transpose_lhs_hint = false} : vector<5000x16xf32>, vector<16x4xf32>, vector<5000x4xf32> -> vector<5000x4xf32>
    %slice3A_45 = vector.extract_strided_slice %div3A_37 {offsets = [0, 0], sizes = [5000, 1], strides = [1, 1]} : vector<5000x2xf32> to vector<5000x1xf32>
    %mul3A_46 = vector.broadcast %slice3A_45 : vector<5000x1xf32> to vector<5000x4xf32>
    %mul3A_47 = arith.mulf %mul3A_46, %dot_general3A_44 : vector<5000x4xf32>
    %slice3A_48 = vector.extract_strided_slice %div3A_37 {offsets = [0, 1], sizes = [5000, 1], strides = [1, 1]} : vector<5000x2xf32> to vector<5000x1xf32>
    %mul3A_49 = vector.broadcast %slice3A_48 : vector<5000x1xf32> to vector<5000x4xf32>
    %mul3A_50 = arith.mulf %mul3A_49, %dot_general3A_44 : vector<5000x4xf32>
    %concatenate3A = tpu.concatenate %mul3A_47, %mul3A_50 in 1 : vector<5000x4xf32>, vector<5000x4xf32> -> vector<5000x8xf32>
    %get3A_51 = arith.constant 0 : index
    %get3A_52 = arith.constant 0 : index
    %get3A_53 = vector.load %arg3[%get3A_51, %get3A_52] : memref<5000x1xi32, #tpu.memory_space<vmem>>, vector<5000x1xi32>
    %eq3A = arith.constant 0 : i32
    %eq3A_54 = arith.cmpi eq, %arg0, %eq3A : i32
    %convert_element_type3A = arith.extui %eq3A_54 : i1 to i32
    %cond3A = arith.constant 0 : i32
    %cond3A_55 = arith.cmpi ne, %convert_element_type3A, %cond3A : i32
    scf.if %cond3A_55 {
      %broadcast_in_dim3A_297 = arith.constant 0.000000e+00 : f32
      %broadcast_in_dim3A_298 = vector.broadcast %broadcast_in_dim3A_297 : f32 to vector<64x8xf32>
      %swap3A_299 = arith.constant 0 : index
      %swap3A_300 = arith.constant 0 : index
      %swap3A_301 = vector.load %arg11[%swap3A_299, %swap3A_300] : memref<64x8xf32, #tpu.memory_space<vmem>>, vector<64x8xf32>
      tpu.vector_store %arg11[%swap3A_299, %swap3A_300], %broadcast_in_dim3A_298 {strides = array<i32>} : memref<64x8xf32, #tpu.memory_space<vmem>>, vector<64x8xf32>,
    } else {
    }
    %get3A_56 = arith.constant 0 : index
    %get3A_57 = arith.constant 0 : index
    %get3A_58 = vector.load %arg11[%get3A_56, %get3A_57] : memref<64x8xf32, #tpu.memory_space<vmem>>, vector<64x8xf32>
    %iota3A = tpu.iota {dimensions = array<i32: 1>} : vector<200x64xi32>
    %slice3A_59 = vector.extract_strided_slice %concatenate3A {offsets = [0, 0], sizes = [200, 8], strides = [1, 1]} : vector<5000x8xf32> to vector<200x8xf32>
    %slice3A_60 = vector.extract_strided_slice %get3A_53 {offsets = [0, 0], sizes = [200, 1], strides = [1, 1]} : vector<5000x1xi32> to vector<200x1xi32>
    %eq3A_61 = vector.broadcast %slice3A_60 : vector<200x1xi32> to vector<200x64xi32>
    %eq3A_62 = arith.cmpi eq, %iota3A, %eq3A_61 : vector<200x64xi32>
    %convert_element_type3A_63 = arith.extui %eq3A_62 : vector<200x64xi1> to vector<200x64xi32>
    %convert_element_type3A_64 = arith.sitofp %convert_element_type3A_63 : vector<200x64xi32> to vector<200x64xf32>
    %dot_general3A_65 = arith.constant dense<0.000000e+00> : vector<64x8xf32>
    %dot_general3A_66 = tpu.matmul %convert_element_type3A_64, %slice3A_59, %dot_general3A_65 {dimension_numbers = #tpu.dot_dimension_numbers<[0], [0], [1], [1], [0, 1, 1, 1], [], []>, transpose_lhs_hint = false} : vector<200x64xf32>, vector<200x8xf32>, vector<64x8xf32> -> vector<64x8xf32>
    %add3A_67 = arith.addf %get3A_58, %dot_general3A_66 : vector<64x8xf32>
    %slice3A_68 = vector.extract_strided_slice %concatenate3A {offsets = [200, 0], sizes = [200, 8], strides = [1, 1]} : vector<5000x8xf32> to vector<200x8xf32>
    %slice3A_69 = vector.extract_strided_slice %get3A_53 {offsets = [200, 0], sizes = [200, 1], strides = [1, 1]} : vector<5000x1xi32> to vector<200x1xi32>
    %eq3A_70 = vector.broadcast %slice3A_69 : vector<200x1xi32> to vector<200x64xi32>
    %eq3A_71 = arith.cmpi eq, %iota3A, %eq3A_70 : vector<200x64xi32>
    %convert_element_type3A_72 = arith.extui %eq3A_71 : vector<200x64xi1> to vector<200x64xi32>
    %convert_element_type3A_73 = arith.sitofp %convert_element_type3A_72 : vector<200x64xi32> to vector<200x64xf32>
    %dot_general3A_74 = arith.constant dense<0.000000e+00> : vector<64x8xf32>
    %dot_general3A_75 = tpu.matmul %convert_element_type3A_73, %slice3A_68, %dot_general3A_74 {dimension_numbers = #tpu.dot_dimension_numbers<[0], [0], [1], [1], [0, 1, 1, 1], [], []>, transpose_lhs_hint = false} : vector<200x64xf32>, vector<200x8xf32>, vector<64x8xf32> -> vector<64x8xf32>
    %add3A_76 = arith.addf %add3A_67, %dot_general3A_75 : vector<64x8xf32>
    %slice3A_77 = vector.extract_strided_slice %concatenate3A {offsets = [400, 0], sizes = [200, 8], strides = [1, 1]} : vector<5000x8xf32> to vector<200x8xf32>
    %slice3A_78 = vector.extract_strided_slice %get3A_53 {offsets = [400, 0], sizes = [200, 1], strides = [1, 1]} : vector<5000x1xi32> to vector<200x1xi32>
    %eq3A_79 = vector.broadcast %slice3A_78 : vector<200x1xi32> to vector<200x64xi32>
    %eq3A_80 = arith.cmpi eq, %iota3A, %eq3A_79 : vector<200x64xi32>
    %convert_element_type3A_81 = arith.extui %eq3A_80 : vector<200x64xi1> to vector<200x64xi32>
    %convert_element_type3A_82 = arith.sitofp %convert_element_type3A_81 : vector<200x64xi32> to vector<200x64xf32>
    %dot_general3A_83 = arith.constant dense<0.000000e+00> : vector<64x8xf32>
    %dot_general3A_84 = tpu.matmul %convert_element_type3A_82, %slice3A_77, %dot_general3A_83 {dimension_numbers = #tpu.dot_dimension_numbers<[0], [0], [1], [1], [0, 1, 1, 1], [], []>, transpose_lhs_hint = false} : vector<200x64xf32>, vector<200x8xf32>, vector<64x8xf32> -> vector<64x8xf32>
    %add3A_85 = arith.addf %add3A_76, %dot_general3A_84 : vector<64x8xf32>
    %slice3A_86 = vector.extract_strided_slice %concatenate3A {offsets = [600, 0], sizes = [200, 8], strides = [1, 1]} : vector<5000x8xf32> to vector<200x8xf32>
    %slice3A_87 = vector.extract_strided_slice %get3A_53 {offsets = [600, 0], sizes = [200, 1], strides = [1, 1]} : vector<5000x1xi32> to vector<200x1xi32>
    %eq3A_88 = vector.broadcast %slice3A_87 : vector<200x1xi32> to vector<200x64xi32>
    %eq3A_89 = arith.cmpi eq, %iota3A, %eq3A_88 : vector<200x64xi32>
    %convert_element_type3A_90 = arith.extui %eq3A_89 : vector<200x64xi1> to vector<200x64xi32>
    %convert_element_type3A_91 = arith.sitofp %convert_element_type3A_90 : vector<200x64xi32> to vector<200x64xf32>
    %dot_general3A_92 = arith.constant dense<0.000000e+00> : vector<64x8xf32>
    %dot_general3A_93 = tpu.matmul %convert_element_type3A_91, %slice3A_86, %dot_general3A_92 {dimension_numbers = #tpu.dot_dimension_numbers<[0], [0], [1], [1], [0, 1, 1, 1], [], []>, transpose_lhs_hint = false} : vector<200x64xf32>, vector<200x8xf32>, vector<64x8xf32> -> vector<64x8xf32>
    %add3A_94 = arith.addf %add3A_85, %dot_general3A_93 : vector<64x8xf32>
    %slice3A_95 = vector.extract_strided_slice %concatenate3A {offsets = [800, 0], sizes = [200, 8], strides = [1, 1]} : vector<5000x8xf32> to vector<200x8xf32>
    %slice3A_96 = vector.extract_strided_slice %get3A_53 {offsets = [800, 0], sizes = [200, 1], strides = [1, 1]} : vector<5000x1xi32> to vector<200x1xi32>
    %eq3A_97 = vector.broadcast %slice3A_96 : vector<200x1xi32> to vector<200x64xi32>
    %eq3A_98 = arith.cmpi eq, %iota3A, %eq3A_97 : vector<200x64xi32>
    %convert_element_type3A_99 = arith.extui %eq3A_98 : vector<200x64xi1> to vector<200x64xi32>
    %convert_element_type3A_100 = arith.sitofp %convert_element_type3A_99 : vector<200x64xi32> to vector<200x64xf32>
    %dot_general3A_101 = arith.constant dense<0.000000e+00> : vector<64x8xf32>
    %dot_general3A_102 = tpu.matmul %convert_element_type3A_100, %slice3A_95, %dot_general3A_101 {dimension_numbers = #tpu.dot_dimension_numbers<[0], [0], [1], [1], [0, 1, 1, 1], [], []>, transpose_lhs_hint = false} : vector<200x64xf32>, vector<200x8xf32>, vector<64x8xf32> -> vector<64x8xf32>
    %add3A_103 = arith.addf %add3A_94, %dot_general3A_102 : vector<64x8xf32>
    %slice3A_104 = vector.extract_strided_slice %concatenate3A {offsets = [1000, 0], sizes = [200, 8], strides = [1, 1]} : vector<5000x8xf32> to vector<200x8xf32>
    %slice3A_105 = vector.extract_strided_slice %get3A_53 {offsets = [1000, 0], sizes = [200, 1], strides = [1, 1]} : vector<5000x1xi32> to vector<200x1xi32>
    %eq3A_106 = vector.broadcast %slice3A_105 : vector<200x1xi32> to vector<200x64xi32>
    %eq3A_107 = arith.cmpi eq, %iota3A, %eq3A_106 : vector<200x64xi32>
    %convert_element_type3A_108 = arith.extui %eq3A_107 : vector<200x64xi1> to vector<200x64xi32>
    %convert_element_type3A_109 = arith.sitofp %convert_element_type3A_108 : vector<200x64xi32> to vector<200x64xf32>
    %dot_general3A_110 = arith.constant dense<0.000000e+00> : vector<64x8xf32>
    %dot_general3A_111 = tpu.matmul %convert_element_type3A_109, %slice3A_104, %dot_general3A_110 {dimension_numbers = #tpu.dot_dimension_numbers<[0], [0], [1], [1], [0, 1, 1, 1], [], []>, transpose_lhs_hint = false} : vector<200x64xf32>, vector<200x8xf32>, vector<64x8xf32> -> vector<64x8xf32>
    %add3A_112 = arith.addf %add3A_103, %dot_general3A_111 : vector<64x8xf32>
    %slice3A_113 = vector.extract_strided_slice %concatenate3A {offsets = [1200, 0], sizes = [200, 8], strides = [1, 1]} : vector<5000x8xf32> to vector<200x8xf32>
    %slice3A_114 = vector.extract_strided_slice %get3A_53 {offsets = [1200, 0], sizes = [200, 1], strides = [1, 1]} : vector<5000x1xi32> to vector<200x1xi32>
    %eq3A_115 = vector.broadcast %slice3A_114 : vector<200x1xi32> to vector<200x64xi32>
    %eq3A_116 = arith.cmpi eq, %iota3A, %eq3A_115 : vector<200x64xi32>
    %convert_element_type3A_117 = arith.extui %eq3A_116 : vector<200x64xi1> to vector<200x64xi32>
    %convert_element_type3A_118 = arith.sitofp %convert_element_type3A_117 : vector<200x64xi32> to vector<200x64xf32>
    %dot_general3A_119 = arith.constant dense<0.000000e+00> : vector<64x8xf32>
    %dot_general3A_120 = tpu.matmul %convert_element_type3A_118, %slice3A_113, %dot_general3A_119 {dimension_numbers = #tpu.dot_dimension_numbers<[0], [0], [1], [1], [0, 1, 1, 1], [], []>, transpose_lhs_hint = false} : vector<200x64xf32>, vector<200x8xf32>, vector<64x8xf32> -> vector<64x8xf32>
    %add3A_121 = arith.addf %add3A_112, %dot_general3A_120 : vector<64x8xf32>
    %slice3A_122 = vector.extract_strided_slice %concatenate3A {offsets = [1400, 0], sizes = [200, 8], strides = [1, 1]} : vector<5000x8xf32> to vector<200x8xf32>
    %slice3A_123 = vector.extract_strided_slice %get3A_53 {offsets = [1400, 0], sizes = [200, 1], strides = [1, 1]} : vector<5000x1xi32> to vector<200x1xi32>
    %eq3A_124 = vector.broadcast %slice3A_123 : vector<200x1xi32> to vector<200x64xi32>
    %eq3A_125 = arith.cmpi eq, %iota3A, %eq3A_124 : vector<200x64xi32>
    %convert_element_type3A_126 = arith.extui %eq3A_125 : vector<200x64xi1> to vector<200x64xi32>
    %convert_element_type3A_127 = arith.sitofp %convert_element_type3A_126 : vector<200x64xi32> to vector<200x64xf32>
    %dot_general3A_128 = arith.constant dense<0.000000e+00> : vector<64x8xf32>
    %dot_general3A_129 = tpu.matmul %convert_element_type3A_127, %slice3A_122, %dot_general3A_128 {dimension_numbers = #tpu.dot_dimension_numbers<[0], [0], [1], [1], [0, 1, 1, 1], [], []>, transpose_lhs_hint = false} : vector<200x64xf32>, vector<200x8xf32>, vector<64x8xf32> -> vector<64x8xf32>
    %add3A_130 = arith.addf %add3A_121, %dot_general3A_129 : vector<64x8xf32>
    %slice3A_131 = vector.extract_strided_slice %concatenate3A {offsets = [1600, 0], sizes = [200, 8], strides = [1, 1]} : vector<5000x8xf32> to vector<200x8xf32>
    %slice3A_132 = vector.extract_strided_slice %get3A_53 {offsets = [1600, 0], sizes = [200, 1], strides = [1, 1]} : vector<5000x1xi32> to vector<200x1xi32>
    %eq3A_133 = vector.broadcast %slice3A_132 : vector<200x1xi32> to vector<200x64xi32>
    %eq3A_134 = arith.cmpi eq, %iota3A, %eq3A_133 : vector<200x64xi32>
    %convert_element_type3A_135 = arith.extui %eq3A_134 : vector<200x64xi1> to vector<200x64xi32>
    %convert_element_type3A_136 = arith.sitofp %convert_element_type3A_135 : vector<200x64xi32> to vector<200x64xf32>
    %dot_general3A_137 = arith.constant dense<0.000000e+00> : vector<64x8xf32>
    %dot_general3A_138 = tpu.matmul %convert_element_type3A_136, %slice3A_131, %dot_general3A_137 {dimension_numbers = #tpu.dot_dimension_numbers<[0], [0], [1], [1], [0, 1, 1, 1], [], []>, transpose_lhs_hint = false} : vector<200x64xf32>, vector<200x8xf32>, vector<64x8xf32> -> vector<64x8xf32>
    %add3A_139 = arith.addf %add3A_130, %dot_general3A_138 : vector<64x8xf32>
    %slice3A_140 = vector.extract_strided_slice %concatenate3A {offsets = [1800, 0], sizes = [200, 8], strides = [1, 1]} : vector<5000x8xf32> to vector<200x8xf32>
    %slice3A_141 = vector.extract_strided_slice %get3A_53 {offsets = [1800, 0], sizes = [200, 1], strides = [1, 1]} : vector<5000x1xi32> to vector<200x1xi32>
    %eq3A_142 = vector.broadcast %slice3A_141 : vector<200x1xi32> to vector<200x64xi32>
    %eq3A_143 = arith.cmpi eq, %iota3A, %eq3A_142 : vector<200x64xi32>
    %convert_element_type3A_144 = arith.extui %eq3A_143 : vector<200x64xi1> to vector<200x64xi32>
    %convert_element_type3A_145 = arith.sitofp %convert_element_type3A_144 : vector<200x64xi32> to vector<200x64xf32>
    %dot_general3A_146 = arith.constant dense<0.000000e+00> : vector<64x8xf32>
    %dot_general3A_147 = tpu.matmul %convert_element_type3A_145, %slice3A_140, %dot_general3A_146 {dimension_numbers = #tpu.dot_dimension_numbers<[0], [0], [1], [1], [0, 1, 1, 1], [], []>, transpose_lhs_hint = false} : vector<200x64xf32>, vector<200x8xf32>, vector<64x8xf32> -> vector<64x8xf32>
    %add3A_148 = arith.addf %add3A_139, %dot_general3A_147 : vector<64x8xf32>
    %slice3A_149 = vector.extract_strided_slice %concatenate3A {offsets = [2000, 0], sizes = [200, 8], strides = [1, 1]} : vector<5000x8xf32> to vector<200x8xf32>
    %slice3A_150 = vector.extract_strided_slice %get3A_53 {offsets = [2000, 0], sizes = [200, 1], strides = [1, 1]} : vector<5000x1xi32> to vector<200x1xi32>
    %eq3A_151 = vector.broadcast %slice3A_150 : vector<200x1xi32> to vector<200x64xi32>
    %eq3A_152 = arith.cmpi eq, %iota3A, %eq3A_151 : vector<200x64xi32>
    %convert_element_type3A_153 = arith.extui %eq3A_152 : vector<200x64xi1> to vector<200x64xi32>
    %convert_element_type3A_154 = arith.sitofp %convert_element_type3A_153 : vector<200x64xi32> to vector<200x64xf32>
    %dot_general3A_155 = arith.constant dense<0.000000e+00> : vector<64x8xf32>
    %dot_general3A_156 = tpu.matmul %convert_element_type3A_154, %slice3A_149, %dot_general3A_155 {dimension_numbers = #tpu.dot_dimension_numbers<[0], [0], [1], [1], [0, 1, 1, 1], [], []>, transpose_lhs_hint = false} : vector<200x64xf32>, vector<200x8xf32>, vector<64x8xf32> -> vector<64x8xf32>
    %add3A_157 = arith.addf %add3A_148, %dot_general3A_156 : vector<64x8xf32>
    %slice3A_158 = vector.extract_strided_slice %concatenate3A {offsets = [2200, 0], sizes = [200, 8], strides = [1, 1]} : vector<5000x8xf32> to vector<200x8xf32>
    %slice3A_159 = vector.extract_strided_slice %get3A_53 {offsets = [2200, 0], sizes = [200, 1], strides = [1, 1]} : vector<5000x1xi32> to vector<200x1xi32>
    %eq3A_160 = vector.broadcast %slice3A_159 : vector<200x1xi32> to vector<200x64xi32>
    %eq3A_161 = arith.cmpi eq, %iota3A, %eq3A_160 : vector<200x64xi32>
    %convert_element_type3A_162 = arith.extui %eq3A_161 : vector<200x64xi1> to vector<200x64xi32>
    %convert_element_type3A_163 = arith.sitofp %convert_element_type3A_162 : vector<200x64xi32> to vector<200x64xf32>
    %dot_general3A_164 = arith.constant dense<0.000000e+00> : vector<64x8xf32>
    %dot_general3A_165 = tpu.matmul %convert_element_type3A_163, %slice3A_158, %dot_general3A_164 {dimension_numbers = #tpu.dot_dimension_numbers<[0], [0], [1], [1], [0, 1, 1, 1], [], []>, transpose_lhs_hint = false} : vector<200x64xf32>, vector<200x8xf32>, vector<64x8xf32> -> vector<64x8xf32>
    %add3A_166 = arith.addf %add3A_157, %dot_general3A_165 : vector<64x8xf32>
    %slice3A_167 = vector.extract_strided_slice %concatenate3A {offsets = [2400, 0], sizes = [200, 8], strides = [1, 1]} : vector<5000x8xf32> to vector<200x8xf32>
    %slice3A_168 = vector.extract_strided_slice %get3A_53 {offsets = [2400, 0], sizes = [200, 1], strides = [1, 1]} : vector<5000x1xi32> to vector<200x1xi32>
    %eq3A_169 = vector.broadcast %slice3A_168 : vector<200x1xi32> to vector<200x64xi32>
    %eq3A_170 = arith.cmpi eq, %iota3A, %eq3A_169 : vector<200x64xi32>
    %convert_element_type3A_171 = arith.extui %eq3A_170 : vector<200x64xi1> to vector<200x64xi32>
    %convert_element_type3A_172 = arith.sitofp %convert_element_type3A_171 : vector<200x64xi32> to vector<200x64xf32>
    %dot_general3A_173 = arith.constant dense<0.000000e+00> : vector<64x8xf32>
    %dot_general3A_174 = tpu.matmul %convert_element_type3A_172, %slice3A_167, %dot_general3A_173 {dimension_numbers = #tpu.dot_dimension_numbers<[0], [0], [1], [1], [0, 1, 1, 1], [], []>, transpose_lhs_hint = false} : vector<200x64xf32>, vector<200x8xf32>, vector<64x8xf32> -> vector<64x8xf32>
    %add3A_175 = arith.addf %add3A_166, %dot_general3A_174 : vector<64x8xf32>
    %slice3A_176 = vector.extract_strided_slice %concatenate3A {offsets = [2600, 0], sizes = [200, 8], strides = [1, 1]} : vector<5000x8xf32> to vector<200x8xf32>
    %slice3A_177 = vector.extract_strided_slice %get3A_53 {offsets = [2600, 0], sizes = [200, 1], strides = [1, 1]} : vector<5000x1xi32> to vector<200x1xi32>
    %eq3A_178 = vector.broadcast %slice3A_177 : vector<200x1xi32> to vector<200x64xi32>
    %eq3A_179 = arith.cmpi eq, %iota3A, %eq3A_178 : vector<200x64xi32>
    %convert_element_type3A_180 = arith.extui %eq3A_179 : vector<200x64xi1> to vector<200x64xi32>
    %convert_element_type3A_181 = arith.sitofp %convert_element_type3A_180 : vector<200x64xi32> to vector<200x64xf32>
    %dot_general3A_182 = arith.constant dense<0.000000e+00> : vector<64x8xf32>
    %dot_general3A_183 = tpu.matmul %convert_element_type3A_181, %slice3A_176, %dot_general3A_182 {dimension_numbers = #tpu.dot_dimension_numbers<[0], [0], [1], [1], [0, 1, 1, 1], [], []>, transpose_lhs_hint = false} : vector<200x64xf32>, vector<200x8xf32>, vector<64x8xf32> -> vector<64x8xf32>
    %add3A_184 = arith.addf %add3A_175, %dot_general3A_183 : vector<64x8xf32>
    %slice3A_185 = vector.extract_strided_slice %concatenate3A {offsets = [2800, 0], sizes = [200, 8], strides = [1, 1]} : vector<5000x8xf32> to vector<200x8xf32>
    %slice3A_186 = vector.extract_strided_slice %get3A_53 {offsets = [2800, 0], sizes = [200, 1], strides = [1, 1]} : vector<5000x1xi32> to vector<200x1xi32>
    %eq3A_187 = vector.broadcast %slice3A_186 : vector<200x1xi32> to vector<200x64xi32>
    %eq3A_188 = arith.cmpi eq, %iota3A, %eq3A_187 : vector<200x64xi32>
    %convert_element_type3A_189 = arith.extui %eq3A_188 : vector<200x64xi1> to vector<200x64xi32>
    %convert_element_type3A_190 = arith.sitofp %convert_element_type3A_189 : vector<200x64xi32> to vector<200x64xf32>
    %dot_general3A_191 = arith.constant dense<0.000000e+00> : vector<64x8xf32>
    %dot_general3A_192 = tpu.matmul %convert_element_type3A_190, %slice3A_185, %dot_general3A_191 {dimension_numbers = #tpu.dot_dimension_numbers<[0], [0], [1], [1], [0, 1, 1, 1], [], []>, transpose_lhs_hint = false} : vector<200x64xf32>, vector<200x8xf32>, vector<64x8xf32> -> vector<64x8xf32>
    %add3A_193 = arith.addf %add3A_184, %dot_general3A_192 : vector<64x8xf32>
    %slice3A_194 = vector.extract_strided_slice %concatenate3A {offsets = [3000, 0], sizes = [200, 8], strides = [1, 1]} : vector<5000x8xf32> to vector<200x8xf32>
    %slice3A_195 = vector.extract_strided_slice %get3A_53 {offsets = [3000, 0], sizes = [200, 1], strides = [1, 1]} : vector<5000x1xi32> to vector<200x1xi32>
    %eq3A_196 = vector.broadcast %slice3A_195 : vector<200x1xi32> to vector<200x64xi32>
    %eq3A_197 = arith.cmpi eq, %iota3A, %eq3A_196 : vector<200x64xi32>
    %convert_element_type3A_198 = arith.extui %eq3A_197 : vector<200x64xi1> to vector<200x64xi32>
    %convert_element_type3A_199 = arith.sitofp %convert_element_type3A_198 : vector<200x64xi32> to vector<200x64xf32>
    %dot_general3A_200 = arith.constant dense<0.000000e+00> : vector<64x8xf32>
    %dot_general3A_201 = tpu.matmul %convert_element_type3A_199, %slice3A_194, %dot_general3A_200 {dimension_numbers = #tpu.dot_dimension_numbers<[0], [0], [1], [1], [0, 1, 1, 1], [], []>, transpose_lhs_hint = false} : vector<200x64xf32>, vector<200x8xf32>, vector<64x8xf32> -> vector<64x8xf32>
    %add3A_202 = arith.addf %add3A_193, %dot_general3A_201 : vector<64x8xf32>
    %slice3A_203 = vector.extract_strided_slice %concatenate3A {offsets = [3200, 0], sizes = [200, 8], strides = [1, 1]} : vector<5000x8xf32> to vector<200x8xf32>
    %slice3A_204 = vector.extract_strided_slice %get3A_53 {offsets = [3200, 0], sizes = [200, 1], strides = [1, 1]} : vector<5000x1xi32> to vector<200x1xi32>
    %eq3A_205 = vector.broadcast %slice3A_204 : vector<200x1xi32> to vector<200x64xi32>
    %eq3A_206 = arith.cmpi eq, %iota3A, %eq3A_205 : vector<200x64xi32>
    %convert_element_type3A_207 = arith.extui %eq3A_206 : vector<200x64xi1> to vector<200x64xi32>
    %convert_element_type3A_208 = arith.sitofp %convert_element_type3A_207 : vector<200x64xi32> to vector<200x64xf32>
    %dot_general3A_209 = arith.constant dense<0.000000e+00> : vector<64x8xf32>
    %dot_general3A_210 = tpu.matmul %convert_element_type3A_208, %slice3A_203, %dot_general3A_209 {dimension_numbers = #tpu.dot_dimension_numbers<[0], [0], [1], [1], [0, 1, 1, 1], [], []>, transpose_lhs_hint = false} : vector<200x64xf32>, vector<200x8xf32>, vector<64x8xf32> -> vector<64x8xf32>
    %add3A_211 = arith.addf %add3A_202, %dot_general3A_210 : vector<64x8xf32>
    %slice3A_212 = vector.extract_strided_slice %concatenate3A {offsets = [3400, 0], sizes = [200, 8], strides = [1, 1]} : vector<5000x8xf32> to vector<200x8xf32>
    %slice3A_213 = vector.extract_strided_slice %get3A_53 {offsets = [3400, 0], sizes = [200, 1], strides = [1, 1]} : vector<5000x1xi32> to vector<200x1xi32>
    %eq3A_214 = vector.broadcast %slice3A_213 : vector<200x1xi32> to vector<200x64xi32>
    %eq3A_215 = arith.cmpi eq, %iota3A, %eq3A_214 : vector<200x64xi32>
    %convert_element_type3A_216 = arith.extui %eq3A_215 : vector<200x64xi1> to vector<200x64xi32>
    %convert_element_type3A_217 = arith.sitofp %convert_element_type3A_216 : vector<200x64xi32> to vector<200x64xf32>
    %dot_general3A_218 = arith.constant dense<0.000000e+00> : vector<64x8xf32>
    %dot_general3A_219 = tpu.matmul %convert_element_type3A_217, %slice3A_212, %dot_general3A_218 {dimension_numbers = #tpu.dot_dimension_numbers<[0], [0], [1], [1], [0, 1, 1, 1], [], []>, transpose_lhs_hint = false} : vector<200x64xf32>, vector<200x8xf32>, vector<64x8xf32> -> vector<64x8xf32>
    %add3A_220 = arith.addf %add3A_211, %dot_general3A_219 : vector<64x8xf32>
    %slice3A_221 = vector.extract_strided_slice %concatenate3A {offsets = [3600, 0], sizes = [200, 8], strides = [1, 1]} : vector<5000x8xf32> to vector<200x8xf32>
    %slice3A_222 = vector.extract_strided_slice %get3A_53 {offsets = [3600, 0], sizes = [200, 1], strides = [1, 1]} : vector<5000x1xi32> to vector<200x1xi32>
    %eq3A_223 = vector.broadcast %slice3A_222 : vector<200x1xi32> to vector<200x64xi32>
    %eq3A_224 = arith.cmpi eq, %iota3A, %eq3A_223 : vector<200x64xi32>
    %convert_element_type3A_225 = arith.extui %eq3A_224 : vector<200x64xi1> to vector<200x64xi32>
    %convert_element_type3A_226 = arith.sitofp %convert_element_type3A_225 : vector<200x64xi32> to vector<200x64xf32>
    %dot_general3A_227 = arith.constant dense<0.000000e+00> : vector<64x8xf32>
    %dot_general3A_228 = tpu.matmul %convert_element_type3A_226, %slice3A_221, %dot_general3A_227 {dimension_numbers = #tpu.dot_dimension_numbers<[0], [0], [1], [1], [0, 1, 1, 1], [], []>, transpose_lhs_hint = false} : vector<200x64xf32>, vector<200x8xf32>, vector<64x8xf32> -> vector<64x8xf32>
    %add3A_229 = arith.addf %add3A_220, %dot_general3A_228 : vector<64x8xf32>
    %slice3A_230 = vector.extract_strided_slice %concatenate3A {offsets = [3800, 0], sizes = [200, 8], strides = [1, 1]} : vector<5000x8xf32> to vector<200x8xf32>
    %slice3A_231 = vector.extract_strided_slice %get3A_53 {offsets = [3800, 0], sizes = [200, 1], strides = [1, 1]} : vector<5000x1xi32> to vector<200x1xi32>
    %eq3A_232 = vector.broadcast %slice3A_231 : vector<200x1xi32> to vector<200x64xi32>
    %eq3A_233 = arith.cmpi eq, %iota3A, %eq3A_232 : vector<200x64xi32>
    %convert_element_type3A_234 = arith.extui %eq3A_233 : vector<200x64xi1> to vector<200x64xi32>
    %convert_element_type3A_235 = arith.sitofp %convert_element_type3A_234 : vector<200x64xi32> to vector<200x64xf32>
    %dot_general3A_236 = arith.constant dense<0.000000e+00> : vector<64x8xf32>
    %dot_general3A_237 = tpu.matmul %convert_element_type3A_235, %slice3A_230, %dot_general3A_236 {dimension_numbers = #tpu.dot_dimension_numbers<[0], [0], [1], [1], [0, 1, 1, 1], [], []>, transpose_lhs_hint = false} : vector<200x64xf32>, vector<200x8xf32>, vector<64x8xf32> -> vector<64x8xf32>
    %add3A_238 = arith.addf %add3A_229, %dot_general3A_237 : vector<64x8xf32>
    %slice3A_239 = vector.extract_strided_slice %concatenate3A {offsets = [4000, 0], sizes = [200, 8], strides = [1, 1]} : vector<5000x8xf32> to vector<200x8xf32>
    %slice3A_240 = vector.extract_strided_slice %get3A_53 {offsets = [4000, 0], sizes = [200, 1], strides = [1, 1]} : vector<5000x1xi32> to vector<200x1xi32>
    %eq3A_241 = vector.broadcast %slice3A_240 : vector<200x1xi32> to vector<200x64xi32>
    %eq3A_242 = arith.cmpi eq, %iota3A, %eq3A_241 : vector<200x64xi32>
    %convert_element_type3A_243 = arith.extui %eq3A_242 : vector<200x64xi1> to vector<200x64xi32>
    %convert_element_type3A_244 = arith.sitofp %convert_element_type3A_243 : vector<200x64xi32> to vector<200x64xf32>
    %dot_general3A_245 = arith.constant dense<0.000000e+00> : vector<64x8xf32>
    %dot_general3A_246 = tpu.matmul %convert_element_type3A_244, %slice3A_239, %dot_general3A_245 {dimension_numbers = #tpu.dot_dimension_numbers<[0], [0], [1], [1], [0, 1, 1, 1], [], []>, transpose_lhs_hint = false} : vector<200x64xf32>, vector<200x8xf32>, vector<64x8xf32> -> vector<64x8xf32>
    %add3A_247 = arith.addf %add3A_238, %dot_general3A_246 : vector<64x8xf32>
    %slice3A_248 = vector.extract_strided_slice %concatenate3A {offsets = [4200, 0], sizes = [200, 8], strides = [1, 1]} : vector<5000x8xf32> to vector<200x8xf32>
    %slice3A_249 = vector.extract_strided_slice %get3A_53 {offsets = [4200, 0], sizes = [200, 1], strides = [1, 1]} : vector<5000x1xi32> to vector<200x1xi32>
    %eq3A_250 = vector.broadcast %slice3A_249 : vector<200x1xi32> to vector<200x64xi32>
    %eq3A_251 = arith.cmpi eq, %iota3A, %eq3A_250 : vector<200x64xi32>
    %convert_element_type3A_252 = arith.extui %eq3A_251 : vector<200x64xi1> to vector<200x64xi32>
    %convert_element_type3A_253 = arith.sitofp %convert_element_type3A_252 : vector<200x64xi32> to vector<200x64xf32>
    %dot_general3A_254 = arith.constant dense<0.000000e+00> : vector<64x8xf32>
    %dot_general3A_255 = tpu.matmul %convert_element_type3A_253, %slice3A_248, %dot_general3A_254 {dimension_numbers = #tpu.dot_dimension_numbers<[0], [0], [1], [1], [0, 1, 1, 1], [], []>, transpose_lhs_hint = false} : vector<200x64xf32>, vector<200x8xf32>, vector<64x8xf32> -> vector<64x8xf32>
    %add3A_256 = arith.addf %add3A_247, %dot_general3A_255 : vector<64x8xf32>
    %slice3A_257 = vector.extract_strided_slice %concatenate3A {offsets = [4400, 0], sizes = [200, 8], strides = [1, 1]} : vector<5000x8xf32> to vector<200x8xf32>
    %slice3A_258 = vector.extract_strided_slice %get3A_53 {offsets = [4400, 0], sizes = [200, 1], strides = [1, 1]} : vector<5000x1xi32> to vector<200x1xi32>
    %eq3A_259 = vector.broadcast %slice3A_258 : vector<200x1xi32> to vector<200x64xi32>
    %eq3A_260 = arith.cmpi eq, %iota3A, %eq3A_259 : vector<200x64xi32>
    %convert_element_type3A_261 = arith.extui %eq3A_260 : vector<200x64xi1> to vector<200x64xi32>
    %convert_element_type3A_262 = arith.sitofp %convert_element_type3A_261 : vector<200x64xi32> to vector<200x64xf32>
    %dot_general3A_263 = arith.constant dense<0.000000e+00> : vector<64x8xf32>
    %dot_general3A_264 = tpu.matmul %convert_element_type3A_262, %slice3A_257, %dot_general3A_263 {dimension_numbers = #tpu.dot_dimension_numbers<[0], [0], [1], [1], [0, 1, 1, 1], [], []>, transpose_lhs_hint = false} : vector<200x64xf32>, vector<200x8xf32>, vector<64x8xf32> -> vector<64x8xf32>
    %add3A_265 = arith.addf %add3A_256, %dot_general3A_264 : vector<64x8xf32>
    %slice3A_266 = vector.extract_strided_slice %concatenate3A {offsets = [4600, 0], sizes = [200, 8], strides = [1, 1]} : vector<5000x8xf32> to vector<200x8xf32>
    %slice3A_267 = vector.extract_strided_slice %get3A_53 {offsets = [4600, 0], sizes = [200, 1], strides = [1, 1]} : vector<5000x1xi32> to vector<200x1xi32>
    %eq3A_268 = vector.broadcast %slice3A_267 : vector<200x1xi32> to vector<200x64xi32>
    %eq3A_269 = arith.cmpi eq, %iota3A, %eq3A_268 : vector<200x64xi32>
    %convert_element_type3A_270 = arith.extui %eq3A_269 : vector<200x64xi1> to vector<200x64xi32>
    %convert_element_type3A_271 = arith.sitofp %convert_element_type3A_270 : vector<200x64xi32> to vector<200x64xf32>
    %dot_general3A_272 = arith.constant dense<0.000000e+00> : vector<64x8xf32>
    %dot_general3A_273 = tpu.matmul %convert_element_type3A_271, %slice3A_266, %dot_general3A_272 {dimension_numbers = #tpu.dot_dimension_numbers<[0], [0], [1], [1], [0, 1, 1, 1], [], []>, transpose_lhs_hint = false} : vector<200x64xf32>, vector<200x8xf32>, vector<64x8xf32> -> vector<64x8xf32>
    %add3A_274 = arith.addf %add3A_265, %dot_general3A_273 : vector<64x8xf32>
    %slice3A_275 = vector.extract_strided_slice %concatenate3A {offsets = [4800, 0], sizes = [200, 8], strides = [1, 1]} : vector<5000x8xf32> to vector<200x8xf32>
    %slice3A_276 = vector.extract_strided_slice %get3A_53 {offsets = [4800, 0], sizes = [200, 1], strides = [1, 1]} : vector<5000x1xi32> to vector<200x1xi32>
    %eq3A_277 = vector.broadcast %slice3A_276 : vector<200x1xi32> to vector<200x64xi32>
    %eq3A_278 = arith.cmpi eq, %iota3A, %eq3A_277 : vector<200x64xi32>
    %convert_element_type3A_279 = arith.extui %eq3A_278 : vector<200x64xi1> to vector<200x64xi32>
    %convert_element_type3A_280 = arith.sitofp %convert_element_type3A_279 : vector<200x64xi32> to vector<200x64xf32>
    %dot_general3A_281 = arith.constant dense<0.000000e+00> : vector<64x8xf32>
    %dot_general3A_282 = tpu.matmul %convert_element_type3A_280, %slice3A_275, %dot_general3A_281 {dimension_numbers = #tpu.dot_dimension_numbers<[0], [0], [1], [1], [0, 1, 1, 1], [], []>, transpose_lhs_hint = false} : vector<200x64xf32>, vector<200x8xf32>, vector<64x8xf32> -> vector<64x8xf32>
    %add3A_283 = arith.addf %add3A_274, %dot_general3A_282 : vector<64x8xf32>
    %eq3A_284 = arith.constant 9 : i32
    %eq3A_285 = arith.cmpi eq, %arg0, %eq3A_284 : i32
    %jit3A = arith.constant 1.000000e+00 : f32
    %jit3A_286 = arith.constant 0.000000e+00 : f32
    %select_n3A = arith.select %eq3A_285, %jit3A, %jit3A_286 : f32
    %get3A_287 = arith.constant 0 : index
    %get3A_288 = arith.constant 0 : index
    %get3A_289 = vector.load %arg9[%get3A_287, %get3A_288] : memref<1x8xf32, #tpu.memory_space<vmem>>, vector<1x8xf32>
    %mul3A_290 = vector.broadcast %select_n3A : f32 to vector<1x8xf32>
    %mul3A_291 = arith.mulf %mul3A_290, %get3A_289 : vector<1x8xf32>
    %add3A_292 = vector.broadcast %mul3A_291 : vector<1x8xf32> to vector<64x8xf32>
    %add3A_293 = arith.addf %add3A_283, %add3A_292 : vector<64x8xf32>
    %swap3A_294 = arith.constant 0 : index
    %swap3A_295 = arith.constant 0 : index
    %swap3A_296 = vector.load %arg11[%swap3A_294, %swap3A_295] : memref<64x8xf32, #tpu.memory_space<vmem>>, vector<64x8xf32>
    tpu.vector_store %arg11[%swap3A_294, %swap3A_295], %add3A_293 {strides = array<i32>} : memref<64x8xf32, #tpu.memory_space<vmem>>, vector<64x8xf32>,
    return
  }
  func.func @transform_0(%arg0: i32) -> (i32, i32) {
    %c0_i32 = arith.constant 0 : i32
    %c0_i32_0 = arith.constant 0 : i32
    return %arg0, %c0_i32 : i32, i32
  }
  func.func @transform_1(%arg0: i32) -> (i32, i32) {
    %c0_i32 = arith.constant 0 : i32
    %c0_i32_0 = arith.constant 0 : i32
    return %arg0, %c0_i32 : i32, i32
  }
  func.func @transform_2(%arg0: i32) -> (i32, i32) {
    %c0_i32 = arith.constant 0 : i32
    %c0_i32_0 = arith.constant 0 : i32
    return %arg0, %c0_i32 : i32, i32
  }
  func.func @transform_3(%arg0: i32) -> (i32, i32) {
    %c0_i32 = arith.constant 0 : i32
    %c0_i32_0 = arith.constant 0 : i32
    %c0_i32_1 = arith.constant 0 : i32
    return %c0_i32, %c0_i32_0 : i32, i32
  }
  func.func @transform_4(%arg0: i32) -> (i32, i32) {
    %c0_i32 = arith.constant 0 : i32
    %c0_i32_0 = arith.constant 0 : i32
    %c0_i32_1 = arith.constant 0 : i32
    return %c0_i32, %c0_i32_0 : i32, i32
  }
  func.func @transform_5(%arg0: i32) -> (i32, i32) {
    %c0_i32 = arith.constant 0 : i32
    %c0_i32_0 = arith.constant 0 : i32
    %c0_i32_1 = arith.constant 0 : i32
    return %c0_i32, %c0_i32_0 : i32, i32
  }
  func.func @transform_6(%arg0: i32) -> (i32, i32) {
    %c0_i32 = arith.constant 0 : i32
    %c0_i32_0 = arith.constant 0 : i32
    %c0_i32_1 = arith.constant 0 : i32
    return %c0_i32, %c0_i32_0 : i32, i32
  }
  func.func @transform_7(%arg0: i32) -> (i32, i32) {
    %c0_i32 = arith.constant 0 : i32
    %c0_i32_0 = arith.constant 0 : i32
    %c0_i32_1 = arith.constant 0 : i32
    return %c0_i32, %c0_i32_0 : i32, i32
  }
  func.func @transform_8(%arg0: i32) -> (i32, i32) {
    %c0_i32 = arith.constant 0 : i32
    %c0_i32_0 = arith.constant 0 : i32
    %c0_i32_1 = arith.constant 0 : i32
    return %c0_i32, %c0_i32_0 : i32, i32
  }
  func.func @transform_9(%arg0: i32) -> (i32, i32) {
    %c0_i32 = arith.constant 0 : i32
    %c0_i32_0 = arith.constant 0 : i32
    return %arg0, %c0_i32 : i32, i32
  }
  func.func @transform_10(%arg0: i32) -> (i32, i32) {
    %c0_i32 = arith.constant 0 : i32
    %c0_i32_0 = arith.constant 0 : i32
    %c0_i32_1 = arith.constant 0 : i32
    return %c0_i32, %c0_i32_0 : i32, i32
  }
}

</mosaic_0001>

<sc_bundles>
// kernel: kernel.5.cloned.1.call-start
scs
__scs_entry_jumppad:
0x0: {  	(pc) =	sbr.rel $0x88, $3  }
0x1: {  	(tag) =	ssettag $0x0;
	lr =	simm.s32 $0x1  }
0x2: {  	[smem:$0x3F95] =	sst lr;
	_ =	strace $0xD0000000  }
0x3: {  	_ = 	snop  }
0x4: {  	_ = 	snop  }
0x5: {  	_ = 	snop  }
0x6: {  	_ = 	snop  }
0x7: {  	_ = 	snop  }
__scs_overlays_trampoline_lowered:
0x8: {  	[smem:$0x3FA4] =	sst s0  }
0x9: {  	[smem:$0x3FA5] =	sst s1  }
0xa: {  	[smem:$0x3FA6] =	sst s2  }
0xb: {  	[smem:$0x3FA7] =	sst s3  }
0xc: {  	[smem:$0x3FA8] =	sst s4  }
0xd: {  	[smem:$0x3FA9] =	sst s5  }
0xe: {  	[smem:$0x3FAA] =	sst s6  }
0xf: {  	[smem:$0x3FAB] =	sst s7  }
0x10: {  	[smem:$0x3FAC] =	sst s8  }
0x11: {  	[smem:$0x3FAD] =	sst s9;
	s0 =	simm.s32 @!p0 $0x0  }
0x12: {  	s1 =	sld [smem:$0x3F93];
	s0 =	simm.s32 @p0 $0x1  }
0x13: {  	[smem:$0x3FAE] =	sst s0;
	s0 =	simm.s32 @!p1 $0x0  }
0x14: {  	s2 =	sld [smem:$0x3F92];
	s0 =	simm.s32 @p1 $0x1  }
0x15: {  	[smem:$0x3FAF] =	sst s0;
	s0 =	simm.s32 @!p2 $0x0  }
0x16: {  	s3 =	sld [smem:$0x3FDB];
	s0 =	simm.s32 @p2 $0x1  }
0x17: {  	s4 =	simm.s32 $0x1BF5;
	[smem:$0x3FB1] =	sst s0  }
0x18: {  	s0 =	sld [smem:$0x3F94];
	_ =	swait.ge [sflag:s4], $0x0  }
0x19: {  	s7 =	sld [smem:$0x3F95]  }
0x1a: {  	s8 =	sadd.s32 $0xFFFFE003, lr  }
0x1b: {  	s9 =	sadd.s32 $0xFFFFFEF7, lr;
	s5 =	simm.s32 $0xFFFFFFFF;
	p2 =	slt.u32 s8, $0xFFFFF086  }
0x1c: {  	p1 =	slt.u32 s9, $0xF7A;
	s5 =	simm.s32 @!p2 $0x0  }
0x1d: {  	s5 =	simm.s32 @p1 $0x1;
	p0 =	seq.s32 s7, s2  }
0x1e: {  	s7 =	smul.u32 @!p0 $0xF7A, s2;
	p2 =	seq.s32 @!p0 s5, $0x0  }
0x1f: {  	s9 =	smul.u32 $0xF7A, s1;
	s8 =	simm.s32 @!p0 $0x1BF5;
	p2 =	por !p2, p0  }
0x20: {  	[sflag:s8] =	ssyncset.s32 @!p0 $0xFFFFF086;
	s6 =	sadd.s32 @!p0 s3, s7;
	s7 =	simm.s32 @!p0 $0x108  }
0x21: {  	s3 =	sadd.s32 s3, s9;
	s6 =	sadd.s32 @!p0 $0x88, s6;
	s7 =	simm.s32 @p2 $0x1082  }
0x22: {  	[simem:s7], [sflag:s8] =	dma.local @!p0 [hbm:s6], $0xF7A  }
0x23: {  	s9 =	sor.u32 $0xD0000000, s2;
	s6 =	simm.s32 $0x108;
	_ =	swait.ge @!p0 [sflag:s8], $0x0  }
0x24: {  	s3 =	sadd.s32 $0x88, s3;
	s6 =	simm.s32 @!p1 $0x1082;
	[sflag:s4] =	ssyncset.s32 $0xFFFFF086  }
0x25: {  	[simem:s6], [sflag:s4] =	dma.local [hbm:s3], $0xF7A  }
0x26: {  	[smem:$0x3F95] =	sst s1;
	(tag) =	ssettag s2;
	_ =	strace s9  }
0x27: {  	s1 =	sld [smem:$0x3FA5]  }
0x28: {  	s2 =	sld [smem:$0x3FA6]  }
0x29: {  	s4 =	sld [smem:$0x3FA8]  }
0x2a: {  	p0 =	seq.s32 s5, $0x0;
	s5 =	sld [smem:$0x3FA9]  }
0x2b: {  	s6 =	sld [smem:$0x3FAA]  }
0x2c: {  	s7 =	sld [smem:$0x3FAB]  }
0x2d: {  	s3 =	simm.s32 $0x108;
	s8 =	sld [smem:$0x3FAC]  }
0x2e: {  	s3 =	simm.s32 @!p0 $0x1082;
	s9 =	sld [smem:$0x3FAD]  }
0x2f: {  	lr =	sadd.s32 s0, s3;
	s0 =	sld [smem:$0x3FA4]  }
0x30: {  	s3 =	sld [smem:$0x3FA7]  }
0x31: {  	[smem:$0x3FB0] =	sst s10  }
0x32: {  	s10 =	sld [smem:$0x3FAE];
	_ =	sdelay $0x3  }
0x33: {  	p0 =	seq.s32 s10, $0x1;
	s10 =	sld [smem:$0x3FB0];
	_ =	sdelay $0x3  }
0x34: {  	[smem:$0x3FB0] =	sst s10  }
0x35: {  	s10 =	sld [smem:$0x3FAF];
	_ =	sdelay $0x3  }
0x36: {  	p1 =	seq.s32 s10, $0x1;
	s10 =	sld [smem:$0x3FB0];
	_ =	sdelay $0x3  }
0x37: {  	[smem:$0x3FB0] =	sst s10  }
0x38: {  	s10 =	sld [smem:$0x3FB1]  }
0x39: {  	_ = 	snop;
	(pc) =	sbr.ind lr, $3  }
0x3a: {  	_ = 	snop  }
0x3b: {  	_ = 	snop  }
0x3c: {  	p2 =	seq.s32 s10, $0x1;
	s10 =	sld [smem:$0x3FB0]  }
0x3d: {  	_ =	shalt  }
0x3e: {  	_ =	shalt  }
0x3f: {  	_ =	shalt  }
0x40: {  	_ =	shalt  }
0x41: {  	_ =	shalt  }
0x42: {  	_ =	shalt  }
0x43: {  	_ =	shalt  }
0x44: {  	_ =	shalt  }
0x45: {  	_ =	shalt  }
0x46: {  	_ =	shalt  }
0x47: {  	_ =	shalt  }
0x48: {  	_ =	shalt  }
0x49: {  	_ =	shalt  }
0x4a: {  	_ =	shalt  }
0x4b: {  	_ =	shalt  }
0x4c: {  	_ =	shalt  }
0x4d: {  	_ =	shalt  }
0x4e: {  	_ =	shalt  }
0x4f: {  	_ =	shalt  }
0x50: {  	_ =	shalt  }
0x51: {  	_ =	shalt  }
0x52: {  	_ =	shalt  }
0x53: {  	_ =	shalt  }
0x54: {  	_ =	shalt  }
0x55: {  	_ =	shalt  }
0x56: {  	_ =	shalt  }
0x57: {  	_ =	shalt  }
0x58: {  	_ =	shalt  }
0x59: {  	_ =	shalt  }
0x5a: {  	_ =	shalt  }
0x5b: {  	_ =	shalt  }
0x5c: {  	_ =	shalt  }
0x5d: {  	_ =	shalt  }
0x5e: {  	_ =	shalt  }
0x5f: {  	_ =	shalt  }
0x60: {  	_ =	shalt  }
0x61: {  	_ =	shalt  }
0x62: {  	_ =	shalt  }
0x63: {  	_ =	shalt  }
0x64: {  	_ =	shalt  }
0x65: {  	_ =	shalt  }
0x66: {  	_ =	shalt  }
0x67: {  	_ =	shalt  }
0x68: {  	_ =	shalt  }
0x69: {  	_ =	shalt  }
0x6a: {  	_ =	shalt  }
0x6b: {  	_ =	shalt  }
0x6c: {  	_ =	shalt  }
0x6d: {  	_ =	shalt  }
0x6e: {  	_ =	shalt  }
0x6f: {  	_ =	shalt  }
0x70: {  	_ =	shalt  }
0x71: {  	_ =	shalt  }
0x72: {  	_ =	shalt  }
0x73: {  	_ =	shalt  }
0x74: {  	_ =	shalt  }
0x75: {  	_ =	shalt  }
0x76: {  	_ =	shalt  }
0x77: {  	_ =	shalt  }
0x78: {  	_ =	shalt  }
0x79: {  	_ =	shalt  }
0x7a: {  	_ =	shalt  }
0x7b: {  	_ =	shalt  }
0x7c: {  	_ =	shalt  }
0x7d: {  	_ =	shalt  }
0x7e: {  	_ =	shalt  }
0x7f: {  	_ =	shalt  }
0x80: {  	_ =	shalt  }
0x81: {  	_ =	shalt  }
0x82: {  	_ =	shalt  }
0x83: {  	_ =	shalt  }
0x84: {  	_ =	shalt  }
0x85: {  	_ =	shalt  }
0x86: {  	_ =	shalt  }
0x87: {  	_ =	shalt  }
.Lfunc_end0:
.L_simem_size_0:
called_computation_lowered:
.L_overlay_start_0:
0x88: {  	s2 =	sld [smem:$0x3FD9]  }
0x89: {  	s3 =	sld [smem:$0x3FFE];
	_ =	sdelay $0x1  }
0x8a: {  	s1 =	srdreg.scid  }
0x8b: {  	s0 =	sand.u32 $0x1, s1  }
0x8c: {  	s14 =	sshll.u32 s0, $0xA;
	s2 =	sadd.s32 s3, s2  }
0x8d: {  	s2 =	sadd.s32 s2, s14  }
0x8e: {  	[smem:$0x3FBC] =	sst s2  }
0x8f: {  	_ = 	snop  }
0x90: {  	s2 =	sld [smem:$0x3FD0];
	_ =	sdelay $0x2  }
0x91: {  	s15 =	simm.s32 $0xA;
	s4 =	simm.s32 $0x10  }
0x92: {  	[smem:s4], [sflag:s15] =	dma.local [hbm:s2], $0x1  }
0x93: {  	_ =	swait.eq [sflag:s15], $0x1  }
0x94: {  	[sflag:s15] =	ssyncset.done $0x0  }
0x95: {  	[sflag:s15] =	ssyncadd.s32 $0xFFFFFFFF  }
0x96: {  	s16 =	sld [smem:$0x10];
	(tm) =	ssettm $0x1  }
0x97: {  	s17 =	sld [smem:$0x3FFB];
	_ =	sdelay $0x3  }
0x98: {  	_ =	strace s17  }
0x99: {  	s3 =	sld [smem:$0x3FFC];
	_ =	sdelay $0x3  }
0x9a: {  	_ =	strace s3  }
0x9b: {  	s3 =	sld [smem:$0x3FFD];
	_ =	sdelay $0x3  }
0x9c: {  	_ =	strace s3  }
0x9d: {  	_ =	strace $0x8FFFFFFF  }
0x9e: {  	s18 =	sld [smem:$0x3FDB];
	_ =	sdelay $0x1  }
0x9f: {  	s19 =	simm.s32 $_scs_section_size  }
0xa0: {  	s5 =	simm.s32 $_size__tile_overlayer_lowered;
	s6 =	simm.s32 $_tile_overlayer_lowered  }
0xa1: {  	s22 =	simm.s32 $0x1BFF;
	s21 =	sshll.u32 s6, $0x1;
	s3 =	sadd.s32 s19, s18  }
0xa2: {  	s7 =	simm.s32 $0x0;
	s20 =	sshll.u32 s5, $0x1;
	s5 =	sadd.s32 s21, s3  }
0xa3: {  	[timem:s7], [sflag:s22] =	dma.local [hbm:s5], s20  }
0xa4: {  	_ =	swait.ge [sflag:s22], s20  }
0xa5: {  	s4 =	ssub.s32 $0x0, s20;
	[sflag:s22] =	ssyncset.done $0x0  }
0xa6: {  	[sflag:s22] =	ssyncadd.s32 s4;
	_ =	sdelay $0x1  }
0xa7: {  	s23 =	simm.s32 $0x1B8B  }
0xa8: {  	_ =	swait.ge [sflag:s23], $0x1  }
0xa9: {  	[sflag:s23] =	ssyncset.done $0x0  }
0xaa: {  	s25 =	simm.s32 $0x1B8E;
	s24 =	sld [smem:$0x3FFE];
	[sflag:s23] =	ssyncadd.s32 $0xFFFFFFFF  }
0xab: {  	s26 =	simm.s32 $execute0_lowered;
	[smem:$0x3FD2] =	sst s25  }
0xac: {  	s5 =	sshll.u32 s26, $0x1;
	_ =	strace $0x80000046;
	[dreg:$0x1] =	wrdreg $0xFFFFFFFF  }
0xad: {  	s28 =	simm.s32 $_size_execute0_lowered;
	s3 =	sadd.s32 s3, s5;
	[dreg:$0x0] =	wrdreg $0x0  }
0xae: {  	s5 =	sshll.u32 s28, $0x1;
	[dreg:$0x2] =	wrdreg s3  }
0xaf: {  	[dreg:$0x3] =	wrdreg s5  }
0xb0: {  	[dreg:$0x4] =	wrdreg $0xC0  }
0xb1: {  	_ =	task [dreg:s7], $0x5FFFF  }
0xb2: {  	[dreg:$0x1] =	wrdreg $0xFFFFFFFF  }
0xb3: {  	[dreg:$0x0] =	wrdreg $0x60  }
0xb4: {  	[dreg:$0x2] =	wrdreg s24  }
0xb5: {  	[dreg:$0x3] =	wrdreg s16  }
0xb6: {  	[dreg:$0x4] =	wrdreg $0xC1D00  }
0xb7: {  	[dreg:$0x5] =	wrdreg $0x9  }
0xb8: {  	_ =	task.clear_ibuf [dreg:s7], $0x6FFFF;
	_ =	strace $0x90000046  }
0xb9: {  	s29 =	simm.s32 $0x9;
	_ =	strace $0x80000048  }
0xba: {  	_ =	swait.ge [sflag:s29], $0x1  }
0xbb: {  	[sflag:s29] =	ssyncadd.s32 $0xFFFFFFFF  }
0xbc: {  	_ =	strace $0x90000048  }
0xbd: {  	_ =	sfence  }
0xbe: {  	s30 =	sld [smem:$0x0];
	_ =	sdelay $0x2  }
0xbf: {  	s31 =	sshll.u32 s1, $0xD;
	s1 =	sshrl.u32 s1, $0x2  }
0xc0: {  	s3 =	sand.u32 $0x4000, s31;
	s1 =	sadd.s32 s1, s30  }
0xc1: {  	s0 =	sor.u32 s3, s0;
	s1 =	sshll.u32 s1, $0x11  }
0xc2: {  	s0 =	sor.u32 s1, s0  }
0xc3: {  	s0 =	sadd.s32 $0x8F2B, s0  }
0xc4: {  	[sflag:s0] =	ssyncadd.remote.s32 $0x1  }
0xc5: {  	_ =	sfence.sel $0xFFFF  }
0xc6: {  	[dreg:$0x0] =	wrdreg $0xFFFFFFFF;
	(pc) =	sbr.abs _section_cstart, $3  }
0xc7: {  	[dreg:$0x1] =	wrdreg $0xFFFFFFFF  }
0xc8: {  	_ =	task.clear_ibuf [dreg:s7], $0x2FFFF;
	_ =	strace $0x9FFFFFFF  }
0xc9: {  	(tm) =	ssettm $0x7FFFFFFF  }
tec
execute0_lowered:
.L_overlay_start_1:
0x0: {  	(tag) =	ssettag $0x1  }
0x1: {  	s0 =	rddreg [dreg:$0x0]  }
0x2: {  	s20 =	rddreg [dreg:$0x2]  }
0x3: {  	s21 =	simm.s32 $0x0;
	s1 =	srdreg.scid;
	s5 =	stileid.u32  }
0x4: {  	s14 =	simm.s32 $0xAC600;
	[smem:$0x7FF] =	sst s21;
	s1 =	sand.u32 $0x1, s1  }
0x5: {  	s4 =	sshll.u32 s5, $0x1;
	s5 =	smul.u32 $0x12540, s5;
	s6 =	sadd.s32 $0x26000, s0  }
0x6: {  	s23 =	sadd.s32 $0x1600, s0;
	_ =	strace $0x80000047;
	[dreg:$0x1c] =	wrdreg s6  }
0x7: {  	s24 =	sadd.s32 $0x7B800, s0;
	s25 =	sadd.s32 $0x4AA00, s0;
	[smem:$0x7EE] =	sst s23  }
0x8: {  	s2 =	ssub.s32 $0x2, s1;
	s28 =	sor.u32 s1, s4;
	[smem:$0x7EF] =	sst s24  }
0x9: {  	p0 =	seq.s32 s1, $0x1;
	[smem:$0x7F1] =	sst s25;
	s3 =	sshrl.u32 s2, $0x1  }
0xa: {  	s29 =	sadd.s32 $0x2580, s5;
	s30 =	sadd.s32 $0x4B00, s5;
	s7 =	sadd.s32 $0x7080, s5  }
0xb: {  	s8 =	sadd.s32 $0x9600, s5;
	s9 =	sadd.s32 $0xBB80, s5;
	s10 =	sadd.s32 $0xE100, s5  }
0xc: {  	s11 =	sadd.s32 $0x10680, s5;
	s31 =	sshrl.u32 s5, $0x3;
	s5 =	sadd.s32 s5, s20  }
0xd: {  	s14 =	simm.s32 @!p0 $0xD1200;
	s4 =	sadd.s32 s29, s20;
	[smem:$0x7F6] =	sst s5  }
0xe: {  	s2 =	ssub.s32 s2, s3;
	s3 =	sadd.s32 s30, s20;
	[smem:$0x7F7] =	sst s4  }
0xf: {  	s15 =	sshrl.u32 s7, $0x3;
	s6 =	sadd.s32 s7, s20;
	[smem:$0x7F8] =	sst s3  }
0x10: {  	s16 =	sshrl.u32 s8, $0x3;
	s7 =	sadd.s32 s8, s20;
	[smem:$0x7F9] =	sst s6  }
0x11: {  	s17 =	sshrl.u32 s9, $0x3;
	s8 =	sadd.s32 s9, s20;
	[smem:$0x7FA] =	sst s7  }
0x12: {  	s18 =	sshrl.u32 s10, $0x3;
	s9 =	sadd.s32 s10, s20;
	[smem:$0x7FB] =	sst s8  }
0x13: {  	s14 =	sadd.s32 s14, s0;
	s10 =	sadd.s32 s11, s20;
	[smem:$0x7FC] =	sst s9  }
0x14: {  	s12 =	sshrl.u32 s29, $0x3;
	s1 =	sadd.s32 s14, s31;
	[smem:$0x7FD] =	sst s10  }
0x15: {  	s13 =	sshrl.u32 s30, $0x3;
	s12 =	sadd.s32 s14, s12;
	[dreg:$0x1d] =	wrdreg s1  }
0x16: {  	s13 =	sadd.s32 s14, s13;
	[dreg:$0x1e] =	wrdreg s12  }
0x17: {  	s15 =	sadd.s32 s14, s15;
	[dreg:$0x1f] =	wrdreg s13  }
0x18: {  	s16 =	sadd.s32 s14, s16;
	[smem:$0x7E9] =	sst s15  }
0x19: {  	s26 =	smul.u32 $0xC350, s28;
	s17 =	sadd.s32 s14, s17;
	[smem:$0x7EA] =	sst s16  }
0x1a: {  	s19 =	sshrl.u32 s11, $0x3;
	s18 =	sadd.s32 s14, s18;
	[smem:$0x7EB] =	sst s17  }
0x1b: {  	s22 =	sadd.s32 s14, s19;
	[smem:$0x7EC] =	sst s18  }
0x1c: {  	s30 =	sadd.s32 $0x190, s26;
	[smem:$0x7ED] =	sst s22  }
0x1d: {  	s0 =	sadd.s32 $0x320, s26;
	[smem:$0x7F3] =	sst s30  }
0x1e: {  	s28 =	sshrl.u32 s26, $0x3;
	s31 =	smax.u32 s2, $0x1;
	[smem:$0x7F4] =	sst s0  }
0x1f: {  	s11 =	simm.s32 $0x5;
	s29 =	sadd.s32 s24, s28;
	[smem:$0x7F5] =	sst s31  }
0x20: {  	v0 =	vimm.f32 $0.0e+00;
	vm0 =	vcmask $0x2320;
	s1 =	sadd.s32 s25, s28;
	s12 =	simm.s32 $0x190;
	[smem:$0x7F0] =	sst s29  }
0x21: {  	v1 =	vsel vm0, $0x3F800000, v0;
	s13 =	simm.s32 $0x4B0;
	[smem:$0x7F2] =	sst s1;
	s1 =	simm.s32 $0x0  }
.LBB2_1:
0x22: {  	[smem:$0x7E8] =	sst s1  }
0x23: {  	s0 =	rddreg [dreg:$0x1];
	s31 =	simm.s32 $0xC1C0  }
0x24: {  	[tilespmem:s31], [sflag:$0x5] =	stream.linear.gather [hbm4b:s0+s21], $0x10, $0x38;
	[tilespmem:$0x1E710] =	vst v63  }
0x25: {  	_ =	swait.ge [sflag:s11], $0x10  }
0x26: {  	[sflag:s11] =	ssyncset.done $0x0  }
0x27: {  	s1 =	simm.s32 $0x0;
	[sflag:s11] =	ssyncadd.s32 $0xFFFFFFF0  }
0x28: {  	s0 =	simm.s32 $0x60;
	v2 =	vld [tilespmem:$0xC1C0];
	[tilespmem:s1+$0x9C40] =	vst v0  }
.LBB2_2:
0x29: {  	p0 =	sne.s32 s0, $0x95A0;
	[tilespmem:s1+$0x9C48] =	vst v0;
	s1 =	smov.u32 s0;
	s0 =	sadd.s32 $0x60, s0  }
.Ltmp0:
0x2a: {  	(pc) =	sbr.rel @p0 .LBB2_2-.Ltmp0, $3  }
0x2b: {  	_ =	sdelay $0x1  }
0x2c: {  	s1 =	sshra.s32 s1, $0x2  }
0x2d: {  	[tilespmem:s1+$0x9C40] =	vst v0  }
0x2e: {  	[tilespmem:s1+$0x9C48] =	vst v0;
	s0 =	simm.s32 $0x9C40  }
0x2f: {  	[spmem:s5] =	stream.linear.scatter [tilespmem:s0], [sflag:$0x5], $0x2580, $0x38;
	[tilespmem:$0x1E710] =	vst v63  }
0x30: {  	_ =	swait.ge [sflag:s11], $0x2580  }
0x31: {  	[sflag:s11] =	ssyncset.done $0x0  }
0x32: {  	[sflag:s11] =	ssyncadd.s32 $0xFFFFDA80  }
0x33: {  	[spmem:s4] =	stream.linear.scatter [tilespmem:s0], [sflag:$0x5], $0x2580, $0x38;
	[tilespmem:$0x1E710] =	vst v63  }
0x34: {  	_ =	swait.ge [sflag:s11], $0x2580  }
0x35: {  	[sflag:s11] =	ssyncset.done $0x0  }
0x36: {  	[sflag:s11] =	ssyncadd.s32 $0xFFFFDA80  }
0x37: {  	[spmem:s3] =	stream.linear.scatter [tilespmem:s0], [sflag:$0x5], $0x2580, $0x38;
	[tilespmem:$0x1E710] =	vst v63  }
0x38: {  	_ =	swait.ge [sflag:s11], $0x2580  }
0x39: {  	[sflag:s11] =	ssyncset.done $0x0  }
0x3a: {  	[sflag:s11] =	ssyncadd.s32 $0xFFFFDA80  }
0x3b: {  	[spmem:s6] =	stream.linear.scatter [tilespmem:s0], [sflag:$0x5], $0x2580, $0x38;
	[tilespmem:$0x1E710] =	vst v63  }
0x3c: {  	_ =	swait.ge [sflag:s11], $0x2580  }
0x3d: {  	[sflag:s11] =	ssyncset.done $0x0  }
0x3e: {  	[sflag:s11] =	ssyncadd.s32 $0xFFFFDA80  }
0x3f: {  	[spmem:s7] =	stream.linear.scatter [tilespmem:s0], [sflag:$0x5], $0x2580, $0x38;
	[tilespmem:$0x1E710] =	vst v63  }
0x40: {  	_ =	swait.ge [sflag:s11], $0x2580  }
0x41: {  	[sflag:s11] =	ssyncset.done $0x0  }
0x42: {  	[sflag:s11] =	ssyncadd.s32 $0xFFFFDA80  }
0x43: {  	[spmem:s8] =	stream.linear.scatter [tilespmem:s0], [sflag:$0x5], $0x2580, $0x38;
	[tilespmem:$0x1E710] =	vst v63  }
0x44: {  	_ =	swait.ge [sflag:s11], $0x2580  }
0x45: {  	[sflag:s11] =	ssyncset.done $0x0  }
0x46: {  	[sflag:s11] =	ssyncadd.s32 $0xFFFFDA80  }
0x47: {  	[spmem:s9] =	stream.linear.scatter [tilespmem:s0], [sflag:$0x5], $0x2580, $0x38;
	[tilespmem:$0x1E710] =	vst v63  }
0x48: {  	_ =	swait.ge [sflag:s11], $0x2580  }
0x49: {  	[sflag:s11] =	ssyncset.done $0x0  }
0x4a: {  	[sflag:s11] =	ssyncadd.s32 $0xFFFFDA80  }
0x4b: {  	[spmem:s10] =	stream.linear.scatter [tilespmem:s0], [sflag:$0x5], $0x1EC0, $0x38;
	[tilespmem:$0x1E710] =	vst v63  }
0x4c: {  	_ =	swait.ge [sflag:s11], $0x1EC0  }
0x4d: {  	[sflag:s11] =	ssyncset.done $0x0  }
0x4e: {  	s1 =	simm.s32 $0x8;
	s0 =	simm.s32 $0x80;
	[sflag:s11] =	ssyncadd.s32 $0xFFFFE140  }
.LBB2_4:
0x4f: {  	p0 =	sne.s32 s0, $0x95C0;
	[tilespmem:s1+$0x9C40] =	vst v1;
	s1 =	smov.u32 s0;
	s0 =	sadd.s32 $0x60, s0  }
.Ltmp1:
0x50: {  	(pc) =	sbr.rel @p0 .LBB2_4-.Ltmp1, $2  }
0x51: {  	_ =	sdelay $0x2  }
0x52: {  	s1 =	sshra.s32 s1, $0x2  }
0x53: {  	[tilespmem:s1+$0x9C40] =	vst v1  }
0x54: {  	[bflag:$0x0] =	sbarrier.arrive $0xFFFF  }
0x55: {  	s0 =	sld [smem:$0x7F0];
	_ =	sdelay $0x1  }
0x56: {  	s3 =	simm.s32 $0x0  }
0x57: {  	[tilespmem:s3], [sflag:$0x5] =	stream.linear.gather [hbm4b:s0+s3], $0x190, $0x38;
	[tilespmem:$0x1E710] =	vst v63  }
0x58: {  	_ =	swait.ge [sflag:s11], $0x190  }
0x59: {  	s26 =	sld [smem:$0x7F2]  }
0x5a: {  	[sflag:s11] =	ssyncset.done $0x0  }
0x5b: {  	s28 =	simm.s32 $0x320;
	[sflag:s11] =	ssyncadd.s32 $0xFFFFFE70  }
0x5c: {  	[tilespmem:s28], [sflag:$0x5] =	stream.linear.gather [hbm4b:s26+s3], $0x190, $0x38;
	[tilespmem:$0x1E710] =	vst v63  }
0x5d: {  	_ =	swait.ge [sflag:s11], $0x190  }
0x5e: {  	[sflag:s11] =	ssyncset.done $0x0;
	s29 =	rddreg [dreg:$0x1c]  }
0x5f: {  	s2 =	simm.s32 $0x640;
	s30 =	sld [smem:$0x7EE];
	[sflag:s11] =	ssyncadd.s32 $0xFFFFFE70  }
0x60: {  	[tilespmem:s2], [sflag:$0x1] =	stream.indirect.gather [hbm4b:s29+s12], $0x18, s28, s12, $0xb8;
	[tilespmem:$0x1E710] =	vst v63  }
0x61: {  	s31 =	simm.s32 $0x5140  }
0x62: {  	[tilespmem:s31], [sflag:$0x3] =	stream.indirect.gather [hbm4b:s30+s12], $0x18, s3, s12, $0xb8;
	[tilespmem:$0x1E710] =	vst v63  }
.LBB2_6:
0x63: {  	s0 =	sld [smem:$0x7F3]  }
0x64: {  	s1 =	smul.u32 $0x320, s3  }
0x65: {  	s8 =	sld [smem:$0x7EF]  }
0x66: {  	s0 =	sadd.s32 s1, s0  }
0x67: {  	[smem:$0x7E6] =	sst s3;
	s0 =	sshrl.u32 s0, $0x3  }
0x68: {  	s2 =	simm.s32 $0x0;
	[smem:$0x7E7] =	sst s1;
	s1 =	sadd.s32 s8, s0  }
0x69: {  	[tilespmem:s12], [sflag:$0x5] =	stream.linear.gather [hbm4b:s1+s2], $0x190, $0x38;
	[tilespmem:$0x1E710] =	vst v63  }
0x6a: {  	_ =	swait.ge [sflag:s11], $0x190  }
0x6b: {  	s9 =	sld [smem:$0x7F1];
	_ =	sdelay $0x1  }
0x6c: {  	[sflag:s11] =	ssyncset.done $0x0  }
0x6d: {  	[sflag:s11] =	ssyncadd.s32 $0xFFFFFE70;
	s0 =	sadd.s32 s9, s0  }
0x6e: {  	[tilespmem:s13], [sflag:$0x5] =	stream.linear.gather [hbm4b:s0+s2], $0x190, $0x38;
	[tilespmem:$0x1E710] =	vst v63  }
0x6f: {  	_ =	swait.ge [sflag:s11], $0x190  }
0x70: {  	[sflag:s11] =	ssyncset.done $0x0  }
0x71: {  	s10 =	rddreg [dreg:$0x1c];
	[sflag:s11] =	ssyncadd.s32 $0xFFFFFE70;
	s11 =	simm.s32 $0x2BC0  }
0x72: {  	[tilespmem:s11], [sflag:$0x2] =	stream.indirect.gather [hbm4b:s10+s12], $0x18, s13, s12, $0xb8;
	[tilespmem:$0x1E710] =	vst v63  }
0x73: {  	s13 =	sld [smem:$0x7EE];
	_ =	sdelay $0x1  }
0x74: {  	s14 =	simm.s32 $0x76C0;
	s15 =	simm.s32 $0x1  }
0x75: {  	[tilespmem:s14], [sflag:$0x4] =	stream.indirect.gather [hbm4b:s13+s12], $0x18, s12, s12, $0xb8;
	[tilespmem:$0x1E710] =	vst v63  }
0x76: {  	_ =	swait.ge [sflag:s15], $0x2580  }
0x77: {  	[sflag:s15] =	ssyncset.done $0x0  }
0x78: {  	s16 =	simm.s32 $0x3;
	[sflag:s15] =	ssyncadd.s32 $0xFFFFDA80  }
0x79: {  	_ =	swait.ge [sflag:s16], $0x2580  }
0x7a: {  	[sflag:s16] =	ssyncset.done $0x0  }
0x7b: {  	s26 =	simm.s32 $0x51A0;
	[sflag:s16] =	ssyncadd.s32 $0xFFFFDA80  }
0x7c: {  	s19 =	simm.s32 $0x6A0;
	v3 =	vld [tilespmem:s26+$0x50]  }
0x7d: {  	v4 =	vld [tilespmem:s19+$0x50]  }
0x7e: {  	v5 =	vld [tilespmem:s26+$0x38]  }
0x7f: {  	v6 =	vld [tilespmem:s19+$0x38];
	_ =	sdelay $0x2  }
0x80: {  	v7 =	vld [tilespmem:s26+$0x20];
	v3 =	vsub.f32 v4, v3  }
0x81: {  	v4 =	vld [tilespmem:s19+$0x20]  }
0x82: {  	v5 =	vsub.f32 v6, v5;
	v3 =	vmul.f32 v3, v3;
	_ =	sdelay $0x1  }
0x83: {  	v8 =	vld [tilespmem:s19+$0x8];
	v5 =	vmul.f32 v5, v5;
	(v2sf) =	vpush v3, $0x9  }
0x84: {  	v6 =	vld [tilespmem:s26+$0x8];
	(v2sf) =	vpush v3, $0x8  }
0x85: {  	v9 =	vld [tilespmem:s26+$0xFFFFFFD8];
	v4 =	vsub.f32 v4, v7;
	(v2sf) =	vpush v5, $0xA  }
0x86: {  	v7 =	vld [tilespmem:s19+$0xFFFFFFD8];
	(v2sf) =	vpush v3, $0xA  }
0x87: {  	v3 =	vmul.f32 v4, v4;
	(v2sf) =	vpush v5, $0x9  }
0x88: {  	(v2sf) =	vpush v5, $0x8  }
0x89: {  	v6 =	vsub.f32 v8, v6;
	v4 =	vld [tilespmem:s26+$0xFFFFFFC0];
	(v2sf) =	vpush v3, $0x9  }
0x8a: {  	v5 =	vld [tilespmem:s19+$0xFFFFFFC0];
	(v2sf) =	vpush v3, $0x8  }
0x8b: {  	v8 =	vld [tilespmem:s26+$0xFFFFFFA8];
	v6 =	vmul.f32 v6, v6;
	v7 =	vsub.f32 v7, v9;
	(v2sf) =	vpush v3, $0xA  }
0x8c: {  	v9 =	vld [tilespmem:s19+$0xFFFFFFA8]  }
0x8d: {  	v3 =	vmul.f32 v7, v7;
	(v2sf) =	vpush v6, $0xA  }
0x8e: {  	(v2sf) =	vpush v6, $0x8  }
0x8f: {  	v4 =	vsub.f32 v5, v4;
	(v2sf) =	vpush v3, $0x8  }
0x90: {  	v7 =	vld [tilespmem:s26+$0xFFFFFFF0];
	(v2sf) =	vpush v6, $0x9  }
0x91: {  	v5 =	vld [tilespmem:s19+$0xFFFFFFF0];
	v6 =	vsub.f32 v9, v8;
	v4 =	vmul.f32 v4, v4;
	(v2sf) =	vpush v3, $0x9  }
0x92: {  	(v2sf) =	vpush v3, $0xA;
	s17 =	spop (v2sf)  }
0x93: {  	v3 =	vmul.f32 v6, v6;
	(v2sf) =	vpush v4, $0xA;
	s18 =	spop (v2sf)  }
0x94: {  	(v2sf) =	vpush v4, $0x9;
	s20 =	spop (v2sf)  }
0x95: {  	(v2sf) =	vpush v3, $0x9;
	s0 =	sadd.f32 s17, s18;
	s21 =	spop (v2sf)  }
0x96: {  	v5 =	vsub.f32 v5, v7;
	(v2sf) =	vpush v4, $0x8;
	s4 =	spop (v2sf)  }
0x97: {  	(v2sf) =	vpush v3, $0x8;
	s1 =	sadd.f32 s0, s21;
	s5 =	spop (v2sf)  }
0x98: {  	v4 =	vmul.f32 v5, v5;
	s12 =	spop (v2sf);
	s22 =	sadd.f32 s4, s5  }
0x99: {  	s23 =	sshra.s32 s1, $0x1;
	s17 =	smul.f32 $5.000000000e-01, s1;
	s13 =	spop (v2sf)  }
0x9a: {  	(v2sf) =	vpush v4, $0x8;
	s4 =	ssub.s32 $0x5F3759DF, s23;
	s14 =	spop (v2sf)  }
0x9b: {  	(v2sf) =	vpush v4, $0x9;
	s30 =	sadd.f32 s22, s20;
	s10 =	smul.f32 s4, s17  }
0x9c: {  	s12 =	sadd.f32 s12, s13;
	s8 =	spop (v2sf)  }
0x9d: {  	(v2sf) =	vpush v3, $0xA;
	s15 =	spop (v2sf);
	s22 =	smul.f32 s4, s10  }
0x9e: {  	s5 =	smul.f32 $5.000000000e-01, s30;
	s0 =	spop (v2sf)  }
0x9f: {  	(v2sf) =	vpush v4, $0xA;
	s16 =	spop (v2sf);
	s22 =	ssub.f32 $1.500000000e+00, s22  }
0xa0: {  	s6 =	sshra.s32 s30, $0x1;
	s12 =	sadd.f32 s12, s14;
	s11 =	spop (v2sf)  }
0xa1: {  	s6 =	ssub.s32 $0x5F3759DF, s6;
	s2 =	spop (v2sf);
	s22 =	smul.f32 s4, s22  }
0xa2: {  	s18 =	smul.f32 s6, s5;
	s24 =	spop (v2sf)  }
0xa3: {  	s7 =	spop (v2sf);
	s17 =	smul.f32 s22, s17  }
0xa4: {  	s15 =	sadd.f32 s16, s15;
	s9 =	spop (v2sf)  }
0xa5: {  	s20 =	spop (v2sf);
	s17 =	smul.f32 s17, s22  }
0xa6: {  	s7 =	sadd.f32 s7, s20;
	s25 =	spop (v2sf)  }
0xa7: {  	s16 =	smul.f32 $5.000000000e-01, s12;
	s20 =	sadd.f32 s9, s25  }
0xa8: {  	s18 =	smul.f32 s6, s18;
	s17 =	ssub.f32 $1.500000000e+00, s17  }
0xa9: {  	s21 =	spop (v2sf);
	s31 =	sadd.f32 s7, s24  }
0xaa: {  	s7 =	spop (v2sf);
	s24 =	ssub.f32 $1.500000000e+00, s18  }
0xab: {  	s10 =	sadd.f32 s7, s21;
	s17 =	smul.f32 s17, s22  }
0xac: {  	s7 =	sshra.s32 s31, $0x1;
	s3 =	smul.f32 $5.000000000e-01, s31;
	s9 =	spop (v2sf)  }
0xad: {  	s23 =	ssub.s32 $0x5F3759DF, s7;
	s9 =	sadd.f32 s20, s9;
	s7 =	smul.f32 s6, s24  }
0xae: {  	s20 =	spop (v2sf);
	s25 =	smul.f32 s23, s3  }
0xaf: {  	s6 =	sadd.f32 s10, s20;
	s20 =	smul.f32 $5.000000000e-01, s9  }
0xb0: {  	s21 =	sshra.s32 s9, $0x1;
	s18 =	smul.f32 s23, s25  }
0xb1: {  	s21 =	ssub.s32 $0x5F3759DF, s21;
	s25 =	sshra.s32 s6, $0x1;
	s10 =	smul.f32 $5.000000000e-01, s6  }
0xb2: {  	s25 =	ssub.s32 $0x5F3759DF, s25;
	s28 =	smul.f32 s21, s20  }
0xb3: {  	s24 =	smul.f32 s25, s10  }
0xb4: {  	[dreg:$0x8] =	wrdreg s9;
	s28 =	smul.f32 s21, s28  }
0xb5: {  	s18 =	ssub.f32 $1.500000000e+00, s18;
	s13 =	smul.f32 s25, s24  }
0xb6: {  	s1 =	smul.f32 s17, s1;
	s9 =	ssub.f32 $1.500000000e+00, s28  }
0xb7: {  	s28 =	smul.f32 s23, s18;
	s13 =	ssub.f32 $1.500000000e+00, s13  }
0xb8: {  	s14 =	smul.f32 s21, s9;
	s21 =	sshra.s32 s12, $0x1  }
0xb9: {  	s8 =	sadd.f32 s15, s8;
	s4 =	smul.f32 s25, s13;
	s13 =	ssub.s32 $0x5F3759DF, s21  }
0xba: {  	s23 =	smul.f32 s13, s16  }
0xbb: {  	s24 =	sshra.s32 s8, $0x1;
	s21 =	smul.f32 $5.000000000e-01, s8  }
0xbc: {  	s18 =	ssub.s32 $0x5F3759DF, s24;
	s15 =	smul.f32 s13, s23  }
0xbd: {  	s0 =	sadd.f32 s11, s0;
	v3 =	vld [tilespmem:s19+$0x30];
	s25 =	smul.f32 s18, s21  }
0xbe: {  	v4 =	vld [tilespmem:s26+$0x30];
	s3 =	smul.f32 s28, s3;
	s15 =	ssub.f32 $1.500000000e+00, s15  }
0xbf: {  	s29 =	sadd.f32 s0, s2;
	v5 =	vld [tilespmem:s26+$0x48];
	s2 =	smul.f32 s18, s25  }
0xc0: {  	v6 =	vld [tilespmem:s26+$0x18];
	s9 =	smul.f32 s13, s15  }
0xc1: {  	v8 =	vld [tilespmem:s19+$0x18];
	s0 =	ssub.f32 $1.500000000e+00, s2;
	s13 =	smul.f32 $5.000000000e-01, s29  }
0xc2: {  	s22 =	simm.s32 $0x760;
	v9 =	vld [tilespmem:s19+$0x48];
	s15 =	smul.f32 s14, s20  }
0xc3: {  	v11 =	vld [tilespmem:s22+$0x50];
	s0 =	smul.f32 s18, s0  }
0xc4: {  	v13 =	vld [tilespmem:s22+$0x38];
	s23 =	simm.s32 $0x5260;
	s18 =	sshra.s32 s29, $0x1;
	s2 =	smul.f32 s15, s14  }
0xc5: {  	v10 =	vld [tilespmem:s23+$0x50];
	s15 =	ssub.s32 $0x5F3759DF, s18;
	s16 =	smul.f32 s9, s16  }
0xc6: {  	v15 =	vld [tilespmem:s22+$0x20];
	s20 =	smul.f32 s15, s13  }
0xc7: {  	v12 =	vld [tilespmem:s23+$0x38];
	s16 =	smul.f32 s16, s9  }
0xc8: {  	v18 =	vld [tilespmem:s22+$0xFFFFFFF0];
	s2 =	ssub.f32 $1.500000000e+00, s2;
	s18 =	smul.f32 s15, s20  }
0xc9: {  	s17 =	smul.f32 s4, s10;
	v14 =	vld [tilespmem:s23+$0x20];
	s24 =	ssub.f32 $1.500000000e+00, s16  }
0xca: {  	v16 =	vld [tilespmem:s23+$0x8];
	v10 =	vsub.f32 v11, v10;
	s2 =	smul.f32 s2, s14;
	s25 =	ssub.f32 $1.500000000e+00, s18  }
0xcb: {  	v19 =	vadd.f32 v6, v8;
	v6 =	vmul.f32 s1, v2;
	v11 =	vld [tilespmem:s22+$0x8];
	s14 =	smul.f32 s24, s9  }
0xcc: {  	v5 =	vadd.f32 v5, v9;
	v17 =	vld [tilespmem:s23+$0xFFFFFFF0];
	v12 =	vsub.f32 v13, v12;
	v10 =	vmul.f32 v10, v10;
	s11 =	smul.f32 s15, s25  }
0xcd: {  	v7 =	vld [tilespmem:s26+$0x0];
	s15 =	smul.f32 s0, s21  }
0xce: {  	v20 =	vld [tilespmem:s22+$0xFFFFFFD8];
	v6 =	vadd.f32 v6, v5;
	v12 =	vmul.f32 v12, v12;
	(v2sf) =	vpush v10, $0x9;
	s9 =	smul.f32 s7, s5  }
0xcf: {  	v8 =	vld [tilespmem:s23+$0xFFFFFFD8];
	v13 =	vsub.f32 v15, v14;
	(v2sf) =	vpush v10, $0x8;
	s16 =	smul.f32 s15, s0  }
0xd0: {  	v9 =	vld [tilespmem:s23+$0xFFFFFFC0];
	v11 =	vsub.f32 v11, v16;
	(v2sf) =	vpush v12, $0xA;
	s5 =	smul.f32 s17, s4  }
0xd1: {  	v16 =	vld [tilespmem:s22+$0xFFFFFFC0];
	(v2sf) =	vpush v10, $0xA;
	v10 =	vsub.f32 v18, v17;
	s12 =	smul.f32 s14, s12;
	s1 =	ssub.f32 $1.500000000e+00, s16  }
0xd2: {  	v15 =	vld [tilespmem:s22+$0xFFFFFFA8];
	v21 =	vmul.f32 v13, v13;
	v17 =	vsub.f32 $0.0e+00, v6;
	(v2sf) =	vpush v12, $0x9;
	s18 =	smul.f32 s11, s13  }
0xd3: {  	v13 =	vld [tilespmem:s23+$0xFFFFFFA8];
	v14 =	vmul.f32 v11, v11;
	(v2sf) =	vpush v12, $0x8;
	s0 =	smul.f32 s1, s0  }
0xd4: {  	v11 =	vsub.f32 v20, v8;
	v8 =	vld [tilespmem:s22+$0x30];
	v18 =	vmul.f32 $1.442695020e+00, v17;
	(v2sf) =	vpush v21, $0x9;
	s20 =	smul.f32 s18, s11  }
0xd5: {  	s24 =	simm.s32 $0x9CA0;
	v12 =	vld [tilespmem:s19+$0x0];
	v10 =	vmul.f32 v10, v10;
	v5 =	vmul.f32 s12, v2;
	(v2sf) =	vpush v21, $0x8;
	s1 =	ssub.f32 $1.500000000e+00, s5;
	s8 =	smul.f32 s0, s8  }
0xd6: {  	s21 =	simm.s32 $0x9CA0;
	v17 =	vsub.f32 v16, v9;
	v9 =	vld [tilespmem:s23+$0x30];
	v16 =	vmul.f32 v11, v11;
	(v2sf) =	vpush v21, $0xA;
	s5 =	ssub.f32 $1.500000000e+00, s20;
	s0 =	smul.f32 s3, s28  }
0xd7: {  	s25 =	simm.s32 $0x8;
	v11 =	vld [tilespmem:s26+$0xFFFFFFE8];
	[dreg:$0x4] =	wrdreg s21;
	(erf) = vpow2.f32 v18;
	v5 =	vadd.f32 v5, v19;
	(v2sf) =	vpush v14, $0xA;
	s3 =	smul.f32 s9, s7  }
.LBB2_7:
0xd8: {  	s5 =	smul.f32 s5, s11  }
0xd9: {  	(v2sf) =	vpush v14, $0x8;
	s1 =	smul.f32 s1, s4;
	s11 =	rddreg [dreg:$0x8]  }
0xda: {  	(v2sf) =	vpush v16, $0x8;
	s3 =	ssub.f32 $1.500000000e+00, s3;
	s2 =	smul.f32 s2, s11  }
0xdb: {  	s21 =	smov.u32 s23;
	s0 =	ssub.f32 $1.500000000e+00, s0;
	(v2sf) =	vpush v14, $0x9;
	s18 =	smul.f32 s5, s29  }
0xdc: {  	v19 =	vld [tilespmem:s19+$0xFFFFFFD0];
	[dreg:$0x10] =	wrdreg s21;
	(v2sf) =	vpush v16, $0x9;
	s3 =	smul.f32 s3, s7  }
0xdd: {  	v18 =	vmul.f32 s8, v2;
	s1 =	smul.f32 s1, s6;
	v13 =	vsub.f32 v15, v13;
	v15 =	vld [tilespmem:s26+$0xFFFFFFD0];
	v7 =	vadd.f32 v7, v12;
	s20 =	spop (v2sf)  }
0xde: {  	s8 =	sadd.s32 $0xC0, s24;
	s0 =	smul.f32 s0, s28;
	(v2sf) =	vpush v16, $0xA;
	v16 =	vld [tilespmem:s26+$0xFFFFFFA0];
	s24 =	spop (v2sf)  }
0xdf: {  	v17 =	vmul.f32 v17, v17;
	s7 =	smov.u32 s22;
	v7 =	vadd.f32 v18, v7;
	v18 =	vld [tilespmem:s26+$0xFFFFFFB8];
	s4 =	sadd.f32 s20, s24;
	s26 =	spop (v2sf)  }
0xe0: {  	v14 =	vld [tilespmem:s19+$0xFFFFFFE8];
	[dreg:$0x16] =	wrdreg s7;
	s9 =	spop (v2sf)  }
0xe1: {  	(v2sf) =	vpush v17, $0xA;
	s3 =	smul.f32 s3, s30;
	s4 =	sadd.f32 s4, s9  }
0xe2: {  	s0 =	smul.f32 s0, s31;
	v12 =	vmul.f32 v13, v13;
	(v2sf) =	vpush v17, $0x9;
	s10 =	spop (v2sf)  }
0xe3: {  	v21 =	vadd.f32 v4, v3;
	v3 =	vmov v8;
	v8 =	vadd.f32 v15, v19;
	v15 =	vld [tilespmem:s19+$0xFFFFFFA0];
	s12 =	spop (v2sf);
	[dreg:$0xd] =	wrdreg s4  }
0xe4: {  	v13 =	vsub.f32 $0.0e+00, v5;
	(v2sf) =	vpush v12, $0x9;
	s13 =	sadd.f32 s10, s12;
	s14 =	spop (v2sf)  }
0xe5: {  	v4 =	vmovc v9;
	v9 =	vld [tilespmem:s19+$0xFFFFFFB8];
	v14 =	vadd.f32 v11, v14;
	v11 =	vmul.f32 s3, v2;
	(v2sf) =	vpush v17, $0x8;
	s3 =	sshra.s32 s4, $0x1;
	s4 =	smul.f32 $5.000000000e-01, s4;
	s15 =	spop (v2sf)  }
0xe6: {  	v19 =	vmul.f32 s1, v2;
	s28 =	ssub.s32 $0x5F3759DF, s3;
	s1 =	sadd.f32 s14, s15;
	s16 =	spop (v2sf)  }
0xe7: {  	v20 =	vmul.f32 s18, v2;
	v13 =	vmul.f32 $1.442695020e+00, v13;
	s21 =	sadd.f32 s13, s26;
	s6 =	smul.f32 s28, s4  }
0xe8: {  	(v2sf) =	vpush v12, $0x8;
	v15 =	vadd.f32 v16, v15;
	v16 =	vmul.f32 s2, v2;
	s17 =	spop (v2sf);
	s2 =	sadd.f32 s1, s16  }
0xe9: {  	v61 =	vmul.f32 s0, v2;
	v11 =	vadd.f32 v11, v21;
	(v2sf) =	vpush v10, $0x8;
	s18 =	spop (v2sf);
	s5 =	sshra.s32 s21, $0x1;
	s1 =	smul.f32 $5.000000000e-01, s21  }
0xea: {  	v17 =	vpop (erf);
	(erf) = vpow2.f32 v13;
	v9 =	vadd.f32 v18, v9;
	(v2sf) =	vpush v10, $0x9;
	s31 =	smul.f32 s28, s6;
	s15 =	spop (v2sf);
	s7 =	ssub.s32 $0x5F3759DF, s5  }
0xeb: {  	v17 =	vadd.f32 $1.000000000e+00, v17;
	v18 =	vsub.f32 $0.0e+00, v11;
	[dreg:$0x11] =	wrdreg s2;
	s19 =	sshra.s32 s2, $0x1;
	s2 =	smul.f32 $5.000000000e-01, s2  }
0xec: {  	(v2sf) =	vpush v12, $0xA;
	v13 =	vadd.f32 v61, v9;
	s20 =	spop (v2sf);
	s12 =	smul.f32 s7, s1  }
0xed: {  	v9 =	vadd.f32 v19, v14;
	v12 =	vadd.f32 v16, v15;
	s11 =	ssub.s32 $0x5F3759DF, s19;
	s29 =	spop (v2sf);
	s3 =	sadd.f32 s20, s18  }
0xee: {  	(erf) = vrcp.f32 v17;
	v17 =	vsub.f32 $0.0e+00, v13;
	(v2sf) =	vpush v10, $0xA;
	s16 =	spop (v2sf);
	s24 =	smul.f32 s11, s2  }
0xef: {  	v15 =	vmul.f32 $1.442695020e+00, v18;
	v10 =	vsub.f32 $0.0e+00, v9;
	v16 =	vsub.f32 $0.0e+00, v12;
	s12 =	smul.f32 s7, s12;
	s15 =	sadd.f32 s29, s15  }
0xf0: {  	v18 =	vmul.f32 $1.442695020e+00, v17;
	s9 =	spop (v2sf);
	s19 =	sadd.f32 s3, s17  }
0xf1: {  	v8 =	vadd.f32 v20, v8;
	(erf) = vpow2.f32 v15;
	v10 =	vmul.f32 $1.442695020e+00, v10;
	s14 =	spop (v2sf);
	s30 =	ssub.f32 $1.500000000e+00, s12  }
0xf2: {  	(erf) = vpow2.f32 v18;
	v15 =	vmul.f32 $1.442695020e+00, v16;
	s3 =	smul.f32 s11, s24;
	s29 =	sadd.f32 s15, s16  }
0xf3: {  	v14 =	vsub.f32 $0.0e+00, v8;
	v16 =	vpop (erf);
	(erf) = vpow2.f32 v10;
	[dreg:$0x17] =	wrdreg s19;
	s26 =	spop (v2sf)  }
0xf4: {  	s12 =	smul.f32 $5.000000000e-01, s19;
	v16 =	vadd.f32 $1.000000000e+00, v16;
	(erf) = vpow2.f32 v15;
	s10 =	spop (v2sf)  }
0xf5: {  	v14 =	vmul.f32 $1.442695020e+00, v14;
	v17 =	vsub.f32 $0.0e+00, v7;
	s7 =	smul.f32 s7, s30;
	s5 =	sadd.f32 s14, s10  }
0xf6: {  	s16 =	smul.f32 $5.000000000e-01, s29;
	(erf) = vrcp.f32 v16;
	s10 =	rddreg [dreg:$0x4]  }
0xf7: {  	v17 =	vmul.f32 $1.442695020e+00, v17;
	v10 =	vpop (erf);
	s13 =	spop (v2sf);
	s14 =	ssub.f32 $1.500000000e+00, s3;
	(erf) = vpow2.f32 v14  }
0xf8: {  	s1 =	smul.f32 s7, s1;
	s17 =	spop (v2sf);
	v14 =	vmul.f32 v10, v6  }
0xf9: {  	s0 =	sadd.f32 s26, s13;
	(erf) = vpow2.f32 v17;
	s18 =	spop (v2sf)  }
0xfa: {  	v10 =	vpop (erf);
	s13 =	sadd.f32 s5, s9;
	s11 =	smul.f32 s11, s14  }
0xfb: {  	s20 =	sshra.s32 s19, $0x1;
	s5 =	sadd.f32 s18, s17;
	s24 =	spop (v2sf);
	v15 =	vadd.f32 $1.000000000e+00, v10;
	v6 =	vpop (erf)  }
0xfc: {  	[tilespmem:s10+$0x48] =	vst v14;
	s6 =	sadd.f32 s0, s24;
	s26 =	sshra.s32 s13, $0x1;
	s17 =	smul.f32 $5.000000000e-01, s13;
	v14 =	vpop (erf)  }
0xfd: {  	v16 =	vadd.f32 $1.000000000e+00, v6;
	s2 =	smul.f32 s11, s2;
	s18 =	ssub.s32 $0x5F3759DF, s26;
	s26 =	ssub.f32 $1.500000000e+00, s31;
	(erf) = vrcp.f32 v15;
	v10 =	vpop (erf)  }
0xfe: {  	s9 =	sshra.s32 s6, $0x1;
	[dreg:$0x8] =	wrdreg s6;
	s3 =	smul.f32 $5.000000000e-01, s6;
	v17 =	vadd.f32 $1.000000000e+00, v10  }
0xff: {  	s19 =	spop (v2sf);
	s0 =	ssub.s32 $0x5F3759DF, s9;
	s9 =	smul.f32 s18, s17;
	v15 =	vpop (erf);
	(erf) = vrcp.f32 v16  }
0x100: {  	v14 =	vadd.f32 $1.000000000e+00, v14;
	s6 =	sadd.f32 s5, s19;
	s5 =	ssub.s32 $0x5F3759DF, s20;
	s26 =	smul.f32 s28, s26;
	v6 =	vpop (erf);
	(erf) = vrcp.f32 v17  }
0x101: {  	s30 =	smul.f32 s5, s12  }
0x102: {  	s31 =	smul.f32 s0, s3;
	v5 =	vmul.f32 v15, v5;
	v6 =	vadd.f32 $1.000000000e+00, v6;
	v10 =	vpop (erf);
	(erf) = vrcp.f32 v14  }
0x103: {  	s20 =	smul.f32 $5.000000000e-01, s6;
	v10 =	vadd.f32 $1.000000000e+00, v10  }
0x104: {  	s4 =	smul.f32 s26, s4;
	(erf) = vrcp.f32 v6  }
0x105: {  	s24 =	sshra.s32 s6, $0x1;
	s9 =	smul.f32 s18, s9;
	(erf) = vrcp.f32 v10  }
0x106: {  	s19 =	ssub.s32 $0x5F3759DF, s24;
	s24 =	sshra.s32 s29, $0x1;
	s28 =	smul.f32 s0, s31;
	[tilespmem:s10+$0x18] =	vst v5;
	v5 =	vpop (erf)  }
0x107: {  	s15 =	smul.f32 s19, s20;
	s9 =	ssub.f32 $1.500000000e+00, s9;
	s31 =	ssub.s32 $0x5F3759DF, s24;
	v10 =	vmul.f32 v5, v11  }
0x108: {  	[dreg:$0x18] =	wrdreg s1;
	s1 =	smul.f32 s31, s16;
	v5 =	vpop (erf)  }
0x109: {  	s24 =	ssub.f32 $1.500000000e+00, s28;
	s28 =	smul.f32 s18, s9;
	v6 =	vpop (erf)  }
0x10a: {  	s18 =	smul.f32 s19, s15;
	v6 =	vmul.f32 v6, v12  }
0x10b: {  	s0 =	smul.f32 s0, s24;
	[tilespmem:s10+$0x30] =	vst v10;
	v10 =	vpop (erf)  }
0x10c: {  	s1 =	smul.f32 s31, s1;
	[tilespmem:s10+$0xFFFFFFA0] =	vst v6;
	v6 =	vmul.f32 v10, v9  }
0x10d: {  	s15 =	smul.f32 s28, s17;
	v11 =	vmul.f32 v5, v13;
	v5 =	vpop (erf);
	v9 =	vld [tilespmem:s22+$0x48]  }
0x10e: {  	s9 =	ssub.f32 $1.500000000e+00, s18;
	s17 =	smul.f32 s4, s26;
	v5 =	vmul.f32 v5, v8;
	v8 =	vpop (erf);
	[tilespmem:s10+$0xFFFFFFE8] =	vst v6;
	v6 =	vld [tilespmem:s23+$0x18]  }
0x10f: {  	s3 =	smul.f32 s0, s3;
	[tilespmem:s10+$0xFFFFFFB8] =	vst v11;
	v7 =	vmul.f32 v8, v7;
	v8 =	vld [tilespmem:s22+$0x18]  }
0x110: {  	s24 =	smov.u32 s8;
	s4 =	smul.f32 s19, s9;
	s22 =	sadd.s32 $0xC0, s22;
	[tilespmem:s10+$0xFFFFFFD0] =	vst v5;
	v5 =	vld [tilespmem:s23+$0x48]  }
0x111: {  	s18 =	smov.u32 s8;
	s8 =	ssub.f32 $1.500000000e+00, s17;
	s3 =	smul.f32 s3, s0;
	v11 =	vld [tilespmem:s22+$0x50];
	[tilespmem:s10+$0x0] =	vst v7  }
0x112: {  	s10 =	smul.f32 s5, s30;
	v7 =	vld [tilespmem:s23+$0x0];
	s23 =	sadd.s32 $0xC0, s23  }
0x113: {  	[dreg:$0x4] =	wrdreg s18;
	s9 =	smul.f32 s8, s26;
	v10 =	vld [tilespmem:s23+$0x50]  }
0x114: {  	s20 =	smul.f32 s4, s20;
	v13 =	vld [tilespmem:s22+$0x38];
	s18 =	ssub.f32 $1.500000000e+00, s10  }
0x115: {  	s3 =	ssub.f32 $1.500000000e+00, s3;
	s30 =	smov.u32 s21;
	s21 =	smul.f32 s2, s11;
	v12 =	vld [tilespmem:s23+$0x38]  }
0x116: {  	v15 =	vld [tilespmem:s22+$0x20];
	s5 =	smul.f32 s5, s18  }
0x117: {  	s2 =	smul.f32 s3, s0;
	v14 =	vld [tilespmem:s23+$0x20];
	s10 =	ssub.f32 $1.500000000e+00, s21  }
0x118: {  	v16 =	vld [tilespmem:s23+$0x8];
	s8 =	smul.f32 s5, s12;
	v10 =	vsub.f32 v11, v10  }
0x119: {  	s1 =	ssub.f32 $1.500000000e+00, s1;
	s3 =	smul.f32 s10, s11;
	v11 =	vld [tilespmem:s22+$0x8]  }
0x11a: {  	v18 =	vld [tilespmem:s22+$0xFFFFFFF0];
	s12 =	rddreg [dreg:$0xd];
	v12 =	vsub.f32 v13, v12;
	s0 =	smul.f32 s8, s5;
	v10 =	vmul.f32 v10, v10  }
0x11b: {  	v17 =	vld [tilespmem:s23+$0xFFFFFFF0];
	v19 =	vadd.f32 v6, v8;
	s8 =	smul.f32 s9, s12  }
0x11c: {  	s14 =	rddreg [dreg:$0x11];
	v62 =	vld [tilespmem:s22+$0xFFFFFFD8];
	s11 =	smul.f32 s31, s1;
	v5 =	vadd.f32 v5, v9;
	v12 =	vmul.f32 v12, v12;
	(v2sf) =	vpush v10, $0x9  }
0x11d: {  	v8 =	vld [tilespmem:s23+$0xFFFFFFD8];
	s1 =	smul.f32 s3, s14;
	v6 =	vsub.f32 v15, v14;
	v9 =	vmul.f32 s8, v2;
	(v2sf) =	vpush v10, $0x8  }
0x11e: {  	v63 =	vld [tilespmem:s23+$0xFFFFFFC0];
	s16 =	smul.f32 s11, s16;
	v11 =	vsub.f32 v11, v16;
	(v2sf) =	vpush v12, $0xA  }
0x11f: {  	s25 =	sadd.s32 $0x8, s25;
	s19 =	rddreg [dreg:$0x16];
	s18 =	smul.f32 s20, s4;
	v22 =	vmul.f32 v6, v6;
	v16 =	vld [tilespmem:s22+$0xFFFFFFC0];
	v6 =	vadd.f32 v9, v5;
	(v2sf) =	vpush v10, $0xA  }
0x120: {  	p0 =	slt.u32 s25, $0x188;
	v13 =	vld [tilespmem:s23+$0xFFFFFFA8];
	s3 =	smul.f32 s16, s11;
	s0 =	ssub.f32 $1.500000000e+00, s0;
	v5 =	vsub.f32 v18, v17;
	v9 =	vmul.f32 s1, v2;
	(v2sf) =	vpush v12, $0x9  }
.Ltmp2:
0x121: {  	s21 =	rddreg [dreg:$0x18];
	v15 =	vld [tilespmem:s22+$0xFFFFFFA8];
	v14 =	vmul.f32 v11, v11;
	v11 =	vsub.f32 $0.0e+00, v6;
	(v2sf) =	vpush v12, $0x8;
	(pc) =	sbr.rel @p0 .LBB2_7-.Ltmp2, $4  }
0x122: {  	s20 =	rddreg [dreg:$0x17];
	s0 =	smul.f32 s0, s5;
	v18 =	vsub.f32 v62, v8;
	v8 =	vld [tilespmem:s22+$0x30];
	v10 =	vmul.f32 v5, v5;
	(v2sf) =	vpush v22, $0x9  }
0x123: {  	s5 =	ssub.f32 $1.500000000e+00, s3;
	s3 =	smul.f32 s21, s7;
	v5 =	vadd.f32 v9, v19;
	v9 =	vld [tilespmem:s23+$0x30];
	v19 =	vmul.f32 $1.442695020e+00, v11;
	(v2sf) =	vpush v22, $0x8  }
0x124: {  	s26 =	rddreg [dreg:$0x10];
	s8 =	smul.f32 s0, s20;
	v12 =	vld [tilespmem:s19+$0x0];
	v17 =	vsub.f32 v16, v63;
	(v2sf) =	vpush v22, $0xA  }
0x125: {  	s31 =	smov.u32 s13;
	s1 =	ssub.f32 $1.500000000e+00, s18;
	s0 =	smul.f32 s15, s28;
	v11 =	vld [tilespmem:s26+$0xFFFFFFE8];
	v16 =	vmul.f32 v18, v18;
	(erf) = vpow2.f32 v19;
	(v2sf) =	vpush v14, $0xA  }
0x126: {  	(v2sf) =	vpush v14, $0x8  }
0x127: {  	(v2sf) =	vpush v16, $0x8  }
0x128: {  	(v2sf) =	vpush v14, $0x9  }
0x129: {  	(v2sf) =	vpush v16, $0x9;
	_ =	sdelay $0x1  }
0x12a: {  	v13 =	vsub.f32 v15, v13;
	v14 =	vmul.f32 v17, v17;
	s9 =	spop (v2sf)  }
0x12b: {  	s5 =	smul.f32 s5, s11;
	(v2sf) =	vpush v16, $0xA;
	s12 =	spop (v2sf)  }
0x12c: {  	s3 =	ssub.f32 $1.500000000e+00, s3;
	v13 =	vmul.f32 v13, v13;
	(v2sf) =	vpush v14, $0xA;
	s13 =	spop (v2sf)  }
0x12d: {  	s1 =	smul.f32 s1, s4;
	(v2sf) =	vpush v14, $0x9;
	s14 =	spop (v2sf)  }
0x12e: {  	s0 =	ssub.f32 $1.500000000e+00, s0;
	(v2sf) =	vpush v13, $0x9;
	s15 =	spop (v2sf)  }
0x12f: {  	s5 =	smul.f32 s5, s29;
	(v2sf) =	vpush v14, $0x8;
	s16 =	spop (v2sf)  }
0x130: {  	s3 =	smul.f32 s3, s7;
	(v2sf) =	vpush v13, $0x8;
	s17 =	spop (v2sf)  }
0x131: {  	[smem:$0x7E0] =	sst s5;
	s5 =	smov.u32 s19;
	s19 =	spop (v2sf)  }
0x132: {  	s1 =	smul.f32 s1, s6;
	s10 =	spop (v2sf)  }
0x133: {  	s0 =	smul.f32 s0, s28;
	s25 =	spop (v2sf)  }
0x134: {  	[smem:$0x7DF] =	sst s1;
	s11 =	spop (v2sf)  }
0x135: {  	s20 =	sadd.f32 s9, s12;
	(v2sf) =	vpush v10, $0x8;
	s18 =	spop (v2sf)  }
0x136: {  	s4 =	sadd.f32 s15, s16;
	(v2sf) =	vpush v10, $0x9;
	s28 =	spop (v2sf)  }
0x137: {  	(v2sf) =	vpush v13, $0xA;
	[smem:$0x7E1] =	sst s18;
	s21 =	spop (v2sf)  }
0x138: {  	s29 =	smul.f32 s3, s30;
	[smem:$0x7E2] =	sst s21  }
0x139: {  	s15 =	smul.f32 s0, s31;
	s21 =	sadd.f32 s4, s13  }
0x13a: {  	s30 =	spop (v2sf);
	s13 =	sadd.f32 s20, s14  }
0x13b: {  	(v2sf) =	vpush v10, $0xA;
	[smem:$0x7E3] =	sst s30;
	s7 =	spop (v2sf)  }
0x13c: {  	s0 =	sshra.s32 s21, $0x1;
	s16 =	smul.f32 $5.000000000e-01, s21;
	s1 =	spop (v2sf)  }
0x13d: {  	s31 =	smul.f32 $5.000000000e-01, s13;
	s6 =	ssub.s32 $0x5F3759DF, s0;
	s3 =	spop (v2sf)  }
0x13e: {  	s4 =	smul.f32 s6, s16;
	s18 =	spop (v2sf)  }
0x13f: {  	s30 =	sshra.s32 s13, $0x1;
	s12 =	sadd.f32 s1, s18;
	s0 =	spop (v2sf)  }
0x140: {  	s20 =	ssub.s32 $0x5F3759DF, s30;
	s14 =	smul.f32 s6, s4;
	s30 =	sadd.f32 s3, s0  }
0x141: {  	s1 =	smul.f32 s20, s31;
	s3 =	rddreg [dreg:$0x8]  }
0x142: {  	s18 =	smul.f32 s2, s3;
	s14 =	ssub.f32 $1.500000000e+00, s14  }
0x143: {  	s9 =	sadd.f32 s12, s7;
	s0 =	smul.f32 s20, s1  }
0x144: {  	s7 =	smul.f32 s6, s14;
	s14 =	spop (v2sf)  }
0x145: {  	s12 =	ssub.f32 $1.500000000e+00, s0;
	s0 =	spop (v2sf)  }
0x146: {  	s4 =	smov.u32 s26;
	[smem:$0x7E4] =	sst s9;
	s2 =	spop (v2sf)  }
0x147: {  	s3 =	sshra.s32 s9, $0x1;
	s26 =	smul.f32 $5.000000000e-01, s9;
	s2 =	sadd.f32 s30, s2  }
0x148: {  	s0 =	sadd.f32 s0, s14;
	s30 =	smul.f32 s20, s12;
	s20 =	ssub.s32 $0x5F3759DF, s3  }
0x149: {  	s12 =	smul.f32 s20, s26;
	[smem:$0x7E5] =	sst s2  }
0x14a: {  	s3 =	sshra.s32 s2, $0x1;
	s6 =	smul.f32 $5.000000000e-01, s2;
	s2 =	spop (v2sf)  }
0x14b: {  	s9 =	sadd.f32 s0, s2  }
0x14c: {  	s12 =	smul.f32 s20, s12  }
0x14d: {  	s0 =	ssub.s32 $0x5F3759DF, s3;
	s3 =	sshra.s32 s9, $0x1;
	s14 =	smul.f32 $5.000000000e-01, s9  }
0x14e: {  	s17 =	sadd.f32 s17, s19;
	s1 =	smul.f32 s0, s6;
	s19 =	ssub.s32 $0x5F3759DF, s3  }
0x14f: {  	s2 =	smul.f32 s19, s14  }
0x150: {  	s3 =	smul.f32 s0, s1;
	s1 =	ssub.f32 $1.500000000e+00, s12  }
0x151: {  	s12 =	sadd.f32 s17, s10;
	s2 =	smul.f32 s19, s2  }
0x152: {  	v10 =	vld [tilespmem:s4+$0xFFFFFFD0];
	s10 =	smul.f32 s20, s1;
	s20 =	ssub.f32 $1.500000000e+00, s3  }
0x153: {  	v13 =	vld [tilespmem:s5+$0xFFFFFFD0];
	s1 =	ssub.f32 $1.500000000e+00, s2  }
0x154: {  	v14 =	vld [tilespmem:s5+$0xFFFFFFE8];
	s3 =	sshra.s32 s12, $0x1;
	s17 =	smul.f32 $5.000000000e-01, s12;
	s2 =	sadd.f32 s28, s11  }
0x155: {  	v15 =	vld [tilespmem:s4+$0xFFFFFFB8];
	s20 =	smul.f32 s0, s20;
	s0 =	ssub.s32 $0x5F3759DF, s3  }
0x156: {  	v16 =	vsub.f32 $0.0e+00, v5;
	v17 =	vld [tilespmem:s5+$0xFFFFFFB8];
	s3 =	smul.f32 s0, s17;
	s28 =	sadd.f32 s2, s25  }
0x157: {  	v18 =	vld [tilespmem:s4+$0xFFFFFFA0];
	s11 =	smul.f32 s19, s1  }
0x158: {  	v3 =	vadd.f32 v4, v3;
	v16 =	vmul.f32 $1.442695020e+00, v16;
	v20 =	vmul.f32 s29, v2;
	v19 =	vld [tilespmem:s5+$0xFFFFFFA0];
	s5 =	sshra.s32 s28, $0x1;
	s19 =	smul.f32 $5.000000000e-01, s28  }
0x159: {  	s29 =	sld [smem:$0x7DF];
	s1 =	smul.f32 s0, s3;
	s3 =	ssub.s32 $0x5F3759DF, s5  }
0x15a: {  	v12 =	vadd.f32 v7, v12;
	(erf) = vpow2.f32 v16;
	v3 =	vadd.f32 v20, v3;
	s25 =	smul.f32 s3, s19  }
0x15b: {  	v7 =	vpop (erf);
	v4 =	vmul.f32 s15, v2;
	s4 =	smul.f32 s30, s31;
	v10 =	vadd.f32 v10, v13;
	v13 =	vadd.f32 v15, v17  }
0x15c: {  	v11 =	vadd.f32 v11, v14;
	v14 =	vmul.f32 s29, v2;
	v15 =	vadd.f32 $1.000000000e+00, v7;
	s5 =	smul.f32 s3, s25;
	s25 =	sld [smem:$0x7E0]  }
0x15d: {  	v16 =	vmul.f32 s18, v2;
	v17 =	vadd.f32 v18, v19;
	v7 =	vadd.f32 v4, v13  }
0x15e: {  	v18 =	vsub.f32 $0.0e+00, v3;
	v4 =	vadd.f32 v14, v11;
	s2 =	smul.f32 s4, s30  }
0x15f: {  	v11 =	vadd.f32 v16, v17;
	s15 =	smul.f32 s20, s6;
	v16 =	vsub.f32 $0.0e+00, v7;
	v13 =	vmul.f32 s25, v2  }
0x160: {  	v14 =	vmul.f32 s8, v2;
	v17 =	vsub.f32 $0.0e+00, v4;
	s6 =	smul.f32 s7, s16;
	s2 =	ssub.f32 $1.500000000e+00, s2  }
0x161: {  	s4 =	smul.f32 s15, s20;
	v16 =	vmul.f32 $1.442695020e+00, v16;
	s1 =	ssub.f32 $1.500000000e+00, s1;
	v10 =	vadd.f32 v13, v10;
	v13 =	vmul.f32 $1.442695020e+00, v18  }
0x162: {  	s29 =	sld [smem:$0x7E1];
	(erf) = vrcp.f32 v15;
	v15 =	vsub.f32 $0.0e+00, v11;
	s2 =	smul.f32 s2, s30  }
0x163: {  	v12 =	vadd.f32 v14, v12;
	s30 =	sld [smem:$0x7E2];
	s1 =	smul.f32 s0, s1;
	(erf) = vpow2.f32 v13;
	v13 =	vmul.f32 $1.442695020e+00, v17  }
0x164: {  	v15 =	vmul.f32 $1.442695020e+00, v15;
	s6 =	smul.f32 s6, s7;
	s5 =	ssub.f32 $1.500000000e+00, s5;
	(erf) = vpow2.f32 v16  }
0x165: {  	s17 =	smul.f32 s1, s17;
	v14 =	vsub.f32 $0.0e+00, v10;
	v17 =	vsub.f32 $0.0e+00, v12;
	v16 =	vpop (erf);
	(erf) = vpow2.f32 v13  }
0x166: {  	s0 =	smul.f32 s3, s5;
	s5 =	sld [smem:$0x7E3];
	(erf) = vpow2.f32 v15  }
0x167: {  	s14 =	smul.f32 s11, s14;
	s8 =	sadd.f32 s30, s29;
	v16 =	vadd.f32 $1.000000000e+00, v16;
	v13 =	vmul.f32 $1.442695020e+00, v14;
	v14 =	vmul.f32 $1.442695020e+00, v17  }
0x168: {  	s15 =	smul.f32 s17, s1  }
0x169: {  	s2 =	smul.f32 s2, s13;
	s8 =	sadd.f32 s8, s5;
	v15 =	vld [tilespmem:s22+$0x48];
	(erf) = vrcp.f32 v16  }
0x16a: {  	s30 =	smul.f32 s14, s11;
	s15 =	ssub.f32 $1.500000000e+00, s15;
	(erf) = vpow2.f32 v13;
	v13 =	vld [tilespmem:s23+$0x48]  }
0x16b: {  	s16 =	smul.f32 $5.000000000e-01, s8;
	s18 =	sshra.s32 s8, $0x1;
	(erf) = vpow2.f32 v14;
	v14 =	vpop (erf)  }
0x16c: {  	s4 =	ssub.f32 $1.500000000e+00, s4;
	s1 =	smul.f32 s15, s1;
	s13 =	ssub.s32 $0x5F3759DF, s18;
	v16 =	vpop (erf)  }
0x16d: {  	s25 =	smul.f32 s13, s16;
	v17 =	vpop (erf)  }
0x16e: {  	s5 =	smul.f32 s4, s20;
	v16 =	vadd.f32 $1.000000000e+00, v16;
	v19 =	vpop (erf)  }
0x16f: {  	s17 =	smul.f32 s13, s25;
	v13 =	vadd.f32 v13, v15;
	v15 =	vadd.f32 $1.000000000e+00, v17;
	v17 =	vpop (erf)  }
0x170: {  	s20 =	smul.f32 s10, s26;
	(erf) = vrcp.f32 v16;
	v16 =	vadd.f32 $1.000000000e+00, v17  }
0x171: {  	v18 =	vmul.f32 s2, v2;
	s26 =	smul.f32 s0, s19;
	s17 =	ssub.f32 $1.500000000e+00, s17  }
0x172: {  	v61 =	vld [tilespmem:s23+$0x18];
	s1 =	smul.f32 s1, s12;
	v17 =	vpop (erf)  }
0x173: {  	s13 =	smul.f32 s13, s17;
	v13 =	vadd.f32 v18, v13;
	v18 =	vadd.f32 $1.000000000e+00, v19;
	v19 =	vld [tilespmem:s22+$0x18];
	(erf) = vrcp.f32 v15;
	v15 =	vpop (erf)  }
0x174: {  	s29 =	smul.f32 s26, s0;
	(erf) = vrcp.f32 v16;
	v15 =	vadd.f32 $1.000000000e+00, v15;
	v16 =	vpop (erf)  }
0x175: {  	v63 =	vld [tilespmem:s23+$0xFFFFFFD0];
	s4 =	smul.f32 s13, s16;
	(erf) = vrcp.f32 v18;
	v16 =	vadd.f32 $1.000000000e+00, v16  }
0x176: {  	v33 =	vld [tilespmem:s22+$0xFFFFFFE8];
	s14 =	smul.f32 s20, s10;
	s2 =	ssub.f32 $1.500000000e+00, s29;
	(erf) = vrcp.f32 v15  }
0x177: {  	v24 =	vld [tilespmem:s23+$0xFFFFFFB8];
	s12 =	ssub.f32 $1.500000000e+00, s30;
	v21 =	vsub.f32 $0.0e+00, v13;
	s4 =	smul.f32 s4, s13;
	(erf) = vrcp.f32 v16  }
0x178: {  	v27 =	vld [tilespmem:s22+$0xFFFFFFB8];
	v62 =	vmul.f32 s1, v2;
	s0 =	smul.f32 s2, s0;
	s2 =	ssub.f32 $1.500000000e+00, s6;
	v19 =	vadd.f32 v61, v19  }
0x179: {  	s3 =	smul.f32 s12, s11;
	v18 =	vld [tilespmem:s23+$0x0];
	v21 =	vmul.f32 $1.442695020e+00, v21;
	s4 =	ssub.f32 $1.500000000e+00, s4  }
0x17a: {  	s2 =	smul.f32 s2, s7;
	v15 =	vld [tilespmem:s22+$0x0];
	v19 =	vadd.f32 v62, v19  }
0x17b: {  	v29 =	vld [tilespmem:s23+$0xFFFFFFA0];
	s1 =	smul.f32 s4, s13;
	s4 =	ssub.f32 $1.500000000e+00, s14;
	(erf) = vpow2.f32 v21;
	v23 =	vpop (erf)  }
0x17c: {  	v31 =	vld [tilespmem:s22+$0xFFFFFFA0];
	s15 =	sld [smem:$0x7E4];
	s2 =	smul.f32 s2, s21;
	v26 =	vsub.f32 $0.0e+00, v19;
	v25 =	vpop (erf)  }
0x17d: {  	s16 =	sld [smem:$0x7E5];
	v16 =	vld [tilespmem:s23+$0xFFFFFFE8];
	s4 =	smul.f32 s4, s10;
	v28 =	vpop (erf)  }
0x17e: {  	v8 =	vadd.f32 v9, v8;
	v22 =	vld [tilespmem:s22+$0xFFFFFFD0];
	s3 =	smul.f32 s3, s9;
	v34 =	vmul.f32 s2, v2;
	v26 =	vmul.f32 $1.442695020e+00, v26;
	v30 =	vpop (erf)  }
0x17f: {  	s4 =	smul.f32 s4, s15;
	v15 =	vadd.f32 v18, v15;
	v18 =	vpop (erf)  }
0x180: {  	v24 =	vadd.f32 v24, v27;
	v8 =	vadd.f32 v34, v8;
	s2 =	smul.f32 s5, s16;
	v9 =	vpop (erf);
	(erf) = vpow2.f32 v26  }
0x181: {  	v38 =	vadd.f32 v29, v31;
	v37 =	vmul.f32 s3, v2;
	v36 =	vmul.f32 s4, v2  }
0x182: {  	s0 =	smul.f32 s0, s28;
	v41 =	vsub.f32 $0.0e+00, v8;
	v39 =	vmul.f32 s2, v2;
	v16 =	vadd.f32 v16, v33  }
0x183: {  	s1 =	smul.f32 s1, s8;
	v21 =	vadd.f32 v63, v22;
	v24 =	vadd.f32 v36, v24  }
0x184: {  	v42 =	vmul.f32 s0, v2;
	v22 =	vadd.f32 v39, v38;
	v16 =	vadd.f32 v37, v16;
	v35 =	vpop (erf)  }
0x185: {  	v40 =	vmul.f32 s1, v2;
	v43 =	vsub.f32 $0.0e+00, v24;
	v20 =	vadd.f32 $1.000000000e+00, v35  }
0x186: {  	v44 =	vmul.f32 $1.442695020e+00, v41;
	v46 =	vsub.f32 $0.0e+00, v22;
	v45 =	vsub.f32 $0.0e+00, v16  }
0x187: {  	v21 =	vadd.f32 v40, v21;
	v29 =	vmul.f32 $1.442695020e+00, v43;
	(erf) = vrcp.f32 v20  }
0x188: {  	v15 =	vadd.f32 v42, v15;
	v47 =	vmul.f32 $1.442695020e+00, v45;
	(erf) = vpow2.f32 v44  }
0x189: {  	v48 =	vsub.f32 $0.0e+00, v21;
	v20 =	vmul.f32 $1.442695020e+00, v46;
	(erf) = vpow2.f32 v29;
	v49 =	vpop (erf)  }
0x18a: {  	v50 =	vsub.f32 $0.0e+00, v15;
	(erf) = vpow2.f32 v47;
	v29 =	vadd.f32 $1.000000000e+00, v49  }
0x18b: {  	v51 =	vmul.f32 $1.442695020e+00, v48;
	(erf) = vpow2.f32 v20  }
0x18c: {  	v52 =	vmul.f32 $1.442695020e+00, v50;
	(erf) = vrcp.f32 v29  }
0x18d: {  	(erf) = vpow2.f32 v51  }
0x18e: {  	(erf) = vpow2.f32 v52;
	_ =	sdelay $0x1  }
0x18f: {  	v53 =	vpop (erf)  }
0x190: {  	v54 =	vpop (erf)  }
0x191: {  	v55 =	vpop (erf)  }
0x192: {  	v26 =	vadd.f32 $1.000000000e+00, v54;
	v56 =	vpop (erf)  }
0x193: {  	v27 =	vadd.f32 $1.000000000e+00, v55;
	v57 =	vpop (erf)  }
0x194: {  	v6 =	vmul.f32 v14, v6;
	(erf) = vrcp.f32 v26;
	v58 =	vadd.f32 $1.000000000e+00, v57;
	v59 =	vpop (erf)  }
0x195: {  	s17 =	rddreg [dreg:$0x4];
	v5 =	vmul.f32 v17, v5;
	v14 =	vadd.f32 $1.000000000e+00, v56;
	(erf) = vrcp.f32 v27;
	v60 =	vpop (erf)  }
0x196: {  	[tilespmem:s17+$0x48] =	vst v6;
	v3 =	vmul.f32 v23, v3;
	(erf) = vrcp.f32 v58;
	v17 =	vadd.f32 $1.000000000e+00, v60;
	v61 =	vpop (erf)  }
0x197: {  	[tilespmem:s17+$0x18] =	vst v5;
	v5 =	vmul.f32 v25, v7;
	(erf) = vrcp.f32 v14;
	v6 =	vadd.f32 $1.000000000e+00, v61  }
0x198: {  	[tilespmem:s17+$0x30] =	vst v3;
	v3 =	vmul.f32 v28, v11;
	(erf) = vrcp.f32 v17  }
0x199: {  	[tilespmem:s17+$0xFFFFFFB8] =	vst v5;
	v4 =	vmul.f32 v30, v4;
	(erf) = vrcp.f32 v6  }
0x19a: {  	[tilespmem:s17+$0xFFFFFFA0] =	vst v3;
	v3 =	vmul.f32 v9, v12  }
0x19b: {  	v5 =	vmul.f32 v18, v10;
	[tilespmem:s17+$0xFFFFFFE8] =	vst v4  }
0x19c: {  	[tilespmem:s17+$0x0] =	vst v3;
	v3 =	vmul.f32 v53, v13  }
0x19d: {  	s18 =	sadd.s32 $0xC0, s24;
	[tilespmem:s17+$0xFFFFFFD0] =	vst v5;
	v5 =	vmul.f32 v59, v19;
	v4 =	vpop (erf)  }
0x19e: {  	[tilespmem:s18+$0x48] =	vst v3;
	v3 =	vmul.f32 v4, v8;
	v6 =	vpop (erf)  }
0x19f: {  	[tilespmem:s18+$0x18] =	vst v5;
	v4 =	vpop (erf);
	v5 =	vmul.f32 v6, v24  }
0x1a0: {  	[tilespmem:s18+$0x30] =	vst v3;
	v6 =	vpop (erf);
	v3 =	vmul.f32 v4, v22  }
0x1a1: {  	[tilespmem:s18+$0xFFFFFFB8] =	vst v5;
	v5 =	vmul.f32 v6, v16;
	v4 =	vpop (erf)  }
0x1a2: {  	[tilespmem:s18+$0xFFFFFFA0] =	vst v3;
	v6 =	vpop (erf);
	v4 =	vmul.f32 v4, v21  }
0x1a3: {  	[tilespmem:s18+$0xFFFFFFE8] =	vst v5;
	v3 =	vmul.f32 v6, v15  }
0x1a4: {  	s19 =	rddreg [dreg:$0x2];
	s20 =	simm.s32 $0x9C40;
	[tilespmem:s18+$0xFFFFFFD0] =	vst v4  }
0x1a5: {  	s21 =	simm.s32 $0x320;
	s22 =	simm.s32 $0x190;
	s23 =	simm.s32 $0x5;
	[tilespmem:s18+$0x0] =	vst v3  }
0x1a6: {  	[spmem:s19] =	stream.indirect.scatter.add.f32 [tilespmem:s20], [sflag:$0x5], $0x18, s21, s22, $0xb8;
	[tilespmem:$0x1E710] =	vst v63  }
0x1a7: {  	_ =	swait.ge [sflag:s23], $0x2580  }
0x1a8: {  	s24 =	sld [smem:$0x7F4]  }
0x1a9: {  	s25 =	sld [smem:$0x7E7];
	_ =	sdelay $0x1  }
0x1aa: {  	s26 =	sld [smem:$0x7EF]  }
0x1ab: {  	s0 =	sadd.s32 s25, s24  }
0x1ac: {  	[sflag:s23] =	ssyncset.done $0x0;
	s0 =	sshrl.u32 s0, $0x3  }
0x1ad: {  	s29 =	simm.s32 $0x0;
	[sflag:s23] =	ssyncadd.s32 $0xFFFFDA80;
	s1 =	sadd.s32 s26, s0  }
0x1ae: {  	[tilespmem:s29], [sflag:$0x5] =	stream.linear.gather [hbm4b:s1+s29], $0x190, $0x38;
	[tilespmem:$0x1E710] =	vst v63  }
0x1af: {  	_ =	swait.ge [sflag:s23], $0x190  }
0x1b0: {  	s30 =	sld [smem:$0x7F1];
	_ =	sdelay $0x1  }
0x1b1: {  	[sflag:s23] =	ssyncset.done $0x0  }
0x1b2: {  	[sflag:s23] =	ssyncadd.s32 $0xFFFFFE70;
	s0 =	sadd.s32 s30, s0  }
0x1b3: {  	[tilespmem:s21], [sflag:$0x5] =	stream.linear.gather [hbm4b:s0+s29], $0x190, $0x38;
	[tilespmem:$0x1E710] =	vst v63  }
0x1b4: {  	_ =	swait.ge [sflag:s23], $0x190  }
0x1b5: {  	[sflag:s23] =	ssyncset.done $0x0;
	s1 =	rddreg [dreg:$0x1c]  }
0x1b6: {  	s3 =	simm.s32 $0x640;
	s4 =	sld [smem:$0x7EE];
	[sflag:s23] =	ssyncadd.s32 $0xFFFFFE70  }
0x1b7: {  	[tilespmem:s3], [sflag:$0x1] =	stream.indirect.gather [hbm4b:s1+s22], $0x18, s21, s22, $0xb8;
	[tilespmem:$0x1E710] =	vst v63  }
0x1b8: {  	s6 =	simm.s32 $0x5140;
	s7 =	simm.s32 $0x2  }
0x1b9: {  	[tilespmem:s6], [sflag:$0x3] =	stream.indirect.gather [hbm4b:s4+s22], $0x18, s29, s22, $0xb8;
	[tilespmem:$0x1E710] =	vst v63  }
0x1ba: {  	_ =	swait.ge [sflag:s7], $0x2580  }
0x1bb: {  	[sflag:s7] =	ssyncset.done $0x0  }
0x1bc: {  	s8 =	simm.s32 $0x4;
	[sflag:s7] =	ssyncadd.s32 $0xFFFFDA80  }
0x1bd: {  	_ =	swait.ge [sflag:s8], $0x2580  }
0x1be: {  	[sflag:s8] =	ssyncset.done $0x0  }
0x1bf: {  	s23 =	simm.s32 $0x7720;
	[sflag:s8] =	ssyncadd.s32 $0xFFFFDA80  }
0x1c0: {  	s18 =	simm.s32 $0x2C20;
	v3 =	vld [tilespmem:s23+$0x50]  }
0x1c1: {  	v4 =	vld [tilespmem:s18+$0x50]  }
0x1c2: {  	v5 =	vld [tilespmem:s23+$0x38]  }
0x1c3: {  	v6 =	vld [tilespmem:s18+$0x38];
	_ =	sdelay $0x2  }
0x1c4: {  	v7 =	vld [tilespmem:s23+$0x20];
	v3 =	vsub.f32 v4, v3  }
0x1c5: {  	v4 =	vld [tilespmem:s18+$0x20]  }
0x1c6: {  	v5 =	vsub.f32 v6, v5;
	v3 =	vmul.f32 v3, v3;
	_ =	sdelay $0x1  }
0x1c7: {  	v8 =	vld [tilespmem:s18+$0x8];
	v5 =	vmul.f32 v5, v5;
	(v2sf) =	vpush v3, $0x9  }
0x1c8: {  	v6 =	vld [tilespmem:s23+$0x8];
	(v2sf) =	vpush v3, $0x8  }
0x1c9: {  	v9 =	vld [tilespmem:s23+$0xFFFFFFD8];
	v4 =	vsub.f32 v4, v7;
	(v2sf) =	vpush v5, $0xA  }
0x1ca: {  	v7 =	vld [tilespmem:s18+$0xFFFFFFD8];
	(v2sf) =	vpush v3, $0xA  }
0x1cb: {  	v3 =	vmul.f32 v4, v4;
	(v2sf) =	vpush v5, $0x9  }
0x1cc: {  	(v2sf) =	vpush v5, $0x8  }
0x1cd: {  	v6 =	vsub.f32 v8, v6;
	(v2sf) =	vpush v3, $0x9  }
0x1ce: {  	v4 =	vld [tilespmem:s23+$0xFFFFFFC0];
	(v2sf) =	vpush v3, $0x8  }
0x1cf: {  	v6 =	vmul.f32 v6, v6;
	v5 =	vld [tilespmem:s18+$0xFFFFFFC0];
	v7 =	vsub.f32 v7, v9;
	(v2sf) =	vpush v3, $0xA  }
0x1d0: {  	v8 =	vld [tilespmem:s23+$0xFFFFFFA8]  }
0x1d1: {  	v9 =	vld [tilespmem:s18+$0xFFFFFFA8];
	v3 =	vmul.f32 v7, v7;
	(v2sf) =	vpush v6, $0xA  }
0x1d2: {  	(v2sf) =	vpush v6, $0x8  }
0x1d3: {  	v10 =	vld [tilespmem:s18+$0xFFFFFFF0];
	(v2sf) =	vpush v3, $0x8  }
0x1d4: {  	v7 =	vld [tilespmem:s23+$0xFFFFFFF0];
	v4 =	vsub.f32 v5, v4;
	(v2sf) =	vpush v6, $0x9;
	_ =	sdelay $0x1  }
0x1d5: {  	v5 =	vsub.f32 v9, v8;
	v4 =	vmul.f32 v4, v4;
	(v2sf) =	vpush v3, $0x9;
	s9 =	spop (v2sf)  }
0x1d6: {  	(v2sf) =	vpush v3, $0xA;
	s10 =	spop (v2sf)  }
0x1d7: {  	v3 =	vmul.f32 v5, v5;
	(v2sf) =	vpush v4, $0xA;
	s11 =	spop (v2sf)  }
0x1d8: {  	v5 =	vsub.f32 v10, v7;
	(v2sf) =	vpush v4, $0x9;
	s0 =	sadd.f32 s9, s10;
	s16 =	spop (v2sf)  }
0x1d9: {  	(v2sf) =	vpush v3, $0x9;
	s17 =	spop (v2sf)  }
0x1da: {  	v5 =	vmul.f32 v5, v5;
	(v2sf) =	vpush v4, $0x8;
	s1 =	sadd.f32 s0, s16;
	s19 =	spop (v2sf)  }
0x1db: {  	(v2sf) =	vpush v3, $0x8;
	s8 =	spop (v2sf);
	s20 =	sadd.f32 s17, s19  }
0x1dc: {  	(v2sf) =	vpush v5, $0x8;
	s21 =	sshra.s32 s1, $0x1;
	s4 =	smul.f32 $5.000000000e-01, s1;
	s13 =	spop (v2sf)  }
0x1dd: {  	(v2sf) =	vpush v5, $0x9;
	s6 =	ssub.s32 $0x5F3759DF, s21;
	s14 =	spop (v2sf)  }
0x1de: {  	(v2sf) =	vpush v3, $0xA;
	s24 =	sadd.f32 s20, s11;
	s10 =	smul.f32 s6, s4  }
0x1df: {  	s8 =	sadd.f32 s8, s13;
	s2 =	spop (v2sf)  }
0x1e0: {  	s15 =	spop (v2sf);
	s5 =	smul.f32 $5.000000000e-01, s24  }
0x1e1: {  	s22 =	sshra.s32 s24, $0x1;
	s10 =	smul.f32 s6, s10;
	s0 =	spop (v2sf)  }
0x1e2: {  	(v2sf) =	vpush v5, $0xA;
	s14 =	sadd.f32 s8, s14;
	s7 =	ssub.s32 $0x5F3759DF, s22;
	s16 =	spop (v2sf)  }
0x1e3: {  	s29 =	smul.f32 s7, s5;
	s10 =	ssub.f32 $1.500000000e+00, s10  }
0x1e4: {  	s12 =	spop (v2sf);
	s15 =	sadd.f32 s16, s15  }
0x1e5: {  	s11 =	spop (v2sf);
	s19 =	smul.f32 s7, s29  }
0x1e6: {  	s0 =	sadd.f32 s12, s0;
	s3 =	spop (v2sf)  }
0x1e7: {  	s8 =	sadd.f32 s15, s2;
	s25 =	spop (v2sf)  }
0x1e8: {  	s29 =	ssub.f32 $1.500000000e+00, s19;
	s26 =	spop (v2sf)  }
0x1e9: {  	s12 =	smul.f32 $5.000000000e-01, s8;
	s30 =	spop (v2sf)  }
0x1ea: {  	s7 =	smul.f32 s7, s29;
	s21 =	spop (v2sf)  }
0x1eb: {  	s9 =	sadd.f32 s25, s30;
	s22 =	spop (v2sf)  }
0x1ec: {  	s17 =	sadd.f32 s26, s21;
	s30 =	spop (v2sf)  }
0x1ed: {  	s9 =	sadd.f32 s9, s3;
	s25 =	spop (v2sf)  }
0x1ee: {  	s20 =	sadd.f32 s30, s22;
	s22 =	smul.f32 s6, s10  }
0x1ef: {  	s26 =	sadd.f32 s17, s25;
	s3 =	smul.f32 $5.000000000e-01, s9;
	s30 =	sshra.s32 s9, $0x1  }
0x1f0: {  	[dreg:$0x9] =	wrdreg s9;
	s17 =	ssub.s32 $0x5F3759DF, s30;
	s4 =	smul.f32 s22, s4  }
0x1f1: {  	s25 =	spop (v2sf);
	s19 =	smul.f32 $5.000000000e-01, s26;
	s9 =	sshra.s32 s26, $0x1  }
0x1f2: {  	[dreg:$0x7] =	wrdreg s26;
	s26 =	smul.f32 s17, s3;
	s21 =	ssub.s32 $0x5F3759DF, s9  }
0x1f3: {  	s6 =	sadd.f32 s20, s25;
	s29 =	smul.f32 s21, s19  }
0x1f4: {  	s30 =	smul.f32 s17, s26  }
0x1f5: {  	s9 =	sshra.s32 s6, $0x1;
	s10 =	smul.f32 $5.000000000e-01, s6  }
0x1f6: {  	s28 =	ssub.s32 $0x5F3759DF, s9;
	s20 =	smul.f32 s21, s29;
	s25 =	ssub.f32 $1.500000000e+00, s30  }
0x1f7: {  	s29 =	smul.f32 s28, s10  }
0x1f8: {  	s26 =	smul.f32 s17, s25  }
0x1f9: {  	s30 =	ssub.f32 $1.500000000e+00, s20;
	s9 =	smul.f32 s28, s29  }
0x1fa: {  	s20 =	smul.f32 $5.000000000e-01, s14  }
0x1fb: {  	s13 =	smul.f32 s21, s30  }
0x1fc: {  	s15 =	sshra.s32 s8, $0x1;
	s30 =	smul.f32 s4, s22  }
0x1fd: {  	s15 =	ssub.s32 $0x5F3759DF, s15;
	s21 =	sshra.s32 s14, $0x1;
	s3 =	smul.f32 s26, s3  }
0x1fe: {  	s25 =	ssub.f32 $1.500000000e+00, s9;
	s16 =	ssub.s32 $0x5F3759DF, s21;
	s21 =	smul.f32 s15, s12  }
0x1ff: {  	s29 =	smul.f32 s16, s20  }
0x200: {  	s4 =	smul.f32 s28, s25  }
0x201: {  	s2 =	ssub.f32 $1.500000000e+00, s30;
	s30 =	smul.f32 s13, s19  }
0x202: {  	v3 =	vld [tilespmem:s18+$0x30];
	s28 =	sadd.f32 s0, s11;
	s0 =	smul.f32 s15, s21  }
0x203: {  	v4 =	vld [tilespmem:s23+$0x30];
	s9 =	smul.f32 s16, s29  }
0x204: {  	v5 =	vld [tilespmem:s23+$0x48];
	s11 =	smul.f32 s2, s22  }
0x205: {  	v6 =	vld [tilespmem:s23+$0x18];
	s25 =	smul.f32 $5.000000000e-01, s28;
	s0 =	ssub.f32 $1.500000000e+00, s0  }
0x206: {  	v8 =	vld [tilespmem:s18+$0x18];
	s29 =	ssub.f32 $1.500000000e+00, s9;
	s9 =	smul.f32 s30, s13  }
0x207: {  	v9 =	vld [tilespmem:s18+$0x48];
	s21 =	simm.s32 $0x77E0;
	s1 =	smul.f32 s11, s1  }
0x208: {  	s19 =	sshra.s32 s28, $0x1;
	v10 =	vld [tilespmem:s21+$0x50];
	s0 =	smul.f32 s15, s0  }
0x209: {  	s22 =	simm.s32 $0x2CE0;
	v12 =	vld [tilespmem:s21+$0x38];
	s15 =	ssub.s32 $0x5F3759DF, s19;
	s16 =	smul.f32 s16, s29  }
0x20a: {  	v11 =	vld [tilespmem:s22+$0x50];
	s29 =	smul.f32 s15, s25  }
0x20b: {  	v14 =	vld [tilespmem:s21+$0x20];
	s2 =	ssub.f32 $1.500000000e+00, s9;
	s20 =	smul.f32 s16, s20  }
0x20c: {  	v13 =	vld [tilespmem:s22+$0x38];
	s19 =	smul.f32 s15, s29  }
0x20d: {  	v16 =	vld [tilespmem:s21+$0x8];
	s2 =	smul.f32 s2, s13  }
0x20e: {  	v15 =	vld [tilespmem:s22+$0x20];
	s17 =	smul.f32 s20, s16;
	s9 =	ssub.f32 $1.500000000e+00, s19  }
0x20f: {  	v17 =	vld [tilespmem:s21+$0xFFFFFFF0];
	v10 =	vsub.f32 v11, v10;
	s20 =	smul.f32 s4, s10  }
0x210: {  	v11 =	vld [tilespmem:s22+$0x8];
	s30 =	ssub.f32 $1.500000000e+00, s17;
	s11 =	smul.f32 s15, s9  }
0x211: {  	v18 =	vld [tilespmem:s22+$0xFFFFFFF0];
	v12 =	vsub.f32 v13, v12;
	v10 =	vmul.f32 v10, v10;
	s17 =	smul.f32 s0, s12  }
0x212: {  	v7 =	vld [tilespmem:s23+$0x0];
	v19 =	vadd.f32 v6, v8;
	v5 =	vadd.f32 v5, v9;
	v6 =	vmul.f32 s1, v2;
	s13 =	smul.f32 s30, s16  }
0x213: {  	v8 =	vld [tilespmem:s21+$0xFFFFFFD8];
	v13 =	vsub.f32 v15, v14;
	v12 =	vmul.f32 v12, v12;
	(v2sf) =	vpush v10, $0x9;
	s16 =	smul.f32 s7, s5  }
0x214: {  	v62 =	vld [tilespmem:s22+$0xFFFFFFD8];
	v6 =	vadd.f32 v6, v5;
	(v2sf) =	vpush v10, $0x8;
	s19 =	smul.f32 s17, s0  }
0x215: {  	v9 =	vld [tilespmem:s21+$0xFFFFFFC0];
	v11 =	vsub.f32 v11, v16;
	(v2sf) =	vpush v12, $0xA;
	s25 =	smul.f32 s11, s25  }
0x216: {  	v16 =	vld [tilespmem:s22+$0xFFFFFFC0];
	s5 =	smul.f32 s20, s4;
	(v2sf) =	vpush v10, $0xA;
	v10 =	vsub.f32 v18, v17;
	s1 =	ssub.f32 $1.500000000e+00, s19  }
0x217: {  	v15 =	vld [tilespmem:s22+$0xFFFFFFA8];
	v63 =	vmul.f32 v13, v13;
	v17 =	vsub.f32 $0.0e+00, v6;
	s13 =	smul.f32 s13, s14;
	(v2sf) =	vpush v12, $0x9  }
0x218: {  	v13 =	vld [tilespmem:s21+$0xFFFFFFA8];
	v14 =	vmul.f32 v11, v11;
	(v2sf) =	vpush v12, $0x8;
	s0 =	smul.f32 s1, s0  }
0x219: {  	v11 =	vsub.f32 v62, v8;
	v8 =	vld [tilespmem:s22+$0x30];
	s29 =	smul.f32 s25, s11;
	v18 =	vmul.f32 $1.442695020e+00, v17;
	(v2sf) =	vpush v63, $0x9  }
0x21a: {  	s31 =	simm.s32 $0x9CA0;
	v12 =	vld [tilespmem:s18+$0x0];
	v10 =	vmul.f32 v10, v10;
	v5 =	vmul.f32 s13, v2;
	s1 =	ssub.f32 $1.500000000e+00, s5;
	(v2sf) =	vpush v63, $0x8;
	s8 =	smul.f32 s0, s8  }
0x21b: {  	s30 =	simm.s32 $0x9CA0;
	v17 =	vsub.f32 v16, v9;
	v9 =	vld [tilespmem:s21+$0x30];
	v16 =	vmul.f32 v11, v11;
	s5 =	ssub.f32 $1.500000000e+00, s29;
	(v2sf) =	vpush v63, $0xA;
	s0 =	smul.f32 s3, s26  }
0x21c: {  	s13 =	simm.s32 $0x8;
	v11 =	vld [tilespmem:s23+$0xFFFFFFE8];
	[dreg:$0x5] =	wrdreg s30;
	(erf) = vpow2.f32 v18;
	v5 =	vadd.f32 v5, v19;
	s3 =	smul.f32 s16, s7;
	(v2sf) =	vpush v14, $0xA  }
.LBB2_9:
0x21d: {  	_ = 	snop  }
0x21e: {  	s5 =	smul.f32 s5, s11  }
0x21f: {  	s1 =	smul.f32 s1, s4;
	s3 =	ssub.f32 $1.500000000e+00, s3  }
0x220: {  	(v2sf) =	vpush v14, $0x8;
	s16 =	smov.u32 s21;
	s0 =	ssub.f32 $1.500000000e+00, s0;
	s14 =	smul.f32 s5, s28  }
0x221: {  	s20 =	smov.u32 s22;
	(v2sf) =	vpush v16, $0x8;
	[dreg:$0x15] =	wrdreg s16;
	s3 =	smul.f32 s3, s7  }
0x222: {  	[dreg:$0xc] =	wrdreg s20;
	s1 =	smul.f32 s1, s6  }
0x223: {  	v19 =	vld [tilespmem:s18+$0xFFFFFFD0];
	(v2sf) =	vpush v14, $0x9;
	s0 =	smul.f32 s0, s26;
	s26 =	rddreg [dreg:$0x7]  }
0x224: {  	v18 =	vmul.f32 s8, v2;
	v14 =	vld [tilespmem:s18+$0xFFFFFFE8];
	(v2sf) =	vpush v16, $0x9;
	v13 =	vsub.f32 v15, v13;
	s2 =	smul.f32 s2, s26;
	s15 =	spop (v2sf)  }
0x225: {  	v17 =	vmul.f32 v17, v17;
	v15 =	vld [tilespmem:s23+$0xFFFFFFD0];
	v7 =	vadd.f32 v7, v12;
	(v2sf) =	vpush v16, $0xA;
	s3 =	smul.f32 s3, s24;
	s17 =	spop (v2sf)  }
0x226: {  	v16 =	vld [tilespmem:s23+$0xFFFFFFA0];
	s4 =	sadd.f32 s15, s17;
	s19 =	spop (v2sf)  }
0x227: {  	(v2sf) =	vpush v17, $0xA;
	s24 =	rddreg [dreg:$0x9];
	v12 =	vmul.f32 v13, v13;
	v7 =	vadd.f32 v18, v7;
	v18 =	vld [tilespmem:s23+$0xFFFFFFB8];
	s23 =	spop (v2sf)  }
0x228: {  	(v2sf) =	vpush v17, $0x9;
	s25 =	spop (v2sf);
	s4 =	sadd.f32 s4, s23  }
0x229: {  	v21 =	vadd.f32 v4, v3;
	s0 =	smul.f32 s0, s24;
	(v2sf) =	vpush v12, $0x9;
	s29 =	spop (v2sf)  }
0x22a: {  	v3 =	vmov v8;
	v8 =	vadd.f32 v15, v19;
	v15 =	vld [tilespmem:s18+$0xFFFFFFA0];
	(v2sf) =	vpush v17, $0x8;
	[dreg:$0xe] =	wrdreg s4;
	s6 =	spop (v2sf)  }
0x22b: {  	v14 =	vadd.f32 v11, v14;
	(v2sf) =	vpush v12, $0x8;
	s30 =	sadd.f32 s25, s29;
	s7 =	spop (v2sf)  }
0x22c: {  	v4 =	vmovc v9;
	v9 =	vld [tilespmem:s18+$0xFFFFFFB8];
	v11 =	vmul.f32 s3, v2;
	v19 =	vmul.f32 s1, v2;
	(v2sf) =	vpush v10, $0x8;
	s3 =	sshra.s32 s4, $0x1;
	s4 =	smul.f32 $5.000000000e-01, s4;
	s1 =	sadd.f32 s6, s7  }
0x22d: {  	v13 =	vsub.f32 $0.0e+00, v5;
	s26 =	ssub.s32 $0x5F3759DF, s3;
	s9 =	spop (v2sf);
	s20 =	sadd.f32 s30, s19  }
0x22e: {  	(v2sf) =	vpush v10, $0x9;
	s23 =	smul.f32 s26, s4;
	s10 =	spop (v2sf)  }
0x22f: {  	v13 =	vmul.f32 $1.442695020e+00, v13;
	v15 =	vadd.f32 v16, v15;
	v16 =	vmul.f32 s2, v2;
	s2 =	sadd.f32 s1, s9;
	s17 =	spop (v2sf);
	s5 =	sshra.s32 s20, $0x1  }
0x230: {  	v61 =	vmul.f32 s0, v2;
	(v2sf) =	vpush v12, $0xA;
	s1 =	smul.f32 $5.000000000e-01, s20;
	s15 =	spop (v2sf);
	s7 =	ssub.s32 $0x5F3759DF, s5  }
0x231: {  	v17 =	vpop (erf);
	v11 =	vadd.f32 v11, v21;
	(erf) = vpow2.f32 v13;
	v9 =	vadd.f32 v18, v9;
	[dreg:$0x12] =	wrdreg s2;
	s18 =	sshra.s32 s2, $0x1;
	s2 =	smul.f32 $5.000000000e-01, s2  }
0x232: {  	v17 =	vadd.f32 $1.000000000e+00, v17;
	s19 =	spop (v2sf);
	s12 =	smul.f32 s7, s1  }
0x233: {  	v18 =	vsub.f32 $0.0e+00, v11;
	v13 =	vadd.f32 v61, v9;
	s11 =	ssub.s32 $0x5F3759DF, s18;
	s28 =	spop (v2sf);
	s3 =	sadd.f32 s19, s17  }
0x234: {  	v20 =	vmul.f32 s14, v2;
	v9 =	vadd.f32 v19, v14;
	v12 =	vadd.f32 v16, v15;
	s16 =	spop (v2sf);
	s24 =	smul.f32 s11, s2  }
0x235: {  	(erf) = vrcp.f32 v17;
	v17 =	vsub.f32 $0.0e+00, v13;
	(v2sf) =	vpush v10, $0xA;
	s12 =	smul.f32 s7, s12;
	s15 =	sadd.f32 s28, s15  }
0x236: {  	v15 =	vmul.f32 $1.442695020e+00, v18;
	v10 =	vsub.f32 $0.0e+00, v9;
	v16 =	vsub.f32 $0.0e+00, v12;
	s9 =	spop (v2sf);
	s25 =	sadd.f32 s3, s10  }
0x237: {  	v18 =	vmul.f32 $1.442695020e+00, v17;
	s14 =	spop (v2sf);
	s28 =	sadd.f32 s15, s16  }
0x238: {  	v8 =	vadd.f32 v20, v8;
	(erf) = vpow2.f32 v15;
	v10 =	vmul.f32 $1.442695020e+00, v10;
	s3 =	smul.f32 s11, s24;
	s29 =	spop (v2sf)  }
0x239: {  	(erf) = vpow2.f32 v18;
	v15 =	vmul.f32 $1.442695020e+00, v16;
	s16 =	smul.f32 $5.000000000e-01, s28;
	s30 =	spop (v2sf)  }
0x23a: {  	v14 =	vsub.f32 $0.0e+00, v8;
	v16 =	vpop (erf);
	(erf) = vpow2.f32 v10;
	s5 =	sadd.f32 s14, s30;
	s10 =	spop (v2sf)  }
0x23b: {  	v16 =	vadd.f32 $1.000000000e+00, v16;
	(erf) = vpow2.f32 v15;
	s14 =	ssub.f32 $1.500000000e+00, s3;
	s17 =	spop (v2sf)  }
0x23c: {  	v14 =	vmul.f32 $1.442695020e+00, v14;
	v17 =	vsub.f32 $0.0e+00, v7;
	s0 =	sadd.f32 s29, s10;
	s29 =	smul.f32 s26, s23  }
0x23d: {  	(erf) = vrcp.f32 v16;
	s10 =	rddreg [dreg:$0x5];
	s18 =	spop (v2sf)  }
0x23e: {  	v17 =	vmul.f32 $1.442695020e+00, v17;
	v10 =	vpop (erf);
	(erf) = vpow2.f32 v14;
	s9 =	sadd.f32 s5, s9;
	s11 =	smul.f32 s11, s14  }
0x23f: {  	v14 =	vmul.f32 v10, v6;
	s23 =	sadd.f32 s18, s17;
	s24 =	spop (v2sf)  }
0x240: {  	s8 =	sadd.s32 $0xC0, s31;
	(erf) = vpow2.f32 v17;
	s6 =	sadd.f32 s0, s24;
	s31 =	smul.f32 $5.000000000e-01, s9  }
0x241: {  	v10 =	vpop (erf);
	s30 =	sshra.s32 s9, $0x1;
	s24 =	ssub.f32 $1.500000000e+00, s29;
	s2 =	smul.f32 s11, s2  }
0x242: {  	v15 =	vadd.f32 $1.000000000e+00, v10;
	v6 =	vpop (erf);
	s17 =	ssub.s32 $0x5F3759DF, s30;
	s30 =	ssub.f32 $1.500000000e+00, s12;
	s12 =	smul.f32 $5.000000000e-01, s25  }
0x243: {  	[tilespmem:s10+$0x48] =	vst v14;
	v14 =	vpop (erf);
	s3 =	smul.f32 $5.000000000e-01, s6  }
0x244: {  	s19 =	sshra.s32 s25, $0x1;
	v16 =	vadd.f32 $1.000000000e+00, v6;
	(erf) = vrcp.f32 v15;
	s24 =	smul.f32 s26, s24;
	v10 =	vpop (erf)  }
0x245: {  	s5 =	ssub.s32 $0x5F3759DF, s19;
	s7 =	smul.f32 s7, s30;
	v17 =	vadd.f32 $1.000000000e+00, v10  }
0x246: {  	[dreg:$0x9] =	wrdreg s9;
	s9 =	sshra.s32 s6, $0x1;
	s30 =	smul.f32 s5, s12;
	v15 =	vpop (erf);
	(erf) = vrcp.f32 v16  }
0x247: {  	[dreg:$0x7] =	wrdreg s6;
	s0 =	ssub.s32 $0x5F3759DF, s9;
	v14 =	vadd.f32 $1.000000000e+00, v14;
	s9 =	smul.f32 s17, s31;
	v6 =	vpop (erf);
	(erf) = vrcp.f32 v17  }
0x248: {  	s18 =	spop (v2sf);
	s29 =	smul.f32 s0, s3  }
0x249: {  	s6 =	sadd.f32 s23, s18;
	s4 =	smul.f32 s24, s4;
	v5 =	vmul.f32 v15, v5;
	v6 =	vadd.f32 $1.000000000e+00, v6;
	v10 =	vpop (erf);
	(erf) = vrcp.f32 v14  }
0x24a: {  	s1 =	smul.f32 s7, s1;
	v10 =	vadd.f32 $1.000000000e+00, v10  }
0x24b: {  	s19 =	smul.f32 $5.000000000e-01, s6;
	(erf) = vrcp.f32 v6  }
0x24c: {  	s23 =	sshra.s32 s6, $0x1;
	s9 =	smul.f32 s17, s9;
	(erf) = vrcp.f32 v10  }
0x24d: {  	s18 =	ssub.s32 $0x5F3759DF, s23;
	s23 =	sshra.s32 s28, $0x1;
	s26 =	smul.f32 s0, s29;
	[tilespmem:s10+$0x18] =	vst v5;
	v5 =	vpop (erf)  }
0x24e: {  	s15 =	smul.f32 s18, s19;
	s9 =	ssub.f32 $1.500000000e+00, s9;
	s29 =	ssub.s32 $0x5F3759DF, s23;
	v10 =	vmul.f32 v5, v11  }
0x24f: {  	[dreg:$0x19] =	wrdreg s1;
	s1 =	smul.f32 s29, s16;
	v5 =	vpop (erf)  }
0x250: {  	s23 =	ssub.f32 $1.500000000e+00, s26;
	s26 =	smul.f32 s17, s9;
	v6 =	vpop (erf)  }
0x251: {  	s17 =	smul.f32 s18, s15;
	v6 =	vmul.f32 v6, v12  }
0x252: {  	s0 =	smul.f32 s0, s23;
	[tilespmem:s10+$0x30] =	vst v10;
	v10 =	vpop (erf)  }
0x253: {  	s1 =	smul.f32 s29, s1;
	[tilespmem:s10+$0xFFFFFFA0] =	vst v6;
	v6 =	vmul.f32 v10, v9  }
0x254: {  	s15 =	smul.f32 s26, s31;
	v11 =	vmul.f32 v5, v13;
	v5 =	vpop (erf);
	v9 =	vld [tilespmem:s22+$0x48]  }
0x255: {  	s9 =	ssub.f32 $1.500000000e+00, s17;
	s17 =	smul.f32 s4, s24;
	v5 =	vmul.f32 v5, v8;
	v8 =	vpop (erf);
	[tilespmem:s10+$0xFFFFFFE8] =	vst v6;
	v6 =	vld [tilespmem:s21+$0x18]  }
0x256: {  	s3 =	smul.f32 s0, s3;
	[tilespmem:s10+$0xFFFFFFB8] =	vst v11;
	v7 =	vmul.f32 v8, v7;
	v8 =	vld [tilespmem:s22+$0x18]  }
0x257: {  	s4 =	smul.f32 s18, s9;
	s22 =	sadd.s32 $0xC0, s22;
	[tilespmem:s10+$0xFFFFFFD0] =	vst v5;
	v5 =	vld [tilespmem:s21+$0x48]  }
0x258: {  	s17 =	ssub.f32 $1.500000000e+00, s17;
	s18 =	smul.f32 s5, s30;
	v11 =	vld [tilespmem:s22+$0x50];
	[tilespmem:s10+$0x0] =	vst v7  }
0x259: {  	s3 =	smul.f32 s3, s0;
	v7 =	vld [tilespmem:s21+$0x0];
	s21 =	sadd.s32 $0xC0, s21  }
0x25a: {  	s9 =	smul.f32 s17, s24;
	s24 =	smov.u32 s20;
	s20 =	ssub.f32 $1.500000000e+00, s18;
	v10 =	vld [tilespmem:s21+$0x50]  }
0x25b: {  	s30 =	smul.f32 s4, s19;
	v13 =	vld [tilespmem:s22+$0x38]  }
0x25c: {  	s3 =	ssub.f32 $1.500000000e+00, s3;
	s5 =	smul.f32 s5, s20;
	v12 =	vld [tilespmem:s21+$0x38]  }
0x25d: {  	s31 =	smov.u32 s8;
	v15 =	vld [tilespmem:s22+$0x20];
	s10 =	smov.u32 s8;
	s8 =	smul.f32 s2, s11  }
0x25e: {  	s14 =	rddreg [dreg:$0xe];
	s2 =	smul.f32 s3, s0;
	v14 =	vld [tilespmem:s21+$0x20]  }
0x25f: {  	v18 =	vld [tilespmem:s22+$0xFFFFFFF0];
	[dreg:$0x5] =	wrdreg s10;
	s10 =	smul.f32 s5, s12;
	v10 =	vsub.f32 v11, v10  }
0x260: {  	v16 =	vld [tilespmem:s21+$0x8];
	s12 =	ssub.f32 $1.500000000e+00, s8;
	s8 =	smul.f32 s9, s14  }
0x261: {  	s1 =	ssub.f32 $1.500000000e+00, s1;
	s0 =	smul.f32 s10, s5;
	v11 =	vld [tilespmem:s22+$0x8];
	v12 =	vsub.f32 v13, v12;
	v10 =	vmul.f32 v10, v10  }
0x262: {  	v17 =	vld [tilespmem:s21+$0xFFFFFFF0];
	v19 =	vadd.f32 v6, v8;
	s3 =	smul.f32 s12, s11;
	v5 =	vadd.f32 v5, v9;
	v9 =	vmul.f32 s8, v2  }
0x263: {  	v62 =	vld [tilespmem:s22+$0xFFFFFFD8];
	s11 =	smul.f32 s29, s1;
	v6 =	vsub.f32 v15, v14;
	v12 =	vmul.f32 v12, v12;
	(v2sf) =	vpush v10, $0x9  }
0x264: {  	s19 =	rddreg [dreg:$0x12];
	v8 =	vld [tilespmem:s21+$0xFFFFFFD8];
	s29 =	smul.f32 s30, s4;
	(v2sf) =	vpush v10, $0x8  }
0x265: {  	v63 =	vld [tilespmem:s21+$0xFFFFFFC0];
	s0 =	ssub.f32 $1.500000000e+00, s0;
	s1 =	smul.f32 s3, s19;
	v22 =	vmul.f32 v6, v6;
	v6 =	vadd.f32 v9, v5;
	(v2sf) =	vpush v12, $0xA  }
0x266: {  	s13 =	sadd.s32 $0x8, s13;
	s20 =	smul.f32 s11, s16;
	v11 =	vsub.f32 v11, v16;
	v16 =	vld [tilespmem:s22+$0xFFFFFFC0];
	(v2sf) =	vpush v10, $0xA  }
0x267: {  	p0 =	slt.u32 s13, $0x188;
	v13 =	vld [tilespmem:s21+$0xFFFFFFA8];
	s0 =	smul.f32 s0, s5;
	v5 =	vsub.f32 v18, v17;
	v9 =	vmul.f32 s1, v2;
	(v2sf) =	vpush v12, $0x9  }
.Ltmp3:
0x268: {  	s23 =	rddreg [dreg:$0x15];
	v15 =	vld [tilespmem:s22+$0xFFFFFFA8];
	v14 =	vmul.f32 v11, v11;
	v11 =	vsub.f32 $0.0e+00, v6;
	(v2sf) =	vpush v12, $0x8;
	(pc) =	sbr.rel @p0 .LBB2_9-.Ltmp3, $4  }
0x269: {  	s18 =	rddreg [dreg:$0xc];
	s3 =	smul.f32 s20, s11;
	v18 =	vsub.f32 v62, v8;
	v8 =	vld [tilespmem:s22+$0x30];
	v10 =	vmul.f32 v5, v5;
	(v2sf) =	vpush v22, $0x9  }
0x26a: {  	s30 =	rddreg [dreg:$0x19];
	s8 =	smul.f32 s0, s25;
	v5 =	vadd.f32 v9, v19;
	v9 =	vld [tilespmem:s21+$0x30];
	v19 =	vmul.f32 $1.442695020e+00, v11;
	(v2sf) =	vpush v22, $0x8  }
0x26b: {  	s1 =	ssub.f32 $1.500000000e+00, s29;
	s0 =	smul.f32 s15, s26;
	v12 =	vld [tilespmem:s18+$0x0];
	v17 =	vsub.f32 v16, v63;
	(v2sf) =	vpush v22, $0xA  }
0x26c: {  	s5 =	ssub.f32 $1.500000000e+00, s3;
	s3 =	smul.f32 s30, s7;
	v11 =	vld [tilespmem:s23+$0xFFFFFFE8];
	v16 =	vmul.f32 v18, v18;
	(erf) = vpow2.f32 v19;
	(v2sf) =	vpush v14, $0xA  }
0x26d: {  	(v2sf) =	vpush v14, $0x8  }
0x26e: {  	(v2sf) =	vpush v16, $0x8;
	_ =	sdelay $0x1  }
0x26f: {  	s1 =	smul.f32 s1, s4;
	s0 =	ssub.f32 $1.500000000e+00, s0;
	(v2sf) =	vpush v14, $0x9  }
0x270: {  	s5 =	smul.f32 s5, s11;
	s3 =	ssub.f32 $1.500000000e+00, s3;
	(v2sf) =	vpush v16, $0x9  }
0x271: {  	v13 =	vsub.f32 v15, v13;
	v48 =	vmul.f32 v17, v17;
	s1 =	smul.f32 s1, s6;
	s9 =	spop (v2sf)  }
0x272: {  	s0 =	smul.f32 s0, s26;
	(v2sf) =	vpush v16, $0xA;
	s10 =	spop (v2sf)  }
0x273: {  	v13 =	vmul.f32 v13, v13;
	s5 =	smul.f32 s5, s28;
	(v2sf) =	vpush v48, $0xA;
	s14 =	spop (v2sf)  }
0x274: {  	s3 =	smul.f32 s3, s7;
	(v2sf) =	vpush v48, $0x9;
	s11 =	spop (v2sf)  }
0x275: {  	[smem:$0x7D8] =	sst s1;
	(v2sf) =	vpush v13, $0x9;
	s20 =	spop (v2sf)  }
0x276: {  	[smem:$0x7D9] =	sst s5;
	(v2sf) =	vpush v48, $0x8;
	s16 =	spop (v2sf)  }
0x277: {  	s26 =	sadd.f32 s9, s10;
	(v2sf) =	vpush v13, $0x8;
	s17 =	spop (v2sf)  }
0x278: {  	s4 =	sadd.f32 s20, s16;
	s29 =	spop (v2sf)  }
0x279: {  	s26 =	sadd.f32 s26, s11;
	s19 =	spop (v2sf)  }
0x27a: {  	s20 =	sadd.f32 s4, s14;
	s12 =	spop (v2sf)  }
0x27b: {  	(v2sf) =	vpush v10, $0x8;
	s4 =	rddreg [dreg:$0x9];
	s13 =	spop (v2sf)  }
0x27c: {  	(v2sf) =	vpush v10, $0x9;
	s10 =	smul.f32 $5.000000000e-01, s20;
	s25 =	spop (v2sf)  }
0x27d: {  	s15 =	smul.f32 s3, s24;
	s5 =	sshra.s32 s20, $0x1;
	[smem:$0x7DA] =	sst s25  }
0x27e: {  	s6 =	ssub.s32 $0x5F3759DF, s5;
	s30 =	spop (v2sf);
	[smem:$0x7DD] =	sst s10  }
0x27f: {  	(v2sf) =	vpush v13, $0xA;
	s24 =	smul.f32 s6, s10;
	s28 =	spop (v2sf)  }
0x280: {  	s25 =	smul.f32 s0, s4;
	[smem:$0x7DB] =	sst s28  }
0x281: {  	(v2sf) =	vpush v10, $0xA;
	s5 =	smov.u32 s23;
	s3 =	spop (v2sf);
	s11 =	smul.f32 s6, s24  }
0x282: {  	s0 =	sshra.s32 s26, $0x1;
	[smem:$0x7DC] =	sst s3;
	s7 =	spop (v2sf)  }
0x283: {  	s3 =	smov.u32 s18;
	s18 =	smul.f32 $5.000000000e-01, s26;
	s14 =	spop (v2sf)  }
0x284: {  	s23 =	ssub.s32 $0x5F3759DF, s0;
	s11 =	ssub.f32 $1.500000000e+00, s11;
	s16 =	spop (v2sf)  }
0x285: {  	s4 =	smul.f32 s23, s18;
	s28 =	spop (v2sf)  }
0x286: {  	s10 =	sadd.f32 s14, s28;
	s1 =	spop (v2sf)  }
0x287: {  	s11 =	smul.f32 s6, s11;
	s9 =	sadd.f32 s16, s1  }
0x288: {  	s16 =	rddreg [dreg:$0x7];
	s1 =	smul.f32 s23, s4  }
0x289: {  	s14 =	smul.f32 s2, s16  }
0x28a: {  	s28 =	sadd.f32 s10, s7;
	s2 =	spop (v2sf)  }
0x28b: {  	s7 =	ssub.f32 $1.500000000e+00, s1;
	s4 =	spop (v2sf)  }
0x28c: {  	s16 =	sadd.f32 s4, s2;
	s1 =	sshra.s32 s28, $0x1;
	s10 =	smul.f32 $5.000000000e-01, s28  }
0x28d: {  	[smem:$0x7DE] =	sst s28;
	s4 =	smul.f32 s23, s7;
	s23 =	ssub.s32 $0x5F3759DF, s1  }
0x28e: {  	s2 =	spop (v2sf);
	s6 =	smul.f32 s23, s10  }
0x28f: {  	s28 =	sadd.f32 s9, s2;
	s2 =	smul.f32 s4, s18  }
0x290: {  	s18 =	spop (v2sf);
	s9 =	smul.f32 s23, s6  }
0x291: {  	s16 =	sadd.f32 s16, s18;
	s6 =	smul.f32 $5.000000000e-01, s28  }
0x292: {  	s0 =	sshra.s32 s28, $0x1;
	s2 =	smul.f32 s2, s4  }
0x293: {  	s24 =	ssub.s32 $0x5F3759DF, s0;
	s1 =	sshra.s32 s16, $0x1;
	s18 =	smul.f32 $5.000000000e-01, s16  }
0x294: {  	s17 =	sadd.f32 s17, s29;
	s7 =	smul.f32 s24, s6;
	s0 =	ssub.s32 $0x5F3759DF, s1  }
0x295: {  	s9 =	ssub.f32 $1.500000000e+00, s9;
	s29 =	smul.f32 s0, s18  }
0x296: {  	s1 =	smul.f32 s24, s7  }
0x297: {  	s7 =	sadd.f32 s17, s19;
	s9 =	smul.f32 s23, s9  }
0x298: {  	v49 =	vld [tilespmem:s5+$0xFFFFFFD0];
	s19 =	smul.f32 s0, s29;
	s1 =	ssub.f32 $1.500000000e+00, s1  }
0x299: {  	s30 =	sadd.f32 s30, s13;
	v51 =	vld [tilespmem:s3+$0xFFFFFFE8];
	s10 =	smul.f32 s9, s10  }
0x29a: {  	v52 =	vld [tilespmem:s5+$0xFFFFFFB8];
	s29 =	ssub.f32 $1.500000000e+00, s19;
	s17 =	smul.f32 s24, s1  }
0x29b: {  	v53 =	vsub.f32 $0.0e+00, v5;
	v54 =	vld [tilespmem:s3+$0xFFFFFFB8];
	s1 =	ssub.f32 $1.500000000e+00, s2;
	s2 =	smul.f32 $5.000000000e-01, s7  }
0x29c: {  	v3 =	vadd.f32 v4, v3;
	v20 =	vmul.f32 s15, v2;
	v18 =	vld [tilespmem:s5+$0xFFFFFFA0];
	s10 =	smul.f32 s10, s9  }
0x29d: {  	v16 =	vmul.f32 $1.442695020e+00, v53;
	v19 =	vld [tilespmem:s3+$0xFFFFFFA0];
	s19 =	sadd.f32 s30, s12;
	s13 =	smul.f32 s0, s29  }
0x29e: {  	v56 =	vpop (erf);
	v4 =	vadd.f32 v20, v3;
	v50 =	vld [tilespmem:s3+$0xFFFFFFD0];
	s12 =	smul.f32 s1, s4;
	s4 =	sld [smem:$0x7D8]  }
0x29f: {  	v12 =	vadd.f32 v7, v12;
	(erf) = vpow2.f32 v16;
	v59 =	vadd.f32 $1.000000000e+00, v56;
	s24 =	sshra.s32 s7, $0x1;
	s0 =	smul.f32 $5.000000000e-01, s19  }
0x2a0: {  	v63 =	vsub.f32 $0.0e+00, v4;
	v55 =	vmul.f32 s25, v2;
	v57 =	vadd.f32 v52, v54;
	s1 =	ssub.s32 $0x5F3759DF, s24;
	s23 =	sshra.s32 s19, $0x1;
	s6 =	smul.f32 s17, s6  }
0x2a1: {  	v60 =	vmul.f32 s14, v2;
	s14 =	sld [smem:$0x7D9];
	v11 =	vadd.f32 v11, v51;
	s29 =	smul.f32 s1, s2;
	s15 =	ssub.s32 $0x5F3759DF, s23;
	v58 =	vmul.f32 s4, v2  }
0x2a2: {  	v61 =	vadd.f32 v18, v19;
	v7 =	vadd.f32 v55, v57;
	s23 =	smul.f32 s15, s0  }
0x2a3: {  	v20 =	vmul.f32 s8, v2;
	v10 =	vadd.f32 v49, v50;
	s3 =	smul.f32 s6, s17;
	v3 =	vadd.f32 v58, v11  }
0x2a4: {  	v62 =	vmul.f32 s14, v2;
	v21 =	vsub.f32 $0.0e+00, v7;
	s30 =	smul.f32 s1, s29;
	s29 =	sld [smem:$0x7DA];
	v11 =	vadd.f32 v60, v61  }
0x2a5: {  	(erf) = vrcp.f32 v59;
	v22 =	vmul.f32 $1.442695020e+00, v63;
	s18 =	smul.f32 s13, s18;
	s3 =	ssub.f32 $1.500000000e+00, s3;
	v23 =	vsub.f32 $0.0e+00, v3  }
0x2a6: {  	v10 =	vadd.f32 v62, v10;
	v16 =	vmul.f32 $1.442695020e+00, v21;
	s24 =	smul.f32 s15, s23;
	s5 =	ssub.f32 $1.500000000e+00, s30;
	v24 =	vsub.f32 $0.0e+00, v11  }
0x2a7: {  	v12 =	vadd.f32 v20, v12;
	(erf) = vpow2.f32 v22;
	s30 =	sld [smem:$0x7DB];
	s8 =	smul.f32 s3, s17;
	v25 =	vmul.f32 $1.442695020e+00, v23  }
0x2a8: {  	v27 =	vpop (erf);
	v26 =	vsub.f32 $0.0e+00, v10;
	(erf) = vpow2.f32 v16;
	s25 =	ssub.f32 $1.500000000e+00, s24;
	s24 =	smul.f32 s12, s26;
	v15 =	vmul.f32 $1.442695020e+00, v24  }
0x2a9: {  	v28 =	vsub.f32 $0.0e+00, v12;
	v16 =	vadd.f32 $1.000000000e+00, v27;
	s23 =	sld [smem:$0x7DC];
	s1 =	smul.f32 s1, s5;
	(erf) = vpow2.f32 v25  }
0x2aa: {  	v29 =	vmul.f32 $1.442695020e+00, v26;
	s6 =	sadd.f32 s30, s29;
	s14 =	smul.f32 s15, s25;
	(erf) = vpow2.f32 v15  }
0x2ab: {  	v30 =	vmul.f32 $1.442695020e+00, v28;
	s30 =	sld [smem:$0x7DD];
	s2 =	smul.f32 s1, s2;
	(erf) = vrcp.f32 v16  }
0x2ac: {  	s5 =	sadd.f32 s6, s23;
	s0 =	smul.f32 s14, s0;
	(erf) = vpow2.f32 v29  }
0x2ad: {  	s2 =	smul.f32 s2, s1;
	(erf) = vpow2.f32 v30  }
0x2ae: {  	v31 =	vld [tilespmem:s21+$0x48];
	s25 =	sshra.s32 s5, $0x1;
	s26 =	smul.f32 $5.000000000e-01, s5  }
0x2af: {  	v14 =	vpop (erf);
	v32 =	vld [tilespmem:s22+$0x48];
	s4 =	smul.f32 s11, s30;
	s2 =	ssub.f32 $1.500000000e+00, s2;
	s12 =	ssub.s32 $0x5F3759DF, s25  }
0x2b0: {  	v33 =	vpop (erf);
	s29 =	smul.f32 s12, s26  }
0x2b1: {  	v34 =	vpop (erf);
	s1 =	smul.f32 s2, s1  }
0x2b2: {  	v16 =	vadd.f32 $1.000000000e+00, v33;
	s2 =	smul.f32 s12, s29;
	v36 =	vpop (erf)  }
0x2b3: {  	v37 =	vadd.f32 $1.000000000e+00, v34;
	s0 =	smul.f32 s0, s14;
	v38 =	vpop (erf)  }
0x2b4: {  	v40 =	vld [tilespmem:s21+$0x18];
	v13 =	vadd.f32 v31, v32;
	s6 =	smul.f32 s4, s11;
	s2 =	ssub.f32 $1.500000000e+00, s2;
	(erf) = vrcp.f32 v16;
	v39 =	vadd.f32 $1.000000000e+00, v38;
	v17 =	vpop (erf)  }
0x2b5: {  	v43 =	vld [tilespmem:s22+$0x18];
	v35 =	vmul.f32 s24, v2;
	s25 =	smul.f32 s8, s28;
	v41 =	vadd.f32 $1.000000000e+00, v36;
	(erf) = vrcp.f32 v37;
	v42 =	vpop (erf)  }
0x2b6: {  	s2 =	smul.f32 s12, s2;
	v15 =	vadd.f32 $1.000000000e+00, v42;
	(erf) = vrcp.f32 v39;
	v44 =	vpop (erf)  }
0x2b7: {  	v13 =	vadd.f32 v35, v13;
	s0 =	ssub.f32 $1.500000000e+00, s0;
	s1 =	smul.f32 s1, s7;
	v16 =	vadd.f32 $1.000000000e+00, v44;
	(erf) = vrcp.f32 v41  }
0x2b8: {  	v47 =	vld [tilespmem:s21+$0xFFFFFFE8];
	s17 =	smul.f32 s2, s26;
	(erf) = vrcp.f32 v15  }
0x2b9: {  	v48 =	vld [tilespmem:s21+$0xFFFFFFD0];
	v21 =	vsub.f32 $0.0e+00, v13;
	s3 =	ssub.f32 $1.500000000e+00, s6;
	s0 =	smul.f32 s0, s14;
	(erf) = vrcp.f32 v16  }
0x2ba: {  	v28 =	vld [tilespmem:s21+$0xFFFFFFA0];
	v19 =	vadd.f32 v40, v43;
	v22 =	vmul.f32 s1, v2;
	s4 =	smul.f32 s17, s2  }
0x2bb: {  	v49 =	vld [tilespmem:s22+$0xFFFFFFD0];
	s24 =	sld [smem:$0x7DE];
	v21 =	vmul.f32 $1.442695020e+00, v21;
	s3 =	smul.f32 s3, s11  }
0x2bc: {  	v30 =	vld [tilespmem:s22+$0xFFFFFFA0];
	s1 =	smul.f32 s18, s13;
	v19 =	vadd.f32 v22, v19;
	s4 =	ssub.f32 $1.500000000e+00, s4  }
0x2bd: {  	v27 =	vld [tilespmem:s22+$0xFFFFFFB8];
	s23 =	ssub.f32 $1.500000000e+00, s10;
	s3 =	smul.f32 s3, s20;
	(erf) = vpow2.f32 v21;
	v23 =	vpop (erf)  }
0x2be: {  	v24 =	vld [tilespmem:s21+$0xFFFFFFB8];
	s1 =	ssub.f32 $1.500000000e+00, s1;
	v26 =	vsub.f32 $0.0e+00, v19;
	s2 =	smul.f32 s4, s2;
	v25 =	vpop (erf)  }
0x2bf: {  	v50 =	vld [tilespmem:s22+$0xFFFFFFE8];
	s4 =	smul.f32 s23, s9;
	v29 =	vpop (erf)  }
0x2c0: {  	s1 =	smul.f32 s1, s13;
	v26 =	vmul.f32 $1.442695020e+00, v26;
	v31 =	vpop (erf)  }
0x2c1: {  	v55 =	vmul.f32 s25, v2;
	v28 =	vadd.f32 v28, v30;
	v32 =	vmul.f32 s3, v2;
	s3 =	smul.f32 s4, s24;
	v18 =	vpop (erf)  }
0x2c2: {  	v8 =	vadd.f32 v9, v8;
	v45 =	vld [tilespmem:s21+$0x0];
	v51 =	vadd.f32 v48, v49;
	s1 =	smul.f32 s1, s16;
	v20 =	vpop (erf);
	(erf) = vpow2.f32 v26  }
0x2c3: {  	v46 =	vld [tilespmem:s22+$0x0];
	v24 =	vadd.f32 v24, v27;
	v27 =	vadd.f32 v55, v28;
	v52 =	vmul.f32 s3, v2  }
0x2c4: {  	s0 =	smul.f32 s0, s19;
	v8 =	vadd.f32 v32, v8;
	v16 =	vadd.f32 v47, v50;
	v54 =	vmul.f32 s1, v2  }
0x2c5: {  	v62 =	vsub.f32 $0.0e+00, v27;
	s2 =	smul.f32 s2, s5;
	v21 =	vadd.f32 v52, v24  }
0x2c6: {  	v58 =	vmul.f32 s0, v2;
	v57 =	vsub.f32 $0.0e+00, v8;
	v16 =	vadd.f32 v54, v16;
	v53 =	vpop (erf)  }
0x2c7: {  	v56 =	vmul.f32 s2, v2;
	v59 =	vsub.f32 $0.0e+00, v21;
	v22 =	vadd.f32 $1.000000000e+00, v53  }
0x2c8: {  	v15 =	vadd.f32 v45, v46;
	v60 =	vmul.f32 $1.442695020e+00, v57;
	v61 =	vsub.f32 $0.0e+00, v16  }
0x2c9: {  	v9 =	vadd.f32 v56, v51;
	v28 =	vmul.f32 $1.442695020e+00, v59;
	(erf) = vrcp.f32 v22  }
0x2ca: {  	v15 =	vadd.f32 v58, v15;
	v63 =	vmul.f32 $1.442695020e+00, v61;
	(erf) = vpow2.f32 v60  }
0x2cb: {  	v33 =	vsub.f32 $0.0e+00, v9;
	v22 =	vmul.f32 $1.442695020e+00, v62;
	(erf) = vpow2.f32 v28;
	v34 =	vpop (erf)  }
0x2cc: {  	v35 =	vsub.f32 $0.0e+00, v15;
	(erf) = vpow2.f32 v63;
	v28 =	vadd.f32 $1.000000000e+00, v34  }
0x2cd: {  	v36 =	vmul.f32 $1.442695020e+00, v33;
	(erf) = vpow2.f32 v22  }
0x2ce: {  	v37 =	vmul.f32 $1.442695020e+00, v35;
	(erf) = vrcp.f32 v28  }
0x2cf: {  	(erf) = vpow2.f32 v36  }
0x2d0: {  	(erf) = vpow2.f32 v37;
	_ =	sdelay $0x1  }
0x2d1: {  	v38 =	vpop (erf)  }
0x2d2: {  	v39 =	vpop (erf)  }
0x2d3: {  	v40 =	vpop (erf)  }
0x2d4: {  	v24 =	vadd.f32 $1.000000000e+00, v39;
	v41 =	vpop (erf)  }
0x2d5: {  	v26 =	vadd.f32 $1.000000000e+00, v40;
	v42 =	vpop (erf)  }
0x2d6: {  	v6 =	vmul.f32 v14, v6;
	(erf) = vrcp.f32 v24;
	v43 =	vadd.f32 $1.000000000e+00, v42;
	v44 =	vpop (erf)  }
0x2d7: {  	s26 =	rddreg [dreg:$0x5];
	v47 =	vmul.f32 v17, v5;
	v45 =	vadd.f32 $1.000000000e+00, v41;
	(erf) = vrcp.f32 v26;
	v46 =	vpop (erf)  }
0x2d8: {  	[tilespmem:s26+$0x48] =	vst v6;
	v4 =	vmul.f32 v23, v4;
	(erf) = vrcp.f32 v43;
	v48 =	vadd.f32 $1.000000000e+00, v46;
	v49 =	vpop (erf)  }
0x2d9: {  	[tilespmem:s26+$0x18] =	vst v47;
	v51 =	vmul.f32 v25, v7;
	(erf) = vrcp.f32 v45;
	v50 =	vadd.f32 $1.000000000e+00, v49  }
0x2da: {  	[tilespmem:s26+$0x30] =	vst v4;
	v52 =	vmul.f32 v29, v11;
	(erf) = vrcp.f32 v48  }
0x2db: {  	v3 =	vmul.f32 v31, v3;
	[tilespmem:s26+$0xFFFFFFB8] =	vst v51;
	(erf) = vrcp.f32 v50  }
0x2dc: {  	[tilespmem:s26+$0xFFFFFFA0] =	vst v52;
	v54 =	vmul.f32 v18, v10  }
0x2dd: {  	[tilespmem:s26+$0xFFFFFFE8] =	vst v3;
	v53 =	vmul.f32 v20, v12  }
0x2de: {  	[tilespmem:s26+$0xFFFFFFD0] =	vst v54;
	v3 =	vmul.f32 v38, v13  }
0x2df: {  	s28 =	sadd.s32 $0xC0, s31;
	[tilespmem:s26+$0x0] =	vst v53;
	v56 =	vmul.f32 v44, v19;
	v55 =	vpop (erf)  }
0x2e0: {  	[tilespmem:s28+$0x48] =	vst v3;
	v57 =	vpop (erf);
	v3 =	vmul.f32 v55, v8  }
0x2e1: {  	[tilespmem:s28+$0x18] =	vst v56;
	v59 =	vmul.f32 v57, v21;
	v58 =	vpop (erf)  }
0x2e2: {  	[tilespmem:s28+$0x30] =	vst v3;
	v60 =	vpop (erf);
	v3 =	vmul.f32 v58, v27  }
0x2e3: {  	[tilespmem:s28+$0xFFFFFFB8] =	vst v59;
	v62 =	vmul.f32 v60, v16;
	v61 =	vpop (erf)  }
0x2e4: {  	[tilespmem:s28+$0xFFFFFFA0] =	vst v3;
	v63 =	vpop (erf);
	v4 =	vmul.f32 v61, v9  }
0x2e5: {  	[tilespmem:s28+$0xFFFFFFE8] =	vst v62;
	v3 =	vmul.f32 v63, v15  }
0x2e6: {  	s30 =	simm.s32 $0x9C40;
	s29 =	rddreg [dreg:$0x2];
	[tilespmem:s28+$0xFFFFFFD0] =	vst v4  }
0x2e7: {  	s11 =	simm.s32 $0x5;
	s12 =	simm.s32 $0x190;
	s13 =	simm.s32 $0x4B0;
	[tilespmem:s28+$0x0] =	vst v3  }
0x2e8: {  	[spmem:s29] =	stream.indirect.scatter.add.f32 [tilespmem:s30], [sflag:$0x5], $0x18, s13, s12, $0xb8;
	[tilespmem:$0x1E710] =	vst v63  }
0x2e9: {  	_ =	swait.ge [sflag:s11], $0x2580  }
0x2ea: {  	s31 =	sld [smem:$0x7E6];
	_ =	sdelay $0x2  }
0x2eb: {  	s3 =	sadd.s32 $0x1, s31  }
0x2ec: {  	p0 =	sne.s32 s3, $0x3E  }
.Ltmp4:
0x2ed: {  	_ = 	snop;
	(pc) =	sbr.rel @p0 .LBB2_6-.Ltmp4, $3  }
0x2ee: {  	_ =	sdelay $0x1  }
0x2ef: {  	[sflag:s11] =	ssyncset.done $0x0  }
0x2f0: {  	[sflag:s11] =	ssyncadd.s32 $0xFFFFDA80  }
0x2f1: {  	s0 =	simm.s32 $0x1  }
0x2f2: {  	_ =	swait.ge [sflag:s0], $0x2580  }
0x2f3: {  	[sflag:s0] =	ssyncset.done $0x0  }
0x2f4: {  	s21 =	simm.s32 $0x3;
	[sflag:s0] =	ssyncadd.s32 $0xFFFFDA80  }
0x2f5: {  	_ =	swait.ge [sflag:s21], $0x2580  }
0x2f6: {  	[sflag:s21] =	ssyncset.done $0x0  }
0x2f7: {  	s23 =	simm.s32 $0x51A0;
	[sflag:s21] =	ssyncadd.s32 $0xFFFFDA80  }
0x2f8: {  	s18 =	simm.s32 $0x6A0;
	v3 =	vld [tilespmem:s23+$0x50]  }
0x2f9: {  	v4 =	vld [tilespmem:s18+$0x50]  }
0x2fa: {  	v5 =	vld [tilespmem:s23+$0x38]  }
0x2fb: {  	v6 =	vld [tilespmem:s18+$0x38];
	_ =	sdelay $0x2  }
0x2fc: {  	v7 =	vld [tilespmem:s23+$0x20];
	v3 =	vsub.f32 v4, v3  }
0x2fd: {  	v4 =	vld [tilespmem:s18+$0x20]  }
0x2fe: {  	v5 =	vsub.f32 v6, v5;
	v3 =	vmul.f32 v3, v3;
	_ =	sdelay $0x1  }
0x2ff: {  	v8 =	vld [tilespmem:s18+$0x8];
	v5 =	vmul.f32 v5, v5;
	(v2sf) =	vpush v3, $0x9  }
0x300: {  	v6 =	vld [tilespmem:s23+$0x8];
	(v2sf) =	vpush v3, $0x8  }
0x301: {  	v9 =	vld [tilespmem:s23+$0xFFFFFFD8];
	v4 =	vsub.f32 v4, v7;
	(v2sf) =	vpush v5, $0xA  }
0x302: {  	v7 =	vld [tilespmem:s18+$0xFFFFFFD8];
	(v2sf) =	vpush v3, $0xA  }
0x303: {  	v3 =	vmul.f32 v4, v4;
	(v2sf) =	vpush v5, $0x9  }
0x304: {  	(v2sf) =	vpush v5, $0x8  }
0x305: {  	v6 =	vsub.f32 v8, v6;
	v4 =	vld [tilespmem:s23+$0xFFFFFFC0];
	(v2sf) =	vpush v3, $0x9  }
0x306: {  	v5 =	vld [tilespmem:s18+$0xFFFFFFC0];
	(v2sf) =	vpush v3, $0x8  }
0x307: {  	v8 =	vld [tilespmem:s23+$0xFFFFFFA8];
	v6 =	vmul.f32 v6, v6;
	v7 =	vsub.f32 v7, v9;
	(v2sf) =	vpush v3, $0xA  }
0x308: {  	v9 =	vld [tilespmem:s18+$0xFFFFFFA8]  }
0x309: {  	v3 =	vmul.f32 v7, v7;
	(v2sf) =	vpush v6, $0xA  }
0x30a: {  	(v2sf) =	vpush v6, $0x8  }
0x30b: {  	v10 =	vld [tilespmem:s18+$0xFFFFFFF0];
	v4 =	vsub.f32 v5, v4;
	(v2sf) =	vpush v3, $0x8  }
0x30c: {  	v7 =	vld [tilespmem:s23+$0xFFFFFFF0];
	(v2sf) =	vpush v6, $0x9  }
0x30d: {  	v5 =	vsub.f32 v9, v8;
	v4 =	vmul.f32 v4, v4;
	(v2sf) =	vpush v3, $0x9  }
0x30e: {  	(v2sf) =	vpush v3, $0xA;
	s22 =	spop (v2sf)  }
0x30f: {  	v3 =	vmul.f32 v5, v5;
	(v2sf) =	vpush v4, $0xA;
	s1 =	spop (v2sf)  }
0x310: {  	(v2sf) =	vpush v4, $0x9;
	s3 =	spop (v2sf)  }
0x311: {  	v5 =	vsub.f32 v10, v7;
	(v2sf) =	vpush v3, $0x9;
	s0 =	sadd.f32 s22, s1;
	s4 =	spop (v2sf)  }
0x312: {  	(v2sf) =	vpush v4, $0x8;
	s5 =	spop (v2sf)  }
0x313: {  	v5 =	vmul.f32 v5, v5;
	(v2sf) =	vpush v3, $0x8;
	s1 =	sadd.f32 s0, s4;
	s6 =	spop (v2sf)  }
0x314: {  	s8 =	spop (v2sf);
	s24 =	sadd.f32 s5, s6  }
0x315: {  	(v2sf) =	vpush v5, $0x8;
	s25 =	sshra.s32 s1, $0x1;
	s4 =	smul.f32 $5.000000000e-01, s1;
	s13 =	spop (v2sf)  }
0x316: {  	(v2sf) =	vpush v5, $0x9;
	s6 =	ssub.s32 $0x5F3759DF, s25;
	s14 =	spop (v2sf)  }
0x317: {  	s24 =	sadd.f32 s24, s3;
	s10 =	smul.f32 s6, s4  }
0x318: {  	(v2sf) =	vpush v3, $0xA;
	s8 =	sadd.f32 s8, s13;
	s2 =	spop (v2sf)  }
0x319: {  	s15 =	spop (v2sf);
	s5 =	smul.f32 $5.000000000e-01, s24  }
0x31a: {  	s7 =	sshra.s32 s24, $0x1;
	s10 =	smul.f32 s6, s10;
	s0 =	spop (v2sf)  }
0x31b: {  	s14 =	sadd.f32 s8, s14;
	s7 =	ssub.s32 $0x5F3759DF, s7;
	s16 =	spop (v2sf)  }
0x31c: {  	(v2sf) =	vpush v5, $0xA;
	s19 =	smul.f32 s7, s5;
	s12 =	spop (v2sf)  }
0x31d: {  	s10 =	ssub.f32 $1.500000000e+00, s10;
	s11 =	spop (v2sf)  }
0x31e: {  	s15 =	sadd.f32 s16, s15;
	s26 =	spop (v2sf)  }
0x31f: {  	s19 =	smul.f32 s7, s19;
	s9 =	spop (v2sf)  }
0x320: {  	s0 =	sadd.f32 s12, s0;
	s17 =	spop (v2sf)  }
0x321: {  	s8 =	sadd.f32 s15, s2;
	s20 =	spop (v2sf)  }
0x322: {  	s9 =	sadd.f32 s9, s20;
	s29 =	spop (v2sf)  }
0x323: {  	s12 =	smul.f32 $5.000000000e-01, s8;
	s17 =	sadd.f32 s17, s29  }
0x324: {  	s21 =	spop (v2sf);
	s9 =	sadd.f32 s9, s26  }
0x325: {  	s22 =	spop (v2sf);
	s26 =	ssub.f32 $1.500000000e+00, s19  }
0x326: {  	s20 =	sadd.f32 s22, s21;
	s22 =	smul.f32 s6, s10  }
0x327: {  	s25 =	spop (v2sf);
	s3 =	smul.f32 $5.000000000e-01, s9  }
0x328: {  	s31 =	sadd.f32 s17, s25;
	s7 =	smul.f32 s7, s26  }
0x329: {  	[dreg:$0xa] =	wrdreg s9;
	s29 =	sshra.s32 s9, $0x1;
	s4 =	smul.f32 s22, s4  }
0x32a: {  	s17 =	ssub.s32 $0x5F3759DF, s29;
	s19 =	smul.f32 $5.000000000e-01, s31;
	s9 =	sshra.s32 s31, $0x1  }
0x32b: {  	s25 =	spop (v2sf);
	s26 =	smul.f32 s17, s3;
	s21 =	ssub.s32 $0x5F3759DF, s9  }
0x32c: {  	s6 =	sadd.f32 s20, s25;
	s29 =	smul.f32 s21, s19  }
0x32d: {  	s25 =	smul.f32 s17, s26  }
0x32e: {  	s26 =	sshra.s32 s6, $0x1;
	s10 =	smul.f32 $5.000000000e-01, s6  }
0x32f: {  	s28 =	ssub.s32 $0x5F3759DF, s26;
	s20 =	smul.f32 s21, s29;
	s25 =	ssub.f32 $1.500000000e+00, s25  }
0x330: {  	s9 =	smul.f32 s28, s10  }
0x331: {  	s26 =	smul.f32 s17, s25  }
0x332: {  	s9 =	smul.f32 s28, s9  }
0x333: {  	s29 =	ssub.f32 $1.500000000e+00, s20;
	s25 =	sshra.s32 s14, $0x1;
	s20 =	smul.f32 $5.000000000e-01, s14  }
0x334: {  	s16 =	ssub.s32 $0x5F3759DF, s25;
	s25 =	smul.f32 s4, s22  }
0x335: {  	s13 =	smul.f32 s21, s29  }
0x336: {  	s29 =	ssub.f32 $1.500000000e+00, s9;
	s9 =	smul.f32 s16, s20  }
0x337: {  	s3 =	smul.f32 s26, s3  }
0x338: {  	s15 =	sshra.s32 s8, $0x1;
	s4 =	smul.f32 s28, s29  }
0x339: {  	s15 =	ssub.s32 $0x5F3759DF, s15;
	s2 =	ssub.f32 $1.500000000e+00, s25;
	s29 =	smul.f32 s16, s9  }
0x33a: {  	s9 =	smul.f32 s15, s12  }
0x33b: {  	s28 =	sadd.f32 s0, s11;
	s11 =	smul.f32 s2, s22  }
0x33c: {  	v3 =	vld [tilespmem:s18+$0x30];
	s22 =	smul.f32 s13, s19  }
0x33d: {  	v4 =	vld [tilespmem:s23+$0x30];
	s25 =	smul.f32 $5.000000000e-01, s28  }
0x33e: {  	v7 =	vld [tilespmem:s23+$0x0];
	s0 =	smul.f32 s15, s9  }
0x33f: {  	v5 =	vld [tilespmem:s23+$0x48];
	s21 =	ssub.f32 $1.500000000e+00, s29;
	s29 =	smul.f32 s22, s13  }
0x340: {  	v6 =	vld [tilespmem:s23+$0x18];
	s1 =	smul.f32 s11, s1;
	s0 =	ssub.f32 $1.500000000e+00, s0  }
0x341: {  	v8 =	vld [tilespmem:s18+$0x18];
	s16 =	smul.f32 s16, s21  }
0x342: {  	v9 =	vld [tilespmem:s18+$0x48];
	s9 =	sshra.s32 s28, $0x1;
	s22 =	simm.s32 $0x5260;
	s0 =	smul.f32 s15, s0  }
0x343: {  	v10 =	vld [tilespmem:s22+$0x50];
	s21 =	simm.s32 $0x760;
	s15 =	ssub.s32 $0x5F3759DF, s9;
	s19 =	smul.f32 s16, s20  }
0x344: {  	v11 =	vld [tilespmem:s21+$0x50];
	s20 =	smul.f32 s15, s25  }
0x345: {  	v12 =	vld [tilespmem:s22+$0x38];
	s2 =	ssub.f32 $1.500000000e+00, s29;
	s17 =	smul.f32 s19, s16  }
0x346: {  	v13 =	vld [tilespmem:s21+$0x38];
	s19 =	smul.f32 s15, s20  }
0x347: {  	v14 =	vld [tilespmem:s22+$0x20];
	s2 =	smul.f32 s2, s13;
	s29 =	ssub.f32 $1.500000000e+00, s17  }
0x348: {  	v16 =	vld [tilespmem:s22+$0x8];
	s9 =	ssub.f32 $1.500000000e+00, s19;
	s19 =	smul.f32 s4, s10  }
0x349: {  	v17 =	vld [tilespmem:s22+$0xFFFFFFF0];
	v10 =	vsub.f32 v11, v10;
	s13 =	smul.f32 s29, s16  }
0x34a: {  	v15 =	vld [tilespmem:s21+$0x20];
	s16 =	smul.f32 s0, s12  }
0x34b: {  	v11 =	vld [tilespmem:s21+$0x8];
	v12 =	vsub.f32 v13, v12;
	v10 =	vmul.f32 v10, v10;
	s11 =	smul.f32 s15, s9  }
0x34c: {  	v19 =	vadd.f32 v6, v8;
	v5 =	vadd.f32 v5, v9;
	v18 =	vld [tilespmem:s21+$0xFFFFFFF0];
	v6 =	vmul.f32 s1, v2;
	s15 =	smul.f32 s7, s5  }
0x34d: {  	v8 =	vld [tilespmem:s22+$0xFFFFFFD8];
	v12 =	vmul.f32 v12, v12;
	(v2sf) =	vpush v10, $0x9;
	s17 =	smul.f32 s16, s0  }
0x34e: {  	v20 =	vld [tilespmem:s21+$0xFFFFFFD8];
	v6 =	vadd.f32 v6, v5;
	s5 =	smul.f32 s19, s4;
	(v2sf) =	vpush v10, $0x8  }
0x34f: {  	v9 =	vld [tilespmem:s22+$0xFFFFFFC0];
	v13 =	vsub.f32 v15, v14;
	s13 =	smul.f32 s13, s14;
	(v2sf) =	vpush v12, $0xA;
	s1 =	ssub.f32 $1.500000000e+00, s17  }
0x350: {  	v11 =	vsub.f32 v11, v16;
	v16 =	vld [tilespmem:s21+$0xFFFFFFC0];
	s20 =	smul.f32 s11, s25;
	(v2sf) =	vpush v10, $0xA  }
0x351: {  	v15 =	vld [tilespmem:s21+$0xFFFFFFA8];
	v21 =	vmul.f32 v13, v13;
	v10 =	vsub.f32 v18, v17;
	(v2sf) =	vpush v12, $0x9;
	s0 =	smul.f32 s1, s0  }
0x352: {  	v13 =	vld [tilespmem:s22+$0xFFFFFFA8];
	v5 =	vmul.f32 s13, v2;
	v17 =	vsub.f32 $0.0e+00, v6;
	s25 =	smul.f32 s20, s11;
	(v2sf) =	vpush v12, $0x8  }
0x353: {  	v14 =	vmul.f32 v11, v11;
	v11 =	vsub.f32 v20, v8;
	v8 =	vld [tilespmem:s21+$0x30];
	(v2sf) =	vpush v21, $0x9;
	s8 =	smul.f32 s0, s8  }
0x354: {  	v5 =	vadd.f32 v5, v19;
	s1 =	ssub.f32 $1.500000000e+00, s5;
	v12 =	vld [tilespmem:s18+$0x0];
	v18 =	vmul.f32 $1.442695020e+00, v17;
	s0 =	smul.f32 s3, s26;
	(v2sf) =	vpush v21, $0x8  }
0x355: {  	s29 =	simm.s32 $0x9CA0;
	v10 =	vmul.f32 v10, v10;
	s5 =	ssub.f32 $1.500000000e+00, s25;
	v17 =	vsub.f32 v16, v9;
	v9 =	vld [tilespmem:s22+$0x30];
	s3 =	smul.f32 s15, s7;
	(v2sf) =	vpush v21, $0xA  }
0x356: {  	s30 =	simm.s32 $0x9CA0;
	s13 =	simm.s32 $0x8;
	v16 =	vmul.f32 v11, v11;
	v11 =	vld [tilespmem:s23+$0xFFFFFFE8];
	[dreg:$0x6] =	wrdreg s29;
	(erf) = vpow2.f32 v18;
	(v2sf) =	vpush v14, $0xA  }
.LBB2_12:
0x357: {  	s2 =	smul.f32 s2, s31;
	s3 =	ssub.f32 $1.500000000e+00, s3  }
0x358: {  	s29 =	smov.u32 s22;
	s5 =	smul.f32 s5, s11;
	s0 =	ssub.f32 $1.500000000e+00, s0  }
0x359: {  	(v2sf) =	vpush v14, $0x8;
	s9 =	smov.u32 s21;
	s1 =	smul.f32 s1, s4;
	[dreg:$0x14] =	wrdreg s29  }
0x35a: {  	(v2sf) =	vpush v16, $0x8;
	[dreg:$0xb] =	wrdreg s9;
	s20 =	smul.f32 s5, s28  }
0x35b: {  	s11 =	rddreg [dreg:$0xa];
	(v2sf) =	vpush v14, $0x9;
	s3 =	smul.f32 s3, s7  }
0x35c: {  	v19 =	vld [tilespmem:s18+$0xFFFFFFD0];
	s1 =	smul.f32 s1, s6;
	s25 =	spop (v2sf)  }
0x35d: {  	(v2sf) =	vpush v16, $0x9;
	s0 =	smul.f32 s0, s26;
	v13 =	vsub.f32 v15, v13;
	v15 =	vld [tilespmem:s23+$0xFFFFFFD0];
	s6 =	spop (v2sf)  }
0x35e: {  	v17 =	vmul.f32 v17, v17;
	v14 =	vld [tilespmem:s18+$0xFFFFFFE8];
	(v2sf) =	vpush v16, $0xA;
	s4 =	sadd.f32 s25, s6;
	s7 =	spop (v2sf)  }
0x35f: {  	s3 =	smul.f32 s3, s24;
	s10 =	spop (v2sf)  }
0x360: {  	v18 =	vmul.f32 s8, v2;
	v7 =	vadd.f32 v7, v12;
	(v2sf) =	vpush v17, $0xA;
	s12 =	spop (v2sf);
	s4 =	sadd.f32 s4, s10  }
0x361: {  	v21 =	vadd.f32 v4, v3;
	v16 =	vld [tilespmem:s23+$0xFFFFFFA0];
	s0 =	smul.f32 s0, s11;
	v12 =	vmul.f32 v13, v13;
	(v2sf) =	vpush v17, $0x9;
	s14 =	spop (v2sf)  }
0x362: {  	v3 =	vmov v8;
	v7 =	vadd.f32 v18, v7;
	v8 =	vadd.f32 v15, v19;
	v15 =	vld [tilespmem:s18+$0xFFFFFFA0];
	[dreg:$0xf] =	wrdreg s4;
	s16 =	spop (v2sf)  }
0x363: {  	v4 =	vmov v9;
	v9 =	vld [tilespmem:s18+$0xFFFFFFB8];
	v14 =	vadd.f32 v11, v14;
	(v2sf) =	vpush v12, $0x9;
	s15 =	sadd.f32 s12, s14;
	s17 =	spop (v2sf)  }
0x364: {  	v18 =	vld [tilespmem:s23+$0xFFFFFFB8];
	v11 =	vmul.f32 s3, v2;
	(v2sf) =	vpush v17, $0x8;
	v19 =	vmul.f32 s1, v2;
	s3 =	sshra.s32 s4, $0x1;
	s4 =	smul.f32 $5.000000000e-01, s4;
	s1 =	sadd.f32 s16, s17  }
0x365: {  	v20 =	vmul.f32 s20, v2;
	v13 =	vsub.f32 $0.0e+00, v5;
	s26 =	ssub.s32 $0x5F3759DF, s3;
	s18 =	spop (v2sf);
	s20 =	sadd.f32 s15, s7  }
0x366: {  	(v2sf) =	vpush v12, $0x8;
	s29 =	smul.f32 s26, s4;
	s19 =	spop (v2sf)  }
0x367: {  	v13 =	vmul.f32 $1.442695020e+00, v13;
	v15 =	vadd.f32 v16, v15;
	v16 =	vmul.f32 s2, v2;
	s2 =	sadd.f32 s1, s18;
	s1 =	smul.f32 $5.000000000e-01, s20  }
0x368: {  	v61 =	vmul.f32 s0, v2;
	v11 =	vadd.f32 v11, v21;
	(v2sf) =	vpush v10, $0x8;
	s23 =	spop (v2sf);
	s5 =	sshra.s32 s20, $0x1;
	s29 =	smul.f32 s26, s29  }
0x369: {  	v17 =	vpop (erf);
	(erf) = vpow2.f32 v13;
	v9 =	vadd.f32 v18, v9;
	(v2sf) =	vpush v10, $0x9;
	s15 =	spop (v2sf);
	s7 =	ssub.s32 $0x5F3759DF, s5;
	[dreg:$0x13] =	wrdreg s2  }
0x36a: {  	v17 =	vadd.f32 $1.000000000e+00, v17;
	(v2sf) =	vpush v12, $0xA;
	s24 =	sshra.s32 s2, $0x1;
	s2 =	smul.f32 $5.000000000e-01, s2;
	s25 =	spop (v2sf)  }
0x36b: {  	v18 =	vsub.f32 $0.0e+00, v11;
	v13 =	vadd.f32 v61, v9;
	s12 =	smul.f32 s7, s1;
	s3 =	sadd.f32 s25, s23  }
0x36c: {  	v9 =	vadd.f32 v19, v14;
	v12 =	vadd.f32 v16, v15;
	s11 =	ssub.s32 $0x5F3759DF, s24;
	s28 =	spop (v2sf);
	[dreg:$0x1b] =	wrdreg s2  }
0x36d: {  	(erf) = vrcp.f32 v17;
	v17 =	vsub.f32 $0.0e+00, v13;
	(v2sf) =	vpush v10, $0xA;
	s16 =	spop (v2sf);
	s2 =	smul.f32 s11, s2  }
0x36e: {  	v15 =	vmul.f32 $1.442695020e+00, v18;
	v10 =	vsub.f32 $0.0e+00, v9;
	v16 =	vsub.f32 $0.0e+00, v12;
	s12 =	smul.f32 s7, s12;
	s15 =	sadd.f32 s28, s15  }
0x36f: {  	v18 =	vmul.f32 $1.442695020e+00, v17;
	s9 =	spop (v2sf);
	s25 =	sadd.f32 s3, s19  }
0x370: {  	v8 =	vadd.f32 v20, v8;
	(erf) = vpow2.f32 v15;
	v10 =	vmul.f32 $1.442695020e+00, v10;
	s14 =	spop (v2sf);
	s31 =	ssub.f32 $1.500000000e+00, s12  }
0x371: {  	(erf) = vpow2.f32 v18;
	v15 =	vmul.f32 $1.442695020e+00, v16;
	s3 =	smul.f32 s11, s2;
	s28 =	sadd.f32 s15, s16  }
0x372: {  	v14 =	vsub.f32 $0.0e+00, v8;
	v16 =	vpop (erf);
	(erf) = vpow2.f32 v10;
	s12 =	smul.f32 $5.000000000e-01, s25;
	s10 =	spop (v2sf)  }
0x373: {  	v16 =	vadd.f32 $1.000000000e+00, v16;
	(erf) = vpow2.f32 v15;
	s7 =	smul.f32 s7, s31;
	s17 =	spop (v2sf)  }
0x374: {  	v14 =	vmul.f32 $1.442695020e+00, v14;
	v17 =	vsub.f32 $0.0e+00, v7;
	s16 =	smul.f32 $5.000000000e-01, s28;
	s5 =	sadd.f32 s14, s17  }
0x375: {  	(erf) = vrcp.f32 v16;
	s18 =	spop (v2sf);
	s14 =	ssub.f32 $1.500000000e+00, s3  }
0x376: {  	v17 =	vmul.f32 $1.442695020e+00, v17;
	v10 =	vpop (erf);
	s1 =	smul.f32 s7, s1;
	(erf) = vpow2.f32 v14;
	s0 =	sadd.f32 s10, s18  }
0x377: {  	s17 =	spop (v2sf);
	v14 =	vmul.f32 v10, v6;
	s10 =	rddreg [dreg:$0x6]  }
0x378: {  	s8 =	sadd.s32 $0xC0, s30;
	(erf) = vpow2.f32 v17;
	s23 =	spop (v2sf);
	s9 =	sadd.f32 s5, s9  }
0x379: {  	s19 =	sshra.s32 s25, $0x1;
	v10 =	vpop (erf);
	s24 =	sadd.f32 s23, s17;
	s2 =	spop (v2sf)  }
0x37a: {  	s5 =	ssub.s32 $0x5F3759DF, s19;
	s11 =	smul.f32 s11, s14;
	v15 =	vadd.f32 $1.000000000e+00, v10;
	v6 =	vpop (erf);
	s2 =	sadd.f32 s0, s2  }
0x37b: {  	[tilespmem:s10+$0x48] =	vst v14;
	s31 =	smul.f32 s5, s12;
	s6 =	sshra.s32 s9, $0x1;
	[dreg:$0xa] =	wrdreg s9;
	v14 =	vpop (erf)  }
0x37c: {  	s30 =	smul.f32 $5.000000000e-01, s9;
	v16 =	vadd.f32 $1.000000000e+00, v6;
	s17 =	ssub.s32 $0x5F3759DF, s6;
	(erf) = vrcp.f32 v15;
	s18 =	spop (v2sf);
	v10 =	vpop (erf)  }
0x37d: {  	s9 =	sshra.s32 s2, $0x1;
	s3 =	smul.f32 $5.000000000e-01, s2;
	s6 =	sadd.f32 s24, s18;
	v17 =	vadd.f32 $1.000000000e+00, v10  }
0x37e: {  	s0 =	ssub.s32 $0x5F3759DF, s9;
	s24 =	ssub.f32 $1.500000000e+00, s29;
	s9 =	smul.f32 s17, s30;
	v15 =	vpop (erf);
	(erf) = vrcp.f32 v16  }
0x37f: {  	v14 =	vadd.f32 $1.000000000e+00, v14;
	s29 =	smul.f32 s0, s3;
	v6 =	vpop (erf);
	(erf) = vrcp.f32 v17  }
0x380: {  	s24 =	smul.f32 s26, s24  }
0x381: {  	s19 =	smul.f32 $5.000000000e-01, s6;
	v5 =	vmul.f32 v15, v5;
	v6 =	vadd.f32 $1.000000000e+00, v6;
	v10 =	vpop (erf);
	(erf) = vrcp.f32 v14  }
0x382: {  	s9 =	smul.f32 s17, s9;
	v10 =	vadd.f32 $1.000000000e+00, v10  }
0x383: {  	s23 =	sshra.s32 s6, $0x1;
	s26 =	smul.f32 s0, s29;
	(erf) = vrcp.f32 v6  }
0x384: {  	s18 =	ssub.s32 $0x5F3759DF, s23;
	s23 =	sshra.s32 s28, $0x1;
	s4 =	smul.f32 s24, s4;
	(erf) = vrcp.f32 v10  }
0x385: {  	s15 =	smul.f32 s18, s19;
	s9 =	ssub.f32 $1.500000000e+00, s9;
	s29 =	ssub.s32 $0x5F3759DF, s23;
	[tilespmem:s10+$0x18] =	vst v5;
	v5 =	vpop (erf)  }
0x386: {  	[dreg:$0x1a] =	wrdreg s1;
	s1 =	smul.f32 s29, s16;
	v10 =	vmul.f32 v5, v11  }
0x387: {  	s23 =	ssub.f32 $1.500000000e+00, s26;
	s26 =	smul.f32 s17, s9;
	v5 =	vpop (erf)  }
0x388: {  	s17 =	smul.f32 s18, s15;
	v6 =	vpop (erf)  }
0x389: {  	s0 =	smul.f32 s0, s23;
	v6 =	vmul.f32 v6, v12  }
0x38a: {  	s1 =	smul.f32 s29, s1;
	[tilespmem:s10+$0x30] =	vst v10;
	v10 =	vpop (erf)  }
0x38b: {  	s15 =	smul.f32 s26, s30;
	[tilespmem:s10+$0xFFFFFFA0] =	vst v6;
	v6 =	vmul.f32 v10, v9  }
0x38c: {  	s9 =	ssub.f32 $1.500000000e+00, s17;
	s17 =	smul.f32 s4, s24;
	v11 =	vmul.f32 v5, v13;
	v5 =	vpop (erf);
	v9 =	vld [tilespmem:s21+$0x48]  }
0x38d: {  	s3 =	smul.f32 s0, s3;
	v5 =	vmul.f32 v5, v8;
	v8 =	vpop (erf);
	[tilespmem:s10+$0xFFFFFFE8] =	vst v6;
	v6 =	vld [tilespmem:s22+$0x18]  }
0x38e: {  	s4 =	smul.f32 s18, s9;
	s18 =	ssub.f32 $1.500000000e+00, s17;
	[tilespmem:s10+$0xFFFFFFB8] =	vst v11;
	v7 =	vmul.f32 v8, v7;
	v8 =	vld [tilespmem:s21+$0x18]  }
0x38f: {  	s3 =	smul.f32 s3, s0;
	s21 =	sadd.s32 $0xC0, s21;
	[tilespmem:s10+$0xFFFFFFD0] =	vst v5;
	v5 =	vld [tilespmem:s22+$0x48]  }
0x390: {  	s30 =	smov.u32 s8;
	s9 =	smul.f32 s18, s24;
	s18 =	rddreg [dreg:$0x1b];
	v11 =	vld [tilespmem:s21+$0x50];
	[tilespmem:s10+$0x0] =	vst v7  }
0x391: {  	s10 =	smov.u32 s8;
	s8 =	smul.f32 s5, s31;
	v7 =	vld [tilespmem:s22+$0x0];
	s22 =	sadd.s32 $0xC0, s22  }
0x392: {  	s31 =	smov.u32 s2;
	s2 =	smul.f32 s11, s18;
	[dreg:$0x6] =	wrdreg s10;
	v10 =	vld [tilespmem:s22+$0x50]  }
0x393: {  	s17 =	smul.f32 s4, s19;
	v13 =	vld [tilespmem:s21+$0x38];
	s10 =	ssub.f32 $1.500000000e+00, s8  }
0x394: {  	s24 =	smov.u32 s20;
	s3 =	ssub.f32 $1.500000000e+00, s3;
	v12 =	vld [tilespmem:s22+$0x38];
	s20 =	smul.f32 s2, s11  }
0x395: {  	v15 =	vld [tilespmem:s21+$0x20];
	s5 =	smul.f32 s5, s10  }
0x396: {  	v14 =	vld [tilespmem:s22+$0x20];
	s2 =	smul.f32 s3, s0;
	s10 =	ssub.f32 $1.500000000e+00, s20  }
0x397: {  	v16 =	vld [tilespmem:s22+$0x8];
	s8 =	smul.f32 s5, s12;
	v10 =	vsub.f32 v11, v10  }
0x398: {  	s1 =	ssub.f32 $1.500000000e+00, s1;
	s3 =	smul.f32 s10, s11;
	v11 =	vld [tilespmem:s21+$0x8]  }
0x399: {  	v18 =	vld [tilespmem:s21+$0xFFFFFFF0];
	s12 =	rddreg [dreg:$0xf];
	v12 =	vsub.f32 v13, v12;
	s0 =	smul.f32 s8, s5;
	v10 =	vmul.f32 v10, v10  }
0x39a: {  	v17 =	vld [tilespmem:s22+$0xFFFFFFF0];
	v19 =	vadd.f32 v6, v8;
	s8 =	smul.f32 s9, s12  }
0x39b: {  	s14 =	rddreg [dreg:$0x13];
	v62 =	vld [tilespmem:s21+$0xFFFFFFD8];
	v5 =	vadd.f32 v5, v9;
	s11 =	smul.f32 s29, s1;
	v12 =	vmul.f32 v12, v12;
	(v2sf) =	vpush v10, $0x9  }
0x39c: {  	v8 =	vld [tilespmem:s22+$0xFFFFFFD8];
	v6 =	vsub.f32 v15, v14;
	s1 =	smul.f32 s3, s14;
	v9 =	vmul.f32 s8, v2;
	(v2sf) =	vpush v10, $0x8  }
0x39d: {  	v63 =	vld [tilespmem:s22+$0xFFFFFFC0];
	s19 =	smul.f32 s11, s16;
	v11 =	vsub.f32 v11, v16;
	(v2sf) =	vpush v12, $0xA  }
0x39e: {  	s13 =	sadd.s32 $0x8, s13;
	s20 =	smul.f32 s17, s4;
	v22 =	vmul.f32 v6, v6;
	v16 =	vld [tilespmem:s21+$0xFFFFFFC0];
	v6 =	vadd.f32 v9, v5;
	(v2sf) =	vpush v10, $0xA  }
0x39f: {  	p0 =	slt.u32 s13, $0x188;
	v13 =	vld [tilespmem:s22+$0xFFFFFFA8];
	s0 =	ssub.f32 $1.500000000e+00, s0;
	s3 =	smul.f32 s19, s11;
	v5 =	vsub.f32 v18, v17;
	v9 =	vmul.f32 s1, v2;
	(v2sf) =	vpush v12, $0x9  }
.Ltmp5:
0x3a0: {  	s18 =	rddreg [dreg:$0xb];
	v15 =	vld [tilespmem:s21+$0xFFFFFFA8];
	v14 =	vmul.f32 v11, v11;
	v11 =	vsub.f32 $0.0e+00, v6;
	(v2sf) =	vpush v12, $0x8;
	(pc) =	sbr.rel @p0 .LBB2_12-.Ltmp5, $4  }
0x3a1: {  	s29 =	rddreg [dreg:$0x1a];
	s0 =	smul.f32 s0, s5;
	v18 =	vsub.f32 v62, v8;
	v8 =	vld [tilespmem:s21+$0x30];
	v10 =	vmul.f32 v5, v5;
	(v2sf) =	vpush v22, $0x9  }
0x3a2: {  	s5 =	ssub.f32 $1.500000000e+00, s3;
	s3 =	smul.f32 s29, s7;
	v5 =	vadd.f32 v9, v19;
	v9 =	vld [tilespmem:s22+$0x30];
	v19 =	vmul.f32 $1.442695020e+00, v11;
	(v2sf) =	vpush v22, $0x8  }
0x3a3: {  	s23 =	rddreg [dreg:$0x14];
	s8 =	smul.f32 s0, s25;
	v12 =	vld [tilespmem:s18+$0x0];
	v17 =	vsub.f32 v16, v63;
	(v2sf) =	vpush v22, $0xA  }
0x3a4: {  	s1 =	ssub.f32 $1.500000000e+00, s20;
	s0 =	smul.f32 s15, s26;
	v11 =	vld [tilespmem:s23+$0xFFFFFFE8];
	v16 =	vmul.f32 v18, v18;
	(erf) = vpow2.f32 v19;
	(v2sf) =	vpush v14, $0xA  }
0x3a5: {  	_ = 	snop  }
0x3a6: {  	(v2sf) =	vpush v14, $0x8  }
0x3a7: {  	(v2sf) =	vpush v16, $0x8  }
0x3a8: {  	s5 =	smul.f32 s5, s11;
	s3 =	ssub.f32 $1.500000000e+00, s3  }
0x3a9: {  	s1 =	smul.f32 s1, s4;
	s0 =	ssub.f32 $1.500000000e+00, s0  }
0x3aa: {  	(v2sf) =	vpush v14, $0x9;
	s5 =	smul.f32 s5, s28;
	s9 =	spop (v2sf)  }
0x3ab: {  	v13 =	vsub.f32 v15, v13;
	v48 =	vmul.f32 v17, v17;
	s3 =	smul.f32 s3, s7;
	(v2sf) =	vpush v16, $0x9;
	s10 =	spop (v2sf)  }
0x3ac: {  	s1 =	smul.f32 s1, s6;
	(v2sf) =	vpush v16, $0xA;
	s12 =	spop (v2sf)  }
0x3ad: {  	v13 =	vmul.f32 v13, v13;
	s0 =	smul.f32 s0, s26;
	(v2sf) =	vpush v48, $0xA;
	s13 =	spop (v2sf)  }
0x3ae: {  	[smem:$0x7D3] =	sst s5;
	(v2sf) =	vpush v48, $0x9;
	s20 =	spop (v2sf)  }
0x3af: {  	[smem:$0x7D2] =	sst s1;
	(v2sf) =	vpush v13, $0x9;
	s25 =	spop (v2sf)  }
0x3b0: {  	s28 =	smul.f32 s3, s24;
	(v2sf) =	vpush v48, $0x8;
	s4 =	sadd.f32 s20, s25  }
0x3b1: {  	s3 =	sadd.f32 s9, s10;
	(v2sf) =	vpush v13, $0x8;
	s5 =	spop (v2sf)  }
0x3b2: {  	s19 =	spop (v2sf);
	s20 =	sadd.f32 s4, s12  }
0x3b3: {  	s17 =	spop (v2sf);
	s12 =	rddreg [dreg:$0xa]  }
0x3b4: {  	(v2sf) =	vpush v10, $0x8;
	s29 =	spop (v2sf);
	s0 =	smul.f32 s0, s12  }
0x3b5: {  	s11 =	smov.u32 s18;
	(v2sf) =	vpush v10, $0x9;
	s15 =	spop (v2sf);
	s18 =	smul.f32 $5.000000000e-01, s20  }
0x3b6: {  	s26 =	spop (v2sf);
	[smem:$0x7D1] =	sst s0  }
0x3b7: {  	(v2sf) =	vpush v13, $0xA;
	[smem:$0x7D4] =	sst s26  }
0x3b8: {  	s16 =	sshra.s32 s20, $0x1;
	[smem:$0x7D7] =	sst s18  }
0x3b9: {  	(v2sf) =	vpush v10, $0xA;
	s6 =	ssub.s32 $0x5F3759DF, s16;
	s14 =	spop (v2sf);
	s26 =	sadd.f32 s3, s13  }
0x3ba: {  	s1 =	smul.f32 s6, s18;
	s9 =	spop (v2sf)  }
0x3bb: {  	[smem:$0x7D5] =	sst s9;
	s10 =	spop (v2sf)  }
0x3bc: {  	s18 =	smul.f32 $5.000000000e-01, s26;
	s7 =	spop (v2sf)  }
0x3bd: {  	s4 =	sshra.s32 s26, $0x1;
	[smem:$0x7D6] =	sst s10;
	s24 =	spop (v2sf)  }
0x3be: {  	s13 =	ssub.s32 $0x5F3759DF, s4;
	s10 =	smul.f32 s6, s1;
	s25 =	spop (v2sf)  }
0x3bf: {  	s16 =	smul.f32 s13, s18;
	s3 =	spop (v2sf)  }
0x3c0: {  	s9 =	sadd.f32 s24, s3;
	s12 =	spop (v2sf)  }
0x3c1: {  	s24 =	sadd.f32 s25, s12;
	s12 =	smul.f32 s2, s31  }
0x3c2: {  	s10 =	ssub.f32 $1.500000000e+00, s10;
	s31 =	smul.f32 s13, s16  }
0x3c3: {  	s0 =	spop (v2sf);
	s25 =	sadd.f32 s9, s7  }
0x3c4: {  	s1 =	spop (v2sf);
	s7 =	ssub.f32 $1.500000000e+00, s31  }
0x3c5: {  	s3 =	smov.u32 s23;
	s23 =	smul.f32 s6, s10;
	s9 =	sadd.f32 s1, s0  }
0x3c6: {  	s4 =	spop (v2sf);
	s2 =	sshra.s32 s25, $0x1;
	s10 =	smul.f32 $5.000000000e-01, s25  }
0x3c7: {  	s16 =	sadd.f32 s24, s4;
	s31 =	smul.f32 s13, s7;
	s13 =	ssub.s32 $0x5F3759DF, s2  }
0x3c8: {  	s0 =	spop (v2sf);
	s6 =	smul.f32 s13, s10  }
0x3c9: {  	s7 =	sadd.f32 s9, s0;
	s4 =	smul.f32 $5.000000000e-01, s16  }
0x3ca: {  	s18 =	smul.f32 s31, s18  }
0x3cb: {  	s5 =	sadd.f32 s5, s19;
	s1 =	sshra.s32 s16, $0x1;
	s24 =	smul.f32 $5.000000000e-01, s7  }
0x3cc: {  	s0 =	ssub.s32 $0x5F3759DF, s1;
	s2 =	sshra.s32 s7, $0x1;
	s9 =	smul.f32 s13, s6  }
0x3cd: {  	s1 =	ssub.s32 $0x5F3759DF, s2;
	s2 =	smul.f32 s0, s4  }
0x3ce: {  	s5 =	sadd.f32 s5, s17;
	s6 =	smul.f32 s1, s24  }
0x3cf: {  	s14 =	sadd.f32 s14, s15;
	s18 =	smul.f32 s18, s31  }
0x3d0: {  	s2 =	smul.f32 s0, s2;
	s9 =	ssub.f32 $1.500000000e+00, s9  }
0x3d1: {  	s19 =	smul.f32 s1, s6;
	s15 =	ssub.f32 $1.500000000e+00, s18  }
0x3d2: {  	s9 =	smul.f32 s13, s9;
	s2 =	ssub.f32 $1.500000000e+00, s2  }
0x3d3: {  	v50 =	vld [tilespmem:s11+$0xFFFFFFD0];
	s13 =	sadd.f32 s14, s29;
	s14 =	smul.f32 s15, s31  }
0x3d4: {  	v51 =	vld [tilespmem:s11+$0xFFFFFFE8];
	s17 =	smul.f32 s0, s2  }
0x3d5: {  	v54 =	vld [tilespmem:s11+$0xFFFFFFB8];
	s2 =	smul.f32 $5.000000000e-01, s5  }
0x3d6: {  	v53 =	vsub.f32 $0.0e+00, v5;
	v52 =	vld [tilespmem:s3+$0xFFFFFFB8];
	s6 =	ssub.f32 $1.500000000e+00, s19;
	s0 =	smul.f32 $5.000000000e-01, s13  }
0x3d7: {  	v20 =	vmul.f32 s28, v2;
	s28 =	sld [smem:$0x7D2];
	v19 =	vld [tilespmem:s11+$0xFFFFFFA0];
	s10 =	smul.f32 s9, s10  }
0x3d8: {  	v3 =	vadd.f32 v4, v3;
	v16 =	vmul.f32 $1.442695020e+00, v53;
	v18 =	vld [tilespmem:s3+$0xFFFFFFA0];
	s18 =	sshra.s32 s5, $0x1;
	s31 =	sld [smem:$0x7D1];
	s6 =	smul.f32 s1, s6  }
0x3d9: {  	v12 =	vadd.f32 v7, v12;
	v49 =	vld [tilespmem:s3+$0xFFFFFFD0];
	s29 =	sshra.s32 s13, $0x1;
	s1 =	ssub.s32 $0x5F3759DF, s18;
	s14 =	smul.f32 s14, s26  }
0x3da: {  	(erf) = vpow2.f32 v16;
	v56 =	vpop (erf);
	v3 =	vadd.f32 v20, v3;
	v58 =	vmul.f32 s28, v2;
	s15 =	ssub.s32 $0x5F3759DF, s29;
	s19 =	smul.f32 s1, s2  }
0x3db: {  	v59 =	vadd.f32 $1.000000000e+00, v56;
	v57 =	vadd.f32 v52, v54;
	v55 =	vmul.f32 s31, v2;
	s11 =	smul.f32 s15, s0  }
0x3dc: {  	v63 =	vsub.f32 $0.0e+00, v3;
	v11 =	vadd.f32 v11, v51;
	v60 =	vmul.f32 s12, v2;
	s12 =	sld [smem:$0x7D3];
	s29 =	smul.f32 s17, s4  }
0x3dd: {  	v61 =	vadd.f32 v18, v19;
	s18 =	smul.f32 s1, s19;
	v7 =	vadd.f32 v55, v57  }
0x3de: {  	v20 =	vmul.f32 s8, v2;
	v4 =	vadd.f32 v58, v11;
	v10 =	vadd.f32 v49, v50;
	s31 =	smul.f32 s15, s11;
	s19 =	sld [smem:$0x7D5]  }
0x3df: {  	v62 =	vmul.f32 s12, v2;
	v11 =	vadd.f32 v60, v61;
	s10 =	smul.f32 s10, s9;
	s18 =	ssub.f32 $1.500000000e+00, s18;
	v21 =	vsub.f32 $0.0e+00, v7  }
0x3e0: {  	(erf) = vrcp.f32 v59;
	v22 =	vmul.f32 $1.442695020e+00, v63;
	v23 =	vsub.f32 $0.0e+00, v4;
	s3 =	smul.f32 s29, s17;
	s4 =	ssub.f32 $1.500000000e+00, s31  }
0x3e1: {  	v10 =	vadd.f32 v62, v10;
	v24 =	vsub.f32 $0.0e+00, v11;
	s1 =	smul.f32 s1, s18;
	s18 =	sld [smem:$0x7D4];
	v16 =	vmul.f32 $1.442695020e+00, v21  }
0x3e2: {  	(erf) = vpow2.f32 v22;
	v25 =	vmul.f32 $1.442695020e+00, v23;
	s29 =	sld [smem:$0x7D6];
	s4 =	smul.f32 s15, s4  }
0x3e3: {  	v27 =	vpop (erf);
	v26 =	vsub.f32 $0.0e+00, v10;
	v15 =	vmul.f32 $1.442695020e+00, v24;
	s3 =	ssub.f32 $1.500000000e+00, s3;
	s2 =	smul.f32 s1, s2;
	(erf) = vpow2.f32 v16  }
0x3e4: {  	v12 =	vadd.f32 v20, v12;
	v16 =	vadd.f32 $1.000000000e+00, v27;
	s0 =	smul.f32 s4, s0;
	s8 =	sadd.f32 s19, s18;
	(erf) = vpow2.f32 v25  }
0x3e5: {  	v29 =	vmul.f32 $1.442695020e+00, v26;
	s19 =	sld [smem:$0x7D7];
	s28 =	smul.f32 s2, s1;
	(erf) = vpow2.f32 v15  }
0x3e6: {  	v28 =	vsub.f32 $0.0e+00, v12;
	s2 =	smul.f32 s3, s17;
	s8 =	sadd.f32 s8, s29;
	(erf) = vrcp.f32 v16  }
0x3e7: {  	s0 =	smul.f32 s0, s4;
	(erf) = vpow2.f32 v29  }
0x3e8: {  	v30 =	vmul.f32 $1.442695020e+00, v28;
	v31 =	vld [tilespmem:s22+$0x48];
	s11 =	sshra.s32 s8, $0x1;
	s12 =	smul.f32 $5.000000000e-01, s8  }
0x3e9: {  	v32 =	vld [tilespmem:s21+$0x48];
	s26 =	smul.f32 s23, s19;
	s15 =	ssub.s32 $0x5F3759DF, s11  }
0x3ea: {  	v14 =	vpop (erf);
	(erf) = vpow2.f32 v30;
	s18 =	smul.f32 s15, s12  }
0x3eb: {  	v33 =	vpop (erf);
	s31 =	ssub.f32 $1.500000000e+00, s28;
	s2 =	smul.f32 s2, s16  }
0x3ec: {  	s3 =	smul.f32 s15, s18;
	v34 =	vpop (erf)  }
0x3ed: {  	v16 =	vadd.f32 $1.000000000e+00, v33;
	s1 =	smul.f32 s31, s1;
	v36 =	vpop (erf)  }
0x3ee: {  	v39 =	vld [tilespmem:s22+$0x18];
	v13 =	vadd.f32 v31, v32;
	s11 =	smul.f32 s6, s24;
	v37 =	vadd.f32 $1.000000000e+00, v34;
	s3 =	ssub.f32 $1.500000000e+00, s3;
	v38 =	vpop (erf)  }
0x3ef: {  	v35 =	vmul.f32 s14, v2;
	v21 =	vld [tilespmem:s21+$0x18];
	s1 =	smul.f32 s1, s5;
	(erf) = vrcp.f32 v16;
	v40 =	vadd.f32 $1.000000000e+00, v38;
	v17 =	vpop (erf)  }
0x3f0: {  	v43 =	vld [tilespmem:s22+$0x0];
	v41 =	vadd.f32 $1.000000000e+00, v36;
	(erf) = vrcp.f32 v37;
	s3 =	smul.f32 s15, s3;
	v42 =	vpop (erf)  }
0x3f1: {  	v45 =	vld [tilespmem:s22+$0xFFFFFFD0];
	v13 =	vadd.f32 v35, v13;
	s18 =	smul.f32 s26, s23;
	v15 =	vadd.f32 $1.000000000e+00, v42;
	(erf) = vrcp.f32 v40  }
0x3f2: {  	v47 =	vld [tilespmem:s22+$0xFFFFFFA0];
	s31 =	smul.f32 s3, s12;
	(erf) = vrcp.f32 v41  }
0x3f3: {  	v28 =	vld [tilespmem:s21+$0xFFFFFFA0];
	v22 =	vsub.f32 $0.0e+00, v13;
	s0 =	ssub.f32 $1.500000000e+00, s0;
	v24 =	vmul.f32 s1, v2;
	s1 =	smul.f32 s11, s6;
	v44 =	vpop (erf);
	(erf) = vrcp.f32 v15  }
0x3f4: {  	v51 =	vld [tilespmem:s21+$0xFFFFFFE8];
	v48 =	vadd.f32 v39, v21;
	s28 =	ssub.f32 $1.500000000e+00, s18;
	v16 =	vadd.f32 $1.000000000e+00, v44;
	s5 =	smul.f32 s31, s3  }
0x3f5: {  	v49 =	vld [tilespmem:s21+$0x0];
	v46 =	vmul.f32 $1.442695020e+00, v22;
	s0 =	smul.f32 s0, s4;
	s1 =	ssub.f32 $1.500000000e+00, s1  }
0x3f6: {  	v50 =	vld [tilespmem:s21+$0xFFFFFFD0];
	s29 =	smul.f32 s28, s23;
	v15 =	vadd.f32 v24, v48;
	(erf) = vrcp.f32 v16;
	s5 =	ssub.f32 $1.500000000e+00, s5  }
0x3f7: {  	v27 =	vld [tilespmem:s21+$0xFFFFFFB8];
	s1 =	smul.f32 s1, s6;
	s12 =	ssub.f32 $1.500000000e+00, s10;
	(erf) = vpow2.f32 v46  }
0x3f8: {  	v25 =	vld [tilespmem:s22+$0xFFFFFFB8];
	v26 =	vsub.f32 $0.0e+00, v15;
	v52 =	vpop (erf);
	s3 =	smul.f32 s5, s3  }
0x3f9: {  	v23 =	vld [tilespmem:s22+$0xFFFFFFE8];
	s5 =	smul.f32 s12, s9;
	v29 =	vpop (erf)  }
0x3fa: {  	v8 =	vadd.f32 v9, v8;
	s4 =	smul.f32 s29, s20;
	v26 =	vmul.f32 $1.442695020e+00, v26;
	v30 =	vpop (erf)  }
0x3fb: {  	v19 =	vadd.f32 v43, v49;
	v22 =	vadd.f32 v47, v28;
	v58 =	vmul.f32 s2, v2;
	s14 =	smul.f32 s5, s25;
	v20 =	vpop (erf)  }
0x3fc: {  	v53 =	vadd.f32 v45, v50;
	s1 =	smul.f32 s1, s7;
	v31 =	vmul.f32 s4, v2;
	v16 =	vpop (erf);
	(erf) = vpow2.f32 v26  }
0x3fd: {  	v25 =	vadd.f32 v25, v27;
	v22 =	vadd.f32 v58, v22;
	v54 =	vmul.f32 s14, v2  }
0x3fe: {  	v21 =	vadd.f32 v23, v51;
	v56 =	vmul.f32 s1, v2;
	v8 =	vadd.f32 v31, v8  }
0x3ff: {  	v32 =	vsub.f32 $0.0e+00, v22;
	s3 =	smul.f32 s3, s8;
	v55 =	vpop (erf);
	v18 =	vadd.f32 v54, v25  }
0x400: {  	s0 =	smul.f32 s0, s13;
	v21 =	vadd.f32 v56, v21;
	v60 =	vsub.f32 $0.0e+00, v8;
	v57 =	vpop (erf)  }
0x401: {  	v59 =	vmul.f32 s3, v2;
	v27 =	vadd.f32 $1.000000000e+00, v57;
	v61 =	vsub.f32 $0.0e+00, v18  }
0x402: {  	v63 =	vsub.f32 $0.0e+00, v21;
	v62 =	vmul.f32 $1.442695020e+00, v60;
	v2 =	vmul.f32 s0, v2  }
0x403: {  	v9 =	vadd.f32 v59, v53;
	(erf) = vrcp.f32 v27;
	v28 =	vmul.f32 $1.442695020e+00, v61  }
0x404: {  	v33 =	vmul.f32 $1.442695020e+00, v63;
	v2 =	vadd.f32 v2, v19;
	(erf) = vpow2.f32 v62  }
0x405: {  	v35 =	vmul.f32 $1.442695020e+00, v32;
	v34 =	vsub.f32 $0.0e+00, v9;
	(erf) = vpow2.f32 v28;
	v36 =	vpop (erf)  }
0x406: {  	v37 =	vsub.f32 $0.0e+00, v2;
	(erf) = vpow2.f32 v33;
	v27 =	vadd.f32 $1.000000000e+00, v36  }
0x407: {  	v38 =	vmul.f32 $1.442695020e+00, v34;
	(erf) = vpow2.f32 v35  }
0x408: {  	v39 =	vmul.f32 $1.442695020e+00, v37;
	(erf) = vrcp.f32 v27  }
0x409: {  	(erf) = vpow2.f32 v38  }
0x40a: {  	(erf) = vpow2.f32 v39;
	_ =	sdelay $0x1  }
0x40b: {  	v40 =	vpop (erf)  }
0x40c: {  	v41 =	vpop (erf)  }
0x40d: {  	v42 =	vpop (erf)  }
0x40e: {  	v25 =	vadd.f32 $1.000000000e+00, v41;
	v43 =	vpop (erf)  }
0x40f: {  	v26 =	vadd.f32 $1.000000000e+00, v42;
	v44 =	vpop (erf)  }
0x410: {  	v6 =	vmul.f32 v14, v6;
	(erf) = vrcp.f32 v25;
	v45 =	vadd.f32 $1.000000000e+00, v44;
	v46 =	vpop (erf)  }
0x411: {  	s15 =	rddreg [dreg:$0x6];
	v3 =	vmul.f32 v52, v3;
	v47 =	vadd.f32 $1.000000000e+00, v43;
	(erf) = vrcp.f32 v26;
	v48 =	vpop (erf)  }
0x412: {  	v49 =	vmul.f32 v17, v5;
	[tilespmem:s15+$0x48] =	vst v6;
	(erf) = vrcp.f32 v45;
	v50 =	vadd.f32 $1.000000000e+00, v48;
	v51 =	vpop (erf)  }
0x413: {  	[tilespmem:s15+$0x30] =	vst v3;
	v3 =	vmul.f32 v30, v11;
	(erf) = vrcp.f32 v47;
	v52 =	vadd.f32 $1.000000000e+00, v51  }
0x414: {  	[tilespmem:s15+$0x18] =	vst v49;
	v4 =	vmul.f32 v20, v4;
	(erf) = vrcp.f32 v50  }
0x415: {  	[tilespmem:s15+$0xFFFFFFA0] =	vst v3;
	v53 =	vmul.f32 v29, v7;
	(erf) = vrcp.f32 v52  }
0x416: {  	v3 =	vmul.f32 v55, v12;
	[tilespmem:s15+$0xFFFFFFE8] =	vst v4  }
0x417: {  	v54 =	vmul.f32 v16, v10;
	[tilespmem:s15+$0xFFFFFFB8] =	vst v53  }
0x418: {  	[tilespmem:s15+$0x0] =	vst v3;
	v3 =	vmul.f32 v40, v13  }
0x419: {  	s16 =	sadd.s32 $0xC0, s30;
	[tilespmem:s15+$0xFFFFFFD0] =	vst v54;
	v56 =	vmul.f32 v46, v15;
	v55 =	vpop (erf)  }
0x41a: {  	[tilespmem:s16+$0x48] =	vst v3;
	v3 =	vmul.f32 v55, v8;
	v57 =	vpop (erf)  }
0x41b: {  	[tilespmem:s16+$0x18] =	vst v56;
	v59 =	vmul.f32 v57, v18;
	v58 =	vpop (erf)  }
0x41c: {  	[tilespmem:s16+$0x30] =	vst v3;
	v60 =	vpop (erf);
	v3 =	vmul.f32 v58, v22  }
0x41d: {  	[tilespmem:s16+$0xFFFFFFB8] =	vst v59;
	v62 =	vmul.f32 v60, v21;
	v61 =	vpop (erf)  }
0x41e: {  	[tilespmem:s16+$0xFFFFFFA0] =	vst v3;
	v63 =	vpop (erf);
	v3 =	vmul.f32 v61, v9  }
0x41f: {  	[tilespmem:s16+$0xFFFFFFE8] =	vst v62;
	v2 =	vmul.f32 v63, v2  }
0x420: {  	s17 =	rddreg [dreg:$0x2];
	s19 =	simm.s32 $0x320;
	[tilespmem:s16+$0xFFFFFFD0] =	vst v3  }
0x421: {  	s11 =	simm.s32 $0x5;
	s18 =	simm.s32 $0x9C40;
	s12 =	simm.s32 $0x190;
	[tilespmem:s16+$0x0] =	vst v2  }
0x422: {  	[spmem:s17] =	stream.indirect.scatter.add.f32 [tilespmem:s18], [sflag:$0x5], $0x18, s19, s12, $0xb8;
	[tilespmem:$0x1E710] =	vst v63  }
0x423: {  	_ =	swait.ge [sflag:s11], $0x2580  }
0x424: {  	[sflag:s11] =	ssyncset.done $0x0  }
0x425: {  	[sflag:s11] =	ssyncadd.s32 $0xFFFFDA80  }
0x426: {  	[bflag:$0x0] =	sbarrier.arrive $0xFFFF  }
0x427: {  	s5 =	sld [smem:$0x7F6];
	_ =	sdelay $0x2  }
0x428: {  	[tilespmem:s18], [sflag:$0x5] =	stream.linear.gather [spmem:s5], $0x2580, $0x38;
	[tilespmem:$0x1E710] =	vst v63  }
0x429: {  	_ =	swait.ge [sflag:s11], $0x2580  }
0x42a: {  	[sflag:s11] =	ssyncset.done $0x0  }
0x42b: {  	s21 =	simm.s32 $0x0;
	s20 =	rddreg [dreg:$0x1d];
	[sflag:s11] =	ssyncadd.s32 $0xFFFFDA80  }
0x42c: {  	[hbm4b:s20+s21] =	stream.linear.scatter [tilespmem:s18], [sflag:$0x5], $0x2580, $0x38;
	[tilespmem:$0x1E710] =	vst v63  }
0x42d: {  	_ =	swait.ge [sflag:s11], $0x2580  }
0x42e: {  	s4 =	sld [smem:$0x7F7]  }
0x42f: {  	[sflag:s11] =	ssyncset.done $0x0  }
0x430: {  	[sflag:s11] =	ssyncadd.s32 $0xFFFFDA80  }
0x431: {  	[tilespmem:s18], [sflag:$0x5] =	stream.linear.gather [spmem:s4], $0x2580, $0x38;
	[tilespmem:$0x1E710] =	vst v63  }
0x432: {  	_ =	swait.ge [sflag:s11], $0x2580  }
0x433: {  	[sflag:s11] =	ssyncset.done $0x0  }
0x434: {  	s22 =	rddreg [dreg:$0x1e];
	[sflag:s11] =	ssyncadd.s32 $0xFFFFDA80  }
0x435: {  	[hbm4b:s22+s21] =	stream.linear.scatter [tilespmem:s18], [sflag:$0x5], $0x2580, $0x38;
	[tilespmem:$0x1E710] =	vst v63  }
0x436: {  	_ =	swait.ge [sflag:s11], $0x2580  }
0x437: {  	s3 =	sld [smem:$0x7F8]  }
0x438: {  	[sflag:s11] =	ssyncset.done $0x0  }
0x439: {  	[sflag:s11] =	ssyncadd.s32 $0xFFFFDA80  }
0x43a: {  	[tilespmem:s18], [sflag:$0x5] =	stream.linear.gather [spmem:s3], $0x2580, $0x38;
	[tilespmem:$0x1E710] =	vst v63  }
0x43b: {  	_ =	swait.ge [sflag:s11], $0x2580  }
0x43c: {  	[sflag:s11] =	ssyncset.done $0x0  }
0x43d: {  	s23 =	rddreg [dreg:$0x1f];
	[sflag:s11] =	ssyncadd.s32 $0xFFFFDA80  }
0x43e: {  	[hbm4b:s23+s21] =	stream.linear.scatter [tilespmem:s18], [sflag:$0x5], $0x2580, $0x38;
	[tilespmem:$0x1E710] =	vst v63  }
0x43f: {  	_ =	swait.ge [sflag:s11], $0x2580  }
0x440: {  	s6 =	sld [smem:$0x7F9]  }
0x441: {  	[sflag:s11] =	ssyncset.done $0x0  }
0x442: {  	[sflag:s11] =	ssyncadd.s32 $0xFFFFDA80  }
0x443: {  	[tilespmem:s18], [sflag:$0x5] =	stream.linear.gather [spmem:s6], $0x2580, $0x38;
	[tilespmem:$0x1E710] =	vst v63  }
0x444: {  	_ =	swait.ge [sflag:s11], $0x2580  }
0x445: {  	s24 =	sld [smem:$0x7E9]  }
0x446: {  	[sflag:s11] =	ssyncset.done $0x0  }
0x447: {  	[sflag:s11] =	ssyncadd.s32 $0xFFFFDA80  }
0x448: {  	[hbm4b:s24+s21] =	stream.linear.scatter [tilespmem:s18], [sflag:$0x5], $0x2580, $0x38;
	[tilespmem:$0x1E710] =	vst v63  }
0x449: {  	_ =	swait.ge [sflag:s11], $0x2580  }
0x44a: {  	s7 =	sld [smem:$0x7FA]  }
0x44b: {  	[sflag:s11] =	ssyncset.done $0x0  }
0x44c: {  	[sflag:s11] =	ssyncadd.s32 $0xFFFFDA80  }
0x44d: {  	[tilespmem:s18], [sflag:$0x5] =	stream.linear.gather [spmem:s7], $0x2580, $0x38;
	[tilespmem:$0x1E710] =	vst v63  }
0x44e: {  	_ =	swait.ge [sflag:s11], $0x2580  }
0x44f: {  	s25 =	sld [smem:$0x7EA]  }
0x450: {  	[sflag:s11] =	ssyncset.done $0x0  }
0x451: {  	[sflag:s11] =	ssyncadd.s32 $0xFFFFDA80  }
0x452: {  	[hbm4b:s25+s21] =	stream.linear.scatter [tilespmem:s18], [sflag:$0x5], $0x2580, $0x38;
	[tilespmem:$0x1E710] =	vst v63  }
0x453: {  	_ =	swait.ge [sflag:s11], $0x2580  }
0x454: {  	s8 =	sld [smem:$0x7FB]  }
0x455: {  	[sflag:s11] =	ssyncset.done $0x0  }
0x456: {  	[sflag:s11] =	ssyncadd.s32 $0xFFFFDA80  }
0x457: {  	[tilespmem:s18], [sflag:$0x5] =	stream.linear.gather [spmem:s8], $0x2580, $0x38;
	[tilespmem:$0x1E710] =	vst v63  }
0x458: {  	_ =	swait.ge [sflag:s11], $0x2580  }
0x459: {  	s26 =	sld [smem:$0x7EB]  }
0x45a: {  	[sflag:s11] =	ssyncset.done $0x0  }
0x45b: {  	[sflag:s11] =	ssyncadd.s32 $0xFFFFDA80  }
0x45c: {  	[hbm4b:s26+s21] =	stream.linear.scatter [tilespmem:s18], [sflag:$0x5], $0x2580, $0x38;
	[tilespmem:$0x1E710] =	vst v63  }
0x45d: {  	_ =	swait.ge [sflag:s11], $0x2580  }
0x45e: {  	s9 =	sld [smem:$0x7FC]  }
0x45f: {  	[sflag:s11] =	ssyncset.done $0x0  }
0x460: {  	[sflag:s11] =	ssyncadd.s32 $0xFFFFDA80  }
0x461: {  	[tilespmem:s18], [sflag:$0x5] =	stream.linear.gather [spmem:s9], $0x2580, $0x38;
	[tilespmem:$0x1E710] =	vst v63  }
0x462: {  	_ =	swait.ge [sflag:s11], $0x2580  }
0x463: {  	s28 =	sld [smem:$0x7EC]  }
0x464: {  	[sflag:s11] =	ssyncset.done $0x0  }
0x465: {  	[sflag:s11] =	ssyncadd.s32 $0xFFFFDA80  }
0x466: {  	[hbm4b:s28+s21] =	stream.linear.scatter [tilespmem:s18], [sflag:$0x5], $0x2580, $0x38;
	[tilespmem:$0x1E710] =	vst v63  }
0x467: {  	_ =	swait.ge [sflag:s11], $0x2580  }
0x468: {  	s10 =	sld [smem:$0x7FD]  }
0x469: {  	[sflag:s11] =	ssyncset.done $0x0  }
0x46a: {  	[sflag:s11] =	ssyncadd.s32 $0xFFFFDA80  }
0x46b: {  	[tilespmem:s18], [sflag:$0x5] =	stream.linear.gather [spmem:s10], $0x1EC0, $0x38;
	[tilespmem:$0x1E710] =	vst v63  }
0x46c: {  	_ =	swait.ge [sflag:s11], $0x1EC0  }
0x46d: {  	s29 =	sld [smem:$0x7ED]  }
0x46e: {  	[sflag:s11] =	ssyncset.done $0x0  }
0x46f: {  	[sflag:s11] =	ssyncadd.s32 $0xFFFFE140  }
0x470: {  	[hbm4b:s29+s21] =	stream.linear.scatter [tilespmem:s18], [sflag:$0x5], $0x1EC0, $0x38;
	[tilespmem:$0x1E710] =	vst v63  }
0x471: {  	_ =	swait.ge [sflag:s11], $0x1EC0  }
0x472: {  	s30 =	sld [smem:$0x7E8]  }
0x473: {  	s31 =	sld [smem:$0x7F5];
	_ =	sdelay $0x1  }
0x474: {  	s1 =	sadd.s32 $0x1, s30  }
0x475: {  	p0 =	sne.s32 s1, s31  }
.Ltmp6:
0x476: {  	_ = 	snop;
	(pc) =	sbr.rel @p0 .LBB2_1-.Ltmp6, $3  }
0x477: {  	_ =	sdelay $0x1  }
0x478: {  	[sflag:s11] =	ssyncset.done $0x0  }
0x479: {  	s13 =	simm.s32 $0x4B0;
	[sflag:s11] =	ssyncadd.s32 $0xFFFFE140  }
0x47a: {  	_ =	sfence.sel $0x180000  }
0x47b: {  	[bflag:$0x0] =	sbarrier.arrive $0xFFFF  }
0x47c: {  	_ =	strace $0x90000047  }
0x47d: {  	s0 =	stileid.u32;
	[bflag:$0x2] =	sbarrier.arrive $0xFFFF  }
0x47e: {  	p0 =	sne.s32 s0, $0x0;
	s0 =	rddreg [dreg:$0x3]  }
0x47f: {  	s0 =	sadd.s32 @!p0 $0x100000, s0  }
0x480: {  	[sflag:s0] =	ssyncadd.tile.s32 @!p0 $0x1;
	_ =	shalt  }
.Lfunc_end2:
_tile_overlayer_lowered:
.L_overlay_start_2:
0x481: {  	(tag) =	ssettag $0x2  }
0x482: {  	s0 =	rddreg [dreg:$0x0];
	s2 =	stileid.u32  }
0x483: {  	s1 =	rddreg [dreg:$0x1];
	p0 =	sne.s32 s2, $0x0  }
0x484: {  	s3 =	rddreg [dreg:$0x2];
	[bflag:$0x3] =	sbarrier.arrive $0xFFFF;
	s2 =	simm.s32 @!p0 $0x1C05  }
0x485: {  	[timem:s3], [sflag:s2] =	dma.local @!p0 [hbm:s0], s1  }
0x486: {  	s0 =	simm.s32 @!p0 $0x5  }
0x487: {  	_ =	swait.ge @!p0 [sflag:s0], s1  }
0x488: {  	s1 =	ssub.s32 @!p0 $0x0, s1;
	[sflag:s0] =	ssyncset.done @!p0 $0x0  }
0x489: {  	[sflag:s0] =	ssyncadd.s32 @!p0 s1  }
0x48a: {  	[bflag:$0x3] =	sbarrier.arrive $0xFFFF  }
0x48b: {  	_ =	shalt  }

</sc_bundles>
